<compile_context>
chip_gen: v7x
topology: tpu7x:2x2x1
jax: 0.10.2.dev20260603
libtpu: 0.0.44.dev20260713+nightly
codegen_flags: <defaults>
</compile_context>

<pallas_src>
import functools

import jax
import jax.numpy as jnp
from jax import lax
from jax.experimental import pallas as pl
from jax.experimental.pallas import tpu as pltpu
from jax.experimental.pallas import tpu_sc as plsc

_BATCH = 16384
_FIELDS = 100
_FPAD = 100
_DIM = 64
_NC = 2
_NS = 16
_NW = _NC * _NS
_BPW = _BATCH // _NW


def _bip_sc(x_pad, emb):
  mesh = plsc.VectorSubcoreMesh(core_axis_name="c", subcore_axis_name="s")

  @functools.partial(
      pl.kernel,
      out_type=jax.ShapeDtypeStruct((_BATCH, _DIM), jnp.float32),
      mesh=mesh,
      scratch_types=(
          [pltpu.VMEM((_BPW, _FPAD), jnp.int32)]
          + [pltpu.VMEM((_FPAD, _DIM), jnp.float32)
             for _ in range(6)]
          + [pltpu.VMEM((_BPW, _DIM), jnp.float32)]
          + [pltpu.SemaphoreType.DMA for _ in range(6)]
      ),
      compiler_params=pltpu.CompilerParams(use_tc_tiling_on_sc=False),
  )
  def k(x_hbm, emb_hbm, h_hbm, idx_v, rows0, rows1, rows2, rows3, rows4,
        rows5, out_v, sem0, sem1, sem2, sem3, sem4, sem5):
    rows_bufs = (rows0, rows1, rows2, rows3, rows4, rows5)
    sems = (sem0, sem1, sem2, sem3, sem4, sem5)
    wid = lax.axis_index("s") * _NC + lax.axis_index("c")
    base = wid * _BPW
    pltpu.sync_copy(x_hbm.at[pl.ds(base, _BPW)], idx_v)

    def fire(i, b):
      pltpu.make_async_copy(
          emb_hbm.at[idx_v.at[i]], rows_bufs[b],
          sems[b]).start()

    def drain(b):
      pltpu.make_async_copy(
          emb_hbm.at[idx_v.at[0]], rows_bufs[b],
          sems[b]).wait()

    def process(i, b):
      rows = rows_bufs[b]
      zero = jnp.zeros((16,), jnp.float32)

      def body(f, carry):
        s0, s1, s2, s3, q0, q1, q2, q3 = carry
        v0 = rows[f, pl.ds(0, 16)]
        v1 = rows[f, pl.ds(16, 16)]
        v2 = rows[f, pl.ds(32, 16)]
        v3 = rows[f, pl.ds(48, 16)]
        return (s0 + v0, s1 + v1, s2 + v2, s3 + v3,
                q0 + v0 * v0, q1 + v1 * v1, q2 + v2 * v2, q3 + v3 * v3)

      acc = lax.fori_loop(0, _FIELDS, body, (zero,) * 8, unroll=4)
      for c in range(4):
        sm, q = acc[c], acc[4 + c]
        out_v[i, pl.ds(c * 16, 16)] = (sm * sm - q) * 0.5

    for b in range(6):
      fire(b, b)

    def step(j, carry):
      i0 = 6 * j
      for b in range(6):
        drain(b)
        process(i0 + b, b)
        fire(i0 + b + 6, b)
      return carry

    lax.fori_loop(0, _BPW // 6 - 1, step, 0)
    i0 = 6 * (_BPW // 6 - 1)
    for t in range(8):
      b = t % 6
      drain(b)
      process(i0 + t, b)
      if i0 + t + 6 < _BPW:
        fire(i0 + t + 6, b)
    pltpu.sync_copy(out_v, h_hbm.at[pl.ds(base, _BPW)])

  return k(x_pad, emb)


def _mlp_tc(h, w1t, b1, w2t, b2, wf, bf):
  blk = 1024

  def body(h_ref, w1_ref, b1_ref, w2_ref, b2_ref, wf_ref, bf_ref, o_ref):
    dn = (((1,), (1,)), ((), ()))
    hb = h_ref[...]
    a1 = jnp.maximum(
        lax.dot_general(hb, w1_ref[...], dn,
                        preferred_element_type=jnp.float32)
        + b1_ref[...], 0.0)
    a2 = jnp.maximum(
        lax.dot_general(a1, w2_ref[...], dn,
                        preferred_element_type=jnp.float32)
        + b2_ref[...], 0.0)
    t = jnp.sum(a2 * wf_ref[...], axis=1, keepdims=True) + bf_ref[...]
    o_ref[...] = 1.0 / (1.0 + jnp.exp(-t))

  return pl.pallas_call(
      body,
      grid=(_BATCH // blk,),
      in_specs=[
          pl.BlockSpec((blk, _DIM), lambda i: (i, 0)),
          pl.BlockSpec((32, _DIM), lambda i: (0, 0)),
          pl.BlockSpec((1, 32), lambda i: (0, 0)),
          pl.BlockSpec((16, 32), lambda i: (0, 0)),
          pl.BlockSpec((1, 16), lambda i: (0, 0)),
          pl.BlockSpec((1, 16), lambda i: (0, 0)),
          pl.BlockSpec((1, 1), lambda i: (0, 0)),
      ],
      out_specs=pl.BlockSpec((blk, 1), lambda i: (i, 0)),
      out_shape=jax.ShapeDtypeStruct((_BATCH, 1), jnp.float32),
  )(h, w1t, b1, w2t, b2, wf, bf)


def kernel(x, Emb, W1, b1, W2, b2, Wf, bf):
  h = _bip_sc(x.astype(jnp.int32), Emb)
  return _mlp_tc(h, W1, b1.reshape(1, -1), W2, b2.reshape(1, -1),
                 Wf, bf.reshape(1, 1))

# --- scband reference (transcript-rebuilt; emitter-appended) ---
"""Pipeline reference for scband-nfm-71588514890529 (READ-ONLY COPY).

The authoritative reference and input builder live on the scoring server;
editing this copy changes nothing except your own understanding.
"""

import jax, jax.numpy as jnp
import numpy as np

NUM_UNIQ_LEAF = 1000000
DIM = 64
BATCH = 16384
FIELDS = 100

def setup_inputs(seed: int = 0) -> dict:
    key = jax.random.key(seed)
    k_x, k_emb, k_w1, k_b1, k_w2, k_b2, k_wf, k_bf = jax.random.split(key, 8)
    x = jax.random.randint(k_x, (BATCH, FIELDS), 0, NUM_UNIQ_LEAF, dtype=jnp.int64) if jax.config.jax_enable_x64 else jax.random.randint(k_x, (BATCH, FIELDS), 0, NUM_UNIQ_LEAF).astype(jnp.int32)
    Emb = jax.random.normal(k_emb, (NUM_UNIQ_LEAF, DIM), dtype=jnp.float32)
    d1, d2 = DIM // 2, DIM // 4
    W1 = jax.random.normal(k_w1, (d1, DIM), dtype=jnp.float32) * (1.0 / np.sqrt(DIM))
    b1 = jax.random.normal(k_b1, (d1,), dtype=jnp.float32) * 0.01
    W2 = jax.random.normal(k_w2, (d2, d1), dtype=jnp.float32) * (1.0 / np.sqrt(d1))
    b2 = jax.random.normal(k_b2, (d2,), dtype=jnp.float32) * 0.01
    Wf = jax.random.normal(k_wf, (1, d2), dtype=jnp.float32) * (1.0 / np.sqrt(d2))
    bf = jax.random.normal(k_bf, (1,), dtype=jnp.float32) * 0.01
    return {"x": x, "Emb": Emb, "W1": W1, "b1": b1, "W2": W2, "b2": b2, "Wf": Wf, "bf": bf}

def _bip(z):
    sum_square = jnp.sum(z, axis=1) ** 2
    square_sum = jnp.sum(z ** 2, axis=1)
    return (sum_square - square_sum) / 2.0

def reference(x, Emb, W1, b1, W2, b2, Wf, bf):
    z = jnp.take(Emb, x, axis=0)           # [B, F, D] embedding gather
    h = _bip(z)                             # [B, D]
    h = jax.nn.relu(h @ W1.T + b1)          # [B, D/2]
    h = jax.nn.relu(h @ W2.T + b2)          # [B, D/4]
    logits = jax.nn.sigmoid(h @ Wf.T + bf)  # [B, 1]
    return logits

if __name__ == "__main__":
    import jax
    _d = setup_inputs()
    print(jax.jit(kernel)(*tuple(_d.values())))

</pallas_src>

<mosaic_0001>
#map = affine_map<(d0, d1) -> (0, 0)>
module attributes {stable_mosaic.version = 14 : i64} {
  func.func @k(%arg0: i32, %arg1: i32, %arg2: memref<16384x100xi32, #tpu.memory_space<hbm>>, %arg3: memref<1000000x64xf32, #tpu.memory_space<hbm>>, %arg4: memref<16384x64xf32, #tpu.memory_space<hbm>>, %arg5: memref<512x100xi32, #tpu.memory_space<vmem>>, %arg6: memref<100x64xf32, #tpu.memory_space<vmem>>, %arg7: memref<100x64xf32, #tpu.memory_space<vmem>>, %arg8: memref<100x64xf32, #tpu.memory_space<vmem>>, %arg9: memref<100x64xf32, #tpu.memory_space<vmem>>, %arg10: memref<100x64xf32, #tpu.memory_space<vmem>>, %arg11: memref<100x64xf32, #tpu.memory_space<vmem>>, %arg12: memref<512x64xf32, #tpu.memory_space<vmem>>, %arg13: memref<!tpu.dma_semaphore, #tpu.memory_space<semaphore_mem>>, %arg14: memref<!tpu.dma_semaphore, #tpu.memory_space<semaphore_mem>>, %arg15: memref<!tpu.dma_semaphore, #tpu.memory_space<semaphore_mem>>, %arg16: memref<!tpu.dma_semaphore, #tpu.memory_space<semaphore_mem>>, %arg17: memref<!tpu.dma_semaphore, #tpu.memory_space<semaphore_mem>>, %arg18: memref<!tpu.dma_semaphore, #tpu.memory_space<semaphore_mem>>) attributes {dimension_semantics = [#tpu.dimension_semantics<core_parallel>, #tpu.dimension_semantics<subcore_parallel>], iteration_bounds = array<i64: 2, 16>, scalar_prefetch = 0 : i64, scratch_operands = 14 : i64, tpu.core_type = #tpu.core_type<sc_vector_subcore>, window_params = [{transform_indices = #map}, {transform_indices = #map}, {transform_indices = #map}]} {
    %mul3A = arith.constant 2 : i32
    %mul3A_0 = arith.muli %arg1, %mul3A : i32
    %add3A = arith.addi %mul3A_0, %arg0 : i32
    %mul3A_1 = arith.constant 512 : i32
    %mul3A_2 = arith.muli %add3A, %mul3A_1 : i32
    "tpu.region"() ({
      %run_scoped3A = tpu.sem_alloc : memref<!tpu.dma_semaphore, #tpu.memory_space<semaphore_mem>>
      %dma_start3A_531 = arith.constant 0 : i32
      %dma_start3A_532 = tpu.memref_slice %arg2[%mul3A_2, %dma_start3A_531] : memref<16384x100xi32, #tpu.memory_space<hbm>> -> memref<512x100xi32, #tpu.memory_space<hbm>>
      %dma_start3A_533 = arith.constant 0 : i32
      %dma_start3A_534 = tpu.memref_slice %arg2[%mul3A_2, %dma_start3A_533] : memref<16384x100xi32, #tpu.memory_space<hbm>> -> memref<512x100xi32, #tpu.memory_space<hbm>>
      tpu.enqueue_dma source(%dma_start3A_534 : memref<512x100xi32, #tpu.memory_space<hbm>>) target(%arg5 : memref<512x100xi32, #tpu.memory_space<vmem>>) target_semaphore(%run_scoped3A : memref<!tpu.dma_semaphore, #tpu.memory_space<semaphore_mem>>)
      %dma_wait3A_535 = arith.constant 0 : i32
      %dma_wait3A_536 = tpu.memref_slice %arg2[%mul3A_2, %dma_wait3A_535] : memref<16384x100xi32, #tpu.memory_space<hbm>> -> memref<512x100xi32, #tpu.memory_space<hbm>>
      %dma_wait3A_537 = arith.constant 0 : i32
      %dma_wait3A_538 = tpu.memref_slice %arg2[%mul3A_2, %dma_wait3A_537] : memref<16384x100xi32, #tpu.memory_space<hbm>> -> memref<512x100xi32, #tpu.memory_space<hbm>>
      tpu.wait_dma2 semaphore(%run_scoped3A : memref<!tpu.dma_semaphore, #tpu.memory_space<semaphore_mem>>) src(%dma_wait3A_538 : memref<512x100xi32, #tpu.memory_space<hbm>>) dst(%arg5 : memref<512x100xi32, #tpu.memory_space<vmem>>)
      tpu.yield
    }) : () -> ()
    %dma_start3A = arith.constant 0 : i32
    %dma_start3A_3 = arith.constant 0 : i32
    %dma_start3A_4 = tpu.memref_slice %arg5[%dma_start3A, %dma_start3A_3] : memref<512x100xi32, #tpu.memory_space<vmem>> -> memref<1x100xi32, #tpu.memory_space<vmem>>
    %dma_start3A_5 = tpu.memref_squeeze %dma_start3A_4 : memref<1x100xi32, #tpu.memory_space<vmem>> -> memref<100xi32, #tpu.memory_space<vmem>>
    %dma_start3A_6 = arith.constant 0 : i32
    %dma_start3A_7 = arith.constant 0 : i32
    %dma_start3A_8 = tpu.memref_slice %arg3[%dma_start3A_6, %dma_start3A_7] : memref<1000000x64xf32, #tpu.memory_space<hbm>> -> memref<1000000x64xf32, #tpu.memory_space<hbm>>
    tpu.enqueue_indirect_dma source(%dma_start3A_8 : memref<1000000x64xf32, #tpu.memory_space<hbm>>) target(%arg6 : memref<100x64xf32, #tpu.memory_space<vmem>>) offsets(%dma_start3A_5 : memref<100xi32, #tpu.memory_space<vmem>>) semaphore(%arg13 : memref<!tpu.dma_semaphore, #tpu.memory_space<semaphore_mem>>)
    %dma_start3A_9 = arith.constant 1 : i32
    %dma_start3A_10 = arith.constant 0 : i32
    %dma_start3A_11 = tpu.memref_slice %arg5[%dma_start3A_9, %dma_start3A_10] : memref<512x100xi32, #tpu.memory_space<vmem>> -> memref<1x100xi32, #tpu.memory_space<vmem>>
    %dma_start3A_12 = tpu.memref_squeeze %dma_start3A_11 : memref<1x100xi32, #tpu.memory_space<vmem>> -> memref<100xi32, #tpu.memory_space<vmem>>
    %dma_start3A_13 = arith.constant 0 : i32
    %dma_start3A_14 = arith.constant 0 : i32
    %dma_start3A_15 = tpu.memref_slice %arg3[%dma_start3A_13, %dma_start3A_14] : memref<1000000x64xf32, #tpu.memory_space<hbm>> -> memref<1000000x64xf32, #tpu.memory_space<hbm>>
    tpu.enqueue_indirect_dma source(%dma_start3A_15 : memref<1000000x64xf32, #tpu.memory_space<hbm>>) target(%arg7 : memref<100x64xf32, #tpu.memory_space<vmem>>) offsets(%dma_start3A_12 : memref<100xi32, #tpu.memory_space<vmem>>) semaphore(%arg14 : memref<!tpu.dma_semaphore, #tpu.memory_space<semaphore_mem>>)
    %dma_start3A_16 = arith.constant 2 : i32
    %dma_start3A_17 = arith.constant 0 : i32
    %dma_start3A_18 = tpu.memref_slice %arg5[%dma_start3A_16, %dma_start3A_17] : memref<512x100xi32, #tpu.memory_space<vmem>> -> memref<1x100xi32, #tpu.memory_space<vmem>>
    %dma_start3A_19 = tpu.memref_squeeze %dma_start3A_18 : memref<1x100xi32, #tpu.memory_space<vmem>> -> memref<100xi32, #tpu.memory_space<vmem>>
    %dma_start3A_20 = arith.constant 0 : i32
    %dma_start3A_21 = arith.constant 0 : i32
    %dma_start3A_22 = tpu.memref_slice %arg3[%dma_start3A_20, %dma_start3A_21] : memref<1000000x64xf32, #tpu.memory_space<hbm>> -> memref<1000000x64xf32, #tpu.memory_space<hbm>>
    tpu.enqueue_indirect_dma source(%dma_start3A_22 : memref<1000000x64xf32, #tpu.memory_space<hbm>>) target(%arg8 : memref<100x64xf32, #tpu.memory_space<vmem>>) offsets(%dma_start3A_19 : memref<100xi32, #tpu.memory_space<vmem>>) semaphore(%arg15 : memref<!tpu.dma_semaphore, #tpu.memory_space<semaphore_mem>>)
    %dma_start3A_23 = arith.constant 3 : i32
    %dma_start3A_24 = arith.constant 0 : i32
    %dma_start3A_25 = tpu.memref_slice %arg5[%dma_start3A_23, %dma_start3A_24] : memref<512x100xi32, #tpu.memory_space<vmem>> -> memref<1x100xi32, #tpu.memory_space<vmem>>
    %dma_start3A_26 = tpu.memref_squeeze %dma_start3A_25 : memref<1x100xi32, #tpu.memory_space<vmem>> -> memref<100xi32, #tpu.memory_space<vmem>>
    %dma_start3A_27 = arith.constant 0 : i32
    %dma_start3A_28 = arith.constant 0 : i32
    %dma_start3A_29 = tpu.memref_slice %arg3[%dma_start3A_27, %dma_start3A_28] : memref<1000000x64xf32, #tpu.memory_space<hbm>> -> memref<1000000x64xf32, #tpu.memory_space<hbm>>
    tpu.enqueue_indirect_dma source(%dma_start3A_29 : memref<1000000x64xf32, #tpu.memory_space<hbm>>) target(%arg9 : memref<100x64xf32, #tpu.memory_space<vmem>>) offsets(%dma_start3A_26 : memref<100xi32, #tpu.memory_space<vmem>>) semaphore(%arg16 : memref<!tpu.dma_semaphore, #tpu.memory_space<semaphore_mem>>)
    %dma_start3A_30 = arith.constant 4 : i32
    %dma_start3A_31 = arith.constant 0 : i32
    %dma_start3A_32 = tpu.memref_slice %arg5[%dma_start3A_30, %dma_start3A_31] : memref<512x100xi32, #tpu.memory_space<vmem>> -> memref<1x100xi32, #tpu.memory_space<vmem>>
    %dma_start3A_33 = tpu.memref_squeeze %dma_start3A_32 : memref<1x100xi32, #tpu.memory_space<vmem>> -> memref<100xi32, #tpu.memory_space<vmem>>
    %dma_start3A_34 = arith.constant 0 : i32
    %dma_start3A_35 = arith.constant 0 : i32
    %dma_start3A_36 = tpu.memref_slice %arg3[%dma_start3A_34, %dma_start3A_35] : memref<1000000x64xf32, #tpu.memory_space<hbm>> -> memref<1000000x64xf32, #tpu.memory_space<hbm>>
    tpu.enqueue_indirect_dma source(%dma_start3A_36 : memref<1000000x64xf32, #tpu.memory_space<hbm>>) target(%arg10 : memref<100x64xf32, #tpu.memory_space<vmem>>) offsets(%dma_start3A_33 : memref<100xi32, #tpu.memory_space<vmem>>) semaphore(%arg17 : memref<!tpu.dma_semaphore, #tpu.memory_space<semaphore_mem>>)
    %dma_start3A_37 = arith.constant 5 : i32
    %dma_start3A_38 = arith.constant 0 : i32
    %dma_start3A_39 = tpu.memref_slice %arg5[%dma_start3A_37, %dma_start3A_38] : memref<512x100xi32, #tpu.memory_space<vmem>> -> memref<1x100xi32, #tpu.memory_space<vmem>>
    %dma_start3A_40 = tpu.memref_squeeze %dma_start3A_39 : memref<1x100xi32, #tpu.memory_space<vmem>> -> memref<100xi32, #tpu.memory_space<vmem>>
    %dma_start3A_41 = arith.constant 0 : i32
    %dma_start3A_42 = arith.constant 0 : i32
    %dma_start3A_43 = tpu.memref_slice %arg3[%dma_start3A_41, %dma_start3A_42] : memref<1000000x64xf32, #tpu.memory_space<hbm>> -> memref<1000000x64xf32, #tpu.memory_space<hbm>>
    tpu.enqueue_indirect_dma source(%dma_start3A_43 : memref<1000000x64xf32, #tpu.memory_space<hbm>>) target(%arg11 : memref<100x64xf32, #tpu.memory_space<vmem>>) offsets(%dma_start3A_40 : memref<100xi32, #tpu.memory_space<vmem>>) semaphore(%arg18 : memref<!tpu.dma_semaphore, #tpu.memory_space<semaphore_mem>>)
    %scan3A = arith.constant 0 : i32
    %scan3A_44 = arith.constant 0 : i32
    %scan3A_45 = arith.constant 84 : i32
    %scan3A_46 = arith.addi %scan3A_44, %scan3A_45 : i32
    %scan3A_47 = arith.constant 1 : i32
    scf.for %scan3A_531 = %scan3A_44 to %scan3A_46 step %scan3A_47  : i32 {
      %mul3A_532 = arith.constant 6 : i32
      %mul3A_533 = arith.muli %mul3A_532, %scan3A_531 : i32
      %dma_wait3A_534 = arith.constant 0 : i32
      %dma_wait3A_535 = arith.constant 0 : i32
      %dma_wait3A_536 = tpu.memref_slice %arg5[%dma_wait3A_534, %dma_wait3A_535] : memref<512x100xi32, #tpu.memory_space<vmem>> -> memref<1x100xi32, #tpu.memory_space<vmem>>
      %dma_wait3A_537 = tpu.memref_squeeze %dma_wait3A_536 : memref<1x100xi32, #tpu.memory_space<vmem>> -> memref<100xi32, #tpu.memory_space<vmem>>
      %dma_wait3A_538 = arith.constant 0 : i32
      %dma_wait3A_539 = arith.constant 0 : i32
      %dma_wait3A_540 = tpu.memref_slice %arg3[%dma_wait3A_538, %dma_wait3A_539] : memref<1000000x64xf32, #tpu.memory_space<hbm>> -> memref<1000000x64xf32, #tpu.memory_space<hbm>>
      tpu.wait_indirect_dma semaphore(%arg13 : memref<!tpu.dma_semaphore, #tpu.memory_space<semaphore_mem>>) src(%dma_wait3A_540 : memref<1000000x64xf32, #tpu.memory_space<hbm>>) dst(%arg6 : memref<100x64xf32, #tpu.memory_space<vmem>>)
      %add3A_541 = arith.constant 0 : i32
      %add3A_542 = arith.addi %mul3A_533, %add3A_541 : i32
      %broadcast_in_dim3A_543 = arith.constant 0.000000e+00 : f32
      %broadcast_in_dim3A_544 = vector.broadcast %broadcast_in_dim3A_543 : f32 to vector<16xf32>
      %scan3A_545 = arith.constant 0 : i32
      %scan3A_546 = arith.constant 100 : i32
      %scan3A_547 = arith.addi %scan3A_545, %scan3A_546 : i32
      %scan3A_548 = arith.constant 4 : i32
      %scan3A_549:8 = scf.for %scan3A_936 = %scan3A_545 to %scan3A_547 step %scan3A_548 iter_args(%scan3A_937 = %broadcast_in_dim3A_544, %scan3A_938 = %broadcast_in_dim3A_544, %scan3A_939 = %broadcast_in_dim3A_544, %scan3A_940 = %broadcast_in_dim3A_544, %scan3A_941 = %broadcast_in_dim3A_544, %scan3A_942 = %broadcast_in_dim3A_544, %scan3A_943 = %broadcast_in_dim3A_544, %scan3A_944 = %broadcast_in_dim3A_544) -> (vector<16xf32>, vector<16xf32>, vector<16xf32>, vector<16xf32>, vector<16xf32>, vector<16xf32>, vector<16xf32>, vector<16xf32>)  : i32 {
        %get3A = arith.index_cast %scan3A_936 : i32 to index
        %get3A_945 = arith.constant 0 : index
        %get3A_946 = tpu.vector_load %arg6[%get3A, %get3A_945] {strides = array<i32>} : memref<100x64xf32, #tpu.memory_space<vmem>>, vector<1x16xf32>,
        %get3A_947 = vector.shape_cast %get3A_946 : vector<1x16xf32> to vector<16xf32>
        %get3A_948 = arith.index_cast %scan3A_936 : i32 to index
        %get3A_949 = arith.constant 16 : index
        %get3A_950 = tpu.vector_load %arg6[%get3A_948, %get3A_949] {strides = array<i32>} : memref<100x64xf32, #tpu.memory_space<vmem>>, vector<1x16xf32>,
        %get3A_951 = vector.shape_cast %get3A_950 : vector<1x16xf32> to vector<16xf32>
        %get3A_952 = arith.index_cast %scan3A_936 : i32 to index
        %get3A_953 = arith.constant 32 : index
        %get3A_954 = tpu.vector_load %arg6[%get3A_952, %get3A_953] {strides = array<i32>} : memref<100x64xf32, #tpu.memory_space<vmem>>, vector<1x16xf32>,
        %get3A_955 = vector.shape_cast %get3A_954 : vector<1x16xf32> to vector<16xf32>
        %get3A_956 = arith.index_cast %scan3A_936 : i32 to index
        %get3A_957 = arith.constant 48 : index
        %get3A_958 = tpu.vector_load %arg6[%get3A_956, %get3A_957] {strides = array<i32>} : memref<100x64xf32, #tpu.memory_space<vmem>>, vector<1x16xf32>,
        %get3A_959 = vector.shape_cast %get3A_958 : vector<1x16xf32> to vector<16xf32>
        %add3A_960 = arith.addf %scan3A_937, %get3A_947 : vector<16xf32>
        %add3A_961 = arith.addf %scan3A_938, %get3A_951 : vector<16xf32>
        %add3A_962 = arith.addf %scan3A_939, %get3A_955 : vector<16xf32>
        %add3A_963 = arith.addf %scan3A_940, %get3A_959 : vector<16xf32>
        %mul3A_964 = arith.mulf %get3A_947, %get3A_947 : vector<16xf32>
        %add3A_965 = arith.addf %scan3A_941, %mul3A_964 : vector<16xf32>
        %mul3A_966 = arith.mulf %get3A_951, %get3A_951 : vector<16xf32>
        %add3A_967 = arith.addf %scan3A_942, %mul3A_966 : vector<16xf32>
        %mul3A_968 = arith.mulf %get3A_955, %get3A_955 : vector<16xf32>
        %add3A_969 = arith.addf %scan3A_943, %mul3A_968 : vector<16xf32>
        %mul3A_970 = arith.mulf %get3A_959, %get3A_959 : vector<16xf32>
        %add3A_971 = arith.addf %scan3A_944, %mul3A_970 : vector<16xf32>
        %scan3A_972 = arith.constant 1 : i32
        %scan3A_973 = arith.addi %scan3A_936, %scan3A_972 : i32
        %get3A_974 = arith.index_cast %scan3A_973 : i32 to index
        %get3A_975 = arith.constant 0 : index
        %get3A_976 = tpu.vector_load %arg6[%get3A_974, %get3A_975] {strides = array<i32>} : memref<100x64xf32, #tpu.memory_space<vmem>>, vector<1x16xf32>,
        %get3A_977 = vector.shape_cast %get3A_976 : vector<1x16xf32> to vector<16xf32>
        %get3A_978 = arith.index_cast %scan3A_973 : i32 to index
        %get3A_979 = arith.constant 16 : index
        %get3A_980 = tpu.vector_load %arg6[%get3A_978, %get3A_979] {strides = array<i32>} : memref<100x64xf32, #tpu.memory_space<vmem>>, vector<1x16xf32>,
        %get3A_981 = vector.shape_cast %get3A_980 : vector<1x16xf32> to vector<16xf32>
        %get3A_982 = arith.index_cast %scan3A_973 : i32 to index
        %get3A_983 = arith.constant 32 : index
        %get3A_984 = tpu.vector_load %arg6[%get3A_982, %get3A_983] {strides = array<i32>} : memref<100x64xf32, #tpu.memory_space<vmem>>, vector<1x16xf32>,
        %get3A_985 = vector.shape_cast %get3A_984 : vector<1x16xf32> to vector<16xf32>
        %get3A_986 = arith.index_cast %scan3A_973 : i32 to index
        %get3A_987 = arith.constant 48 : index
        %get3A_988 = tpu.vector_load %arg6[%get3A_986, %get3A_987] {strides = array<i32>} : memref<100x64xf32, #tpu.memory_space<vmem>>, vector<1x16xf32>,
        %get3A_989 = vector.shape_cast %get3A_988 : vector<1x16xf32> to vector<16xf32>
        %add3A_990 = arith.addf %add3A_960, %get3A_977 : vector<16xf32>
        %add3A_991 = arith.addf %add3A_961, %get3A_981 : vector<16xf32>
        %add3A_992 = arith.addf %add3A_962, %get3A_985 : vector<16xf32>
        %add3A_993 = arith.addf %add3A_963, %get3A_989 : vector<16xf32>
        %mul3A_994 = arith.mulf %get3A_977, %get3A_977 : vector<16xf32>
        %add3A_995 = arith.addf %add3A_965, %mul3A_994 : vector<16xf32>
        %mul3A_996 = arith.mulf %get3A_981, %get3A_981 : vector<16xf32>
        %add3A_997 = arith.addf %add3A_967, %mul3A_996 : vector<16xf32>
        %mul3A_998 = arith.mulf %get3A_985, %get3A_985 : vector<16xf32>
        %add3A_999 = arith.addf %add3A_969, %mul3A_998 : vector<16xf32>
        %mul3A_1000 = arith.mulf %get3A_989, %get3A_989 : vector<16xf32>
        %add3A_1001 = arith.addf %add3A_971, %mul3A_1000 : vector<16xf32>
        %scan3A_1002 = arith.constant 2 : i32
        %scan3A_1003 = arith.addi %scan3A_936, %scan3A_1002 : i32
        %get3A_1004 = arith.index_cast %scan3A_1003 : i32 to index
        %get3A_1005 = arith.constant 0 : index
        %get3A_1006 = tpu.vector_load %arg6[%get3A_1004, %get3A_1005] {strides = array<i32>} : memref<100x64xf32, #tpu.memory_space<vmem>>, vector<1x16xf32>,
        %get3A_1007 = vector.shape_cast %get3A_1006 : vector<1x16xf32> to vector<16xf32>
        %get3A_1008 = arith.index_cast %scan3A_1003 : i32 to index
        %get3A_1009 = arith.constant 16 : index
        %get3A_1010 = tpu.vector_load %arg6[%get3A_1008, %get3A_1009] {strides = array<i32>} : memref<100x64xf32, #tpu.memory_space<vmem>>, vector<1x16xf32>,
        %get3A_1011 = vector.shape_cast %get3A_1010 : vector<1x16xf32> to vector<16xf32>
        %get3A_1012 = arith.index_cast %scan3A_1003 : i32 to index
        %get3A_1013 = arith.constant 32 : index
        %get3A_1014 = tpu.vector_load %arg6[%get3A_1012, %get3A_1013] {strides = array<i32>} : memref<100x64xf32, #tpu.memory_space<vmem>>, vector<1x16xf32>,
        %get3A_1015 = vector.shape_cast %get3A_1014 : vector<1x16xf32> to vector<16xf32>
        %get3A_1016 = arith.index_cast %scan3A_1003 : i32 to index
        %get3A_1017 = arith.constant 48 : index
        %get3A_1018 = tpu.vector_load %arg6[%get3A_1016, %get3A_1017] {strides = array<i32>} : memref<100x64xf32, #tpu.memory_space<vmem>>, vector<1x16xf32>,
        %get3A_1019 = vector.shape_cast %get3A_1018 : vector<1x16xf32> to vector<16xf32>
        %add3A_1020 = arith.addf %add3A_990, %get3A_1007 : vector<16xf32>
        %add3A_1021 = arith.addf %add3A_991, %get3A_1011 : vector<16xf32>
        %add3A_1022 = arith.addf %add3A_992, %get3A_1015 : vector<16xf32>
        %add3A_1023 = arith.addf %add3A_993, %get3A_1019 : vector<16xf32>
        %mul3A_1024 = arith.mulf %get3A_1007, %get3A_1007 : vector<16xf32>
        %add3A_1025 = arith.addf %add3A_995, %mul3A_1024 : vector<16xf32>
        %mul3A_1026 = arith.mulf %get3A_1011, %get3A_1011 : vector<16xf32>
        %add3A_1027 = arith.addf %add3A_997, %mul3A_1026 : vector<16xf32>
        %mul3A_1028 = arith.mulf %get3A_1015, %get3A_1015 : vector<16xf32>
        %add3A_1029 = arith.addf %add3A_999, %mul3A_1028 : vector<16xf32>
        %mul3A_1030 = arith.mulf %get3A_1019, %get3A_1019 : vector<16xf32>
        %add3A_1031 = arith.addf %add3A_1001, %mul3A_1030 : vector<16xf32>
        %scan3A_1032 = arith.constant 3 : i32
        %scan3A_1033 = arith.addi %scan3A_936, %scan3A_1032 : i32
        %get3A_1034 = arith.index_cast %scan3A_1033 : i32 to index
        %get3A_1035 = arith.constant 0 : index
        %get3A_1036 = tpu.vector_load %arg6[%get3A_1034, %get3A_1035] {strides = array<i32>} : memref<100x64xf32, #tpu.memory_space<vmem>>, vector<1x16xf32>,
        %get3A_1037 = vector.shape_cast %get3A_1036 : vector<1x16xf32> to vector<16xf32>
        %get3A_1038 = arith.index_cast %scan3A_1033 : i32 to index
        %get3A_1039 = arith.constant 16 : index
        %get3A_1040 = tpu.vector_load %arg6[%get3A_1038, %get3A_1039] {strides = array<i32>} : memref<100x64xf32, #tpu.memory_space<vmem>>, vector<1x16xf32>,
        %get3A_1041 = vector.shape_cast %get3A_1040 : vector<1x16xf32> to vector<16xf32>
        %get3A_1042 = arith.index_cast %scan3A_1033 : i32 to index
        %get3A_1043 = arith.constant 32 : index
        %get3A_1044 = tpu.vector_load %arg6[%get3A_1042, %get3A_1043] {strides = array<i32>} : memref<100x64xf32, #tpu.memory_space<vmem>>, vector<1x16xf32>,
        %get3A_1045 = vector.shape_cast %get3A_1044 : vector<1x16xf32> to vector<16xf32>
        %get3A_1046 = arith.index_cast %scan3A_1033 : i32 to index
        %get3A_1047 = arith.constant 48 : index
        %get3A_1048 = tpu.vector_load %arg6[%get3A_1046, %get3A_1047] {strides = array<i32>} : memref<100x64xf32, #tpu.memory_space<vmem>>, vector<1x16xf32>,
        %get3A_1049 = vector.shape_cast %get3A_1048 : vector<1x16xf32> to vector<16xf32>
        %add3A_1050 = arith.addf %add3A_1020, %get3A_1037 : vector<16xf32>
        %add3A_1051 = arith.addf %add3A_1021, %get3A_1041 : vector<16xf32>
        %add3A_1052 = arith.addf %add3A_1022, %get3A_1045 : vector<16xf32>
        %add3A_1053 = arith.addf %add3A_1023, %get3A_1049 : vector<16xf32>
        %mul3A_1054 = arith.mulf %get3A_1037, %get3A_1037 : vector<16xf32>
        %add3A_1055 = arith.addf %add3A_1025, %mul3A_1054 : vector<16xf32>
        %mul3A_1056 = arith.mulf %get3A_1041, %get3A_1041 : vector<16xf32>
        %add3A_1057 = arith.addf %add3A_1027, %mul3A_1056 : vector<16xf32>
        %mul3A_1058 = arith.mulf %get3A_1045, %get3A_1045 : vector<16xf32>
        %add3A_1059 = arith.addf %add3A_1029, %mul3A_1058 : vector<16xf32>
        %mul3A_1060 = arith.mulf %get3A_1049, %get3A_1049 : vector<16xf32>
        %add3A_1061 = arith.addf %add3A_1031, %mul3A_1060 : vector<16xf32>
        scf.yield %add3A_1050, %add3A_1051, %add3A_1052, %add3A_1053, %add3A_1055, %add3A_1057, %add3A_1059, %add3A_1061 : vector<16xf32>, vector<16xf32>, vector<16xf32>, vector<16xf32>, vector<16xf32>, vector<16xf32>, vector<16xf32>, vector<16xf32>
      }
      %scan3A_550 = arith.constant 100 : i32
      %mul3A_551 = arith.mulf %scan3A_549#0, %scan3A_549#0 : vector<16xf32>
      %sub3A_552 = arith.subf %mul3A_551, %scan3A_549#4 : vector<16xf32>
      %mul3A_553 = arith.constant 5.000000e-01 : f32
      %mul3A_554 = vector.broadcast %mul3A_553 : f32 to vector<16xf32>
      %mul3A_555 = arith.mulf %sub3A_552, %mul3A_554 : vector<16xf32>
      %swap3A_556 = arith.index_cast %add3A_542 : i32 to index
      %swap3A_557 = arith.constant 0 : index
      %swap3A_558 = tpu.vector_load %arg12[%swap3A_556, %swap3A_557] {strides = array<i32>} : memref<512x64xf32, #tpu.memory_space<vmem>>, vector<1x16xf32>,
      %swap3A_559 = vector.shape_cast %swap3A_558 : vector<1x16xf32> to vector<16xf32>
      %swap3A_560 = vector.shape_cast %mul3A_555 : vector<16xf32> to vector<1x16xf32>
      tpu.vector_store %arg12[%swap3A_556, %swap3A_557], %swap3A_560 {strides = array<i32>} : memref<512x64xf32, #tpu.memory_space<vmem>>, vector<1x16xf32>,
      %mul3A_561 = arith.mulf %scan3A_549#1, %scan3A_549#1 : vector<16xf32>
      %sub3A_562 = arith.subf %mul3A_561, %scan3A_549#5 : vector<16xf32>
      %mul3A_563 = arith.constant 5.000000e-01 : f32
      %mul3A_564 = vector.broadcast %mul3A_563 : f32 to vector<16xf32>
      %mul3A_565 = arith.mulf %sub3A_562, %mul3A_564 : vector<16xf32>
      %swap3A_566 = arith.index_cast %add3A_542 : i32 to index
      %swap3A_567 = arith.constant 16 : index
      %swap3A_568 = tpu.vector_load %arg12[%swap3A_566, %swap3A_567] {strides = array<i32>} : memref<512x64xf32, #tpu.memory_space<vmem>>, vector<1x16xf32>,
      %swap3A_569 = vector.shape_cast %swap3A_568 : vector<1x16xf32> to vector<16xf32>
      %swap3A_570 = vector.shape_cast %mul3A_565 : vector<16xf32> to vector<1x16xf32>
      tpu.vector_store %arg12[%swap3A_566, %swap3A_567], %swap3A_570 {strides = array<i32>} : memref<512x64xf32, #tpu.memory_space<vmem>>, vector<1x16xf32>,
      %mul3A_571 = arith.mulf %scan3A_549#2, %scan3A_549#2 : vector<16xf32>
      %sub3A_572 = arith.subf %mul3A_571, %scan3A_549#6 : vector<16xf32>
      %mul3A_573 = arith.constant 5.000000e-01 : f32
      %mul3A_574 = vector.broadcast %mul3A_573 : f32 to vector<16xf32>
      %mul3A_575 = arith.mulf %sub3A_572, %mul3A_574 : vector<16xf32>
      %swap3A_576 = arith.index_cast %add3A_542 : i32 to index
      %swap3A_577 = arith.constant 32 : index
      %swap3A_578 = tpu.vector_load %arg12[%swap3A_576, %swap3A_577] {strides = array<i32>} : memref<512x64xf32, #tpu.memory_space<vmem>>, vector<1x16xf32>,
      %swap3A_579 = vector.shape_cast %swap3A_578 : vector<1x16xf32> to vector<16xf32>
      %swap3A_580 = vector.shape_cast %mul3A_575 : vector<16xf32> to vector<1x16xf32>
      tpu.vector_store %arg12[%swap3A_576, %swap3A_577], %swap3A_580 {strides = array<i32>} : memref<512x64xf32, #tpu.memory_space<vmem>>, vector<1x16xf32>,
      %mul3A_581 = arith.mulf %scan3A_549#3, %scan3A_549#3 : vector<16xf32>
      %sub3A_582 = arith.subf %mul3A_581, %scan3A_549#7 : vector<16xf32>
      %mul3A_583 = arith.constant 5.000000e-01 : f32
      %mul3A_584 = vector.broadcast %mul3A_583 : f32 to vector<16xf32>
      %mul3A_585 = arith.mulf %sub3A_582, %mul3A_584 : vector<16xf32>
      %swap3A_586 = arith.index_cast %add3A_542 : i32 to index
      %swap3A_587 = arith.constant 48 : index
      %swap3A_588 = tpu.vector_load %arg12[%swap3A_586, %swap3A_587] {strides = array<i32>} : memref<512x64xf32, #tpu.memory_space<vmem>>, vector<1x16xf32>,
      %swap3A_589 = vector.shape_cast %swap3A_588 : vector<1x16xf32> to vector<16xf32>
      %swap3A_590 = vector.shape_cast %mul3A_585 : vector<16xf32> to vector<1x16xf32>
      tpu.vector_store %arg12[%swap3A_586, %swap3A_587], %swap3A_590 {strides = array<i32>} : memref<512x64xf32, #tpu.memory_space<vmem>>, vector<1x16xf32>,
      %add3A_591 = arith.constant 0 : i32
      %add3A_592 = arith.addi %mul3A_533, %add3A_591 : i32
      %add3A_593 = arith.constant 6 : i32
      %add3A_594 = arith.addi %add3A_592, %add3A_593 : i32
      %dma_start3A_595 = arith.constant 0 : i32
      %dma_start3A_596 = tpu.memref_slice %arg5[%add3A_594, %dma_start3A_595] : memref<512x100xi32, #tpu.memory_space<vmem>> -> memref<1x100xi32, #tpu.memory_space<vmem>>
      %dma_start3A_597 = tpu.memref_squeeze %dma_start3A_596 : memref<1x100xi32, #tpu.memory_space<vmem>> -> memref<100xi32, #tpu.memory_space<vmem>>
      %dma_start3A_598 = arith.constant 0 : i32
      %dma_start3A_599 = arith.constant 0 : i32
      %dma_start3A_600 = tpu.memref_slice %arg3[%dma_start3A_598, %dma_start3A_599] : memref<1000000x64xf32, #tpu.memory_space<hbm>> -> memref<1000000x64xf32, #tpu.memory_space<hbm>>
      tpu.enqueue_indirect_dma source(%dma_start3A_600 : memref<1000000x64xf32, #tpu.memory_space<hbm>>) target(%arg6 : memref<100x64xf32, #tpu.memory_space<vmem>>) offsets(%dma_start3A_597 : memref<100xi32, #tpu.memory_space<vmem>>) semaphore(%arg13 : memref<!tpu.dma_semaphore, #tpu.memory_space<semaphore_mem>>)
      %dma_wait3A_601 = arith.constant 0 : i32
      %dma_wait3A_602 = arith.constant 0 : i32
      %dma_wait3A_603 = tpu.memref_slice %arg5[%dma_wait3A_601, %dma_wait3A_602] : memref<512x100xi32, #tpu.memory_space<vmem>> -> memref<1x100xi32, #tpu.memory_space<vmem>>
      %dma_wait3A_604 = tpu.memref_squeeze %dma_wait3A_603 : memref<1x100xi32, #tpu.memory_space<vmem>> -> memref<100xi32, #tpu.memory_space<vmem>>
      %dma_wait3A_605 = arith.constant 0 : i32
      %dma_wait3A_606 = arith.constant 0 : i32
      %dma_wait3A_607 = tpu.memref_slice %arg3[%dma_wait3A_605, %dma_wait3A_606] : memref<1000000x64xf32, #tpu.memory_space<hbm>> -> memref<1000000x64xf32, #tpu.memory_space<hbm>>
      tpu.wait_indirect_dma semaphore(%arg14 : memref<!tpu.dma_semaphore, #tpu.memory_space<semaphore_mem>>) src(%dma_wait3A_607 : memref<1000000x64xf32, #tpu.memory_space<hbm>>) dst(%arg7 : memref<100x64xf32, #tpu.memory_space<vmem>>)
      %add3A_608 = arith.constant 1 : i32
      %add3A_609 = arith.addi %mul3A_533, %add3A_608 : i32
      %broadcast_in_dim3A_610 = arith.constant 0.000000e+00 : f32
      %broadcast_in_dim3A_611 = vector.broadcast %broadcast_in_dim3A_610 : f32 to vector<16xf32>
      %scan3A_612 = arith.constant 0 : i32
      %scan3A_613 = arith.constant 100 : i32
      %scan3A_614 = arith.addi %scan3A_612, %scan3A_613 : i32
      %scan3A_615 = arith.constant 4 : i32
      %scan3A_616:8 = scf.for %scan3A_936 = %scan3A_612 to %scan3A_614 step %scan3A_615 iter_args(%scan3A_937 = %broadcast_in_dim3A_611, %scan3A_938 = %broadcast_in_dim3A_611, %scan3A_939 = %broadcast_in_dim3A_611, %scan3A_940 = %broadcast_in_dim3A_611, %scan3A_941 = %broadcast_in_dim3A_611, %scan3A_942 = %broadcast_in_dim3A_611, %scan3A_943 = %broadcast_in_dim3A_611, %scan3A_944 = %broadcast_in_dim3A_611) -> (vector<16xf32>, vector<16xf32>, vector<16xf32>, vector<16xf32>, vector<16xf32>, vector<16xf32>, vector<16xf32>, vector<16xf32>)  : i32 {
        %get3A = arith.index_cast %scan3A_936 : i32 to index
        %get3A_945 = arith.constant 0 : index
        %get3A_946 = tpu.vector_load %arg7[%get3A, %get3A_945] {strides = array<i32>} : memref<100x64xf32, #tpu.memory_space<vmem>>, vector<1x16xf32>,
        %get3A_947 = vector.shape_cast %get3A_946 : vector<1x16xf32> to vector<16xf32>
        %get3A_948 = arith.index_cast %scan3A_936 : i32 to index
        %get3A_949 = arith.constant 16 : index
        %get3A_950 = tpu.vector_load %arg7[%get3A_948, %get3A_949] {strides = array<i32>} : memref<100x64xf32, #tpu.memory_space<vmem>>, vector<1x16xf32>,
        %get3A_951 = vector.shape_cast %get3A_950 : vector<1x16xf32> to vector<16xf32>
        %get3A_952 = arith.index_cast %scan3A_936 : i32 to index
        %get3A_953 = arith.constant 32 : index
        %get3A_954 = tpu.vector_load %arg7[%get3A_952, %get3A_953] {strides = array<i32>} : memref<100x64xf32, #tpu.memory_space<vmem>>, vector<1x16xf32>,
        %get3A_955 = vector.shape_cast %get3A_954 : vector<1x16xf32> to vector<16xf32>
        %get3A_956 = arith.index_cast %scan3A_936 : i32 to index
        %get3A_957 = arith.constant 48 : index
        %get3A_958 = tpu.vector_load %arg7[%get3A_956, %get3A_957] {strides = array<i32>} : memref<100x64xf32, #tpu.memory_space<vmem>>, vector<1x16xf32>,
        %get3A_959 = vector.shape_cast %get3A_958 : vector<1x16xf32> to vector<16xf32>
        %add3A_960 = arith.addf %scan3A_937, %get3A_947 : vector<16xf32>
        %add3A_961 = arith.addf %scan3A_938, %get3A_951 : vector<16xf32>
        %add3A_962 = arith.addf %scan3A_939, %get3A_955 : vector<16xf32>
        %add3A_963 = arith.addf %scan3A_940, %get3A_959 : vector<16xf32>
        %mul3A_964 = arith.mulf %get3A_947, %get3A_947 : vector<16xf32>
        %add3A_965 = arith.addf %scan3A_941, %mul3A_964 : vector<16xf32>
        %mul3A_966 = arith.mulf %get3A_951, %get3A_951 : vector<16xf32>
        %add3A_967 = arith.addf %scan3A_942, %mul3A_966 : vector<16xf32>
        %mul3A_968 = arith.mulf %get3A_955, %get3A_955 : vector<16xf32>
        %add3A_969 = arith.addf %scan3A_943, %mul3A_968 : vector<16xf32>
        %mul3A_970 = arith.mulf %get3A_959, %get3A_959 : vector<16xf32>
        %add3A_971 = arith.addf %scan3A_944, %mul3A_970 : vector<16xf32>
        %scan3A_972 = arith.constant 1 : i32
        %scan3A_973 = arith.addi %scan3A_936, %scan3A_972 : i32
        %get3A_974 = arith.index_cast %scan3A_973 : i32 to index
        %get3A_975 = arith.constant 0 : index
        %get3A_976 = tpu.vector_load %arg7[%get3A_974, %get3A_975] {strides = array<i32>} : memref<100x64xf32, #tpu.memory_space<vmem>>, vector<1x16xf32>,
        %get3A_977 = vector.shape_cast %get3A_976 : vector<1x16xf32> to vector<16xf32>
        %get3A_978 = arith.index_cast %scan3A_973 : i32 to index
        %get3A_979 = arith.constant 16 : index
        %get3A_980 = tpu.vector_load %arg7[%get3A_978, %get3A_979] {strides = array<i32>} : memref<100x64xf32, #tpu.memory_space<vmem>>, vector<1x16xf32>,
        %get3A_981 = vector.shape_cast %get3A_980 : vector<1x16xf32> to vector<16xf32>
        %get3A_982 = arith.index_cast %scan3A_973 : i32 to index
        %get3A_983 = arith.constant 32 : index
        %get3A_984 = tpu.vector_load %arg7[%get3A_982, %get3A_983] {strides = array<i32>} : memref<100x64xf32, #tpu.memory_space<vmem>>, vector<1x16xf32>,
        %get3A_985 = vector.shape_cast %get3A_984 : vector<1x16xf32> to vector<16xf32>
        %get3A_986 = arith.index_cast %scan3A_973 : i32 to index
        %get3A_987 = arith.constant 48 : index
        %get3A_988 = tpu.vector_load %arg7[%get3A_986, %get3A_987] {strides = array<i32>} : memref<100x64xf32, #tpu.memory_space<vmem>>, vector<1x16xf32>,
        %get3A_989 = vector.shape_cast %get3A_988 : vector<1x16xf32> to vector<16xf32>
        %add3A_990 = arith.addf %add3A_960, %get3A_977 : vector<16xf32>
        %add3A_991 = arith.addf %add3A_961, %get3A_981 : vector<16xf32>
        %add3A_992 = arith.addf %add3A_962, %get3A_985 : vector<16xf32>
        %add3A_993 = arith.addf %add3A_963, %get3A_989 : vector<16xf32>
        %mul3A_994 = arith.mulf %get3A_977, %get3A_977 : vector<16xf32>
        %add3A_995 = arith.addf %add3A_965, %mul3A_994 : vector<16xf32>
        %mul3A_996 = arith.mulf %get3A_981, %get3A_981 : vector<16xf32>
        %add3A_997 = arith.addf %add3A_967, %mul3A_996 : vector<16xf32>
        %mul3A_998 = arith.mulf %get3A_985, %get3A_985 : vector<16xf32>
        %add3A_999 = arith.addf %add3A_969, %mul3A_998 : vector<16xf32>
        %mul3A_1000 = arith.mulf %get3A_989, %get3A_989 : vector<16xf32>
        %add3A_1001 = arith.addf %add3A_971, %mul3A_1000 : vector<16xf32>
        %scan3A_1002 = arith.constant 2 : i32
        %scan3A_1003 = arith.addi %scan3A_936, %scan3A_1002 : i32
        %get3A_1004 = arith.index_cast %scan3A_1003 : i32 to index
        %get3A_1005 = arith.constant 0 : index
        %get3A_1006 = tpu.vector_load %arg7[%get3A_1004, %get3A_1005] {strides = array<i32>} : memref<100x64xf32, #tpu.memory_space<vmem>>, vector<1x16xf32>,
        %get3A_1007 = vector.shape_cast %get3A_1006 : vector<1x16xf32> to vector<16xf32>
        %get3A_1008 = arith.index_cast %scan3A_1003 : i32 to index
        %get3A_1009 = arith.constant 16 : index
        %get3A_1010 = tpu.vector_load %arg7[%get3A_1008, %get3A_1009] {strides = array<i32>} : memref<100x64xf32, #tpu.memory_space<vmem>>, vector<1x16xf32>,
        %get3A_1011 = vector.shape_cast %get3A_1010 : vector<1x16xf32> to vector<16xf32>
        %get3A_1012 = arith.index_cast %scan3A_1003 : i32 to index
        %get3A_1013 = arith.constant 32 : index
        %get3A_1014 = tpu.vector_load %arg7[%get3A_1012, %get3A_1013] {strides = array<i32>} : memref<100x64xf32, #tpu.memory_space<vmem>>, vector<1x16xf32>,
        %get3A_1015 = vector.shape_cast %get3A_1014 : vector<1x16xf32> to vector<16xf32>
        %get3A_1016 = arith.index_cast %scan3A_1003 : i32 to index
        %get3A_1017 = arith.constant 48 : index
        %get3A_1018 = tpu.vector_load %arg7[%get3A_1016, %get3A_1017] {strides = array<i32>} : memref<100x64xf32, #tpu.memory_space<vmem>>, vector<1x16xf32>,
        %get3A_1019 = vector.shape_cast %get3A_1018 : vector<1x16xf32> to vector<16xf32>
        %add3A_1020 = arith.addf %add3A_990, %get3A_1007 : vector<16xf32>
        %add3A_1021 = arith.addf %add3A_991, %get3A_1011 : vector<16xf32>
        %add3A_1022 = arith.addf %add3A_992, %get3A_1015 : vector<16xf32>
        %add3A_1023 = arith.addf %add3A_993, %get3A_1019 : vector<16xf32>
        %mul3A_1024 = arith.mulf %get3A_1007, %get3A_1007 : vector<16xf32>
        %add3A_1025 = arith.addf %add3A_995, %mul3A_1024 : vector<16xf32>
        %mul3A_1026 = arith.mulf %get3A_1011, %get3A_1011 : vector<16xf32>
        %add3A_1027 = arith.addf %add3A_997, %mul3A_1026 : vector<16xf32>
        %mul3A_1028 = arith.mulf %get3A_1015, %get3A_1015 : vector<16xf32>
        %add3A_1029 = arith.addf %add3A_999, %mul3A_1028 : vector<16xf32>
        %mul3A_1030 = arith.mulf %get3A_1019, %get3A_1019 : vector<16xf32>
        %add3A_1031 = arith.addf %add3A_1001, %mul3A_1030 : vector<16xf32>
        %scan3A_1032 = arith.constant 3 : i32
        %scan3A_1033 = arith.addi %scan3A_936, %scan3A_1032 : i32
        %get3A_1034 = arith.index_cast %scan3A_1033 : i32 to index
        %get3A_1035 = arith.constant 0 : index
        %get3A_1036 = tpu.vector_load %arg7[%get3A_1034, %get3A_1035] {strides = array<i32>} : memref<100x64xf32, #tpu.memory_space<vmem>>, vector<1x16xf32>,
        %get3A_1037 = vector.shape_cast %get3A_1036 : vector<1x16xf32> to vector<16xf32>
        %get3A_1038 = arith.index_cast %scan3A_1033 : i32 to index
        %get3A_1039 = arith.constant 16 : index
        %get3A_1040 = tpu.vector_load %arg7[%get3A_1038, %get3A_1039] {strides = array<i32>} : memref<100x64xf32, #tpu.memory_space<vmem>>, vector<1x16xf32>,
        %get3A_1041 = vector.shape_cast %get3A_1040 : vector<1x16xf32> to vector<16xf32>
        %get3A_1042 = arith.index_cast %scan3A_1033 : i32 to index
        %get3A_1043 = arith.constant 32 : index
        %get3A_1044 = tpu.vector_load %arg7[%get3A_1042, %get3A_1043] {strides = array<i32>} : memref<100x64xf32, #tpu.memory_space<vmem>>, vector<1x16xf32>,
        %get3A_1045 = vector.shape_cast %get3A_1044 : vector<1x16xf32> to vector<16xf32>
        %get3A_1046 = arith.index_cast %scan3A_1033 : i32 to index
        %get3A_1047 = arith.constant 48 : index
        %get3A_1048 = tpu.vector_load %arg7[%get3A_1046, %get3A_1047] {strides = array<i32>} : memref<100x64xf32, #tpu.memory_space<vmem>>, vector<1x16xf32>,
        %get3A_1049 = vector.shape_cast %get3A_1048 : vector<1x16xf32> to vector<16xf32>
        %add3A_1050 = arith.addf %add3A_1020, %get3A_1037 : vector<16xf32>
        %add3A_1051 = arith.addf %add3A_1021, %get3A_1041 : vector<16xf32>
        %add3A_1052 = arith.addf %add3A_1022, %get3A_1045 : vector<16xf32>
        %add3A_1053 = arith.addf %add3A_1023, %get3A_1049 : vector<16xf32>
        %mul3A_1054 = arith.mulf %get3A_1037, %get3A_1037 : vector<16xf32>
        %add3A_1055 = arith.addf %add3A_1025, %mul3A_1054 : vector<16xf32>
        %mul3A_1056 = arith.mulf %get3A_1041, %get3A_1041 : vector<16xf32>
        %add3A_1057 = arith.addf %add3A_1027, %mul3A_1056 : vector<16xf32>
        %mul3A_1058 = arith.mulf %get3A_1045, %get3A_1045 : vector<16xf32>
        %add3A_1059 = arith.addf %add3A_1029, %mul3A_1058 : vector<16xf32>
        %mul3A_1060 = arith.mulf %get3A_1049, %get3A_1049 : vector<16xf32>
        %add3A_1061 = arith.addf %add3A_1031, %mul3A_1060 : vector<16xf32>
        scf.yield %add3A_1050, %add3A_1051, %add3A_1052, %add3A_1053, %add3A_1055, %add3A_1057, %add3A_1059, %add3A_1061 : vector<16xf32>, vector<16xf32>, vector<16xf32>, vector<16xf32>, vector<16xf32>, vector<16xf32>, vector<16xf32>, vector<16xf32>
      }
      %scan3A_617 = arith.constant 100 : i32
      %mul3A_618 = arith.mulf %scan3A_616#0, %scan3A_616#0 : vector<16xf32>
      %sub3A_619 = arith.subf %mul3A_618, %scan3A_616#4 : vector<16xf32>
      %mul3A_620 = arith.constant 5.000000e-01 : f32
      %mul3A_621 = vector.broadcast %mul3A_620 : f32 to vector<16xf32>
      %mul3A_622 = arith.mulf %sub3A_619, %mul3A_621 : vector<16xf32>
      %swap3A_623 = arith.index_cast %add3A_609 : i32 to index
      %swap3A_624 = arith.constant 0 : index
      %swap3A_625 = tpu.vector_load %arg12[%swap3A_623, %swap3A_624] {strides = array<i32>} : memref<512x64xf32, #tpu.memory_space<vmem>>, vector<1x16xf32>,
      %swap3A_626 = vector.shape_cast %swap3A_625 : vector<1x16xf32> to vector<16xf32>
      %swap3A_627 = vector.shape_cast %mul3A_622 : vector<16xf32> to vector<1x16xf32>
      tpu.vector_store %arg12[%swap3A_623, %swap3A_624], %swap3A_627 {strides = array<i32>} : memref<512x64xf32, #tpu.memory_space<vmem>>, vector<1x16xf32>,
      %mul3A_628 = arith.mulf %scan3A_616#1, %scan3A_616#1 : vector<16xf32>
      %sub3A_629 = arith.subf %mul3A_628, %scan3A_616#5 : vector<16xf32>
      %mul3A_630 = arith.constant 5.000000e-01 : f32
      %mul3A_631 = vector.broadcast %mul3A_630 : f32 to vector<16xf32>
      %mul3A_632 = arith.mulf %sub3A_629, %mul3A_631 : vector<16xf32>
      %swap3A_633 = arith.index_cast %add3A_609 : i32 to index
      %swap3A_634 = arith.constant 16 : index
      %swap3A_635 = tpu.vector_load %arg12[%swap3A_633, %swap3A_634] {strides = array<i32>} : memref<512x64xf32, #tpu.memory_space<vmem>>, vector<1x16xf32>,
      %swap3A_636 = vector.shape_cast %swap3A_635 : vector<1x16xf32> to vector<16xf32>
      %swap3A_637 = vector.shape_cast %mul3A_632 : vector<16xf32> to vector<1x16xf32>
      tpu.vector_store %arg12[%swap3A_633, %swap3A_634], %swap3A_637 {strides = array<i32>} : memref<512x64xf32, #tpu.memory_space<vmem>>, vector<1x16xf32>,
      %mul3A_638 = arith.mulf %scan3A_616#2, %scan3A_616#2 : vector<16xf32>
      %sub3A_639 = arith.subf %mul3A_638, %scan3A_616#6 : vector<16xf32>
      %mul3A_640 = arith.constant 5.000000e-01 : f32
      %mul3A_641 = vector.broadcast %mul3A_640 : f32 to vector<16xf32>
      %mul3A_642 = arith.mulf %sub3A_639, %mul3A_641 : vector<16xf32>
      %swap3A_643 = arith.index_cast %add3A_609 : i32 to index
      %swap3A_644 = arith.constant 32 : index
      %swap3A_645 = tpu.vector_load %arg12[%swap3A_643, %swap3A_644] {strides = array<i32>} : memref<512x64xf32, #tpu.memory_space<vmem>>, vector<1x16xf32>,
      %swap3A_646 = vector.shape_cast %swap3A_645 : vector<1x16xf32> to vector<16xf32>
      %swap3A_647 = vector.shape_cast %mul3A_642 : vector<16xf32> to vector<1x16xf32>
      tpu.vector_store %arg12[%swap3A_643, %swap3A_644], %swap3A_647 {strides = array<i32>} : memref<512x64xf32, #tpu.memory_space<vmem>>, vector<1x16xf32>,
      %mul3A_648 = arith.mulf %scan3A_616#3, %scan3A_616#3 : vector<16xf32>
      %sub3A_649 = arith.subf %mul3A_648, %scan3A_616#7 : vector<16xf32>
      %mul3A_650 = arith.constant 5.000000e-01 : f32
      %mul3A_651 = vector.broadcast %mul3A_650 : f32 to vector<16xf32>
      %mul3A_652 = arith.mulf %sub3A_649, %mul3A_651 : vector<16xf32>
      %swap3A_653 = arith.index_cast %add3A_609 : i32 to index
      %swap3A_654 = arith.constant 48 : index
      %swap3A_655 = tpu.vector_load %arg12[%swap3A_653, %swap3A_654] {strides = array<i32>} : memref<512x64xf32, #tpu.memory_space<vmem>>, vector<1x16xf32>,
      %swap3A_656 = vector.shape_cast %swap3A_655 : vector<1x16xf32> to vector<16xf32>
      %swap3A_657 = vector.shape_cast %mul3A_652 : vector<16xf32> to vector<1x16xf32>
      tpu.vector_store %arg12[%swap3A_653, %swap3A_654], %swap3A_657 {strides = array<i32>} : memref<512x64xf32, #tpu.memory_space<vmem>>, vector<1x16xf32>,
      %add3A_658 = arith.constant 1 : i32
      %add3A_659 = arith.addi %mul3A_533, %add3A_658 : i32
      %add3A_660 = arith.constant 6 : i32
      %add3A_661 = arith.addi %add3A_659, %add3A_660 : i32
      %dma_start3A_662 = arith.constant 0 : i32
      %dma_start3A_663 = tpu.memref_slice %arg5[%add3A_661, %dma_start3A_662] : memref<512x100xi32, #tpu.memory_space<vmem>> -> memref<1x100xi32, #tpu.memory_space<vmem>>
      %dma_start3A_664 = tpu.memref_squeeze %dma_start3A_663 : memref<1x100xi32, #tpu.memory_space<vmem>> -> memref<100xi32, #tpu.memory_space<vmem>>
      %dma_start3A_665 = arith.constant 0 : i32
      %dma_start3A_666 = arith.constant 0 : i32
      %dma_start3A_667 = tpu.memref_slice %arg3[%dma_start3A_665, %dma_start3A_666] : memref<1000000x64xf32, #tpu.memory_space<hbm>> -> memref<1000000x64xf32, #tpu.memory_space<hbm>>
      tpu.enqueue_indirect_dma source(%dma_start3A_667 : memref<1000000x64xf32, #tpu.memory_space<hbm>>) target(%arg7 : memref<100x64xf32, #tpu.memory_space<vmem>>) offsets(%dma_start3A_664 : memref<100xi32, #tpu.memory_space<vmem>>) semaphore(%arg14 : memref<!tpu.dma_semaphore, #tpu.memory_space<semaphore_mem>>)
      %dma_wait3A_668 = arith.constant 0 : i32
      %dma_wait3A_669 = arith.constant 0 : i32
      %dma_wait3A_670 = tpu.memref_slice %arg5[%dma_wait3A_668, %dma_wait3A_669] : memref<512x100xi32, #tpu.memory_space<vmem>> -> memref<1x100xi32, #tpu.memory_space<vmem>>
      %dma_wait3A_671 = tpu.memref_squeeze %dma_wait3A_670 : memref<1x100xi32, #tpu.memory_space<vmem>> -> memref<100xi32, #tpu.memory_space<vmem>>
      %dma_wait3A_672 = arith.constant 0 : i32
      %dma_wait3A_673 = arith.constant 0 : i32
      %dma_wait3A_674 = tpu.memref_slice %arg3[%dma_wait3A_672, %dma_wait3A_673] : memref<1000000x64xf32, #tpu.memory_space<hbm>> -> memref<1000000x64xf32, #tpu.memory_space<hbm>>
      tpu.wait_indirect_dma semaphore(%arg15 : memref<!tpu.dma_semaphore, #tpu.memory_space<semaphore_mem>>) src(%dma_wait3A_674 : memref<1000000x64xf32, #tpu.memory_space<hbm>>) dst(%arg8 : memref<100x64xf32, #tpu.memory_space<vmem>>)
      %add3A_675 = arith.constant 2 : i32
      %add3A_676 = arith.addi %mul3A_533, %add3A_675 : i32
      %broadcast_in_dim3A_677 = arith.constant 0.000000e+00 : f32
      %broadcast_in_dim3A_678 = vector.broadcast %broadcast_in_dim3A_677 : f32 to vector<16xf32>
      %scan3A_679 = arith.constant 0 : i32
      %scan3A_680 = arith.constant 100 : i32
      %scan3A_681 = arith.addi %scan3A_679, %scan3A_680 : i32
      %scan3A_682 = arith.constant 4 : i32
      %scan3A_683:8 = scf.for %scan3A_936 = %scan3A_679 to %scan3A_681 step %scan3A_682 iter_args(%scan3A_937 = %broadcast_in_dim3A_678, %scan3A_938 = %broadcast_in_dim3A_678, %scan3A_939 = %broadcast_in_dim3A_678, %scan3A_940 = %broadcast_in_dim3A_678, %scan3A_941 = %broadcast_in_dim3A_678, %scan3A_942 = %broadcast_in_dim3A_678, %scan3A_943 = %broadcast_in_dim3A_678, %scan3A_944 = %broadcast_in_dim3A_678) -> (vector<16xf32>, vector<16xf32>, vector<16xf32>, vector<16xf32>, vector<16xf32>, vector<16xf32>, vector<16xf32>, vector<16xf32>)  : i32 {
        %get3A = arith.index_cast %scan3A_936 : i32 to index
        %get3A_945 = arith.constant 0 : index
        %get3A_946 = tpu.vector_load %arg8[%get3A, %get3A_945] {strides = array<i32>} : memref<100x64xf32, #tpu.memory_space<vmem>>, vector<1x16xf32>,
        %get3A_947 = vector.shape_cast %get3A_946 : vector<1x16xf32> to vector<16xf32>
        %get3A_948 = arith.index_cast %scan3A_936 : i32 to index
        %get3A_949 = arith.constant 16 : index
        %get3A_950 = tpu.vector_load %arg8[%get3A_948, %get3A_949] {strides = array<i32>} : memref<100x64xf32, #tpu.memory_space<vmem>>, vector<1x16xf32>,
        %get3A_951 = vector.shape_cast %get3A_950 : vector<1x16xf32> to vector<16xf32>
        %get3A_952 = arith.index_cast %scan3A_936 : i32 to index
        %get3A_953 = arith.constant 32 : index
        %get3A_954 = tpu.vector_load %arg8[%get3A_952, %get3A_953] {strides = array<i32>} : memref<100x64xf32, #tpu.memory_space<vmem>>, vector<1x16xf32>,
        %get3A_955 = vector.shape_cast %get3A_954 : vector<1x16xf32> to vector<16xf32>
        %get3A_956 = arith.index_cast %scan3A_936 : i32 to index
        %get3A_957 = arith.constant 48 : index
        %get3A_958 = tpu.vector_load %arg8[%get3A_956, %get3A_957] {strides = array<i32>} : memref<100x64xf32, #tpu.memory_space<vmem>>, vector<1x16xf32>,
        %get3A_959 = vector.shape_cast %get3A_958 : vector<1x16xf32> to vector<16xf32>
        %add3A_960 = arith.addf %scan3A_937, %get3A_947 : vector<16xf32>
        %add3A_961 = arith.addf %scan3A_938, %get3A_951 : vector<16xf32>
        %add3A_962 = arith.addf %scan3A_939, %get3A_955 : vector<16xf32>
        %add3A_963 = arith.addf %scan3A_940, %get3A_959 : vector<16xf32>
        %mul3A_964 = arith.mulf %get3A_947, %get3A_947 : vector<16xf32>
        %add3A_965 = arith.addf %scan3A_941, %mul3A_964 : vector<16xf32>
        %mul3A_966 = arith.mulf %get3A_951, %get3A_951 : vector<16xf32>
        %add3A_967 = arith.addf %scan3A_942, %mul3A_966 : vector<16xf32>
        %mul3A_968 = arith.mulf %get3A_955, %get3A_955 : vector<16xf32>
        %add3A_969 = arith.addf %scan3A_943, %mul3A_968 : vector<16xf32>
        %mul3A_970 = arith.mulf %get3A_959, %get3A_959 : vector<16xf32>
        %add3A_971 = arith.addf %scan3A_944, %mul3A_970 : vector<16xf32>
        %scan3A_972 = arith.constant 1 : i32
        %scan3A_973 = arith.addi %scan3A_936, %scan3A_972 : i32
        %get3A_974 = arith.index_cast %scan3A_973 : i32 to index
        %get3A_975 = arith.constant 0 : index
        %get3A_976 = tpu.vector_load %arg8[%get3A_974, %get3A_975] {strides = array<i32>} : memref<100x64xf32, #tpu.memory_space<vmem>>, vector<1x16xf32>,
        %get3A_977 = vector.shape_cast %get3A_976 : vector<1x16xf32> to vector<16xf32>
        %get3A_978 = arith.index_cast %scan3A_973 : i32 to index
        %get3A_979 = arith.constant 16 : index
        %get3A_980 = tpu.vector_load %arg8[%get3A_978, %get3A_979] {strides = array<i32>} : memref<100x64xf32, #tpu.memory_space<vmem>>, vector<1x16xf32>,
        %get3A_981 = vector.shape_cast %get3A_980 : vector<1x16xf32> to vector<16xf32>
        %get3A_982 = arith.index_cast %scan3A_973 : i32 to index
        %get3A_983 = arith.constant 32 : index
        %get3A_984 = tpu.vector_load %arg8[%get3A_982, %get3A_983] {strides = array<i32>} : memref<100x64xf32, #tpu.memory_space<vmem>>, vector<1x16xf32>,
        %get3A_985 = vector.shape_cast %get3A_984 : vector<1x16xf32> to vector<16xf32>
        %get3A_986 = arith.index_cast %scan3A_973 : i32 to index
        %get3A_987 = arith.constant 48 : index
        %get3A_988 = tpu.vector_load %arg8[%get3A_986, %get3A_987] {strides = array<i32>} : memref<100x64xf32, #tpu.memory_space<vmem>>, vector<1x16xf32>,
        %get3A_989 = vector.shape_cast %get3A_988 : vector<1x16xf32> to vector<16xf32>
        %add3A_990 = arith.addf %add3A_960, %get3A_977 : vector<16xf32>
        %add3A_991 = arith.addf %add3A_961, %get3A_981 : vector<16xf32>
        %add3A_992 = arith.addf %add3A_962, %get3A_985 : vector<16xf32>
        %add3A_993 = arith.addf %add3A_963, %get3A_989 : vector<16xf32>
        %mul3A_994 = arith.mulf %get3A_977, %get3A_977 : vector<16xf32>
        %add3A_995 = arith.addf %add3A_965, %mul3A_994 : vector<16xf32>
        %mul3A_996 = arith.mulf %get3A_981, %get3A_981 : vector<16xf32>
        %add3A_997 = arith.addf %add3A_967, %mul3A_996 : vector<16xf32>
        %mul3A_998 = arith.mulf %get3A_985, %get3A_985 : vector<16xf32>
        %add3A_999 = arith.addf %add3A_969, %mul3A_998 : vector<16xf32>
        %mul3A_1000 = arith.mulf %get3A_989, %get3A_989 : vector<16xf32>
        %add3A_1001 = arith.addf %add3A_971, %mul3A_1000 : vector<16xf32>
        %scan3A_1002 = arith.constant 2 : i32
        %scan3A_1003 = arith.addi %scan3A_936, %scan3A_1002 : i32
        %get3A_1004 = arith.index_cast %scan3A_1003 : i32 to index
        %get3A_1005 = arith.constant 0 : index
        %get3A_1006 = tpu.vector_load %arg8[%get3A_1004, %get3A_1005] {strides = array<i32>} : memref<100x64xf32, #tpu.memory_space<vmem>>, vector<1x16xf32>,
        %get3A_1007 = vector.shape_cast %get3A_1006 : vector<1x16xf32> to vector<16xf32>
        %get3A_1008 = arith.index_cast %scan3A_1003 : i32 to index
        %get3A_1009 = arith.constant 16 : index
        %get3A_1010 = tpu.vector_load %arg8[%get3A_1008, %get3A_1009] {strides = array<i32>} : memref<100x64xf32, #tpu.memory_space<vmem>>, vector<1x16xf32>,
        %get3A_1011 = vector.shape_cast %get3A_1010 : vector<1x16xf32> to vector<16xf32>
        %get3A_1012 = arith.index_cast %scan3A_1003 : i32 to index
        %get3A_1013 = arith.constant 32 : index
        %get3A_1014 = tpu.vector_load %arg8[%get3A_1012, %get3A_1013] {strides = array<i32>} : memref<100x64xf32, #tpu.memory_space<vmem>>, vector<1x16xf32>,
        %get3A_1015 = vector.shape_cast %get3A_1014 : vector<1x16xf32> to vector<16xf32>
        %get3A_1016 = arith.index_cast %scan3A_1003 : i32 to index
        %get3A_1017 = arith.constant 48 : index
        %get3A_1018 = tpu.vector_load %arg8[%get3A_1016, %get3A_1017] {strides = array<i32>} : memref<100x64xf32, #tpu.memory_space<vmem>>, vector<1x16xf32>,
        %get3A_1019 = vector.shape_cast %get3A_1018 : vector<1x16xf32> to vector<16xf32>
        %add3A_1020 = arith.addf %add3A_990, %get3A_1007 : vector<16xf32>
        %add3A_1021 = arith.addf %add3A_991, %get3A_1011 : vector<16xf32>
        %add3A_1022 = arith.addf %add3A_992, %get3A_1015 : vector<16xf32>
        %add3A_1023 = arith.addf %add3A_993, %get3A_1019 : vector<16xf32>
        %mul3A_1024 = arith.mulf %get3A_1007, %get3A_1007 : vector<16xf32>
        %add3A_1025 = arith.addf %add3A_995, %mul3A_1024 : vector<16xf32>
        %mul3A_1026 = arith.mulf %get3A_1011, %get3A_1011 : vector<16xf32>
        %add3A_1027 = arith.addf %add3A_997, %mul3A_1026 : vector<16xf32>
        %mul3A_1028 = arith.mulf %get3A_1015, %get3A_1015 : vector<16xf32>
        %add3A_1029 = arith.addf %add3A_999, %mul3A_1028 : vector<16xf32>
        %mul3A_1030 = arith.mulf %get3A_1019, %get3A_1019 : vector<16xf32>
        %add3A_1031 = arith.addf %add3A_1001, %mul3A_1030 : vector<16xf32>
        %scan3A_1032 = arith.constant 3 : i32
        %scan3A_1033 = arith.addi %scan3A_936, %scan3A_1032 : i32
        %get3A_1034 = arith.index_cast %scan3A_1033 : i32 to index
        %get3A_1035 = arith.constant 0 : index
        %get3A_1036 = tpu.vector_load %arg8[%get3A_1034, %get3A_1035] {strides = array<i32>} : memref<100x64xf32, #tpu.memory_space<vmem>>, vector<1x16xf32>,
        %get3A_1037 = vector.shape_cast %get3A_1036 : vector<1x16xf32> to vector<16xf32>
        %get3A_1038 = arith.index_cast %scan3A_1033 : i32 to index
        %get3A_1039 = arith.constant 16 : index
        %get3A_1040 = tpu.vector_load %arg8[%get3A_1038, %get3A_1039] {strides = array<i32>} : memref<100x64xf32, #tpu.memory_space<vmem>>, vector<1x16xf32>,
        %get3A_1041 = vector.shape_cast %get3A_1040 : vector<1x16xf32> to vector<16xf32>
        %get3A_1042 = arith.index_cast %scan3A_1033 : i32 to index
        %get3A_1043 = arith.constant 32 : index
        %get3A_1044 = tpu.vector_load %arg8[%get3A_1042, %get3A_1043] {strides = array<i32>} : memref<100x64xf32, #tpu.memory_space<vmem>>, vector<1x16xf32>,
        %get3A_1045 = vector.shape_cast %get3A_1044 : vector<1x16xf32> to vector<16xf32>
        %get3A_1046 = arith.index_cast %scan3A_1033 : i32 to index
        %get3A_1047 = arith.constant 48 : index
        %get3A_1048 = tpu.vector_load %arg8[%get3A_1046, %get3A_1047] {strides = array<i32>} : memref<100x64xf32, #tpu.memory_space<vmem>>, vector<1x16xf32>,
        %get3A_1049 = vector.shape_cast %get3A_1048 : vector<1x16xf32> to vector<16xf32>
        %add3A_1050 = arith.addf %add3A_1020, %get3A_1037 : vector<16xf32>
        %add3A_1051 = arith.addf %add3A_1021, %get3A_1041 : vector<16xf32>
        %add3A_1052 = arith.addf %add3A_1022, %get3A_1045 : vector<16xf32>
        %add3A_1053 = arith.addf %add3A_1023, %get3A_1049 : vector<16xf32>
        %mul3A_1054 = arith.mulf %get3A_1037, %get3A_1037 : vector<16xf32>
        %add3A_1055 = arith.addf %add3A_1025, %mul3A_1054 : vector<16xf32>
        %mul3A_1056 = arith.mulf %get3A_1041, %get3A_1041 : vector<16xf32>
        %add3A_1057 = arith.addf %add3A_1027, %mul3A_1056 : vector<16xf32>
        %mul3A_1058 = arith.mulf %get3A_1045, %get3A_1045 : vector<16xf32>
        %add3A_1059 = arith.addf %add3A_1029, %mul3A_1058 : vector<16xf32>
        %mul3A_1060 = arith.mulf %get3A_1049, %get3A_1049 : vector<16xf32>
        %add3A_1061 = arith.addf %add3A_1031, %mul3A_1060 : vector<16xf32>
        scf.yield %add3A_1050, %add3A_1051, %add3A_1052, %add3A_1053, %add3A_1055, %add3A_1057, %add3A_1059, %add3A_1061 : vector<16xf32>, vector<16xf32>, vector<16xf32>, vector<16xf32>, vector<16xf32>, vector<16xf32>, vector<16xf32>, vector<16xf32>
      }
      %scan3A_684 = arith.constant 100 : i32
      %mul3A_685 = arith.mulf %scan3A_683#0, %scan3A_683#0 : vector<16xf32>
      %sub3A_686 = arith.subf %mul3A_685, %scan3A_683#4 : vector<16xf32>
      %mul3A_687 = arith.constant 5.000000e-01 : f32
      %mul3A_688 = vector.broadcast %mul3A_687 : f32 to vector<16xf32>
      %mul3A_689 = arith.mulf %sub3A_686, %mul3A_688 : vector<16xf32>
      %swap3A_690 = arith.index_cast %add3A_676 : i32 to index
      %swap3A_691 = arith.constant 0 : index
      %swap3A_692 = tpu.vector_load %arg12[%swap3A_690, %swap3A_691] {strides = array<i32>} : memref<512x64xf32, #tpu.memory_space<vmem>>, vector<1x16xf32>,
      %swap3A_693 = vector.shape_cast %swap3A_692 : vector<1x16xf32> to vector<16xf32>
      %swap3A_694 = vector.shape_cast %mul3A_689 : vector<16xf32> to vector<1x16xf32>
      tpu.vector_store %arg12[%swap3A_690, %swap3A_691], %swap3A_694 {strides = array<i32>} : memref<512x64xf32, #tpu.memory_space<vmem>>, vector<1x16xf32>,
      %mul3A_695 = arith.mulf %scan3A_683#1, %scan3A_683#1 : vector<16xf32>
      %sub3A_696 = arith.subf %mul3A_695, %scan3A_683#5 : vector<16xf32>
      %mul3A_697 = arith.constant 5.000000e-01 : f32
      %mul3A_698 = vector.broadcast %mul3A_697 : f32 to vector<16xf32>
      %mul3A_699 = arith.mulf %sub3A_696, %mul3A_698 : vector<16xf32>
      %swap3A_700 = arith.index_cast %add3A_676 : i32 to index
      %swap3A_701 = arith.constant 16 : index
      %swap3A_702 = tpu.vector_load %arg12[%swap3A_700, %swap3A_701] {strides = array<i32>} : memref<512x64xf32, #tpu.memory_space<vmem>>, vector<1x16xf32>,
      %swap3A_703 = vector.shape_cast %swap3A_702 : vector<1x16xf32> to vector<16xf32>
      %swap3A_704 = vector.shape_cast %mul3A_699 : vector<16xf32> to vector<1x16xf32>
      tpu.vector_store %arg12[%swap3A_700, %swap3A_701], %swap3A_704 {strides = array<i32>} : memref<512x64xf32, #tpu.memory_space<vmem>>, vector<1x16xf32>,
      %mul3A_705 = arith.mulf %scan3A_683#2, %scan3A_683#2 : vector<16xf32>
      %sub3A_706 = arith.subf %mul3A_705, %scan3A_683#6 : vector<16xf32>
      %mul3A_707 = arith.constant 5.000000e-01 : f32
      %mul3A_708 = vector.broadcast %mul3A_707 : f32 to vector<16xf32>
      %mul3A_709 = arith.mulf %sub3A_706, %mul3A_708 : vector<16xf32>
      %swap3A_710 = arith.index_cast %add3A_676 : i32 to index
      %swap3A_711 = arith.constant 32 : index
      %swap3A_712 = tpu.vector_load %arg12[%swap3A_710, %swap3A_711] {strides = array<i32>} : memref<512x64xf32, #tpu.memory_space<vmem>>, vector<1x16xf32>,
      %swap3A_713 = vector.shape_cast %swap3A_712 : vector<1x16xf32> to vector<16xf32>
      %swap3A_714 = vector.shape_cast %mul3A_709 : vector<16xf32> to vector<1x16xf32>
      tpu.vector_store %arg12[%swap3A_710, %swap3A_711], %swap3A_714 {strides = array<i32>} : memref<512x64xf32, #tpu.memory_space<vmem>>, vector<1x16xf32>,
      %mul3A_715 = arith.mulf %scan3A_683#3, %scan3A_683#3 : vector<16xf32>
      %sub3A_716 = arith.subf %mul3A_715, %scan3A_683#7 : vector<16xf32>
      %mul3A_717 = arith.constant 5.000000e-01 : f32
      %mul3A_718 = vector.broadcast %mul3A_717 : f32 to vector<16xf32>
      %mul3A_719 = arith.mulf %sub3A_716, %mul3A_718 : vector<16xf32>
      %swap3A_720 = arith.index_cast %add3A_676 : i32 to index
      %swap3A_721 = arith.constant 48 : index
      %swap3A_722 = tpu.vector_load %arg12[%swap3A_720, %swap3A_721] {strides = array<i32>} : memref<512x64xf32, #tpu.memory_space<vmem>>, vector<1x16xf32>,
      %swap3A_723 = vector.shape_cast %swap3A_722 : vector<1x16xf32> to vector<16xf32>
      %swap3A_724 = vector.shape_cast %mul3A_719 : vector<16xf32> to vector<1x16xf32>
      tpu.vector_store %arg12[%swap3A_720, %swap3A_721], %swap3A_724 {strides = array<i32>} : memref<512x64xf32, #tpu.memory_space<vmem>>, vector<1x16xf32>,
      %add3A_725 = arith.constant 2 : i32
      %add3A_726 = arith.addi %mul3A_533, %add3A_725 : i32
      %add3A_727 = arith.constant 6 : i32
      %add3A_728 = arith.addi %add3A_726, %add3A_727 : i32
      %dma_start3A_729 = arith.constant 0 : i32
      %dma_start3A_730 = tpu.memref_slice %arg5[%add3A_728, %dma_start3A_729] : memref<512x100xi32, #tpu.memory_space<vmem>> -> memref<1x100xi32, #tpu.memory_space<vmem>>
      %dma_start3A_731 = tpu.memref_squeeze %dma_start3A_730 : memref<1x100xi32, #tpu.memory_space<vmem>> -> memref<100xi32, #tpu.memory_space<vmem>>
      %dma_start3A_732 = arith.constant 0 : i32
      %dma_start3A_733 = arith.constant 0 : i32
      %dma_start3A_734 = tpu.memref_slice %arg3[%dma_start3A_732, %dma_start3A_733] : memref<1000000x64xf32, #tpu.memory_space<hbm>> -> memref<1000000x64xf32, #tpu.memory_space<hbm>>
      tpu.enqueue_indirect_dma source(%dma_start3A_734 : memref<1000000x64xf32, #tpu.memory_space<hbm>>) target(%arg8 : memref<100x64xf32, #tpu.memory_space<vmem>>) offsets(%dma_start3A_731 : memref<100xi32, #tpu.memory_space<vmem>>) semaphore(%arg15 : memref<!tpu.dma_semaphore, #tpu.memory_space<semaphore_mem>>)
      %dma_wait3A_735 = arith.constant 0 : i32
      %dma_wait3A_736 = arith.constant 0 : i32
      %dma_wait3A_737 = tpu.memref_slice %arg5[%dma_wait3A_735, %dma_wait3A_736] : memref<512x100xi32, #tpu.memory_space<vmem>> -> memref<1x100xi32, #tpu.memory_space<vmem>>
      %dma_wait3A_738 = tpu.memref_squeeze %dma_wait3A_737 : memref<1x100xi32, #tpu.memory_space<vmem>> -> memref<100xi32, #tpu.memory_space<vmem>>
      %dma_wait3A_739 = arith.constant 0 : i32
      %dma_wait3A_740 = arith.constant 0 : i32
      %dma_wait3A_741 = tpu.memref_slice %arg3[%dma_wait3A_739, %dma_wait3A_740] : memref<1000000x64xf32, #tpu.memory_space<hbm>> -> memref<1000000x64xf32, #tpu.memory_space<hbm>>
      tpu.wait_indirect_dma semaphore(%arg16 : memref<!tpu.dma_semaphore, #tpu.memory_space<semaphore_mem>>) src(%dma_wait3A_741 : memref<1000000x64xf32, #tpu.memory_space<hbm>>) dst(%arg9 : memref<100x64xf32, #tpu.memory_space<vmem>>)
      %add3A_742 = arith.constant 3 : i32
      %add3A_743 = arith.addi %mul3A_533, %add3A_742 : i32
      %broadcast_in_dim3A_744 = arith.constant 0.000000e+00 : f32
      %broadcast_in_dim3A_745 = vector.broadcast %broadcast_in_dim3A_744 : f32 to vector<16xf32>
      %scan3A_746 = arith.constant 0 : i32
      %scan3A_747 = arith.constant 100 : i32
      %scan3A_748 = arith.addi %scan3A_746, %scan3A_747 : i32
      %scan3A_749 = arith.constant 4 : i32
      %scan3A_750:8 = scf.for %scan3A_936 = %scan3A_746 to %scan3A_748 step %scan3A_749 iter_args(%scan3A_937 = %broadcast_in_dim3A_745, %scan3A_938 = %broadcast_in_dim3A_745, %scan3A_939 = %broadcast_in_dim3A_745, %scan3A_940 = %broadcast_in_dim3A_745, %scan3A_941 = %broadcast_in_dim3A_745, %scan3A_942 = %broadcast_in_dim3A_745, %scan3A_943 = %broadcast_in_dim3A_745, %scan3A_944 = %broadcast_in_dim3A_745) -> (vector<16xf32>, vector<16xf32>, vector<16xf32>, vector<16xf32>, vector<16xf32>, vector<16xf32>, vector<16xf32>, vector<16xf32>)  : i32 {
        %get3A = arith.index_cast %scan3A_936 : i32 to index
        %get3A_945 = arith.constant 0 : index
        %get3A_946 = tpu.vector_load %arg9[%get3A, %get3A_945] {strides = array<i32>} : memref<100x64xf32, #tpu.memory_space<vmem>>, vector<1x16xf32>,
        %get3A_947 = vector.shape_cast %get3A_946 : vector<1x16xf32> to vector<16xf32>
        %get3A_948 = arith.index_cast %scan3A_936 : i32 to index
        %get3A_949 = arith.constant 16 : index
        %get3A_950 = tpu.vector_load %arg9[%get3A_948, %get3A_949] {strides = array<i32>} : memref<100x64xf32, #tpu.memory_space<vmem>>, vector<1x16xf32>,
        %get3A_951 = vector.shape_cast %get3A_950 : vector<1x16xf32> to vector<16xf32>
        %get3A_952 = arith.index_cast %scan3A_936 : i32 to index
        %get3A_953 = arith.constant 32 : index
        %get3A_954 = tpu.vector_load %arg9[%get3A_952, %get3A_953] {strides = array<i32>} : memref<100x64xf32, #tpu.memory_space<vmem>>, vector<1x16xf32>,
        %get3A_955 = vector.shape_cast %get3A_954 : vector<1x16xf32> to vector<16xf32>
        %get3A_956 = arith.index_cast %scan3A_936 : i32 to index
        %get3A_957 = arith.constant 48 : index
        %get3A_958 = tpu.vector_load %arg9[%get3A_956, %get3A_957] {strides = array<i32>} : memref<100x64xf32, #tpu.memory_space<vmem>>, vector<1x16xf32>,
        %get3A_959 = vector.shape_cast %get3A_958 : vector<1x16xf32> to vector<16xf32>
        %add3A_960 = arith.addf %scan3A_937, %get3A_947 : vector<16xf32>
        %add3A_961 = arith.addf %scan3A_938, %get3A_951 : vector<16xf32>
        %add3A_962 = arith.addf %scan3A_939, %get3A_955 : vector<16xf32>
        %add3A_963 = arith.addf %scan3A_940, %get3A_959 : vector<16xf32>
        %mul3A_964 = arith.mulf %get3A_947, %get3A_947 : vector<16xf32>
        %add3A_965 = arith.addf %scan3A_941, %mul3A_964 : vector<16xf32>
        %mul3A_966 = arith.mulf %get3A_951, %get3A_951 : vector<16xf32>
        %add3A_967 = arith.addf %scan3A_942, %mul3A_966 : vector<16xf32>
        %mul3A_968 = arith.mulf %get3A_955, %get3A_955 : vector<16xf32>
        %add3A_969 = arith.addf %scan3A_943, %mul3A_968 : vector<16xf32>
        %mul3A_970 = arith.mulf %get3A_959, %get3A_959 : vector<16xf32>
        %add3A_971 = arith.addf %scan3A_944, %mul3A_970 : vector<16xf32>
        %scan3A_972 = arith.constant 1 : i32
        %scan3A_973 = arith.addi %scan3A_936, %scan3A_972 : i32
        %get3A_974 = arith.index_cast %scan3A_973 : i32 to index
        %get3A_975 = arith.constant 0 : index
        %get3A_976 = tpu.vector_load %arg9[%get3A_974, %get3A_975] {strides = array<i32>} : memref<100x64xf32, #tpu.memory_space<vmem>>, vector<1x16xf32>,
        %get3A_977 = vector.shape_cast %get3A_976 : vector<1x16xf32> to vector<16xf32>
        %get3A_978 = arith.index_cast %scan3A_973 : i32 to index
        %get3A_979 = arith.constant 16 : index
        %get3A_980 = tpu.vector_load %arg9[%get3A_978, %get3A_979] {strides = array<i32>} : memref<100x64xf32, #tpu.memory_space<vmem>>, vector<1x16xf32>,
        %get3A_981 = vector.shape_cast %get3A_980 : vector<1x16xf32> to vector<16xf32>
        %get3A_982 = arith.index_cast %scan3A_973 : i32 to index
        %get3A_983 = arith.constant 32 : index
        %get3A_984 = tpu.vector_load %arg9[%get3A_982, %get3A_983] {strides = array<i32>} : memref<100x64xf32, #tpu.memory_space<vmem>>, vector<1x16xf32>,
        %get3A_985 = vector.shape_cast %get3A_984 : vector<1x16xf32> to vector<16xf32>
        %get3A_986 = arith.index_cast %scan3A_973 : i32 to index
        %get3A_987 = arith.constant 48 : index
        %get3A_988 = tpu.vector_load %arg9[%get3A_986, %get3A_987] {strides = array<i32>} : memref<100x64xf32, #tpu.memory_space<vmem>>, vector<1x16xf32>,
        %get3A_989 = vector.shape_cast %get3A_988 : vector<1x16xf32> to vector<16xf32>
        %add3A_990 = arith.addf %add3A_960, %get3A_977 : vector<16xf32>
        %add3A_991 = arith.addf %add3A_961, %get3A_981 : vector<16xf32>
        %add3A_992 = arith.addf %add3A_962, %get3A_985 : vector<16xf32>
        %add3A_993 = arith.addf %add3A_963, %get3A_989 : vector<16xf32>
        %mul3A_994 = arith.mulf %get3A_977, %get3A_977 : vector<16xf32>
        %add3A_995 = arith.addf %add3A_965, %mul3A_994 : vector<16xf32>
        %mul3A_996 = arith.mulf %get3A_981, %get3A_981 : vector<16xf32>
        %add3A_997 = arith.addf %add3A_967, %mul3A_996 : vector<16xf32>
        %mul3A_998 = arith.mulf %get3A_985, %get3A_985 : vector<16xf32>
        %add3A_999 = arith.addf %add3A_969, %mul3A_998 : vector<16xf32>
        %mul3A_1000 = arith.mulf %get3A_989, %get3A_989 : vector<16xf32>
        %add3A_1001 = arith.addf %add3A_971, %mul3A_1000 : vector<16xf32>
        %scan3A_1002 = arith.constant 2 : i32
        %scan3A_1003 = arith.addi %scan3A_936, %scan3A_1002 : i32
        %get3A_1004 = arith.index_cast %scan3A_1003 : i32 to index
        %get3A_1005 = arith.constant 0 : index
        %get3A_1006 = tpu.vector_load %arg9[%get3A_1004, %get3A_1005] {strides = array<i32>} : memref<100x64xf32, #tpu.memory_space<vmem>>, vector<1x16xf32>,
        %get3A_1007 = vector.shape_cast %get3A_1006 : vector<1x16xf32> to vector<16xf32>
        %get3A_1008 = arith.index_cast %scan3A_1003 : i32 to index
        %get3A_1009 = arith.constant 16 : index
        %get3A_1010 = tpu.vector_load %arg9[%get3A_1008, %get3A_1009] {strides = array<i32>} : memref<100x64xf32, #tpu.memory_space<vmem>>, vector<1x16xf32>,
        %get3A_1011 = vector.shape_cast %get3A_1010 : vector<1x16xf32> to vector<16xf32>
        %get3A_1012 = arith.index_cast %scan3A_1003 : i32 to index
        %get3A_1013 = arith.constant 32 : index
        %get3A_1014 = tpu.vector_load %arg9[%get3A_1012, %get3A_1013] {strides = array<i32>} : memref<100x64xf32, #tpu.memory_space<vmem>>, vector<1x16xf32>,
        %get3A_1015 = vector.shape_cast %get3A_1014 : vector<1x16xf32> to vector<16xf32>
        %get3A_1016 = arith.index_cast %scan3A_1003 : i32 to index
        %get3A_1017 = arith.constant 48 : index
        %get3A_1018 = tpu.vector_load %arg9[%get3A_1016, %get3A_1017] {strides = array<i32>} : memref<100x64xf32, #tpu.memory_space<vmem>>, vector<1x16xf32>,
        %get3A_1019 = vector.shape_cast %get3A_1018 : vector<1x16xf32> to vector<16xf32>
        %add3A_1020 = arith.addf %add3A_990, %get3A_1007 : vector<16xf32>
        %add3A_1021 = arith.addf %add3A_991, %get3A_1011 : vector<16xf32>
        %add3A_1022 = arith.addf %add3A_992, %get3A_1015 : vector<16xf32>
        %add3A_1023 = arith.addf %add3A_993, %get3A_1019 : vector<16xf32>
        %mul3A_1024 = arith.mulf %get3A_1007, %get3A_1007 : vector<16xf32>
        %add3A_1025 = arith.addf %add3A_995, %mul3A_1024 : vector<16xf32>
        %mul3A_1026 = arith.mulf %get3A_1011, %get3A_1011 : vector<16xf32>
        %add3A_1027 = arith.addf %add3A_997, %mul3A_1026 : vector<16xf32>
        %mul3A_1028 = arith.mulf %get3A_1015, %get3A_1015 : vector<16xf32>
        %add3A_1029 = arith.addf %add3A_999, %mul3A_1028 : vector<16xf32>
        %mul3A_1030 = arith.mulf %get3A_1019, %get3A_1019 : vector<16xf32>
        %add3A_1031 = arith.addf %add3A_1001, %mul3A_1030 : vector<16xf32>
        %scan3A_1032 = arith.constant 3 : i32
        %scan3A_1033 = arith.addi %scan3A_936, %scan3A_1032 : i32
        %get3A_1034 = arith.index_cast %scan3A_1033 : i32 to index
        %get3A_1035 = arith.constant 0 : index
        %get3A_1036 = tpu.vector_load %arg9[%get3A_1034, %get3A_1035] {strides = array<i32>} : memref<100x64xf32, #tpu.memory_space<vmem>>, vector<1x16xf32>,
        %get3A_1037 = vector.shape_cast %get3A_1036 : vector<1x16xf32> to vector<16xf32>
        %get3A_1038 = arith.index_cast %scan3A_1033 : i32 to index
        %get3A_1039 = arith.constant 16 : index
        %get3A_1040 = tpu.vector_load %arg9[%get3A_1038, %get3A_1039] {strides = array<i32>} : memref<100x64xf32, #tpu.memory_space<vmem>>, vector<1x16xf32>,
        %get3A_1041 = vector.shape_cast %get3A_1040 : vector<1x16xf32> to vector<16xf32>
        %get3A_1042 = arith.index_cast %scan3A_1033 : i32 to index
        %get3A_1043 = arith.constant 32 : index
        %get3A_1044 = tpu.vector_load %arg9[%get3A_1042, %get3A_1043] {strides = array<i32>} : memref<100x64xf32, #tpu.memory_space<vmem>>, vector<1x16xf32>,
        %get3A_1045 = vector.shape_cast %get3A_1044 : vector<1x16xf32> to vector<16xf32>
        %get3A_1046 = arith.index_cast %scan3A_1033 : i32 to index
        %get3A_1047 = arith.constant 48 : index
        %get3A_1048 = tpu.vector_load %arg9[%get3A_1046, %get3A_1047] {strides = array<i32>} : memref<100x64xf32, #tpu.memory_space<vmem>>, vector<1x16xf32>,
        %get3A_1049 = vector.shape_cast %get3A_1048 : vector<1x16xf32> to vector<16xf32>
        %add3A_1050 = arith.addf %add3A_1020, %get3A_1037 : vector<16xf32>
        %add3A_1051 = arith.addf %add3A_1021, %get3A_1041 : vector<16xf32>
        %add3A_1052 = arith.addf %add3A_1022, %get3A_1045 : vector<16xf32>
        %add3A_1053 = arith.addf %add3A_1023, %get3A_1049 : vector<16xf32>
        %mul3A_1054 = arith.mulf %get3A_1037, %get3A_1037 : vector<16xf32>
        %add3A_1055 = arith.addf %add3A_1025, %mul3A_1054 : vector<16xf32>
        %mul3A_1056 = arith.mulf %get3A_1041, %get3A_1041 : vector<16xf32>
        %add3A_1057 = arith.addf %add3A_1027, %mul3A_1056 : vector<16xf32>
        %mul3A_1058 = arith.mulf %get3A_1045, %get3A_1045 : vector<16xf32>
        %add3A_1059 = arith.addf %add3A_1029, %mul3A_1058 : vector<16xf32>
        %mul3A_1060 = arith.mulf %get3A_1049, %get3A_1049 : vector<16xf32>
        %add3A_1061 = arith.addf %add3A_1031, %mul3A_1060 : vector<16xf32>
        scf.yield %add3A_1050, %add3A_1051, %add3A_1052, %add3A_1053, %add3A_1055, %add3A_1057, %add3A_1059, %add3A_1061 : vector<16xf32>, vector<16xf32>, vector<16xf32>, vector<16xf32>, vector<16xf32>, vector<16xf32>, vector<16xf32>, vector<16xf32>
      }
      %scan3A_751 = arith.constant 100 : i32
      %mul3A_752 = arith.mulf %scan3A_750#0, %scan3A_750#0 : vector<16xf32>
      %sub3A_753 = arith.subf %mul3A_752, %scan3A_750#4 : vector<16xf32>
      %mul3A_754 = arith.constant 5.000000e-01 : f32
      %mul3A_755 = vector.broadcast %mul3A_754 : f32 to vector<16xf32>
      %mul3A_756 = arith.mulf %sub3A_753, %mul3A_755 : vector<16xf32>
      %swap3A_757 = arith.index_cast %add3A_743 : i32 to index
      %swap3A_758 = arith.constant 0 : index
      %swap3A_759 = tpu.vector_load %arg12[%swap3A_757, %swap3A_758] {strides = array<i32>} : memref<512x64xf32, #tpu.memory_space<vmem>>, vector<1x16xf32>,
      %swap3A_760 = vector.shape_cast %swap3A_759 : vector<1x16xf32> to vector<16xf32>
      %swap3A_761 = vector.shape_cast %mul3A_756 : vector<16xf32> to vector<1x16xf32>
      tpu.vector_store %arg12[%swap3A_757, %swap3A_758], %swap3A_761 {strides = array<i32>} : memref<512x64xf32, #tpu.memory_space<vmem>>, vector<1x16xf32>,
      %mul3A_762 = arith.mulf %scan3A_750#1, %scan3A_750#1 : vector<16xf32>
      %sub3A_763 = arith.subf %mul3A_762, %scan3A_750#5 : vector<16xf32>
      %mul3A_764 = arith.constant 5.000000e-01 : f32
      %mul3A_765 = vector.broadcast %mul3A_764 : f32 to vector<16xf32>
      %mul3A_766 = arith.mulf %sub3A_763, %mul3A_765 : vector<16xf32>
      %swap3A_767 = arith.index_cast %add3A_743 : i32 to index
      %swap3A_768 = arith.constant 16 : index
      %swap3A_769 = tpu.vector_load %arg12[%swap3A_767, %swap3A_768] {strides = array<i32>} : memref<512x64xf32, #tpu.memory_space<vmem>>, vector<1x16xf32>,
      %swap3A_770 = vector.shape_cast %swap3A_769 : vector<1x16xf32> to vector<16xf32>
      %swap3A_771 = vector.shape_cast %mul3A_766 : vector<16xf32> to vector<1x16xf32>
      tpu.vector_store %arg12[%swap3A_767, %swap3A_768], %swap3A_771 {strides = array<i32>} : memref<512x64xf32, #tpu.memory_space<vmem>>, vector<1x16xf32>,
      %mul3A_772 = arith.mulf %scan3A_750#2, %scan3A_750#2 : vector<16xf32>
      %sub3A_773 = arith.subf %mul3A_772, %scan3A_750#6 : vector<16xf32>
      %mul3A_774 = arith.constant 5.000000e-01 : f32
      %mul3A_775 = vector.broadcast %mul3A_774 : f32 to vector<16xf32>
      %mul3A_776 = arith.mulf %sub3A_773, %mul3A_775 : vector<16xf32>
      %swap3A_777 = arith.index_cast %add3A_743 : i32 to index
      %swap3A_778 = arith.constant 32 : index
      %swap3A_779 = tpu.vector_load %arg12[%swap3A_777, %swap3A_778] {strides = array<i32>} : memref<512x64xf32, #tpu.memory_space<vmem>>, vector<1x16xf32>,
      %swap3A_780 = vector.shape_cast %swap3A_779 : vector<1x16xf32> to vector<16xf32>
      %swap3A_781 = vector.shape_cast %mul3A_776 : vector<16xf32> to vector<1x16xf32>
      tpu.vector_store %arg12[%swap3A_777, %swap3A_778], %swap3A_781 {strides = array<i32>} : memref<512x64xf32, #tpu.memory_space<vmem>>, vector<1x16xf32>,
      %mul3A_782 = arith.mulf %scan3A_750#3, %scan3A_750#3 : vector<16xf32>
      %sub3A_783 = arith.subf %mul3A_782, %scan3A_750#7 : vector<16xf32>
      %mul3A_784 = arith.constant 5.000000e-01 : f32
      %mul3A_785 = vector.broadcast %mul3A_784 : f32 to vector<16xf32>
      %mul3A_786 = arith.mulf %sub3A_783, %mul3A_785 : vector<16xf32>
      %swap3A_787 = arith.index_cast %add3A_743 : i32 to index
      %swap3A_788 = arith.constant 48 : index
      %swap3A_789 = tpu.vector_load %arg12[%swap3A_787, %swap3A_788] {strides = array<i32>} : memref<512x64xf32, #tpu.memory_space<vmem>>, vector<1x16xf32>,
      %swap3A_790 = vector.shape_cast %swap3A_789 : vector<1x16xf32> to vector<16xf32>
      %swap3A_791 = vector.shape_cast %mul3A_786 : vector<16xf32> to vector<1x16xf32>
      tpu.vector_store %arg12[%swap3A_787, %swap3A_788], %swap3A_791 {strides = array<i32>} : memref<512x64xf32, #tpu.memory_space<vmem>>, vector<1x16xf32>,
      %add3A_792 = arith.constant 3 : i32
      %add3A_793 = arith.addi %mul3A_533, %add3A_792 : i32
      %add3A_794 = arith.constant 6 : i32
      %add3A_795 = arith.addi %add3A_793, %add3A_794 : i32
      %dma_start3A_796 = arith.constant 0 : i32
      %dma_start3A_797 = tpu.memref_slice %arg5[%add3A_795, %dma_start3A_796] : memref<512x100xi32, #tpu.memory_space<vmem>> -> memref<1x100xi32, #tpu.memory_space<vmem>>
      %dma_start3A_798 = tpu.memref_squeeze %dma_start3A_797 : memref<1x100xi32, #tpu.memory_space<vmem>> -> memref<100xi32, #tpu.memory_space<vmem>>
      %dma_start3A_799 = arith.constant 0 : i32
      %dma_start3A_800 = arith.constant 0 : i32
      %dma_start3A_801 = tpu.memref_slice %arg3[%dma_start3A_799, %dma_start3A_800] : memref<1000000x64xf32, #tpu.memory_space<hbm>> -> memref<1000000x64xf32, #tpu.memory_space<hbm>>
      tpu.enqueue_indirect_dma source(%dma_start3A_801 : memref<1000000x64xf32, #tpu.memory_space<hbm>>) target(%arg9 : memref<100x64xf32, #tpu.memory_space<vmem>>) offsets(%dma_start3A_798 : memref<100xi32, #tpu.memory_space<vmem>>) semaphore(%arg16 : memref<!tpu.dma_semaphore, #tpu.memory_space<semaphore_mem>>)
      %dma_wait3A_802 = arith.constant 0 : i32
      %dma_wait3A_803 = arith.constant 0 : i32
      %dma_wait3A_804 = tpu.memref_slice %arg5[%dma_wait3A_802, %dma_wait3A_803] : memref<512x100xi32, #tpu.memory_space<vmem>> -> memref<1x100xi32, #tpu.memory_space<vmem>>
      %dma_wait3A_805 = tpu.memref_squeeze %dma_wait3A_804 : memref<1x100xi32, #tpu.memory_space<vmem>> -> memref<100xi32, #tpu.memory_space<vmem>>
      %dma_wait3A_806 = arith.constant 0 : i32
      %dma_wait3A_807 = arith.constant 0 : i32
      %dma_wait3A_808 = tpu.memref_slice %arg3[%dma_wait3A_806, %dma_wait3A_807] : memref<1000000x64xf32, #tpu.memory_space<hbm>> -> memref<1000000x64xf32, #tpu.memory_space<hbm>>
      tpu.wait_indirect_dma semaphore(%arg17 : memref<!tpu.dma_semaphore, #tpu.memory_space<semaphore_mem>>) src(%dma_wait3A_808 : memref<1000000x64xf32, #tpu.memory_space<hbm>>) dst(%arg10 : memref<100x64xf32, #tpu.memory_space<vmem>>)
      %add3A_809 = arith.constant 4 : i32
      %add3A_810 = arith.addi %mul3A_533, %add3A_809 : i32
      %broadcast_in_dim3A_811 = arith.constant 0.000000e+00 : f32
      %broadcast_in_dim3A_812 = vector.broadcast %broadcast_in_dim3A_811 : f32 to vector<16xf32>
      %scan3A_813 = arith.constant 0 : i32
      %scan3A_814 = arith.constant 100 : i32
      %scan3A_815 = arith.addi %scan3A_813, %scan3A_814 : i32
      %scan3A_816 = arith.constant 4 : i32
      %scan3A_817:8 = scf.for %scan3A_936 = %scan3A_813 to %scan3A_815 step %scan3A_816 iter_args(%scan3A_937 = %broadcast_in_dim3A_812, %scan3A_938 = %broadcast_in_dim3A_812, %scan3A_939 = %broadcast_in_dim3A_812, %scan3A_940 = %broadcast_in_dim3A_812, %scan3A_941 = %broadcast_in_dim3A_812, %scan3A_942 = %broadcast_in_dim3A_812, %scan3A_943 = %broadcast_in_dim3A_812, %scan3A_944 = %broadcast_in_dim3A_812) -> (vector<16xf32>, vector<16xf32>, vector<16xf32>, vector<16xf32>, vector<16xf32>, vector<16xf32>, vector<16xf32>, vector<16xf32>)  : i32 {
        %get3A = arith.index_cast %scan3A_936 : i32 to index
        %get3A_945 = arith.constant 0 : index
        %get3A_946 = tpu.vector_load %arg10[%get3A, %get3A_945] {strides = array<i32>} : memref<100x64xf32, #tpu.memory_space<vmem>>, vector<1x16xf32>,
        %get3A_947 = vector.shape_cast %get3A_946 : vector<1x16xf32> to vector<16xf32>
        %get3A_948 = arith.index_cast %scan3A_936 : i32 to index
        %get3A_949 = arith.constant 16 : index
        %get3A_950 = tpu.vector_load %arg10[%get3A_948, %get3A_949] {strides = array<i32>} : memref<100x64xf32, #tpu.memory_space<vmem>>, vector<1x16xf32>,
        %get3A_951 = vector.shape_cast %get3A_950 : vector<1x16xf32> to vector<16xf32>
        %get3A_952 = arith.index_cast %scan3A_936 : i32 to index
        %get3A_953 = arith.constant 32 : index
        %get3A_954 = tpu.vector_load %arg10[%get3A_952, %get3A_953] {strides = array<i32>} : memref<100x64xf32, #tpu.memory_space<vmem>>, vector<1x16xf32>,
        %get3A_955 = vector.shape_cast %get3A_954 : vector<1x16xf32> to vector<16xf32>
        %get3A_956 = arith.index_cast %scan3A_936 : i32 to index
        %get3A_957 = arith.constant 48 : index
        %get3A_958 = tpu.vector_load %arg10[%get3A_956, %get3A_957] {strides = array<i32>} : memref<100x64xf32, #tpu.memory_space<vmem>>, vector<1x16xf32>,
        %get3A_959 = vector.shape_cast %get3A_958 : vector<1x16xf32> to vector<16xf32>
        %add3A_960 = arith.addf %scan3A_937, %get3A_947 : vector<16xf32>
        %add3A_961 = arith.addf %scan3A_938, %get3A_951 : vector<16xf32>
        %add3A_962 = arith.addf %scan3A_939, %get3A_955 : vector<16xf32>
        %add3A_963 = arith.addf %scan3A_940, %get3A_959 : vector<16xf32>
        %mul3A_964 = arith.mulf %get3A_947, %get3A_947 : vector<16xf32>
        %add3A_965 = arith.addf %scan3A_941, %mul3A_964 : vector<16xf32>
        %mul3A_966 = arith.mulf %get3A_951, %get3A_951 : vector<16xf32>
        %add3A_967 = arith.addf %scan3A_942, %mul3A_966 : vector<16xf32>
        %mul3A_968 = arith.mulf %get3A_955, %get3A_955 : vector<16xf32>
        %add3A_969 = arith.addf %scan3A_943, %mul3A_968 : vector<16xf32>
        %mul3A_970 = arith.mulf %get3A_959, %get3A_959 : vector<16xf32>
        %add3A_971 = arith.addf %scan3A_944, %mul3A_970 : vector<16xf32>
        %scan3A_972 = arith.constant 1 : i32
        %scan3A_973 = arith.addi %scan3A_936, %scan3A_972 : i32
        %get3A_974 = arith.index_cast %scan3A_973 : i32 to index
        %get3A_975 = arith.constant 0 : index
        %get3A_976 = tpu.vector_load %arg10[%get3A_974, %get3A_975] {strides = array<i32>} : memref<100x64xf32, #tpu.memory_space<vmem>>, vector<1x16xf32>,
        %get3A_977 = vector.shape_cast %get3A_976 : vector<1x16xf32> to vector<16xf32>
        %get3A_978 = arith.index_cast %scan3A_973 : i32 to index
        %get3A_979 = arith.constant 16 : index
        %get3A_980 = tpu.vector_load %arg10[%get3A_978, %get3A_979] {strides = array<i32>} : memref<100x64xf32, #tpu.memory_space<vmem>>, vector<1x16xf32>,
        %get3A_981 = vector.shape_cast %get3A_980 : vector<1x16xf32> to vector<16xf32>
        %get3A_982 = arith.index_cast %scan3A_973 : i32 to index
        %get3A_983 = arith.constant 32 : index
        %get3A_984 = tpu.vector_load %arg10[%get3A_982, %get3A_983] {strides = array<i32>} : memref<100x64xf32, #tpu.memory_space<vmem>>, vector<1x16xf32>,
        %get3A_985 = vector.shape_cast %get3A_984 : vector<1x16xf32> to vector<16xf32>
        %get3A_986 = arith.index_cast %scan3A_973 : i32 to index
        %get3A_987 = arith.constant 48 : index
        %get3A_988 = tpu.vector_load %arg10[%get3A_986, %get3A_987] {strides = array<i32>} : memref<100x64xf32, #tpu.memory_space<vmem>>, vector<1x16xf32>,
        %get3A_989 = vector.shape_cast %get3A_988 : vector<1x16xf32> to vector<16xf32>
        %add3A_990 = arith.addf %add3A_960, %get3A_977 : vector<16xf32>
        %add3A_991 = arith.addf %add3A_961, %get3A_981 : vector<16xf32>
        %add3A_992 = arith.addf %add3A_962, %get3A_985 : vector<16xf32>
        %add3A_993 = arith.addf %add3A_963, %get3A_989 : vector<16xf32>
        %mul3A_994 = arith.mulf %get3A_977, %get3A_977 : vector<16xf32>
        %add3A_995 = arith.addf %add3A_965, %mul3A_994 : vector<16xf32>
        %mul3A_996 = arith.mulf %get3A_981, %get3A_981 : vector<16xf32>
        %add3A_997 = arith.addf %add3A_967, %mul3A_996 : vector<16xf32>
        %mul3A_998 = arith.mulf %get3A_985, %get3A_985 : vector<16xf32>
        %add3A_999 = arith.addf %add3A_969, %mul3A_998 : vector<16xf32>
        %mul3A_1000 = arith.mulf %get3A_989, %get3A_989 : vector<16xf32>
        %add3A_1001 = arith.addf %add3A_971, %mul3A_1000 : vector<16xf32>
        %scan3A_1002 = arith.constant 2 : i32
        %scan3A_1003 = arith.addi %scan3A_936, %scan3A_1002 : i32
        %get3A_1004 = arith.index_cast %scan3A_1003 : i32 to index
        %get3A_1005 = arith.constant 0 : index
        %get3A_1006 = tpu.vector_load %arg10[%get3A_1004, %get3A_1005] {strides = array<i32>} : memref<100x64xf32, #tpu.memory_space<vmem>>, vector<1x16xf32>,
        %get3A_1007 = vector.shape_cast %get3A_1006 : vector<1x16xf32> to vector<16xf32>
        %get3A_1008 = arith.index_cast %scan3A_1003 : i32 to index
        %get3A_1009 = arith.constant 16 : index
        %get3A_1010 = tpu.vector_load %arg10[%get3A_1008, %get3A_1009] {strides = array<i32>} : memref<100x64xf32, #tpu.memory_space<vmem>>, vector<1x16xf32>,
        %get3A_1011 = vector.shape_cast %get3A_1010 : vector<1x16xf32> to vector<16xf32>
        %get3A_1012 = arith.index_cast %scan3A_1003 : i32 to index
        %get3A_1013 = arith.constant 32 : index
        %get3A_1014 = tpu.vector_load %arg10[%get3A_1012, %get3A_1013] {strides = array<i32>} : memref<100x64xf32, #tpu.memory_space<vmem>>, vector<1x16xf32>,
        %get3A_1015 = vector.shape_cast %get3A_1014 : vector<1x16xf32> to vector<16xf32>
        %get3A_1016 = arith.index_cast %scan3A_1003 : i32 to index
        %get3A_1017 = arith.constant 48 : index
        %get3A_1018 = tpu.vector_load %arg10[%get3A_1016, %get3A_1017] {strides = array<i32>} : memref<100x64xf32, #tpu.memory_space<vmem>>, vector<1x16xf32>,
        %get3A_1019 = vector.shape_cast %get3A_1018 : vector<1x16xf32> to vector<16xf32>
        %add3A_1020 = arith.addf %add3A_990, %get3A_1007 : vector<16xf32>
        %add3A_1021 = arith.addf %add3A_991, %get3A_1011 : vector<16xf32>
        %add3A_1022 = arith.addf %add3A_992, %get3A_1015 : vector<16xf32>
        %add3A_1023 = arith.addf %add3A_993, %get3A_1019 : vector<16xf32>
        %mul3A_1024 = arith.mulf %get3A_1007, %get3A_1007 : vector<16xf32>
        %add3A_1025 = arith.addf %add3A_995, %mul3A_1024 : vector<16xf32>
        %mul3A_1026 = arith.mulf %get3A_1011, %get3A_1011 : vector<16xf32>
        %add3A_1027 = arith.addf %add3A_997, %mul3A_1026 : vector<16xf32>
        %mul3A_1028 = arith.mulf %get3A_1015, %get3A_1015 : vector<16xf32>
        %add3A_1029 = arith.addf %add3A_999, %mul3A_1028 : vector<16xf32>
        %mul3A_1030 = arith.mulf %get3A_1019, %get3A_1019 : vector<16xf32>
        %add3A_1031 = arith.addf %add3A_1001, %mul3A_1030 : vector<16xf32>
        %scan3A_1032 = arith.constant 3 : i32
        %scan3A_1033 = arith.addi %scan3A_936, %scan3A_1032 : i32
        %get3A_1034 = arith.index_cast %scan3A_1033 : i32 to index
        %get3A_1035 = arith.constant 0 : index
        %get3A_1036 = tpu.vector_load %arg10[%get3A_1034, %get3A_1035] {strides = array<i32>} : memref<100x64xf32, #tpu.memory_space<vmem>>, vector<1x16xf32>,
        %get3A_1037 = vector.shape_cast %get3A_1036 : vector<1x16xf32> to vector<16xf32>
        %get3A_1038 = arith.index_cast %scan3A_1033 : i32 to index
        %get3A_1039 = arith.constant 16 : index
        %get3A_1040 = tpu.vector_load %arg10[%get3A_1038, %get3A_1039] {strides = array<i32>} : memref<100x64xf32, #tpu.memory_space<vmem>>, vector<1x16xf32>,
        %get3A_1041 = vector.shape_cast %get3A_1040 : vector<1x16xf32> to vector<16xf32>
        %get3A_1042 = arith.index_cast %scan3A_1033 : i32 to index
        %get3A_1043 = arith.constant 32 : index
        %get3A_1044 = tpu.vector_load %arg10[%get3A_1042, %get3A_1043] {strides = array<i32>} : memref<100x64xf32, #tpu.memory_space<vmem>>, vector<1x16xf32>,
        %get3A_1045 = vector.shape_cast %get3A_1044 : vector<1x16xf32> to vector<16xf32>
        %get3A_1046 = arith.index_cast %scan3A_1033 : i32 to index
        %get3A_1047 = arith.constant 48 : index
        %get3A_1048 = tpu.vector_load %arg10[%get3A_1046, %get3A_1047] {strides = array<i32>} : memref<100x64xf32, #tpu.memory_space<vmem>>, vector<1x16xf32>,
        %get3A_1049 = vector.shape_cast %get3A_1048 : vector<1x16xf32> to vector<16xf32>
        %add3A_1050 = arith.addf %add3A_1020, %get3A_1037 : vector<16xf32>
        %add3A_1051 = arith.addf %add3A_1021, %get3A_1041 : vector<16xf32>
        %add3A_1052 = arith.addf %add3A_1022, %get3A_1045 : vector<16xf32>
        %add3A_1053 = arith.addf %add3A_1023, %get3A_1049 : vector<16xf32>
        %mul3A_1054 = arith.mulf %get3A_1037, %get3A_1037 : vector<16xf32>
        %add3A_1055 = arith.addf %add3A_1025, %mul3A_1054 : vector<16xf32>
        %mul3A_1056 = arith.mulf %get3A_1041, %get3A_1041 : vector<16xf32>
        %add3A_1057 = arith.addf %add3A_1027, %mul3A_1056 : vector<16xf32>
        %mul3A_1058 = arith.mulf %get3A_1045, %get3A_1045 : vector<16xf32>
        %add3A_1059 = arith.addf %add3A_1029, %mul3A_1058 : vector<16xf32>
        %mul3A_1060 = arith.mulf %get3A_1049, %get3A_1049 : vector<16xf32>
        %add3A_1061 = arith.addf %add3A_1031, %mul3A_1060 : vector<16xf32>
        scf.yield %add3A_1050, %add3A_1051, %add3A_1052, %add3A_1053, %add3A_1055, %add3A_1057, %add3A_1059, %add3A_1061 : vector<16xf32>, vector<16xf32>, vector<16xf32>, vector<16xf32>, vector<16xf32>, vector<16xf32>, vector<16xf32>, vector<16xf32>
      }
      %scan3A_818 = arith.constant 100 : i32
      %mul3A_819 = arith.mulf %scan3A_817#0, %scan3A_817#0 : vector<16xf32>
      %sub3A_820 = arith.subf %mul3A_819, %scan3A_817#4 : vector<16xf32>
      %mul3A_821 = arith.constant 5.000000e-01 : f32
      %mul3A_822 = vector.broadcast %mul3A_821 : f32 to vector<16xf32>
      %mul3A_823 = arith.mulf %sub3A_820, %mul3A_822 : vector<16xf32>
      %swap3A_824 = arith.index_cast %add3A_810 : i32 to index
      %swap3A_825 = arith.constant 0 : index
      %swap3A_826 = tpu.vector_load %arg12[%swap3A_824, %swap3A_825] {strides = array<i32>} : memref<512x64xf32, #tpu.memory_space<vmem>>, vector<1x16xf32>,
      %swap3A_827 = vector.shape_cast %swap3A_826 : vector<1x16xf32> to vector<16xf32>
      %swap3A_828 = vector.shape_cast %mul3A_823 : vector<16xf32> to vector<1x16xf32>
      tpu.vector_store %arg12[%swap3A_824, %swap3A_825], %swap3A_828 {strides = array<i32>} : memref<512x64xf32, #tpu.memory_space<vmem>>, vector<1x16xf32>,
      %mul3A_829 = arith.mulf %scan3A_817#1, %scan3A_817#1 : vector<16xf32>
      %sub3A_830 = arith.subf %mul3A_829, %scan3A_817#5 : vector<16xf32>
      %mul3A_831 = arith.constant 5.000000e-01 : f32
      %mul3A_832 = vector.broadcast %mul3A_831 : f32 to vector<16xf32>
      %mul3A_833 = arith.mulf %sub3A_830, %mul3A_832 : vector<16xf32>
      %swap3A_834 = arith.index_cast %add3A_810 : i32 to index
      %swap3A_835 = arith.constant 16 : index
      %swap3A_836 = tpu.vector_load %arg12[%swap3A_834, %swap3A_835] {strides = array<i32>} : memref<512x64xf32, #tpu.memory_space<vmem>>, vector<1x16xf32>,
      %swap3A_837 = vector.shape_cast %swap3A_836 : vector<1x16xf32> to vector<16xf32>
      %swap3A_838 = vector.shape_cast %mul3A_833 : vector<16xf32> to vector<1x16xf32>
      tpu.vector_store %arg12[%swap3A_834, %swap3A_835], %swap3A_838 {strides = array<i32>} : memref<512x64xf32, #tpu.memory_space<vmem>>, vector<1x16xf32>,
      %mul3A_839 = arith.mulf %scan3A_817#2, %scan3A_817#2 : vector<16xf32>
      %sub3A_840 = arith.subf %mul3A_839, %scan3A_817#6 : vector<16xf32>
      %mul3A_841 = arith.constant 5.000000e-01 : f32
      %mul3A_842 = vector.broadcast %mul3A_841 : f32 to vector<16xf32>
      %mul3A_843 = arith.mulf %sub3A_840, %mul3A_842 : vector<16xf32>
      %swap3A_844 = arith.index_cast %add3A_810 : i32 to index
      %swap3A_845 = arith.constant 32 : index
      %swap3A_846 = tpu.vector_load %arg12[%swap3A_844, %swap3A_845] {strides = array<i32>} : memref<512x64xf32, #tpu.memory_space<vmem>>, vector<1x16xf32>,
      %swap3A_847 = vector.shape_cast %swap3A_846 : vector<1x16xf32> to vector<16xf32>
      %swap3A_848 = vector.shape_cast %mul3A_843 : vector<16xf32> to vector<1x16xf32>
      tpu.vector_store %arg12[%swap3A_844, %swap3A_845], %swap3A_848 {strides = array<i32>} : memref<512x64xf32, #tpu.memory_space<vmem>>, vector<1x16xf32>,
      %mul3A_849 = arith.mulf %scan3A_817#3, %scan3A_817#3 : vector<16xf32>
      %sub3A_850 = arith.subf %mul3A_849, %scan3A_817#7 : vector<16xf32>
      %mul3A_851 = arith.constant 5.000000e-01 : f32
      %mul3A_852 = vector.broadcast %mul3A_851 : f32 to vector<16xf32>
      %mul3A_853 = arith.mulf %sub3A_850, %mul3A_852 : vector<16xf32>
      %swap3A_854 = arith.index_cast %add3A_810 : i32 to index
      %swap3A_855 = arith.constant 48 : index
      %swap3A_856 = tpu.vector_load %arg12[%swap3A_854, %swap3A_855] {strides = array<i32>} : memref<512x64xf32, #tpu.memory_space<vmem>>, vector<1x16xf32>,
      %swap3A_857 = vector.shape_cast %swap3A_856 : vector<1x16xf32> to vector<16xf32>
      %swap3A_858 = vector.shape_cast %mul3A_853 : vector<16xf32> to vector<1x16xf32>
      tpu.vector_store %arg12[%swap3A_854, %swap3A_855], %swap3A_858 {strides = array<i32>} : memref<512x64xf32, #tpu.memory_space<vmem>>, vector<1x16xf32>,
      %add3A_859 = arith.constant 4 : i32
      %add3A_860 = arith.addi %mul3A_533, %add3A_859 : i32
      %add3A_861 = arith.constant 6 : i32
      %add3A_862 = arith.addi %add3A_860, %add3A_861 : i32
      %dma_start3A_863 = arith.constant 0 : i32
      %dma_start3A_864 = tpu.memref_slice %arg5[%add3A_862, %dma_start3A_863] : memref<512x100xi32, #tpu.memory_space<vmem>> -> memref<1x100xi32, #tpu.memory_space<vmem>>
      %dma_start3A_865 = tpu.memref_squeeze %dma_start3A_864 : memref<1x100xi32, #tpu.memory_space<vmem>> -> memref<100xi32, #tpu.memory_space<vmem>>
      %dma_start3A_866 = arith.constant 0 : i32
      %dma_start3A_867 = arith.constant 0 : i32
      %dma_start3A_868 = tpu.memref_slice %arg3[%dma_start3A_866, %dma_start3A_867] : memref<1000000x64xf32, #tpu.memory_space<hbm>> -> memref<1000000x64xf32, #tpu.memory_space<hbm>>
      tpu.enqueue_indirect_dma source(%dma_start3A_868 : memref<1000000x64xf32, #tpu.memory_space<hbm>>) target(%arg10 : memref<100x64xf32, #tpu.memory_space<vmem>>) offsets(%dma_start3A_865 : memref<100xi32, #tpu.memory_space<vmem>>) semaphore(%arg17 : memref<!tpu.dma_semaphore, #tpu.memory_space<semaphore_mem>>)
      %dma_wait3A_869 = arith.constant 0 : i32
      %dma_wait3A_870 = arith.constant 0 : i32
      %dma_wait3A_871 = tpu.memref_slice %arg5[%dma_wait3A_869, %dma_wait3A_870] : memref<512x100xi32, #tpu.memory_space<vmem>> -> memref<1x100xi32, #tpu.memory_space<vmem>>
      %dma_wait3A_872 = tpu.memref_squeeze %dma_wait3A_871 : memref<1x100xi32, #tpu.memory_space<vmem>> -> memref<100xi32, #tpu.memory_space<vmem>>
      %dma_wait3A_873 = arith.constant 0 : i32
      %dma_wait3A_874 = arith.constant 0 : i32
      %dma_wait3A_875 = tpu.memref_slice %arg3[%dma_wait3A_873, %dma_wait3A_874] : memref<1000000x64xf32, #tpu.memory_space<hbm>> -> memref<1000000x64xf32, #tpu.memory_space<hbm>>
      tpu.wait_indirect_dma semaphore(%arg18 : memref<!tpu.dma_semaphore, #tpu.memory_space<semaphore_mem>>) src(%dma_wait3A_875 : memref<1000000x64xf32, #tpu.memory_space<hbm>>) dst(%arg11 : memref<100x64xf32, #tpu.memory_space<vmem>>)
      %add3A_876 = arith.constant 5 : i32
      %add3A_877 = arith.addi %mul3A_533, %add3A_876 : i32
      %broadcast_in_dim3A_878 = arith.constant 0.000000e+00 : f32
      %broadcast_in_dim3A_879 = vector.broadcast %broadcast_in_dim3A_878 : f32 to vector<16xf32>
      %scan3A_880 = arith.constant 0 : i32
      %scan3A_881 = arith.constant 100 : i32
      %scan3A_882 = arith.addi %scan3A_880, %scan3A_881 : i32
      %scan3A_883 = arith.constant 4 : i32
      %scan3A_884:8 = scf.for %scan3A_936 = %scan3A_880 to %scan3A_882 step %scan3A_883 iter_args(%scan3A_937 = %broadcast_in_dim3A_879, %scan3A_938 = %broadcast_in_dim3A_879, %scan3A_939 = %broadcast_in_dim3A_879, %scan3A_940 = %broadcast_in_dim3A_879, %scan3A_941 = %broadcast_in_dim3A_879, %scan3A_942 = %broadcast_in_dim3A_879, %scan3A_943 = %broadcast_in_dim3A_879, %scan3A_944 = %broadcast_in_dim3A_879) -> (vector<16xf32>, vector<16xf32>, vector<16xf32>, vector<16xf32>, vector<16xf32>, vector<16xf32>, vector<16xf32>, vector<16xf32>)  : i32 {
        %get3A = arith.index_cast %scan3A_936 : i32 to index
        %get3A_945 = arith.constant 0 : index
        %get3A_946 = tpu.vector_load %arg11[%get3A, %get3A_945] {strides = array<i32>} : memref<100x64xf32, #tpu.memory_space<vmem>>, vector<1x16xf32>,
        %get3A_947 = vector.shape_cast %get3A_946 : vector<1x16xf32> to vector<16xf32>
        %get3A_948 = arith.index_cast %scan3A_936 : i32 to index
        %get3A_949 = arith.constant 16 : index
        %get3A_950 = tpu.vector_load %arg11[%get3A_948, %get3A_949] {strides = array<i32>} : memref<100x64xf32, #tpu.memory_space<vmem>>, vector<1x16xf32>,
        %get3A_951 = vector.shape_cast %get3A_950 : vector<1x16xf32> to vector<16xf32>
        %get3A_952 = arith.index_cast %scan3A_936 : i32 to index
        %get3A_953 = arith.constant 32 : index
        %get3A_954 = tpu.vector_load %arg11[%get3A_952, %get3A_953] {strides = array<i32>} : memref<100x64xf32, #tpu.memory_space<vmem>>, vector<1x16xf32>,
        %get3A_955 = vector.shape_cast %get3A_954 : vector<1x16xf32> to vector<16xf32>
        %get3A_956 = arith.index_cast %scan3A_936 : i32 to index
        %get3A_957 = arith.constant 48 : index
        %get3A_958 = tpu.vector_load %arg11[%get3A_956, %get3A_957] {strides = array<i32>} : memref<100x64xf32, #tpu.memory_space<vmem>>, vector<1x16xf32>,
        %get3A_959 = vector.shape_cast %get3A_958 : vector<1x16xf32> to vector<16xf32>
        %add3A_960 = arith.addf %scan3A_937, %get3A_947 : vector<16xf32>
        %add3A_961 = arith.addf %scan3A_938, %get3A_951 : vector<16xf32>
        %add3A_962 = arith.addf %scan3A_939, %get3A_955 : vector<16xf32>
        %add3A_963 = arith.addf %scan3A_940, %get3A_959 : vector<16xf32>
        %mul3A_964 = arith.mulf %get3A_947, %get3A_947 : vector<16xf32>
        %add3A_965 = arith.addf %scan3A_941, %mul3A_964 : vector<16xf32>
        %mul3A_966 = arith.mulf %get3A_951, %get3A_951 : vector<16xf32>
        %add3A_967 = arith.addf %scan3A_942, %mul3A_966 : vector<16xf32>
        %mul3A_968 = arith.mulf %get3A_955, %get3A_955 : vector<16xf32>
        %add3A_969 = arith.addf %scan3A_943, %mul3A_968 : vector<16xf32>
        %mul3A_970 = arith.mulf %get3A_959, %get3A_959 : vector<16xf32>
        %add3A_971 = arith.addf %scan3A_944, %mul3A_970 : vector<16xf32>
        %scan3A_972 = arith.constant 1 : i32
        %scan3A_973 = arith.addi %scan3A_936, %scan3A_972 : i32
        %get3A_974 = arith.index_cast %scan3A_973 : i32 to index
        %get3A_975 = arith.constant 0 : index
        %get3A_976 = tpu.vector_load %arg11[%get3A_974, %get3A_975] {strides = array<i32>} : memref<100x64xf32, #tpu.memory_space<vmem>>, vector<1x16xf32>,
        %get3A_977 = vector.shape_cast %get3A_976 : vector<1x16xf32> to vector<16xf32>
        %get3A_978 = arith.index_cast %scan3A_973 : i32 to index
        %get3A_979 = arith.constant 16 : index
        %get3A_980 = tpu.vector_load %arg11[%get3A_978, %get3A_979] {strides = array<i32>} : memref<100x64xf32, #tpu.memory_space<vmem>>, vector<1x16xf32>,
        %get3A_981 = vector.shape_cast %get3A_980 : vector<1x16xf32> to vector<16xf32>
        %get3A_982 = arith.index_cast %scan3A_973 : i32 to index
        %get3A_983 = arith.constant 32 : index
        %get3A_984 = tpu.vector_load %arg11[%get3A_982, %get3A_983] {strides = array<i32>} : memref<100x64xf32, #tpu.memory_space<vmem>>, vector<1x16xf32>,
        %get3A_985 = vector.shape_cast %get3A_984 : vector<1x16xf32> to vector<16xf32>
        %get3A_986 = arith.index_cast %scan3A_973 : i32 to index
        %get3A_987 = arith.constant 48 : index
        %get3A_988 = tpu.vector_load %arg11[%get3A_986, %get3A_987] {strides = array<i32>} : memref<100x64xf32, #tpu.memory_space<vmem>>, vector<1x16xf32>,
        %get3A_989 = vector.shape_cast %get3A_988 : vector<1x16xf32> to vector<16xf32>
        %add3A_990 = arith.addf %add3A_960, %get3A_977 : vector<16xf32>
        %add3A_991 = arith.addf %add3A_961, %get3A_981 : vector<16xf32>
        %add3A_992 = arith.addf %add3A_962, %get3A_985 : vector<16xf32>
        %add3A_993 = arith.addf %add3A_963, %get3A_989 : vector<16xf32>
        %mul3A_994 = arith.mulf %get3A_977, %get3A_977 : vector<16xf32>
        %add3A_995 = arith.addf %add3A_965, %mul3A_994 : vector<16xf32>
        %mul3A_996 = arith.mulf %get3A_981, %get3A_981 : vector<16xf32>
        %add3A_997 = arith.addf %add3A_967, %mul3A_996 : vector<16xf32>
        %mul3A_998 = arith.mulf %get3A_985, %get3A_985 : vector<16xf32>
        %add3A_999 = arith.addf %add3A_969, %mul3A_998 : vector<16xf32>
        %mul3A_1000 = arith.mulf %get3A_989, %get3A_989 : vector<16xf32>
        %add3A_1001 = arith.addf %add3A_971, %mul3A_1000 : vector<16xf32>
        %scan3A_1002 = arith.constant 2 : i32
        %scan3A_1003 = arith.addi %scan3A_936, %scan3A_1002 : i32
        %get3A_1004 = arith.index_cast %scan3A_1003 : i32 to index
        %get3A_1005 = arith.constant 0 : index
        %get3A_1006 = tpu.vector_load %arg11[%get3A_1004, %get3A_1005] {strides = array<i32>} : memref<100x64xf32, #tpu.memory_space<vmem>>, vector<1x16xf32>,
        %get3A_1007 = vector.shape_cast %get3A_1006 : vector<1x16xf32> to vector<16xf32>
        %get3A_1008 = arith.index_cast %scan3A_1003 : i32 to index
        %get3A_1009 = arith.constant 16 : index
        %get3A_1010 = tpu.vector_load %arg11[%get3A_1008, %get3A_1009] {strides = array<i32>} : memref<100x64xf32, #tpu.memory_space<vmem>>, vector<1x16xf32>,
        %get3A_1011 = vector.shape_cast %get3A_1010 : vector<1x16xf32> to vector<16xf32>
        %get3A_1012 = arith.index_cast %scan3A_1003 : i32 to index
        %get3A_1013 = arith.constant 32 : index
        %get3A_1014 = tpu.vector_load %arg11[%get3A_1012, %get3A_1013] {strides = array<i32>} : memref<100x64xf32, #tpu.memory_space<vmem>>, vector<1x16xf32>,
        %get3A_1015 = vector.shape_cast %get3A_1014 : vector<1x16xf32> to vector<16xf32>
        %get3A_1016 = arith.index_cast %scan3A_1003 : i32 to index
        %get3A_1017 = arith.constant 48 : index
        %get3A_1018 = tpu.vector_load %arg11[%get3A_1016, %get3A_1017] {strides = array<i32>} : memref<100x64xf32, #tpu.memory_space<vmem>>, vector<1x16xf32>,
        %get3A_1019 = vector.shape_cast %get3A_1018 : vector<1x16xf32> to vector<16xf32>
        %add3A_1020 = arith.addf %add3A_990, %get3A_1007 : vector<16xf32>
        %add3A_1021 = arith.addf %add3A_991, %get3A_1011 : vector<16xf32>
        %add3A_1022 = arith.addf %add3A_992, %get3A_1015 : vector<16xf32>
        %add3A_1023 = arith.addf %add3A_993, %get3A_1019 : vector<16xf32>
        %mul3A_1024 = arith.mulf %get3A_1007, %get3A_1007 : vector<16xf32>
        %add3A_1025 = arith.addf %add3A_995, %mul3A_1024 : vector<16xf32>
        %mul3A_1026 = arith.mulf %get3A_1011, %get3A_1011 : vector<16xf32>
        %add3A_1027 = arith.addf %add3A_997, %mul3A_1026 : vector<16xf32>
        %mul3A_1028 = arith.mulf %get3A_1015, %get3A_1015 : vector<16xf32>
        %add3A_1029 = arith.addf %add3A_999, %mul3A_1028 : vector<16xf32>
        %mul3A_1030 = arith.mulf %get3A_1019, %get3A_1019 : vector<16xf32>
        %add3A_1031 = arith.addf %add3A_1001, %mul3A_1030 : vector<16xf32>
        %scan3A_1032 = arith.constant 3 : i32
        %scan3A_1033 = arith.addi %scan3A_936, %scan3A_1032 : i32
        %get3A_1034 = arith.index_cast %scan3A_1033 : i32 to index
        %get3A_1035 = arith.constant 0 : index
        %get3A_1036 = tpu.vector_load %arg11[%get3A_1034, %get3A_1035] {strides = array<i32>} : memref<100x64xf32, #tpu.memory_space<vmem>>, vector<1x16xf32>,
        %get3A_1037 = vector.shape_cast %get3A_1036 : vector<1x16xf32> to vector<16xf32>
        %get3A_1038 = arith.index_cast %scan3A_1033 : i32 to index
        %get3A_1039 = arith.constant 16 : index
        %get3A_1040 = tpu.vector_load %arg11[%get3A_1038, %get3A_1039] {strides = array<i32>} : memref<100x64xf32, #tpu.memory_space<vmem>>, vector<1x16xf32>,
        %get3A_1041 = vector.shape_cast %get3A_1040 : vector<1x16xf32> to vector<16xf32>
        %get3A_1042 = arith.index_cast %scan3A_1033 : i32 to index
        %get3A_1043 = arith.constant 32 : index
        %get3A_1044 = tpu.vector_load %arg11[%get3A_1042, %get3A_1043] {strides = array<i32>} : memref<100x64xf32, #tpu.memory_space<vmem>>, vector<1x16xf32>,
        %get3A_1045 = vector.shape_cast %get3A_1044 : vector<1x16xf32> to vector<16xf32>
        %get3A_1046 = arith.index_cast %scan3A_1033 : i32 to index
        %get3A_1047 = arith.constant 48 : index
        %get3A_1048 = tpu.vector_load %arg11[%get3A_1046, %get3A_1047] {strides = array<i32>} : memref<100x64xf32, #tpu.memory_space<vmem>>, vector<1x16xf32>,
        %get3A_1049 = vector.shape_cast %get3A_1048 : vector<1x16xf32> to vector<16xf32>
        %add3A_1050 = arith.addf %add3A_1020, %get3A_1037 : vector<16xf32>
        %add3A_1051 = arith.addf %add3A_1021, %get3A_1041 : vector<16xf32>
        %add3A_1052 = arith.addf %add3A_1022, %get3A_1045 : vector<16xf32>
        %add3A_1053 = arith.addf %add3A_1023, %get3A_1049 : vector<16xf32>
        %mul3A_1054 = arith.mulf %get3A_1037, %get3A_1037 : vector<16xf32>
        %add3A_1055 = arith.addf %add3A_1025, %mul3A_1054 : vector<16xf32>
        %mul3A_1056 = arith.mulf %get3A_1041, %get3A_1041 : vector<16xf32>
        %add3A_1057 = arith.addf %add3A_1027, %mul3A_1056 : vector<16xf32>
        %mul3A_1058 = arith.mulf %get3A_1045, %get3A_1045 : vector<16xf32>
        %add3A_1059 = arith.addf %add3A_1029, %mul3A_1058 : vector<16xf32>
        %mul3A_1060 = arith.mulf %get3A_1049, %get3A_1049 : vector<16xf32>
        %add3A_1061 = arith.addf %add3A_1031, %mul3A_1060 : vector<16xf32>
        scf.yield %add3A_1050, %add3A_1051, %add3A_1052, %add3A_1053, %add3A_1055, %add3A_1057, %add3A_1059, %add3A_1061 : vector<16xf32>, vector<16xf32>, vector<16xf32>, vector<16xf32>, vector<16xf32>, vector<16xf32>, vector<16xf32>, vector<16xf32>
      }
      %scan3A_885 = arith.constant 100 : i32
      %mul3A_886 = arith.mulf %scan3A_884#0, %scan3A_884#0 : vector<16xf32>
      %sub3A_887 = arith.subf %mul3A_886, %scan3A_884#4 : vector<16xf32>
      %mul3A_888 = arith.constant 5.000000e-01 : f32
      %mul3A_889 = vector.broadcast %mul3A_888 : f32 to vector<16xf32>
      %mul3A_890 = arith.mulf %sub3A_887, %mul3A_889 : vector<16xf32>
      %swap3A_891 = arith.index_cast %add3A_877 : i32 to index
      %swap3A_892 = arith.constant 0 : index
      %swap3A_893 = tpu.vector_load %arg12[%swap3A_891, %swap3A_892] {strides = array<i32>} : memref<512x64xf32, #tpu.memory_space<vmem>>, vector<1x16xf32>,
      %swap3A_894 = vector.shape_cast %swap3A_893 : vector<1x16xf32> to vector<16xf32>
      %swap3A_895 = vector.shape_cast %mul3A_890 : vector<16xf32> to vector<1x16xf32>
      tpu.vector_store %arg12[%swap3A_891, %swap3A_892], %swap3A_895 {strides = array<i32>} : memref<512x64xf32, #tpu.memory_space<vmem>>, vector<1x16xf32>,
      %mul3A_896 = arith.mulf %scan3A_884#1, %scan3A_884#1 : vector<16xf32>
      %sub3A_897 = arith.subf %mul3A_896, %scan3A_884#5 : vector<16xf32>
      %mul3A_898 = arith.constant 5.000000e-01 : f32
      %mul3A_899 = vector.broadcast %mul3A_898 : f32 to vector<16xf32>
      %mul3A_900 = arith.mulf %sub3A_897, %mul3A_899 : vector<16xf32>
      %swap3A_901 = arith.index_cast %add3A_877 : i32 to index
      %swap3A_902 = arith.constant 16 : index
      %swap3A_903 = tpu.vector_load %arg12[%swap3A_901, %swap3A_902] {strides = array<i32>} : memref<512x64xf32, #tpu.memory_space<vmem>>, vector<1x16xf32>,
      %swap3A_904 = vector.shape_cast %swap3A_903 : vector<1x16xf32> to vector<16xf32>
      %swap3A_905 = vector.shape_cast %mul3A_900 : vector<16xf32> to vector<1x16xf32>
      tpu.vector_store %arg12[%swap3A_901, %swap3A_902], %swap3A_905 {strides = array<i32>} : memref<512x64xf32, #tpu.memory_space<vmem>>, vector<1x16xf32>,
      %mul3A_906 = arith.mulf %scan3A_884#2, %scan3A_884#2 : vector<16xf32>
      %sub3A_907 = arith.subf %mul3A_906, %scan3A_884#6 : vector<16xf32>
      %mul3A_908 = arith.constant 5.000000e-01 : f32
      %mul3A_909 = vector.broadcast %mul3A_908 : f32 to vector<16xf32>
      %mul3A_910 = arith.mulf %sub3A_907, %mul3A_909 : vector<16xf32>
      %swap3A_911 = arith.index_cast %add3A_877 : i32 to index
      %swap3A_912 = arith.constant 32 : index
      %swap3A_913 = tpu.vector_load %arg12[%swap3A_911, %swap3A_912] {strides = array<i32>} : memref<512x64xf32, #tpu.memory_space<vmem>>, vector<1x16xf32>,
      %swap3A_914 = vector.shape_cast %swap3A_913 : vector<1x16xf32> to vector<16xf32>
      %swap3A_915 = vector.shape_cast %mul3A_910 : vector<16xf32> to vector<1x16xf32>
      tpu.vector_store %arg12[%swap3A_911, %swap3A_912], %swap3A_915 {strides = array<i32>} : memref<512x64xf32, #tpu.memory_space<vmem>>, vector<1x16xf32>,
      %mul3A_916 = arith.mulf %scan3A_884#3, %scan3A_884#3 : vector<16xf32>
      %sub3A_917 = arith.subf %mul3A_916, %scan3A_884#7 : vector<16xf32>
      %mul3A_918 = arith.constant 5.000000e-01 : f32
      %mul3A_919 = vector.broadcast %mul3A_918 : f32 to vector<16xf32>
      %mul3A_920 = arith.mulf %sub3A_917, %mul3A_919 : vector<16xf32>
      %swap3A_921 = arith.index_cast %add3A_877 : i32 to index
      %swap3A_922 = arith.constant 48 : index
      %swap3A_923 = tpu.vector_load %arg12[%swap3A_921, %swap3A_922] {strides = array<i32>} : memref<512x64xf32, #tpu.memory_space<vmem>>, vector<1x16xf32>,
      %swap3A_924 = vector.shape_cast %swap3A_923 : vector<1x16xf32> to vector<16xf32>
      %swap3A_925 = vector.shape_cast %mul3A_920 : vector<16xf32> to vector<1x16xf32>
      tpu.vector_store %arg12[%swap3A_921, %swap3A_922], %swap3A_925 {strides = array<i32>} : memref<512x64xf32, #tpu.memory_space<vmem>>, vector<1x16xf32>,
      %add3A_926 = arith.constant 5 : i32
      %add3A_927 = arith.addi %mul3A_533, %add3A_926 : i32
      %add3A_928 = arith.constant 6 : i32
      %add3A_929 = arith.addi %add3A_927, %add3A_928 : i32
      %dma_start3A_930 = arith.constant 0 : i32
      %dma_start3A_931 = tpu.memref_slice %arg5[%add3A_929, %dma_start3A_930] : memref<512x100xi32, #tpu.memory_space<vmem>> -> memref<1x100xi32, #tpu.memory_space<vmem>>
      %dma_start3A_932 = tpu.memref_squeeze %dma_start3A_931 : memref<1x100xi32, #tpu.memory_space<vmem>> -> memref<100xi32, #tpu.memory_space<vmem>>
      %dma_start3A_933 = arith.constant 0 : i32
      %dma_start3A_934 = arith.constant 0 : i32
      %dma_start3A_935 = tpu.memref_slice %arg3[%dma_start3A_933, %dma_start3A_934] : memref<1000000x64xf32, #tpu.memory_space<hbm>> -> memref<1000000x64xf32, #tpu.memory_space<hbm>>
      tpu.enqueue_indirect_dma source(%dma_start3A_935 : memref<1000000x64xf32, #tpu.memory_space<hbm>>) target(%arg11 : memref<100x64xf32, #tpu.memory_space<vmem>>) offsets(%dma_start3A_932 : memref<100xi32, #tpu.memory_space<vmem>>) semaphore(%arg18 : memref<!tpu.dma_semaphore, #tpu.memory_space<semaphore_mem>>)
    }
    %scan3A_48 = arith.constant 84 : i32
    %dma_wait3A = arith.constant 0 : i32
    %dma_wait3A_49 = arith.constant 0 : i32
    %dma_wait3A_50 = tpu.memref_slice %arg5[%dma_wait3A, %dma_wait3A_49] : memref<512x100xi32, #tpu.memory_space<vmem>> -> memref<1x100xi32, #tpu.memory_space<vmem>>
    %dma_wait3A_51 = tpu.memref_squeeze %dma_wait3A_50 : memref<1x100xi32, #tpu.memory_space<vmem>> -> memref<100xi32, #tpu.memory_space<vmem>>
    %dma_wait3A_52 = arith.constant 0 : i32
    %dma_wait3A_53 = arith.constant 0 : i32
    %dma_wait3A_54 = tpu.memref_slice %arg3[%dma_wait3A_52, %dma_wait3A_53] : memref<1000000x64xf32, #tpu.memory_space<hbm>> -> memref<1000000x64xf32, #tpu.memory_space<hbm>>
    tpu.wait_indirect_dma semaphore(%arg13 : memref<!tpu.dma_semaphore, #tpu.memory_space<semaphore_mem>>) src(%dma_wait3A_54 : memref<1000000x64xf32, #tpu.memory_space<hbm>>) dst(%arg6 : memref<100x64xf32, #tpu.memory_space<vmem>>)
    %broadcast_in_dim3A = arith.constant 0.000000e+00 : f32
    %broadcast_in_dim3A_55 = vector.broadcast %broadcast_in_dim3A : f32 to vector<16xf32>
    %scan3A_56 = arith.constant 0 : i32
    %scan3A_57 = arith.constant 100 : i32
    %scan3A_58 = arith.addi %scan3A_56, %scan3A_57 : i32
    %scan3A_59 = arith.constant 4 : i32
    %scan3A_60:8 = scf.for %scan3A_531 = %scan3A_56 to %scan3A_58 step %scan3A_59 iter_args(%scan3A_532 = %broadcast_in_dim3A_55, %scan3A_533 = %broadcast_in_dim3A_55, %scan3A_534 = %broadcast_in_dim3A_55, %scan3A_535 = %broadcast_in_dim3A_55, %scan3A_536 = %broadcast_in_dim3A_55, %scan3A_537 = %broadcast_in_dim3A_55, %scan3A_538 = %broadcast_in_dim3A_55, %scan3A_539 = %broadcast_in_dim3A_55) -> (vector<16xf32>, vector<16xf32>, vector<16xf32>, vector<16xf32>, vector<16xf32>, vector<16xf32>, vector<16xf32>, vector<16xf32>)  : i32 {
      %get3A = arith.index_cast %scan3A_531 : i32 to index
      %get3A_540 = arith.constant 0 : index
      %get3A_541 = tpu.vector_load %arg6[%get3A, %get3A_540] {strides = array<i32>} : memref<100x64xf32, #tpu.memory_space<vmem>>, vector<1x16xf32>,
      %get3A_542 = vector.shape_cast %get3A_541 : vector<1x16xf32> to vector<16xf32>
      %get3A_543 = arith.index_cast %scan3A_531 : i32 to index
      %get3A_544 = arith.constant 16 : index
      %get3A_545 = tpu.vector_load %arg6[%get3A_543, %get3A_544] {strides = array<i32>} : memref<100x64xf32, #tpu.memory_space<vmem>>, vector<1x16xf32>,
      %get3A_546 = vector.shape_cast %get3A_545 : vector<1x16xf32> to vector<16xf32>
      %get3A_547 = arith.index_cast %scan3A_531 : i32 to index
      %get3A_548 = arith.constant 32 : index
      %get3A_549 = tpu.vector_load %arg6[%get3A_547, %get3A_548] {strides = array<i32>} : memref<100x64xf32, #tpu.memory_space<vmem>>, vector<1x16xf32>,
      %get3A_550 = vector.shape_cast %get3A_549 : vector<1x16xf32> to vector<16xf32>
      %get3A_551 = arith.index_cast %scan3A_531 : i32 to index
      %get3A_552 = arith.constant 48 : index
      %get3A_553 = tpu.vector_load %arg6[%get3A_551, %get3A_552] {strides = array<i32>} : memref<100x64xf32, #tpu.memory_space<vmem>>, vector<1x16xf32>,
      %get3A_554 = vector.shape_cast %get3A_553 : vector<1x16xf32> to vector<16xf32>
      %add3A_555 = arith.addf %scan3A_532, %get3A_542 : vector<16xf32>
      %add3A_556 = arith.addf %scan3A_533, %get3A_546 : vector<16xf32>
      %add3A_557 = arith.addf %scan3A_534, %get3A_550 : vector<16xf32>
      %add3A_558 = arith.addf %scan3A_535, %get3A_554 : vector<16xf32>
      %mul3A_559 = arith.mulf %get3A_542, %get3A_542 : vector<16xf32>
      %add3A_560 = arith.addf %scan3A_536, %mul3A_559 : vector<16xf32>
      %mul3A_561 = arith.mulf %get3A_546, %get3A_546 : vector<16xf32>
      %add3A_562 = arith.addf %scan3A_537, %mul3A_561 : vector<16xf32>
      %mul3A_563 = arith.mulf %get3A_550, %get3A_550 : vector<16xf32>
      %add3A_564 = arith.addf %scan3A_538, %mul3A_563 : vector<16xf32>
      %mul3A_565 = arith.mulf %get3A_554, %get3A_554 : vector<16xf32>
      %add3A_566 = arith.addf %scan3A_539, %mul3A_565 : vector<16xf32>
      %scan3A_567 = arith.constant 1 : i32
      %scan3A_568 = arith.addi %scan3A_531, %scan3A_567 : i32
      %get3A_569 = arith.index_cast %scan3A_568 : i32 to index
      %get3A_570 = arith.constant 0 : index
      %get3A_571 = tpu.vector_load %arg6[%get3A_569, %get3A_570] {strides = array<i32>} : memref<100x64xf32, #tpu.memory_space<vmem>>, vector<1x16xf32>,
      %get3A_572 = vector.shape_cast %get3A_571 : vector<1x16xf32> to vector<16xf32>
      %get3A_573 = arith.index_cast %scan3A_568 : i32 to index
      %get3A_574 = arith.constant 16 : index
      %get3A_575 = tpu.vector_load %arg6[%get3A_573, %get3A_574] {strides = array<i32>} : memref<100x64xf32, #tpu.memory_space<vmem>>, vector<1x16xf32>,
      %get3A_576 = vector.shape_cast %get3A_575 : vector<1x16xf32> to vector<16xf32>
      %get3A_577 = arith.index_cast %scan3A_568 : i32 to index
      %get3A_578 = arith.constant 32 : index
      %get3A_579 = tpu.vector_load %arg6[%get3A_577, %get3A_578] {strides = array<i32>} : memref<100x64xf32, #tpu.memory_space<vmem>>, vector<1x16xf32>,
      %get3A_580 = vector.shape_cast %get3A_579 : vector<1x16xf32> to vector<16xf32>
      %get3A_581 = arith.index_cast %scan3A_568 : i32 to index
      %get3A_582 = arith.constant 48 : index
      %get3A_583 = tpu.vector_load %arg6[%get3A_581, %get3A_582] {strides = array<i32>} : memref<100x64xf32, #tpu.memory_space<vmem>>, vector<1x16xf32>,
      %get3A_584 = vector.shape_cast %get3A_583 : vector<1x16xf32> to vector<16xf32>
      %add3A_585 = arith.addf %add3A_555, %get3A_572 : vector<16xf32>
      %add3A_586 = arith.addf %add3A_556, %get3A_576 : vector<16xf32>
      %add3A_587 = arith.addf %add3A_557, %get3A_580 : vector<16xf32>
      %add3A_588 = arith.addf %add3A_558, %get3A_584 : vector<16xf32>
      %mul3A_589 = arith.mulf %get3A_572, %get3A_572 : vector<16xf32>
      %add3A_590 = arith.addf %add3A_560, %mul3A_589 : vector<16xf32>
      %mul3A_591 = arith.mulf %get3A_576, %get3A_576 : vector<16xf32>
      %add3A_592 = arith.addf %add3A_562, %mul3A_591 : vector<16xf32>
      %mul3A_593 = arith.mulf %get3A_580, %get3A_580 : vector<16xf32>
      %add3A_594 = arith.addf %add3A_564, %mul3A_593 : vector<16xf32>
      %mul3A_595 = arith.mulf %get3A_584, %get3A_584 : vector<16xf32>
      %add3A_596 = arith.addf %add3A_566, %mul3A_595 : vector<16xf32>
      %scan3A_597 = arith.constant 2 : i32
      %scan3A_598 = arith.addi %scan3A_531, %scan3A_597 : i32
      %get3A_599 = arith.index_cast %scan3A_598 : i32 to index
      %get3A_600 = arith.constant 0 : index
      %get3A_601 = tpu.vector_load %arg6[%get3A_599, %get3A_600] {strides = array<i32>} : memref<100x64xf32, #tpu.memory_space<vmem>>, vector<1x16xf32>,
      %get3A_602 = vector.shape_cast %get3A_601 : vector<1x16xf32> to vector<16xf32>
      %get3A_603 = arith.index_cast %scan3A_598 : i32 to index
      %get3A_604 = arith.constant 16 : index
      %get3A_605 = tpu.vector_load %arg6[%get3A_603, %get3A_604] {strides = array<i32>} : memref<100x64xf32, #tpu.memory_space<vmem>>, vector<1x16xf32>,
      %get3A_606 = vector.shape_cast %get3A_605 : vector<1x16xf32> to vector<16xf32>
      %get3A_607 = arith.index_cast %scan3A_598 : i32 to index
      %get3A_608 = arith.constant 32 : index
      %get3A_609 = tpu.vector_load %arg6[%get3A_607, %get3A_608] {strides = array<i32>} : memref<100x64xf32, #tpu.memory_space<vmem>>, vector<1x16xf32>,
      %get3A_610 = vector.shape_cast %get3A_609 : vector<1x16xf32> to vector<16xf32>
      %get3A_611 = arith.index_cast %scan3A_598 : i32 to index
      %get3A_612 = arith.constant 48 : index
      %get3A_613 = tpu.vector_load %arg6[%get3A_611, %get3A_612] {strides = array<i32>} : memref<100x64xf32, #tpu.memory_space<vmem>>, vector<1x16xf32>,
      %get3A_614 = vector.shape_cast %get3A_613 : vector<1x16xf32> to vector<16xf32>
      %add3A_615 = arith.addf %add3A_585, %get3A_602 : vector<16xf32>
      %add3A_616 = arith.addf %add3A_586, %get3A_606 : vector<16xf32>
      %add3A_617 = arith.addf %add3A_587, %get3A_610 : vector<16xf32>
      %add3A_618 = arith.addf %add3A_588, %get3A_614 : vector<16xf32>
      %mul3A_619 = arith.mulf %get3A_602, %get3A_602 : vector<16xf32>
      %add3A_620 = arith.addf %add3A_590, %mul3A_619 : vector<16xf32>
      %mul3A_621 = arith.mulf %get3A_606, %get3A_606 : vector<16xf32>
      %add3A_622 = arith.addf %add3A_592, %mul3A_621 : vector<16xf32>
      %mul3A_623 = arith.mulf %get3A_610, %get3A_610 : vector<16xf32>
      %add3A_624 = arith.addf %add3A_594, %mul3A_623 : vector<16xf32>
      %mul3A_625 = arith.mulf %get3A_614, %get3A_614 : vector<16xf32>
      %add3A_626 = arith.addf %add3A_596, %mul3A_625 : vector<16xf32>
      %scan3A_627 = arith.constant 3 : i32
      %scan3A_628 = arith.addi %scan3A_531, %scan3A_627 : i32
      %get3A_629 = arith.index_cast %scan3A_628 : i32 to index
      %get3A_630 = arith.constant 0 : index
      %get3A_631 = tpu.vector_load %arg6[%get3A_629, %get3A_630] {strides = array<i32>} : memref<100x64xf32, #tpu.memory_space<vmem>>, vector<1x16xf32>,
      %get3A_632 = vector.shape_cast %get3A_631 : vector<1x16xf32> to vector<16xf32>
      %get3A_633 = arith.index_cast %scan3A_628 : i32 to index
      %get3A_634 = arith.constant 16 : index
      %get3A_635 = tpu.vector_load %arg6[%get3A_633, %get3A_634] {strides = array<i32>} : memref<100x64xf32, #tpu.memory_space<vmem>>, vector<1x16xf32>,
      %get3A_636 = vector.shape_cast %get3A_635 : vector<1x16xf32> to vector<16xf32>
      %get3A_637 = arith.index_cast %scan3A_628 : i32 to index
      %get3A_638 = arith.constant 32 : index
      %get3A_639 = tpu.vector_load %arg6[%get3A_637, %get3A_638] {strides = array<i32>} : memref<100x64xf32, #tpu.memory_space<vmem>>, vector<1x16xf32>,
      %get3A_640 = vector.shape_cast %get3A_639 : vector<1x16xf32> to vector<16xf32>
      %get3A_641 = arith.index_cast %scan3A_628 : i32 to index
      %get3A_642 = arith.constant 48 : index
      %get3A_643 = tpu.vector_load %arg6[%get3A_641, %get3A_642] {strides = array<i32>} : memref<100x64xf32, #tpu.memory_space<vmem>>, vector<1x16xf32>,
      %get3A_644 = vector.shape_cast %get3A_643 : vector<1x16xf32> to vector<16xf32>
      %add3A_645 = arith.addf %add3A_615, %get3A_632 : vector<16xf32>
      %add3A_646 = arith.addf %add3A_616, %get3A_636 : vector<16xf32>
      %add3A_647 = arith.addf %add3A_617, %get3A_640 : vector<16xf32>
      %add3A_648 = arith.addf %add3A_618, %get3A_644 : vector<16xf32>
      %mul3A_649 = arith.mulf %get3A_632, %get3A_632 : vector<16xf32>
      %add3A_650 = arith.addf %add3A_620, %mul3A_649 : vector<16xf32>
      %mul3A_651 = arith.mulf %get3A_636, %get3A_636 : vector<16xf32>
      %add3A_652 = arith.addf %add3A_622, %mul3A_651 : vector<16xf32>
      %mul3A_653 = arith.mulf %get3A_640, %get3A_640 : vector<16xf32>
      %add3A_654 = arith.addf %add3A_624, %mul3A_653 : vector<16xf32>
      %mul3A_655 = arith.mulf %get3A_644, %get3A_644 : vector<16xf32>
      %add3A_656 = arith.addf %add3A_626, %mul3A_655 : vector<16xf32>
      scf.yield %add3A_645, %add3A_646, %add3A_647, %add3A_648, %add3A_650, %add3A_652, %add3A_654, %add3A_656 : vector<16xf32>, vector<16xf32>, vector<16xf32>, vector<16xf32>, vector<16xf32>, vector<16xf32>, vector<16xf32>, vector<16xf32>
    }
    %scan3A_61 = arith.constant 100 : i32
    %mul3A_62 = arith.mulf %scan3A_60#0, %scan3A_60#0 : vector<16xf32>
    %sub3A = arith.subf %mul3A_62, %scan3A_60#4 : vector<16xf32>
    %mul3A_63 = arith.constant 5.000000e-01 : f32
    %mul3A_64 = vector.broadcast %mul3A_63 : f32 to vector<16xf32>
    %mul3A_65 = arith.mulf %sub3A, %mul3A_64 : vector<16xf32>
    %swap3A = arith.constant 504 : i32
    %swap3A_66 = arith.index_cast %swap3A : i32 to index
    %swap3A_67 = arith.constant 0 : index
    %swap3A_68 = tpu.vector_load %arg12[%swap3A_66, %swap3A_67] {strides = array<i32>} : memref<512x64xf32, #tpu.memory_space<vmem>>, vector<1x16xf32>,
    %swap3A_69 = vector.shape_cast %swap3A_68 : vector<1x16xf32> to vector<16xf32>
    %swap3A_70 = vector.shape_cast %mul3A_65 : vector<16xf32> to vector<1x16xf32>
    tpu.vector_store %arg12[%swap3A_66, %swap3A_67], %swap3A_70 {strides = array<i32>} : memref<512x64xf32, #tpu.memory_space<vmem>>, vector<1x16xf32>,
    %mul3A_71 = arith.mulf %scan3A_60#1, %scan3A_60#1 : vector<16xf32>
    %sub3A_72 = arith.subf %mul3A_71, %scan3A_60#5 : vector<16xf32>
    %mul3A_73 = arith.constant 5.000000e-01 : f32
    %mul3A_74 = vector.broadcast %mul3A_73 : f32 to vector<16xf32>
    %mul3A_75 = arith.mulf %sub3A_72, %mul3A_74 : vector<16xf32>
    %swap3A_76 = arith.constant 504 : i32
    %swap3A_77 = arith.index_cast %swap3A_76 : i32 to index
    %swap3A_78 = arith.constant 16 : index
    %swap3A_79 = tpu.vector_load %arg12[%swap3A_77, %swap3A_78] {strides = array<i32>} : memref<512x64xf32, #tpu.memory_space<vmem>>, vector<1x16xf32>,
    %swap3A_80 = vector.shape_cast %swap3A_79 : vector<1x16xf32> to vector<16xf32>
    %swap3A_81 = vector.shape_cast %mul3A_75 : vector<16xf32> to vector<1x16xf32>
    tpu.vector_store %arg12[%swap3A_77, %swap3A_78], %swap3A_81 {strides = array<i32>} : memref<512x64xf32, #tpu.memory_space<vmem>>, vector<1x16xf32>,
    %mul3A_82 = arith.mulf %scan3A_60#2, %scan3A_60#2 : vector<16xf32>
    %sub3A_83 = arith.subf %mul3A_82, %scan3A_60#6 : vector<16xf32>
    %mul3A_84 = arith.constant 5.000000e-01 : f32
    %mul3A_85 = vector.broadcast %mul3A_84 : f32 to vector<16xf32>
    %mul3A_86 = arith.mulf %sub3A_83, %mul3A_85 : vector<16xf32>
    %swap3A_87 = arith.constant 504 : i32
    %swap3A_88 = arith.index_cast %swap3A_87 : i32 to index
    %swap3A_89 = arith.constant 32 : index
    %swap3A_90 = tpu.vector_load %arg12[%swap3A_88, %swap3A_89] {strides = array<i32>} : memref<512x64xf32, #tpu.memory_space<vmem>>, vector<1x16xf32>,
    %swap3A_91 = vector.shape_cast %swap3A_90 : vector<1x16xf32> to vector<16xf32>
    %swap3A_92 = vector.shape_cast %mul3A_86 : vector<16xf32> to vector<1x16xf32>
    tpu.vector_store %arg12[%swap3A_88, %swap3A_89], %swap3A_92 {strides = array<i32>} : memref<512x64xf32, #tpu.memory_space<vmem>>, vector<1x16xf32>,
    %mul3A_93 = arith.mulf %scan3A_60#3, %scan3A_60#3 : vector<16xf32>
    %sub3A_94 = arith.subf %mul3A_93, %scan3A_60#7 : vector<16xf32>
    %mul3A_95 = arith.constant 5.000000e-01 : f32
    %mul3A_96 = vector.broadcast %mul3A_95 : f32 to vector<16xf32>
    %mul3A_97 = arith.mulf %sub3A_94, %mul3A_96 : vector<16xf32>
    %swap3A_98 = arith.constant 504 : i32
    %swap3A_99 = arith.index_cast %swap3A_98 : i32 to index
    %swap3A_100 = arith.constant 48 : index
    %swap3A_101 = tpu.vector_load %arg12[%swap3A_99, %swap3A_100] {strides = array<i32>} : memref<512x64xf32, #tpu.memory_space<vmem>>, vector<1x16xf32>,
    %swap3A_102 = vector.shape_cast %swap3A_101 : vector<1x16xf32> to vector<16xf32>
    %swap3A_103 = vector.shape_cast %mul3A_97 : vector<16xf32> to vector<1x16xf32>
    tpu.vector_store %arg12[%swap3A_99, %swap3A_100], %swap3A_103 {strides = array<i32>} : memref<512x64xf32, #tpu.memory_space<vmem>>, vector<1x16xf32>,
    %dma_start3A_104 = arith.constant 510 : i32
    %dma_start3A_105 = arith.constant 0 : i32
    %dma_start3A_106 = tpu.memref_slice %arg5[%dma_start3A_104, %dma_start3A_105] : memref<512x100xi32, #tpu.memory_space<vmem>> -> memref<1x100xi32, #tpu.memory_space<vmem>>
    %dma_start3A_107 = tpu.memref_squeeze %dma_start3A_106 : memref<1x100xi32, #tpu.memory_space<vmem>> -> memref<100xi32, #tpu.memory_space<vmem>>
    %dma_start3A_108 = arith.constant 0 : i32
    %dma_start3A_109 = arith.constant 0 : i32
    %dma_start3A_110 = tpu.memref_slice %arg3[%dma_start3A_108, %dma_start3A_109] : memref<1000000x64xf32, #tpu.memory_space<hbm>> -> memref<1000000x64xf32, #tpu.memory_space<hbm>>
    tpu.enqueue_indirect_dma source(%dma_start3A_110 : memref<1000000x64xf32, #tpu.memory_space<hbm>>) target(%arg6 : memref<100x64xf32, #tpu.memory_space<vmem>>) offsets(%dma_start3A_107 : memref<100xi32, #tpu.memory_space<vmem>>) semaphore(%arg13 : memref<!tpu.dma_semaphore, #tpu.memory_space<semaphore_mem>>)
    %dma_wait3A_111 = arith.constant 0 : i32
    %dma_wait3A_112 = arith.constant 0 : i32
    %dma_wait3A_113 = tpu.memref_slice %arg5[%dma_wait3A_111, %dma_wait3A_112] : memref<512x100xi32, #tpu.memory_space<vmem>> -> memref<1x100xi32, #tpu.memory_space<vmem>>
    %dma_wait3A_114 = tpu.memref_squeeze %dma_wait3A_113 : memref<1x100xi32, #tpu.memory_space<vmem>> -> memref<100xi32, #tpu.memory_space<vmem>>
    %dma_wait3A_115 = arith.constant 0 : i32
    %dma_wait3A_116 = arith.constant 0 : i32
    %dma_wait3A_117 = tpu.memref_slice %arg3[%dma_wait3A_115, %dma_wait3A_116] : memref<1000000x64xf32, #tpu.memory_space<hbm>> -> memref<1000000x64xf32, #tpu.memory_space<hbm>>
    tpu.wait_indirect_dma semaphore(%arg14 : memref<!tpu.dma_semaphore, #tpu.memory_space<semaphore_mem>>) src(%dma_wait3A_117 : memref<1000000x64xf32, #tpu.memory_space<hbm>>) dst(%arg7 : memref<100x64xf32, #tpu.memory_space<vmem>>)
    %broadcast_in_dim3A_118 = arith.constant 0.000000e+00 : f32
    %broadcast_in_dim3A_119 = vector.broadcast %broadcast_in_dim3A_118 : f32 to vector<16xf32>
    %scan3A_120 = arith.constant 0 : i32
    %scan3A_121 = arith.constant 100 : i32
    %scan3A_122 = arith.addi %scan3A_120, %scan3A_121 : i32
    %scan3A_123 = arith.constant 4 : i32
    %scan3A_124:8 = scf.for %scan3A_531 = %scan3A_120 to %scan3A_122 step %scan3A_123 iter_args(%scan3A_532 = %broadcast_in_dim3A_119, %scan3A_533 = %broadcast_in_dim3A_119, %scan3A_534 = %broadcast_in_dim3A_119, %scan3A_535 = %broadcast_in_dim3A_119, %scan3A_536 = %broadcast_in_dim3A_119, %scan3A_537 = %broadcast_in_dim3A_119, %scan3A_538 = %broadcast_in_dim3A_119, %scan3A_539 = %broadcast_in_dim3A_119) -> (vector<16xf32>, vector<16xf32>, vector<16xf32>, vector<16xf32>, vector<16xf32>, vector<16xf32>, vector<16xf32>, vector<16xf32>)  : i32 {
      %get3A = arith.index_cast %scan3A_531 : i32 to index
      %get3A_540 = arith.constant 0 : index
      %get3A_541 = tpu.vector_load %arg7[%get3A, %get3A_540] {strides = array<i32>} : memref<100x64xf32, #tpu.memory_space<vmem>>, vector<1x16xf32>,
      %get3A_542 = vector.shape_cast %get3A_541 : vector<1x16xf32> to vector<16xf32>
      %get3A_543 = arith.index_cast %scan3A_531 : i32 to index
      %get3A_544 = arith.constant 16 : index
      %get3A_545 = tpu.vector_load %arg7[%get3A_543, %get3A_544] {strides = array<i32>} : memref<100x64xf32, #tpu.memory_space<vmem>>, vector<1x16xf32>,
      %get3A_546 = vector.shape_cast %get3A_545 : vector<1x16xf32> to vector<16xf32>
      %get3A_547 = arith.index_cast %scan3A_531 : i32 to index
      %get3A_548 = arith.constant 32 : index
      %get3A_549 = tpu.vector_load %arg7[%get3A_547, %get3A_548] {strides = array<i32>} : memref<100x64xf32, #tpu.memory_space<vmem>>, vector<1x16xf32>,
      %get3A_550 = vector.shape_cast %get3A_549 : vector<1x16xf32> to vector<16xf32>
      %get3A_551 = arith.index_cast %scan3A_531 : i32 to index
      %get3A_552 = arith.constant 48 : index
      %get3A_553 = tpu.vector_load %arg7[%get3A_551, %get3A_552] {strides = array<i32>} : memref<100x64xf32, #tpu.memory_space<vmem>>, vector<1x16xf32>,
      %get3A_554 = vector.shape_cast %get3A_553 : vector<1x16xf32> to vector<16xf32>
      %add3A_555 = arith.addf %scan3A_532, %get3A_542 : vector<16xf32>
      %add3A_556 = arith.addf %scan3A_533, %get3A_546 : vector<16xf32>
      %add3A_557 = arith.addf %scan3A_534, %get3A_550 : vector<16xf32>
      %add3A_558 = arith.addf %scan3A_535, %get3A_554 : vector<16xf32>
      %mul3A_559 = arith.mulf %get3A_542, %get3A_542 : vector<16xf32>
      %add3A_560 = arith.addf %scan3A_536, %mul3A_559 : vector<16xf32>
      %mul3A_561 = arith.mulf %get3A_546, %get3A_546 : vector<16xf32>
      %add3A_562 = arith.addf %scan3A_537, %mul3A_561 : vector<16xf32>
      %mul3A_563 = arith.mulf %get3A_550, %get3A_550 : vector<16xf32>
      %add3A_564 = arith.addf %scan3A_538, %mul3A_563 : vector<16xf32>
      %mul3A_565 = arith.mulf %get3A_554, %get3A_554 : vector<16xf32>
      %add3A_566 = arith.addf %scan3A_539, %mul3A_565 : vector<16xf32>
      %scan3A_567 = arith.constant 1 : i32
      %scan3A_568 = arith.addi %scan3A_531, %scan3A_567 : i32
      %get3A_569 = arith.index_cast %scan3A_568 : i32 to index
      %get3A_570 = arith.constant 0 : index
      %get3A_571 = tpu.vector_load %arg7[%get3A_569, %get3A_570] {strides = array<i32>} : memref<100x64xf32, #tpu.memory_space<vmem>>, vector<1x16xf32>,
      %get3A_572 = vector.shape_cast %get3A_571 : vector<1x16xf32> to vector<16xf32>
      %get3A_573 = arith.index_cast %scan3A_568 : i32 to index
      %get3A_574 = arith.constant 16 : index
      %get3A_575 = tpu.vector_load %arg7[%get3A_573, %get3A_574] {strides = array<i32>} : memref<100x64xf32, #tpu.memory_space<vmem>>, vector<1x16xf32>,
      %get3A_576 = vector.shape_cast %get3A_575 : vector<1x16xf32> to vector<16xf32>
      %get3A_577 = arith.index_cast %scan3A_568 : i32 to index
      %get3A_578 = arith.constant 32 : index
      %get3A_579 = tpu.vector_load %arg7[%get3A_577, %get3A_578] {strides = array<i32>} : memref<100x64xf32, #tpu.memory_space<vmem>>, vector<1x16xf32>,
      %get3A_580 = vector.shape_cast %get3A_579 : vector<1x16xf32> to vector<16xf32>
      %get3A_581 = arith.index_cast %scan3A_568 : i32 to index
      %get3A_582 = arith.constant 48 : index
      %get3A_583 = tpu.vector_load %arg7[%get3A_581, %get3A_582] {strides = array<i32>} : memref<100x64xf32, #tpu.memory_space<vmem>>, vector<1x16xf32>,
      %get3A_584 = vector.shape_cast %get3A_583 : vector<1x16xf32> to vector<16xf32>
      %add3A_585 = arith.addf %add3A_555, %get3A_572 : vector<16xf32>
      %add3A_586 = arith.addf %add3A_556, %get3A_576 : vector<16xf32>
      %add3A_587 = arith.addf %add3A_557, %get3A_580 : vector<16xf32>
      %add3A_588 = arith.addf %add3A_558, %get3A_584 : vector<16xf32>
      %mul3A_589 = arith.mulf %get3A_572, %get3A_572 : vector<16xf32>
      %add3A_590 = arith.addf %add3A_560, %mul3A_589 : vector<16xf32>
      %mul3A_591 = arith.mulf %get3A_576, %get3A_576 : vector<16xf32>
      %add3A_592 = arith.addf %add3A_562, %mul3A_591 : vector<16xf32>
      %mul3A_593 = arith.mulf %get3A_580, %get3A_580 : vector<16xf32>
      %add3A_594 = arith.addf %add3A_564, %mul3A_593 : vector<16xf32>
      %mul3A_595 = arith.mulf %get3A_584, %get3A_584 : vector<16xf32>
      %add3A_596 = arith.addf %add3A_566, %mul3A_595 : vector<16xf32>
      %scan3A_597 = arith.constant 2 : i32
      %scan3A_598 = arith.addi %scan3A_531, %scan3A_597 : i32
      %get3A_599 = arith.index_cast %scan3A_598 : i32 to index
      %get3A_600 = arith.constant 0 : index
      %get3A_601 = tpu.vector_load %arg7[%get3A_599, %get3A_600] {strides = array<i32>} : memref<100x64xf32, #tpu.memory_space<vmem>>, vector<1x16xf32>,
      %get3A_602 = vector.shape_cast %get3A_601 : vector<1x16xf32> to vector<16xf32>
      %get3A_603 = arith.index_cast %scan3A_598 : i32 to index
      %get3A_604 = arith.constant 16 : index
      %get3A_605 = tpu.vector_load %arg7[%get3A_603, %get3A_604] {strides = array<i32>} : memref<100x64xf32, #tpu.memory_space<vmem>>, vector<1x16xf32>,
      %get3A_606 = vector.shape_cast %get3A_605 : vector<1x16xf32> to vector<16xf32>
      %get3A_607 = arith.index_cast %scan3A_598 : i32 to index
      %get3A_608 = arith.constant 32 : index
      %get3A_609 = tpu.vector_load %arg7[%get3A_607, %get3A_608] {strides = array<i32>} : memref<100x64xf32, #tpu.memory_space<vmem>>, vector<1x16xf32>,
      %get3A_610 = vector.shape_cast %get3A_609 : vector<1x16xf32> to vector<16xf32>
      %get3A_611 = arith.index_cast %scan3A_598 : i32 to index
      %get3A_612 = arith.constant 48 : index
      %get3A_613 = tpu.vector_load %arg7[%get3A_611, %get3A_612] {strides = array<i32>} : memref<100x64xf32, #tpu.memory_space<vmem>>, vector<1x16xf32>,
      %get3A_614 = vector.shape_cast %get3A_613 : vector<1x16xf32> to vector<16xf32>
      %add3A_615 = arith.addf %add3A_585, %get3A_602 : vector<16xf32>
      %add3A_616 = arith.addf %add3A_586, %get3A_606 : vector<16xf32>
      %add3A_617 = arith.addf %add3A_587, %get3A_610 : vector<16xf32>
      %add3A_618 = arith.addf %add3A_588, %get3A_614 : vector<16xf32>
      %mul3A_619 = arith.mulf %get3A_602, %get3A_602 : vector<16xf32>
      %add3A_620 = arith.addf %add3A_590, %mul3A_619 : vector<16xf32>
      %mul3A_621 = arith.mulf %get3A_606, %get3A_606 : vector<16xf32>
      %add3A_622 = arith.addf %add3A_592, %mul3A_621 : vector<16xf32>
      %mul3A_623 = arith.mulf %get3A_610, %get3A_610 : vector<16xf32>
      %add3A_624 = arith.addf %add3A_594, %mul3A_623 : vector<16xf32>
      %mul3A_625 = arith.mulf %get3A_614, %get3A_614 : vector<16xf32>
      %add3A_626 = arith.addf %add3A_596, %mul3A_625 : vector<16xf32>
      %scan3A_627 = arith.constant 3 : i32
      %scan3A_628 = arith.addi %scan3A_531, %scan3A_627 : i32
      %get3A_629 = arith.index_cast %scan3A_628 : i32 to index
      %get3A_630 = arith.constant 0 : index
      %get3A_631 = tpu.vector_load %arg7[%get3A_629, %get3A_630] {strides = array<i32>} : memref<100x64xf32, #tpu.memory_space<vmem>>, vector<1x16xf32>,
      %get3A_632 = vector.shape_cast %get3A_631 : vector<1x16xf32> to vector<16xf32>
      %get3A_633 = arith.index_cast %scan3A_628 : i32 to index
      %get3A_634 = arith.constant 16 : index
      %get3A_635 = tpu.vector_load %arg7[%get3A_633, %get3A_634] {strides = array<i32>} : memref<100x64xf32, #tpu.memory_space<vmem>>, vector<1x16xf32>,
      %get3A_636 = vector.shape_cast %get3A_635 : vector<1x16xf32> to vector<16xf32>
      %get3A_637 = arith.index_cast %scan3A_628 : i32 to index
      %get3A_638 = arith.constant 32 : index
      %get3A_639 = tpu.vector_load %arg7[%get3A_637, %get3A_638] {strides = array<i32>} : memref<100x64xf32, #tpu.memory_space<vmem>>, vector<1x16xf32>,
      %get3A_640 = vector.shape_cast %get3A_639 : vector<1x16xf32> to vector<16xf32>
      %get3A_641 = arith.index_cast %scan3A_628 : i32 to index
      %get3A_642 = arith.constant 48 : index
      %get3A_643 = tpu.vector_load %arg7[%get3A_641, %get3A_642] {strides = array<i32>} : memref<100x64xf32, #tpu.memory_space<vmem>>, vector<1x16xf32>,
      %get3A_644 = vector.shape_cast %get3A_643 : vector<1x16xf32> to vector<16xf32>
      %add3A_645 = arith.addf %add3A_615, %get3A_632 : vector<16xf32>
      %add3A_646 = arith.addf %add3A_616, %get3A_636 : vector<16xf32>
      %add3A_647 = arith.addf %add3A_617, %get3A_640 : vector<16xf32>
      %add3A_648 = arith.addf %add3A_618, %get3A_644 : vector<16xf32>
      %mul3A_649 = arith.mulf %get3A_632, %get3A_632 : vector<16xf32>
      %add3A_650 = arith.addf %add3A_620, %mul3A_649 : vector<16xf32>
      %mul3A_651 = arith.mulf %get3A_636, %get3A_636 : vector<16xf32>
      %add3A_652 = arith.addf %add3A_622, %mul3A_651 : vector<16xf32>
      %mul3A_653 = arith.mulf %get3A_640, %get3A_640 : vector<16xf32>
      %add3A_654 = arith.addf %add3A_624, %mul3A_653 : vector<16xf32>
      %mul3A_655 = arith.mulf %get3A_644, %get3A_644 : vector<16xf32>
      %add3A_656 = arith.addf %add3A_626, %mul3A_655 : vector<16xf32>
      scf.yield %add3A_645, %add3A_646, %add3A_647, %add3A_648, %add3A_650, %add3A_652, %add3A_654, %add3A_656 : vector<16xf32>, vector<16xf32>, vector<16xf32>, vector<16xf32>, vector<16xf32>, vector<16xf32>, vector<16xf32>, vector<16xf32>
    }
    %scan3A_125 = arith.constant 100 : i32
    %mul3A_126 = arith.mulf %scan3A_124#0, %scan3A_124#0 : vector<16xf32>
    %sub3A_127 = arith.subf %mul3A_126, %scan3A_124#4 : vector<16xf32>
    %mul3A_128 = arith.constant 5.000000e-01 : f32
    %mul3A_129 = vector.broadcast %mul3A_128 : f32 to vector<16xf32>
    %mul3A_130 = arith.mulf %sub3A_127, %mul3A_129 : vector<16xf32>
    %swap3A_131 = arith.constant 505 : i32
    %swap3A_132 = arith.index_cast %swap3A_131 : i32 to index
    %swap3A_133 = arith.constant 0 : index
    %swap3A_134 = tpu.vector_load %arg12[%swap3A_132, %swap3A_133] {strides = array<i32>} : memref<512x64xf32, #tpu.memory_space<vmem>>, vector<1x16xf32>,
    %swap3A_135 = vector.shape_cast %swap3A_134 : vector<1x16xf32> to vector<16xf32>
    %swap3A_136 = vector.shape_cast %mul3A_130 : vector<16xf32> to vector<1x16xf32>
    tpu.vector_store %arg12[%swap3A_132, %swap3A_133], %swap3A_136 {strides = array<i32>} : memref<512x64xf32, #tpu.memory_space<vmem>>, vector<1x16xf32>,
    %mul3A_137 = arith.mulf %scan3A_124#1, %scan3A_124#1 : vector<16xf32>
    %sub3A_138 = arith.subf %mul3A_137, %scan3A_124#5 : vector<16xf32>
    %mul3A_139 = arith.constant 5.000000e-01 : f32
    %mul3A_140 = vector.broadcast %mul3A_139 : f32 to vector<16xf32>
    %mul3A_141 = arith.mulf %sub3A_138, %mul3A_140 : vector<16xf32>
    %swap3A_142 = arith.constant 505 : i32
    %swap3A_143 = arith.index_cast %swap3A_142 : i32 to index
    %swap3A_144 = arith.constant 16 : index
    %swap3A_145 = tpu.vector_load %arg12[%swap3A_143, %swap3A_144] {strides = array<i32>} : memref<512x64xf32, #tpu.memory_space<vmem>>, vector<1x16xf32>,
    %swap3A_146 = vector.shape_cast %swap3A_145 : vector<1x16xf32> to vector<16xf32>
    %swap3A_147 = vector.shape_cast %mul3A_141 : vector<16xf32> to vector<1x16xf32>
    tpu.vector_store %arg12[%swap3A_143, %swap3A_144], %swap3A_147 {strides = array<i32>} : memref<512x64xf32, #tpu.memory_space<vmem>>, vector<1x16xf32>,
    %mul3A_148 = arith.mulf %scan3A_124#2, %scan3A_124#2 : vector<16xf32>
    %sub3A_149 = arith.subf %mul3A_148, %scan3A_124#6 : vector<16xf32>
    %mul3A_150 = arith.constant 5.000000e-01 : f32
    %mul3A_151 = vector.broadcast %mul3A_150 : f32 to vector<16xf32>
    %mul3A_152 = arith.mulf %sub3A_149, %mul3A_151 : vector<16xf32>
    %swap3A_153 = arith.constant 505 : i32
    %swap3A_154 = arith.index_cast %swap3A_153 : i32 to index
    %swap3A_155 = arith.constant 32 : index
    %swap3A_156 = tpu.vector_load %arg12[%swap3A_154, %swap3A_155] {strides = array<i32>} : memref<512x64xf32, #tpu.memory_space<vmem>>, vector<1x16xf32>,
    %swap3A_157 = vector.shape_cast %swap3A_156 : vector<1x16xf32> to vector<16xf32>
    %swap3A_158 = vector.shape_cast %mul3A_152 : vector<16xf32> to vector<1x16xf32>
    tpu.vector_store %arg12[%swap3A_154, %swap3A_155], %swap3A_158 {strides = array<i32>} : memref<512x64xf32, #tpu.memory_space<vmem>>, vector<1x16xf32>,
    %mul3A_159 = arith.mulf %scan3A_124#3, %scan3A_124#3 : vector<16xf32>
    %sub3A_160 = arith.subf %mul3A_159, %scan3A_124#7 : vector<16xf32>
    %mul3A_161 = arith.constant 5.000000e-01 : f32
    %mul3A_162 = vector.broadcast %mul3A_161 : f32 to vector<16xf32>
    %mul3A_163 = arith.mulf %sub3A_160, %mul3A_162 : vector<16xf32>
    %swap3A_164 = arith.constant 505 : i32
    %swap3A_165 = arith.index_cast %swap3A_164 : i32 to index
    %swap3A_166 = arith.constant 48 : index
    %swap3A_167 = tpu.vector_load %arg12[%swap3A_165, %swap3A_166] {strides = array<i32>} : memref<512x64xf32, #tpu.memory_space<vmem>>, vector<1x16xf32>,
    %swap3A_168 = vector.shape_cast %swap3A_167 : vector<1x16xf32> to vector<16xf32>
    %swap3A_169 = vector.shape_cast %mul3A_163 : vector<16xf32> to vector<1x16xf32>
    tpu.vector_store %arg12[%swap3A_165, %swap3A_166], %swap3A_169 {strides = array<i32>} : memref<512x64xf32, #tpu.memory_space<vmem>>, vector<1x16xf32>,
    %dma_start3A_170 = arith.constant 511 : i32
    %dma_start3A_171 = arith.constant 0 : i32
    %dma_start3A_172 = tpu.memref_slice %arg5[%dma_start3A_170, %dma_start3A_171] : memref<512x100xi32, #tpu.memory_space<vmem>> -> memref<1x100xi32, #tpu.memory_space<vmem>>
    %dma_start3A_173 = tpu.memref_squeeze %dma_start3A_172 : memref<1x100xi32, #tpu.memory_space<vmem>> -> memref<100xi32, #tpu.memory_space<vmem>>
    %dma_start3A_174 = arith.constant 0 : i32
    %dma_start3A_175 = arith.constant 0 : i32
    %dma_start3A_176 = tpu.memref_slice %arg3[%dma_start3A_174, %dma_start3A_175] : memref<1000000x64xf32, #tpu.memory_space<hbm>> -> memref<1000000x64xf32, #tpu.memory_space<hbm>>
    tpu.enqueue_indirect_dma source(%dma_start3A_176 : memref<1000000x64xf32, #tpu.memory_space<hbm>>) target(%arg7 : memref<100x64xf32, #tpu.memory_space<vmem>>) offsets(%dma_start3A_173 : memref<100xi32, #tpu.memory_space<vmem>>) semaphore(%arg14 : memref<!tpu.dma_semaphore, #tpu.memory_space<semaphore_mem>>)
    %dma_wait3A_177 = arith.constant 0 : i32
    %dma_wait3A_178 = arith.constant 0 : i32
    %dma_wait3A_179 = tpu.memref_slice %arg5[%dma_wait3A_177, %dma_wait3A_178] : memref<512x100xi32, #tpu.memory_space<vmem>> -> memref<1x100xi32, #tpu.memory_space<vmem>>
    %dma_wait3A_180 = tpu.memref_squeeze %dma_wait3A_179 : memref<1x100xi32, #tpu.memory_space<vmem>> -> memref<100xi32, #tpu.memory_space<vmem>>
    %dma_wait3A_181 = arith.constant 0 : i32
    %dma_wait3A_182 = arith.constant 0 : i32
    %dma_wait3A_183 = tpu.memref_slice %arg3[%dma_wait3A_181, %dma_wait3A_182] : memref<1000000x64xf32, #tpu.memory_space<hbm>> -> memref<1000000x64xf32, #tpu.memory_space<hbm>>
    tpu.wait_indirect_dma semaphore(%arg15 : memref<!tpu.dma_semaphore, #tpu.memory_space<semaphore_mem>>) src(%dma_wait3A_183 : memref<1000000x64xf32, #tpu.memory_space<hbm>>) dst(%arg8 : memref<100x64xf32, #tpu.memory_space<vmem>>)
    %broadcast_in_dim3A_184 = arith.constant 0.000000e+00 : f32
    %broadcast_in_dim3A_185 = vector.broadcast %broadcast_in_dim3A_184 : f32 to vector<16xf32>
    %scan3A_186 = arith.constant 0 : i32
    %scan3A_187 = arith.constant 100 : i32
    %scan3A_188 = arith.addi %scan3A_186, %scan3A_187 : i32
    %scan3A_189 = arith.constant 4 : i32
    %scan3A_190:8 = scf.for %scan3A_531 = %scan3A_186 to %scan3A_188 step %scan3A_189 iter_args(%scan3A_532 = %broadcast_in_dim3A_185, %scan3A_533 = %broadcast_in_dim3A_185, %scan3A_534 = %broadcast_in_dim3A_185, %scan3A_535 = %broadcast_in_dim3A_185, %scan3A_536 = %broadcast_in_dim3A_185, %scan3A_537 = %broadcast_in_dim3A_185, %scan3A_538 = %broadcast_in_dim3A_185, %scan3A_539 = %broadcast_in_dim3A_185) -> (vector<16xf32>, vector<16xf32>, vector<16xf32>, vector<16xf32>, vector<16xf32>, vector<16xf32>, vector<16xf32>, vector<16xf32>)  : i32 {
      %get3A = arith.index_cast %scan3A_531 : i32 to index
      %get3A_540 = arith.constant 0 : index
      %get3A_541 = tpu.vector_load %arg8[%get3A, %get3A_540] {strides = array<i32>} : memref<100x64xf32, #tpu.memory_space<vmem>>, vector<1x16xf32>,
      %get3A_542 = vector.shape_cast %get3A_541 : vector<1x16xf32> to vector<16xf32>
      %get3A_543 = arith.index_cast %scan3A_531 : i32 to index
      %get3A_544 = arith.constant 16 : index
      %get3A_545 = tpu.vector_load %arg8[%get3A_543, %get3A_544] {strides = array<i32>} : memref<100x64xf32, #tpu.memory_space<vmem>>, vector<1x16xf32>,
      %get3A_546 = vector.shape_cast %get3A_545 : vector<1x16xf32> to vector<16xf32>
      %get3A_547 = arith.index_cast %scan3A_531 : i32 to index
      %get3A_548 = arith.constant 32 : index
      %get3A_549 = tpu.vector_load %arg8[%get3A_547, %get3A_548] {strides = array<i32>} : memref<100x64xf32, #tpu.memory_space<vmem>>, vector<1x16xf32>,
      %get3A_550 = vector.shape_cast %get3A_549 : vector<1x16xf32> to vector<16xf32>
      %get3A_551 = arith.index_cast %scan3A_531 : i32 to index
      %get3A_552 = arith.constant 48 : index
      %get3A_553 = tpu.vector_load %arg8[%get3A_551, %get3A_552] {strides = array<i32>} : memref<100x64xf32, #tpu.memory_space<vmem>>, vector<1x16xf32>,
      %get3A_554 = vector.shape_cast %get3A_553 : vector<1x16xf32> to vector<16xf32>
      %add3A_555 = arith.addf %scan3A_532, %get3A_542 : vector<16xf32>
      %add3A_556 = arith.addf %scan3A_533, %get3A_546 : vector<16xf32>
      %add3A_557 = arith.addf %scan3A_534, %get3A_550 : vector<16xf32>
      %add3A_558 = arith.addf %scan3A_535, %get3A_554 : vector<16xf32>
      %mul3A_559 = arith.mulf %get3A_542, %get3A_542 : vector<16xf32>
      %add3A_560 = arith.addf %scan3A_536, %mul3A_559 : vector<16xf32>
      %mul3A_561 = arith.mulf %get3A_546, %get3A_546 : vector<16xf32>
      %add3A_562 = arith.addf %scan3A_537, %mul3A_561 : vector<16xf32>
      %mul3A_563 = arith.mulf %get3A_550, %get3A_550 : vector<16xf32>
      %add3A_564 = arith.addf %scan3A_538, %mul3A_563 : vector<16xf32>
      %mul3A_565 = arith.mulf %get3A_554, %get3A_554 : vector<16xf32>
      %add3A_566 = arith.addf %scan3A_539, %mul3A_565 : vector<16xf32>
      %scan3A_567 = arith.constant 1 : i32
      %scan3A_568 = arith.addi %scan3A_531, %scan3A_567 : i32
      %get3A_569 = arith.index_cast %scan3A_568 : i32 to index
      %get3A_570 = arith.constant 0 : index
      %get3A_571 = tpu.vector_load %arg8[%get3A_569, %get3A_570] {strides = array<i32>} : memref<100x64xf32, #tpu.memory_space<vmem>>, vector<1x16xf32>,
      %get3A_572 = vector.shape_cast %get3A_571 : vector<1x16xf32> to vector<16xf32>
      %get3A_573 = arith.index_cast %scan3A_568 : i32 to index
      %get3A_574 = arith.constant 16 : index
      %get3A_575 = tpu.vector_load %arg8[%get3A_573, %get3A_574] {strides = array<i32>} : memref<100x64xf32, #tpu.memory_space<vmem>>, vector<1x16xf32>,
      %get3A_576 = vector.shape_cast %get3A_575 : vector<1x16xf32> to vector<16xf32>
      %get3A_577 = arith.index_cast %scan3A_568 : i32 to index
      %get3A_578 = arith.constant 32 : index
      %get3A_579 = tpu.vector_load %arg8[%get3A_577, %get3A_578] {strides = array<i32>} : memref<100x64xf32, #tpu.memory_space<vmem>>, vector<1x16xf32>,
      %get3A_580 = vector.shape_cast %get3A_579 : vector<1x16xf32> to vector<16xf32>
      %get3A_581 = arith.index_cast %scan3A_568 : i32 to index
      %get3A_582 = arith.constant 48 : index
      %get3A_583 = tpu.vector_load %arg8[%get3A_581, %get3A_582] {strides = array<i32>} : memref<100x64xf32, #tpu.memory_space<vmem>>, vector<1x16xf32>,
      %get3A_584 = vector.shape_cast %get3A_583 : vector<1x16xf32> to vector<16xf32>
      %add3A_585 = arith.addf %add3A_555, %get3A_572 : vector<16xf32>
      %add3A_586 = arith.addf %add3A_556, %get3A_576 : vector<16xf32>
      %add3A_587 = arith.addf %add3A_557, %get3A_580 : vector<16xf32>
      %add3A_588 = arith.addf %add3A_558, %get3A_584 : vector<16xf32>
      %mul3A_589 = arith.mulf %get3A_572, %get3A_572 : vector<16xf32>
      %add3A_590 = arith.addf %add3A_560, %mul3A_589 : vector<16xf32>
      %mul3A_591 = arith.mulf %get3A_576, %get3A_576 : vector<16xf32>
      %add3A_592 = arith.addf %add3A_562, %mul3A_591 : vector<16xf32>
      %mul3A_593 = arith.mulf %get3A_580, %get3A_580 : vector<16xf32>
      %add3A_594 = arith.addf %add3A_564, %mul3A_593 : vector<16xf32>
      %mul3A_595 = arith.mulf %get3A_584, %get3A_584 : vector<16xf32>
      %add3A_596 = arith.addf %add3A_566, %mul3A_595 : vector<16xf32>
      %scan3A_597 = arith.constant 2 : i32
      %scan3A_598 = arith.addi %scan3A_531, %scan3A_597 : i32
      %get3A_599 = arith.index_cast %scan3A_598 : i32 to index
      %get3A_600 = arith.constant 0 : index
      %get3A_601 = tpu.vector_load %arg8[%get3A_599, %get3A_600] {strides = array<i32>} : memref<100x64xf32, #tpu.memory_space<vmem>>, vector<1x16xf32>,
      %get3A_602 = vector.shape_cast %get3A_601 : vector<1x16xf32> to vector<16xf32>
      %get3A_603 = arith.index_cast %scan3A_598 : i32 to index
      %get3A_604 = arith.constant 16 : index
      %get3A_605 = tpu.vector_load %arg8[%get3A_603, %get3A_604] {strides = array<i32>} : memref<100x64xf32, #tpu.memory_space<vmem>>, vector<1x16xf32>,
      %get3A_606 = vector.shape_cast %get3A_605 : vector<1x16xf32> to vector<16xf32>
      %get3A_607 = arith.index_cast %scan3A_598 : i32 to index
      %get3A_608 = arith.constant 32 : index
      %get3A_609 = tpu.vector_load %arg8[%get3A_607, %get3A_608] {strides = array<i32>} : memref<100x64xf32, #tpu.memory_space<vmem>>, vector<1x16xf32>,
      %get3A_610 = vector.shape_cast %get3A_609 : vector<1x16xf32> to vector<16xf32>
      %get3A_611 = arith.index_cast %scan3A_598 : i32 to index
      %get3A_612 = arith.constant 48 : index
      %get3A_613 = tpu.vector_load %arg8[%get3A_611, %get3A_612] {strides = array<i32>} : memref<100x64xf32, #tpu.memory_space<vmem>>, vector<1x16xf32>,
      %get3A_614 = vector.shape_cast %get3A_613 : vector<1x16xf32> to vector<16xf32>
      %add3A_615 = arith.addf %add3A_585, %get3A_602 : vector<16xf32>
      %add3A_616 = arith.addf %add3A_586, %get3A_606 : vector<16xf32>
      %add3A_617 = arith.addf %add3A_587, %get3A_610 : vector<16xf32>
      %add3A_618 = arith.addf %add3A_588, %get3A_614 : vector<16xf32>
      %mul3A_619 = arith.mulf %get3A_602, %get3A_602 : vector<16xf32>
      %add3A_620 = arith.addf %add3A_590, %mul3A_619 : vector<16xf32>
      %mul3A_621 = arith.mulf %get3A_606, %get3A_606 : vector<16xf32>
      %add3A_622 = arith.addf %add3A_592, %mul3A_621 : vector<16xf32>
      %mul3A_623 = arith.mulf %get3A_610, %get3A_610 : vector<16xf32>
      %add3A_624 = arith.addf %add3A_594, %mul3A_623 : vector<16xf32>
      %mul3A_625 = arith.mulf %get3A_614, %get3A_614 : vector<16xf32>
      %add3A_626 = arith.addf %add3A_596, %mul3A_625 : vector<16xf32>
      %scan3A_627 = arith.constant 3 : i32
      %scan3A_628 = arith.addi %scan3A_531, %scan3A_627 : i32
      %get3A_629 = arith.index_cast %scan3A_628 : i32 to index
      %get3A_630 = arith.constant 0 : index
      %get3A_631 = tpu.vector_load %arg8[%get3A_629, %get3A_630] {strides = array<i32>} : memref<100x64xf32, #tpu.memory_space<vmem>>, vector<1x16xf32>,
      %get3A_632 = vector.shape_cast %get3A_631 : vector<1x16xf32> to vector<16xf32>
      %get3A_633 = arith.index_cast %scan3A_628 : i32 to index
      %get3A_634 = arith.constant 16 : index
      %get3A_635 = tpu.vector_load %arg8[%get3A_633, %get3A_634] {strides = array<i32>} : memref<100x64xf32, #tpu.memory_space<vmem>>, vector<1x16xf32>,
      %get3A_636 = vector.shape_cast %get3A_635 : vector<1x16xf32> to vector<16xf32>
      %get3A_637 = arith.index_cast %scan3A_628 : i32 to index
      %get3A_638 = arith.constant 32 : index
      %get3A_639 = tpu.vector_load %arg8[%get3A_637, %get3A_638] {strides = array<i32>} : memref<100x64xf32, #tpu.memory_space<vmem>>, vector<1x16xf32>,
      %get3A_640 = vector.shape_cast %get3A_639 : vector<1x16xf32> to vector<16xf32>
      %get3A_641 = arith.index_cast %scan3A_628 : i32 to index
      %get3A_642 = arith.constant 48 : index
      %get3A_643 = tpu.vector_load %arg8[%get3A_641, %get3A_642] {strides = array<i32>} : memref<100x64xf32, #tpu.memory_space<vmem>>, vector<1x16xf32>,
      %get3A_644 = vector.shape_cast %get3A_643 : vector<1x16xf32> to vector<16xf32>
      %add3A_645 = arith.addf %add3A_615, %get3A_632 : vector<16xf32>
      %add3A_646 = arith.addf %add3A_616, %get3A_636 : vector<16xf32>
      %add3A_647 = arith.addf %add3A_617, %get3A_640 : vector<16xf32>
      %add3A_648 = arith.addf %add3A_618, %get3A_644 : vector<16xf32>
      %mul3A_649 = arith.mulf %get3A_632, %get3A_632 : vector<16xf32>
      %add3A_650 = arith.addf %add3A_620, %mul3A_649 : vector<16xf32>
      %mul3A_651 = arith.mulf %get3A_636, %get3A_636 : vector<16xf32>
      %add3A_652 = arith.addf %add3A_622, %mul3A_651 : vector<16xf32>
      %mul3A_653 = arith.mulf %get3A_640, %get3A_640 : vector<16xf32>
      %add3A_654 = arith.addf %add3A_624, %mul3A_653 : vector<16xf32>
      %mul3A_655 = arith.mulf %get3A_644, %get3A_644 : vector<16xf32>
      %add3A_656 = arith.addf %add3A_626, %mul3A_655 : vector<16xf32>
      scf.yield %add3A_645, %add3A_646, %add3A_647, %add3A_648, %add3A_650, %add3A_652, %add3A_654, %add3A_656 : vector<16xf32>, vector<16xf32>, vector<16xf32>, vector<16xf32>, vector<16xf32>, vector<16xf32>, vector<16xf32>, vector<16xf32>
    }
    %scan3A_191 = arith.constant 100 : i32
    %mul3A_192 = arith.mulf %scan3A_190#0, %scan3A_190#0 : vector<16xf32>
    %sub3A_193 = arith.subf %mul3A_192, %scan3A_190#4 : vector<16xf32>
    %mul3A_194 = arith.constant 5.000000e-01 : f32
    %mul3A_195 = vector.broadcast %mul3A_194 : f32 to vector<16xf32>
    %mul3A_196 = arith.mulf %sub3A_193, %mul3A_195 : vector<16xf32>
    %swap3A_197 = arith.constant 506 : i32
    %swap3A_198 = arith.index_cast %swap3A_197 : i32 to index
    %swap3A_199 = arith.constant 0 : index
    %swap3A_200 = tpu.vector_load %arg12[%swap3A_198, %swap3A_199] {strides = array<i32>} : memref<512x64xf32, #tpu.memory_space<vmem>>, vector<1x16xf32>,
    %swap3A_201 = vector.shape_cast %swap3A_200 : vector<1x16xf32> to vector<16xf32>
    %swap3A_202 = vector.shape_cast %mul3A_196 : vector<16xf32> to vector<1x16xf32>
    tpu.vector_store %arg12[%swap3A_198, %swap3A_199], %swap3A_202 {strides = array<i32>} : memref<512x64xf32, #tpu.memory_space<vmem>>, vector<1x16xf32>,
    %mul3A_203 = arith.mulf %scan3A_190#1, %scan3A_190#1 : vector<16xf32>
    %sub3A_204 = arith.subf %mul3A_203, %scan3A_190#5 : vector<16xf32>
    %mul3A_205 = arith.constant 5.000000e-01 : f32
    %mul3A_206 = vector.broadcast %mul3A_205 : f32 to vector<16xf32>
    %mul3A_207 = arith.mulf %sub3A_204, %mul3A_206 : vector<16xf32>
    %swap3A_208 = arith.constant 506 : i32
    %swap3A_209 = arith.index_cast %swap3A_208 : i32 to index
    %swap3A_210 = arith.constant 16 : index
    %swap3A_211 = tpu.vector_load %arg12[%swap3A_209, %swap3A_210] {strides = array<i32>} : memref<512x64xf32, #tpu.memory_space<vmem>>, vector<1x16xf32>,
    %swap3A_212 = vector.shape_cast %swap3A_211 : vector<1x16xf32> to vector<16xf32>
    %swap3A_213 = vector.shape_cast %mul3A_207 : vector<16xf32> to vector<1x16xf32>
    tpu.vector_store %arg12[%swap3A_209, %swap3A_210], %swap3A_213 {strides = array<i32>} : memref<512x64xf32, #tpu.memory_space<vmem>>, vector<1x16xf32>,
    %mul3A_214 = arith.mulf %scan3A_190#2, %scan3A_190#2 : vector<16xf32>
    %sub3A_215 = arith.subf %mul3A_214, %scan3A_190#6 : vector<16xf32>
    %mul3A_216 = arith.constant 5.000000e-01 : f32
    %mul3A_217 = vector.broadcast %mul3A_216 : f32 to vector<16xf32>
    %mul3A_218 = arith.mulf %sub3A_215, %mul3A_217 : vector<16xf32>
    %swap3A_219 = arith.constant 506 : i32
    %swap3A_220 = arith.index_cast %swap3A_219 : i32 to index
    %swap3A_221 = arith.constant 32 : index
    %swap3A_222 = tpu.vector_load %arg12[%swap3A_220, %swap3A_221] {strides = array<i32>} : memref<512x64xf32, #tpu.memory_space<vmem>>, vector<1x16xf32>,
    %swap3A_223 = vector.shape_cast %swap3A_222 : vector<1x16xf32> to vector<16xf32>
    %swap3A_224 = vector.shape_cast %mul3A_218 : vector<16xf32> to vector<1x16xf32>
    tpu.vector_store %arg12[%swap3A_220, %swap3A_221], %swap3A_224 {strides = array<i32>} : memref<512x64xf32, #tpu.memory_space<vmem>>, vector<1x16xf32>,
    %mul3A_225 = arith.mulf %scan3A_190#3, %scan3A_190#3 : vector<16xf32>
    %sub3A_226 = arith.subf %mul3A_225, %scan3A_190#7 : vector<16xf32>
    %mul3A_227 = arith.constant 5.000000e-01 : f32
    %mul3A_228 = vector.broadcast %mul3A_227 : f32 to vector<16xf32>
    %mul3A_229 = arith.mulf %sub3A_226, %mul3A_228 : vector<16xf32>
    %swap3A_230 = arith.constant 506 : i32
    %swap3A_231 = arith.index_cast %swap3A_230 : i32 to index
    %swap3A_232 = arith.constant 48 : index
    %swap3A_233 = tpu.vector_load %arg12[%swap3A_231, %swap3A_232] {strides = array<i32>} : memref<512x64xf32, #tpu.memory_space<vmem>>, vector<1x16xf32>,
    %swap3A_234 = vector.shape_cast %swap3A_233 : vector<1x16xf32> to vector<16xf32>
    %swap3A_235 = vector.shape_cast %mul3A_229 : vector<16xf32> to vector<1x16xf32>
    tpu.vector_store %arg12[%swap3A_231, %swap3A_232], %swap3A_235 {strides = array<i32>} : memref<512x64xf32, #tpu.memory_space<vmem>>, vector<1x16xf32>,
    %dma_wait3A_236 = arith.constant 0 : i32
    %dma_wait3A_237 = arith.constant 0 : i32
    %dma_wait3A_238 = tpu.memref_slice %arg5[%dma_wait3A_236, %dma_wait3A_237] : memref<512x100xi32, #tpu.memory_space<vmem>> -> memref<1x100xi32, #tpu.memory_space<vmem>>
    %dma_wait3A_239 = tpu.memref_squeeze %dma_wait3A_238 : memref<1x100xi32, #tpu.memory_space<vmem>> -> memref<100xi32, #tpu.memory_space<vmem>>
    %dma_wait3A_240 = arith.constant 0 : i32
    %dma_wait3A_241 = arith.constant 0 : i32
    %dma_wait3A_242 = tpu.memref_slice %arg3[%dma_wait3A_240, %dma_wait3A_241] : memref<1000000x64xf32, #tpu.memory_space<hbm>> -> memref<1000000x64xf32, #tpu.memory_space<hbm>>
    tpu.wait_indirect_dma semaphore(%arg16 : memref<!tpu.dma_semaphore, #tpu.memory_space<semaphore_mem>>) src(%dma_wait3A_242 : memref<1000000x64xf32, #tpu.memory_space<hbm>>) dst(%arg9 : memref<100x64xf32, #tpu.memory_space<vmem>>)
    %broadcast_in_dim3A_243 = arith.constant 0.000000e+00 : f32
    %broadcast_in_dim3A_244 = vector.broadcast %broadcast_in_dim3A_243 : f32 to vector<16xf32>
    %scan3A_245 = arith.constant 0 : i32
    %scan3A_246 = arith.constant 100 : i32
    %scan3A_247 = arith.addi %scan3A_245, %scan3A_246 : i32
    %scan3A_248 = arith.constant 4 : i32
    %scan3A_249:8 = scf.for %scan3A_531 = %scan3A_245 to %scan3A_247 step %scan3A_248 iter_args(%scan3A_532 = %broadcast_in_dim3A_244, %scan3A_533 = %broadcast_in_dim3A_244, %scan3A_534 = %broadcast_in_dim3A_244, %scan3A_535 = %broadcast_in_dim3A_244, %scan3A_536 = %broadcast_in_dim3A_244, %scan3A_537 = %broadcast_in_dim3A_244, %scan3A_538 = %broadcast_in_dim3A_244, %scan3A_539 = %broadcast_in_dim3A_244) -> (vector<16xf32>, vector<16xf32>, vector<16xf32>, vector<16xf32>, vector<16xf32>, vector<16xf32>, vector<16xf32>, vector<16xf32>)  : i32 {
      %get3A = arith.index_cast %scan3A_531 : i32 to index
      %get3A_540 = arith.constant 0 : index
      %get3A_541 = tpu.vector_load %arg9[%get3A, %get3A_540] {strides = array<i32>} : memref<100x64xf32, #tpu.memory_space<vmem>>, vector<1x16xf32>,
      %get3A_542 = vector.shape_cast %get3A_541 : vector<1x16xf32> to vector<16xf32>
      %get3A_543 = arith.index_cast %scan3A_531 : i32 to index
      %get3A_544 = arith.constant 16 : index
      %get3A_545 = tpu.vector_load %arg9[%get3A_543, %get3A_544] {strides = array<i32>} : memref<100x64xf32, #tpu.memory_space<vmem>>, vector<1x16xf32>,
      %get3A_546 = vector.shape_cast %get3A_545 : vector<1x16xf32> to vector<16xf32>
      %get3A_547 = arith.index_cast %scan3A_531 : i32 to index
      %get3A_548 = arith.constant 32 : index
      %get3A_549 = tpu.vector_load %arg9[%get3A_547, %get3A_548] {strides = array<i32>} : memref<100x64xf32, #tpu.memory_space<vmem>>, vector<1x16xf32>,
      %get3A_550 = vector.shape_cast %get3A_549 : vector<1x16xf32> to vector<16xf32>
      %get3A_551 = arith.index_cast %scan3A_531 : i32 to index
      %get3A_552 = arith.constant 48 : index
      %get3A_553 = tpu.vector_load %arg9[%get3A_551, %get3A_552] {strides = array<i32>} : memref<100x64xf32, #tpu.memory_space<vmem>>, vector<1x16xf32>,
      %get3A_554 = vector.shape_cast %get3A_553 : vector<1x16xf32> to vector<16xf32>
      %add3A_555 = arith.addf %scan3A_532, %get3A_542 : vector<16xf32>
      %add3A_556 = arith.addf %scan3A_533, %get3A_546 : vector<16xf32>
      %add3A_557 = arith.addf %scan3A_534, %get3A_550 : vector<16xf32>
      %add3A_558 = arith.addf %scan3A_535, %get3A_554 : vector<16xf32>
      %mul3A_559 = arith.mulf %get3A_542, %get3A_542 : vector<16xf32>
      %add3A_560 = arith.addf %scan3A_536, %mul3A_559 : vector<16xf32>
      %mul3A_561 = arith.mulf %get3A_546, %get3A_546 : vector<16xf32>
      %add3A_562 = arith.addf %scan3A_537, %mul3A_561 : vector<16xf32>
      %mul3A_563 = arith.mulf %get3A_550, %get3A_550 : vector<16xf32>
      %add3A_564 = arith.addf %scan3A_538, %mul3A_563 : vector<16xf32>
      %mul3A_565 = arith.mulf %get3A_554, %get3A_554 : vector<16xf32>
      %add3A_566 = arith.addf %scan3A_539, %mul3A_565 : vector<16xf32>
      %scan3A_567 = arith.constant 1 : i32
      %scan3A_568 = arith.addi %scan3A_531, %scan3A_567 : i32
      %get3A_569 = arith.index_cast %scan3A_568 : i32 to index
      %get3A_570 = arith.constant 0 : index
      %get3A_571 = tpu.vector_load %arg9[%get3A_569, %get3A_570] {strides = array<i32>} : memref<100x64xf32, #tpu.memory_space<vmem>>, vector<1x16xf32>,
      %get3A_572 = vector.shape_cast %get3A_571 : vector<1x16xf32> to vector<16xf32>
      %get3A_573 = arith.index_cast %scan3A_568 : i32 to index
      %get3A_574 = arith.constant 16 : index
      %get3A_575 = tpu.vector_load %arg9[%get3A_573, %get3A_574] {strides = array<i32>} : memref<100x64xf32, #tpu.memory_space<vmem>>, vector<1x16xf32>,
      %get3A_576 = vector.shape_cast %get3A_575 : vector<1x16xf32> to vector<16xf32>
      %get3A_577 = arith.index_cast %scan3A_568 : i32 to index
      %get3A_578 = arith.constant 32 : index
      %get3A_579 = tpu.vector_load %arg9[%get3A_577, %get3A_578] {strides = array<i32>} : memref<100x64xf32, #tpu.memory_space<vmem>>, vector<1x16xf32>,
      %get3A_580 = vector.shape_cast %get3A_579 : vector<1x16xf32> to vector<16xf32>
      %get3A_581 = arith.index_cast %scan3A_568 : i32 to index
      %get3A_582 = arith.constant 48 : index
      %get3A_583 = tpu.vector_load %arg9[%get3A_581, %get3A_582] {strides = array<i32>} : memref<100x64xf32, #tpu.memory_space<vmem>>, vector<1x16xf32>,
      %get3A_584 = vector.shape_cast %get3A_583 : vector<1x16xf32> to vector<16xf32>
      %add3A_585 = arith.addf %add3A_555, %get3A_572 : vector<16xf32>
      %add3A_586 = arith.addf %add3A_556, %get3A_576 : vector<16xf32>
      %add3A_587 = arith.addf %add3A_557, %get3A_580 : vector<16xf32>
      %add3A_588 = arith.addf %add3A_558, %get3A_584 : vector<16xf32>
      %mul3A_589 = arith.mulf %get3A_572, %get3A_572 : vector<16xf32>
      %add3A_590 = arith.addf %add3A_560, %mul3A_589 : vector<16xf32>
      %mul3A_591 = arith.mulf %get3A_576, %get3A_576 : vector<16xf32>
      %add3A_592 = arith.addf %add3A_562, %mul3A_591 : vector<16xf32>
      %mul3A_593 = arith.mulf %get3A_580, %get3A_580 : vector<16xf32>
      %add3A_594 = arith.addf %add3A_564, %mul3A_593 : vector<16xf32>
      %mul3A_595 = arith.mulf %get3A_584, %get3A_584 : vector<16xf32>
      %add3A_596 = arith.addf %add3A_566, %mul3A_595 : vector<16xf32>
      %scan3A_597 = arith.constant 2 : i32
      %scan3A_598 = arith.addi %scan3A_531, %scan3A_597 : i32
      %get3A_599 = arith.index_cast %scan3A_598 : i32 to index
      %get3A_600 = arith.constant 0 : index
      %get3A_601 = tpu.vector_load %arg9[%get3A_599, %get3A_600] {strides = array<i32>} : memref<100x64xf32, #tpu.memory_space<vmem>>, vector<1x16xf32>,
      %get3A_602 = vector.shape_cast %get3A_601 : vector<1x16xf32> to vector<16xf32>
      %get3A_603 = arith.index_cast %scan3A_598 : i32 to index
      %get3A_604 = arith.constant 16 : index
      %get3A_605 = tpu.vector_load %arg9[%get3A_603, %get3A_604] {strides = array<i32>} : memref<100x64xf32, #tpu.memory_space<vmem>>, vector<1x16xf32>,
      %get3A_606 = vector.shape_cast %get3A_605 : vector<1x16xf32> to vector<16xf32>
      %get3A_607 = arith.index_cast %scan3A_598 : i32 to index
      %get3A_608 = arith.constant 32 : index
      %get3A_609 = tpu.vector_load %arg9[%get3A_607, %get3A_608] {strides = array<i32>} : memref<100x64xf32, #tpu.memory_space<vmem>>, vector<1x16xf32>,
      %get3A_610 = vector.shape_cast %get3A_609 : vector<1x16xf32> to vector<16xf32>
      %get3A_611 = arith.index_cast %scan3A_598 : i32 to index
      %get3A_612 = arith.constant 48 : index
      %get3A_613 = tpu.vector_load %arg9[%get3A_611, %get3A_612] {strides = array<i32>} : memref<100x64xf32, #tpu.memory_space<vmem>>, vector<1x16xf32>,
      %get3A_614 = vector.shape_cast %get3A_613 : vector<1x16xf32> to vector<16xf32>
      %add3A_615 = arith.addf %add3A_585, %get3A_602 : vector<16xf32>
      %add3A_616 = arith.addf %add3A_586, %get3A_606 : vector<16xf32>
      %add3A_617 = arith.addf %add3A_587, %get3A_610 : vector<16xf32>
      %add3A_618 = arith.addf %add3A_588, %get3A_614 : vector<16xf32>
      %mul3A_619 = arith.mulf %get3A_602, %get3A_602 : vector<16xf32>
      %add3A_620 = arith.addf %add3A_590, %mul3A_619 : vector<16xf32>
      %mul3A_621 = arith.mulf %get3A_606, %get3A_606 : vector<16xf32>
      %add3A_622 = arith.addf %add3A_592, %mul3A_621 : vector<16xf32>
      %mul3A_623 = arith.mulf %get3A_610, %get3A_610 : vector<16xf32>
      %add3A_624 = arith.addf %add3A_594, %mul3A_623 : vector<16xf32>
      %mul3A_625 = arith.mulf %get3A_614, %get3A_614 : vector<16xf32>
      %add3A_626 = arith.addf %add3A_596, %mul3A_625 : vector<16xf32>
      %scan3A_627 = arith.constant 3 : i32
      %scan3A_628 = arith.addi %scan3A_531, %scan3A_627 : i32
      %get3A_629 = arith.index_cast %scan3A_628 : i32 to index
      %get3A_630 = arith.constant 0 : index
      %get3A_631 = tpu.vector_load %arg9[%get3A_629, %get3A_630] {strides = array<i32>} : memref<100x64xf32, #tpu.memory_space<vmem>>, vector<1x16xf32>,
      %get3A_632 = vector.shape_cast %get3A_631 : vector<1x16xf32> to vector<16xf32>
      %get3A_633 = arith.index_cast %scan3A_628 : i32 to index
      %get3A_634 = arith.constant 16 : index
      %get3A_635 = tpu.vector_load %arg9[%get3A_633, %get3A_634] {strides = array<i32>} : memref<100x64xf32, #tpu.memory_space<vmem>>, vector<1x16xf32>,
      %get3A_636 = vector.shape_cast %get3A_635 : vector<1x16xf32> to vector<16xf32>
      %get3A_637 = arith.index_cast %scan3A_628 : i32 to index
      %get3A_638 = arith.constant 32 : index
      %get3A_639 = tpu.vector_load %arg9[%get3A_637, %get3A_638] {strides = array<i32>} : memref<100x64xf32, #tpu.memory_space<vmem>>, vector<1x16xf32>,
      %get3A_640 = vector.shape_cast %get3A_639 : vector<1x16xf32> to vector<16xf32>
      %get3A_641 = arith.index_cast %scan3A_628 : i32 to index
      %get3A_642 = arith.constant 48 : index
      %get3A_643 = tpu.vector_load %arg9[%get3A_641, %get3A_642] {strides = array<i32>} : memref<100x64xf32, #tpu.memory_space<vmem>>, vector<1x16xf32>,
      %get3A_644 = vector.shape_cast %get3A_643 : vector<1x16xf32> to vector<16xf32>
      %add3A_645 = arith.addf %add3A_615, %get3A_632 : vector<16xf32>
      %add3A_646 = arith.addf %add3A_616, %get3A_636 : vector<16xf32>
      %add3A_647 = arith.addf %add3A_617, %get3A_640 : vector<16xf32>
      %add3A_648 = arith.addf %add3A_618, %get3A_644 : vector<16xf32>
      %mul3A_649 = arith.mulf %get3A_632, %get3A_632 : vector<16xf32>
      %add3A_650 = arith.addf %add3A_620, %mul3A_649 : vector<16xf32>
      %mul3A_651 = arith.mulf %get3A_636, %get3A_636 : vector<16xf32>
      %add3A_652 = arith.addf %add3A_622, %mul3A_651 : vector<16xf32>
      %mul3A_653 = arith.mulf %get3A_640, %get3A_640 : vector<16xf32>
      %add3A_654 = arith.addf %add3A_624, %mul3A_653 : vector<16xf32>
      %mul3A_655 = arith.mulf %get3A_644, %get3A_644 : vector<16xf32>
      %add3A_656 = arith.addf %add3A_626, %mul3A_655 : vector<16xf32>
      scf.yield %add3A_645, %add3A_646, %add3A_647, %add3A_648, %add3A_650, %add3A_652, %add3A_654, %add3A_656 : vector<16xf32>, vector<16xf32>, vector<16xf32>, vector<16xf32>, vector<16xf32>, vector<16xf32>, vector<16xf32>, vector<16xf32>
    }
    %scan3A_250 = arith.constant 100 : i32
    %mul3A_251 = arith.mulf %scan3A_249#0, %scan3A_249#0 : vector<16xf32>
    %sub3A_252 = arith.subf %mul3A_251, %scan3A_249#4 : vector<16xf32>
    %mul3A_253 = arith.constant 5.000000e-01 : f32
    %mul3A_254 = vector.broadcast %mul3A_253 : f32 to vector<16xf32>
    %mul3A_255 = arith.mulf %sub3A_252, %mul3A_254 : vector<16xf32>
    %swap3A_256 = arith.constant 507 : i32
    %swap3A_257 = arith.index_cast %swap3A_256 : i32 to index
    %swap3A_258 = arith.constant 0 : index
    %swap3A_259 = tpu.vector_load %arg12[%swap3A_257, %swap3A_258] {strides = array<i32>} : memref<512x64xf32, #tpu.memory_space<vmem>>, vector<1x16xf32>,
    %swap3A_260 = vector.shape_cast %swap3A_259 : vector<1x16xf32> to vector<16xf32>
    %swap3A_261 = vector.shape_cast %mul3A_255 : vector<16xf32> to vector<1x16xf32>
    tpu.vector_store %arg12[%swap3A_257, %swap3A_258], %swap3A_261 {strides = array<i32>} : memref<512x64xf32, #tpu.memory_space<vmem>>, vector<1x16xf32>,
    %mul3A_262 = arith.mulf %scan3A_249#1, %scan3A_249#1 : vector<16xf32>
    %sub3A_263 = arith.subf %mul3A_262, %scan3A_249#5 : vector<16xf32>
    %mul3A_264 = arith.constant 5.000000e-01 : f32
    %mul3A_265 = vector.broadcast %mul3A_264 : f32 to vector<16xf32>
    %mul3A_266 = arith.mulf %sub3A_263, %mul3A_265 : vector<16xf32>
    %swap3A_267 = arith.constant 507 : i32
    %swap3A_268 = arith.index_cast %swap3A_267 : i32 to index
    %swap3A_269 = arith.constant 16 : index
    %swap3A_270 = tpu.vector_load %arg12[%swap3A_268, %swap3A_269] {strides = array<i32>} : memref<512x64xf32, #tpu.memory_space<vmem>>, vector<1x16xf32>,
    %swap3A_271 = vector.shape_cast %swap3A_270 : vector<1x16xf32> to vector<16xf32>
    %swap3A_272 = vector.shape_cast %mul3A_266 : vector<16xf32> to vector<1x16xf32>
    tpu.vector_store %arg12[%swap3A_268, %swap3A_269], %swap3A_272 {strides = array<i32>} : memref<512x64xf32, #tpu.memory_space<vmem>>, vector<1x16xf32>,
    %mul3A_273 = arith.mulf %scan3A_249#2, %scan3A_249#2 : vector<16xf32>
    %sub3A_274 = arith.subf %mul3A_273, %scan3A_249#6 : vector<16xf32>
    %mul3A_275 = arith.constant 5.000000e-01 : f32
    %mul3A_276 = vector.broadcast %mul3A_275 : f32 to vector<16xf32>
    %mul3A_277 = arith.mulf %sub3A_274, %mul3A_276 : vector<16xf32>
    %swap3A_278 = arith.constant 507 : i32
    %swap3A_279 = arith.index_cast %swap3A_278 : i32 to index
    %swap3A_280 = arith.constant 32 : index
    %swap3A_281 = tpu.vector_load %arg12[%swap3A_279, %swap3A_280] {strides = array<i32>} : memref<512x64xf32, #tpu.memory_space<vmem>>, vector<1x16xf32>,
    %swap3A_282 = vector.shape_cast %swap3A_281 : vector<1x16xf32> to vector<16xf32>
    %swap3A_283 = vector.shape_cast %mul3A_277 : vector<16xf32> to vector<1x16xf32>
    tpu.vector_store %arg12[%swap3A_279, %swap3A_280], %swap3A_283 {strides = array<i32>} : memref<512x64xf32, #tpu.memory_space<vmem>>, vector<1x16xf32>,
    %mul3A_284 = arith.mulf %scan3A_249#3, %scan3A_249#3 : vector<16xf32>
    %sub3A_285 = arith.subf %mul3A_284, %scan3A_249#7 : vector<16xf32>
    %mul3A_286 = arith.constant 5.000000e-01 : f32
    %mul3A_287 = vector.broadcast %mul3A_286 : f32 to vector<16xf32>
    %mul3A_288 = arith.mulf %sub3A_285, %mul3A_287 : vector<16xf32>
    %swap3A_289 = arith.constant 507 : i32
    %swap3A_290 = arith.index_cast %swap3A_289 : i32 to index
    %swap3A_291 = arith.constant 48 : index
    %swap3A_292 = tpu.vector_load %arg12[%swap3A_290, %swap3A_291] {strides = array<i32>} : memref<512x64xf32, #tpu.memory_space<vmem>>, vector<1x16xf32>,
    %swap3A_293 = vector.shape_cast %swap3A_292 : vector<1x16xf32> to vector<16xf32>
    %swap3A_294 = vector.shape_cast %mul3A_288 : vector<16xf32> to vector<1x16xf32>
    tpu.vector_store %arg12[%swap3A_290, %swap3A_291], %swap3A_294 {strides = array<i32>} : memref<512x64xf32, #tpu.memory_space<vmem>>, vector<1x16xf32>,
    %dma_wait3A_295 = arith.constant 0 : i32
    %dma_wait3A_296 = arith.constant 0 : i32
    %dma_wait3A_297 = tpu.memref_slice %arg5[%dma_wait3A_295, %dma_wait3A_296] : memref<512x100xi32, #tpu.memory_space<vmem>> -> memref<1x100xi32, #tpu.memory_space<vmem>>
    %dma_wait3A_298 = tpu.memref_squeeze %dma_wait3A_297 : memref<1x100xi32, #tpu.memory_space<vmem>> -> memref<100xi32, #tpu.memory_space<vmem>>
    %dma_wait3A_299 = arith.constant 0 : i32
    %dma_wait3A_300 = arith.constant 0 : i32
    %dma_wait3A_301 = tpu.memref_slice %arg3[%dma_wait3A_299, %dma_wait3A_300] : memref<1000000x64xf32, #tpu.memory_space<hbm>> -> memref<1000000x64xf32, #tpu.memory_space<hbm>>
    tpu.wait_indirect_dma semaphore(%arg17 : memref<!tpu.dma_semaphore, #tpu.memory_space<semaphore_mem>>) src(%dma_wait3A_301 : memref<1000000x64xf32, #tpu.memory_space<hbm>>) dst(%arg10 : memref<100x64xf32, #tpu.memory_space<vmem>>)
    %broadcast_in_dim3A_302 = arith.constant 0.000000e+00 : f32
    %broadcast_in_dim3A_303 = vector.broadcast %broadcast_in_dim3A_302 : f32 to vector<16xf32>
    %scan3A_304 = arith.constant 0 : i32
    %scan3A_305 = arith.constant 100 : i32
    %scan3A_306 = arith.addi %scan3A_304, %scan3A_305 : i32
    %scan3A_307 = arith.constant 4 : i32
    %scan3A_308:8 = scf.for %scan3A_531 = %scan3A_304 to %scan3A_306 step %scan3A_307 iter_args(%scan3A_532 = %broadcast_in_dim3A_303, %scan3A_533 = %broadcast_in_dim3A_303, %scan3A_534 = %broadcast_in_dim3A_303, %scan3A_535 = %broadcast_in_dim3A_303, %scan3A_536 = %broadcast_in_dim3A_303, %scan3A_537 = %broadcast_in_dim3A_303, %scan3A_538 = %broadcast_in_dim3A_303, %scan3A_539 = %broadcast_in_dim3A_303) -> (vector<16xf32>, vector<16xf32>, vector<16xf32>, vector<16xf32>, vector<16xf32>, vector<16xf32>, vector<16xf32>, vector<16xf32>)  : i32 {
      %get3A = arith.index_cast %scan3A_531 : i32 to index
      %get3A_540 = arith.constant 0 : index
      %get3A_541 = tpu.vector_load %arg10[%get3A, %get3A_540] {strides = array<i32>} : memref<100x64xf32, #tpu.memory_space<vmem>>, vector<1x16xf32>,
      %get3A_542 = vector.shape_cast %get3A_541 : vector<1x16xf32> to vector<16xf32>
      %get3A_543 = arith.index_cast %scan3A_531 : i32 to index
      %get3A_544 = arith.constant 16 : index
      %get3A_545 = tpu.vector_load %arg10[%get3A_543, %get3A_544] {strides = array<i32>} : memref<100x64xf32, #tpu.memory_space<vmem>>, vector<1x16xf32>,
      %get3A_546 = vector.shape_cast %get3A_545 : vector<1x16xf32> to vector<16xf32>
      %get3A_547 = arith.index_cast %scan3A_531 : i32 to index
      %get3A_548 = arith.constant 32 : index
      %get3A_549 = tpu.vector_load %arg10[%get3A_547, %get3A_548] {strides = array<i32>} : memref<100x64xf32, #tpu.memory_space<vmem>>, vector<1x16xf32>,
      %get3A_550 = vector.shape_cast %get3A_549 : vector<1x16xf32> to vector<16xf32>
      %get3A_551 = arith.index_cast %scan3A_531 : i32 to index
      %get3A_552 = arith.constant 48 : index
      %get3A_553 = tpu.vector_load %arg10[%get3A_551, %get3A_552] {strides = array<i32>} : memref<100x64xf32, #tpu.memory_space<vmem>>, vector<1x16xf32>,
      %get3A_554 = vector.shape_cast %get3A_553 : vector<1x16xf32> to vector<16xf32>
      %add3A_555 = arith.addf %scan3A_532, %get3A_542 : vector<16xf32>
      %add3A_556 = arith.addf %scan3A_533, %get3A_546 : vector<16xf32>
      %add3A_557 = arith.addf %scan3A_534, %get3A_550 : vector<16xf32>
      %add3A_558 = arith.addf %scan3A_535, %get3A_554 : vector<16xf32>
      %mul3A_559 = arith.mulf %get3A_542, %get3A_542 : vector<16xf32>
      %add3A_560 = arith.addf %scan3A_536, %mul3A_559 : vector<16xf32>
      %mul3A_561 = arith.mulf %get3A_546, %get3A_546 : vector<16xf32>
      %add3A_562 = arith.addf %scan3A_537, %mul3A_561 : vector<16xf32>
      %mul3A_563 = arith.mulf %get3A_550, %get3A_550 : vector<16xf32>
      %add3A_564 = arith.addf %scan3A_538, %mul3A_563 : vector<16xf32>
      %mul3A_565 = arith.mulf %get3A_554, %get3A_554 : vector<16xf32>
      %add3A_566 = arith.addf %scan3A_539, %mul3A_565 : vector<16xf32>
      %scan3A_567 = arith.constant 1 : i32
      %scan3A_568 = arith.addi %scan3A_531, %scan3A_567 : i32
      %get3A_569 = arith.index_cast %scan3A_568 : i32 to index
      %get3A_570 = arith.constant 0 : index
      %get3A_571 = tpu.vector_load %arg10[%get3A_569, %get3A_570] {strides = array<i32>} : memref<100x64xf32, #tpu.memory_space<vmem>>, vector<1x16xf32>,
      %get3A_572 = vector.shape_cast %get3A_571 : vector<1x16xf32> to vector<16xf32>
      %get3A_573 = arith.index_cast %scan3A_568 : i32 to index
      %get3A_574 = arith.constant 16 : index
      %get3A_575 = tpu.vector_load %arg10[%get3A_573, %get3A_574] {strides = array<i32>} : memref<100x64xf32, #tpu.memory_space<vmem>>, vector<1x16xf32>,
      %get3A_576 = vector.shape_cast %get3A_575 : vector<1x16xf32> to vector<16xf32>
      %get3A_577 = arith.index_cast %scan3A_568 : i32 to index
      %get3A_578 = arith.constant 32 : index
      %get3A_579 = tpu.vector_load %arg10[%get3A_577, %get3A_578] {strides = array<i32>} : memref<100x64xf32, #tpu.memory_space<vmem>>, vector<1x16xf32>,
      %get3A_580 = vector.shape_cast %get3A_579 : vector<1x16xf32> to vector<16xf32>
      %get3A_581 = arith.index_cast %scan3A_568 : i32 to index
      %get3A_582 = arith.constant 48 : index
      %get3A_583 = tpu.vector_load %arg10[%get3A_581, %get3A_582] {strides = array<i32>} : memref<100x64xf32, #tpu.memory_space<vmem>>, vector<1x16xf32>,
      %get3A_584 = vector.shape_cast %get3A_583 : vector<1x16xf32> to vector<16xf32>
      %add3A_585 = arith.addf %add3A_555, %get3A_572 : vector<16xf32>
      %add3A_586 = arith.addf %add3A_556, %get3A_576 : vector<16xf32>
      %add3A_587 = arith.addf %add3A_557, %get3A_580 : vector<16xf32>
      %add3A_588 = arith.addf %add3A_558, %get3A_584 : vector<16xf32>
      %mul3A_589 = arith.mulf %get3A_572, %get3A_572 : vector<16xf32>
      %add3A_590 = arith.addf %add3A_560, %mul3A_589 : vector<16xf32>
      %mul3A_591 = arith.mulf %get3A_576, %get3A_576 : vector<16xf32>
      %add3A_592 = arith.addf %add3A_562, %mul3A_591 : vector<16xf32>
      %mul3A_593 = arith.mulf %get3A_580, %get3A_580 : vector<16xf32>
      %add3A_594 = arith.addf %add3A_564, %mul3A_593 : vector<16xf32>
      %mul3A_595 = arith.mulf %get3A_584, %get3A_584 : vector<16xf32>
      %add3A_596 = arith.addf %add3A_566, %mul3A_595 : vector<16xf32>
      %scan3A_597 = arith.constant 2 : i32
      %scan3A_598 = arith.addi %scan3A_531, %scan3A_597 : i32
      %get3A_599 = arith.index_cast %scan3A_598 : i32 to index
      %get3A_600 = arith.constant 0 : index
      %get3A_601 = tpu.vector_load %arg10[%get3A_599, %get3A_600] {strides = array<i32>} : memref<100x64xf32, #tpu.memory_space<vmem>>, vector<1x16xf32>,
      %get3A_602 = vector.shape_cast %get3A_601 : vector<1x16xf32> to vector<16xf32>
      %get3A_603 = arith.index_cast %scan3A_598 : i32 to index
      %get3A_604 = arith.constant 16 : index
      %get3A_605 = tpu.vector_load %arg10[%get3A_603, %get3A_604] {strides = array<i32>} : memref<100x64xf32, #tpu.memory_space<vmem>>, vector<1x16xf32>,
      %get3A_606 = vector.shape_cast %get3A_605 : vector<1x16xf32> to vector<16xf32>
      %get3A_607 = arith.index_cast %scan3A_598 : i32 to index
      %get3A_608 = arith.constant 32 : index
      %get3A_609 = tpu.vector_load %arg10[%get3A_607, %get3A_608] {strides = array<i32>} : memref<100x64xf32, #tpu.memory_space<vmem>>, vector<1x16xf32>,
      %get3A_610 = vector.shape_cast %get3A_609 : vector<1x16xf32> to vector<16xf32>
      %get3A_611 = arith.index_cast %scan3A_598 : i32 to index
      %get3A_612 = arith.constant 48 : index
      %get3A_613 = tpu.vector_load %arg10[%get3A_611, %get3A_612] {strides = array<i32>} : memref<100x64xf32, #tpu.memory_space<vmem>>, vector<1x16xf32>,
      %get3A_614 = vector.shape_cast %get3A_613 : vector<1x16xf32> to vector<16xf32>
      %add3A_615 = arith.addf %add3A_585, %get3A_602 : vector<16xf32>
      %add3A_616 = arith.addf %add3A_586, %get3A_606 : vector<16xf32>
      %add3A_617 = arith.addf %add3A_587, %get3A_610 : vector<16xf32>
      %add3A_618 = arith.addf %add3A_588, %get3A_614 : vector<16xf32>
      %mul3A_619 = arith.mulf %get3A_602, %get3A_602 : vector<16xf32>
      %add3A_620 = arith.addf %add3A_590, %mul3A_619 : vector<16xf32>
      %mul3A_621 = arith.mulf %get3A_606, %get3A_606 : vector<16xf32>
      %add3A_622 = arith.addf %add3A_592, %mul3A_621 : vector<16xf32>
      %mul3A_623 = arith.mulf %get3A_610, %get3A_610 : vector<16xf32>
      %add3A_624 = arith.addf %add3A_594, %mul3A_623 : vector<16xf32>
      %mul3A_625 = arith.mulf %get3A_614, %get3A_614 : vector<16xf32>
      %add3A_626 = arith.addf %add3A_596, %mul3A_625 : vector<16xf32>
      %scan3A_627 = arith.constant 3 : i32
      %scan3A_628 = arith.addi %scan3A_531, %scan3A_627 : i32
      %get3A_629 = arith.index_cast %scan3A_628 : i32 to index
      %get3A_630 = arith.constant 0 : index
      %get3A_631 = tpu.vector_load %arg10[%get3A_629, %get3A_630] {strides = array<i32>} : memref<100x64xf32, #tpu.memory_space<vmem>>, vector<1x16xf32>,
      %get3A_632 = vector.shape_cast %get3A_631 : vector<1x16xf32> to vector<16xf32>
      %get3A_633 = arith.index_cast %scan3A_628 : i32 to index
      %get3A_634 = arith.constant 16 : index
      %get3A_635 = tpu.vector_load %arg10[%get3A_633, %get3A_634] {strides = array<i32>} : memref<100x64xf32, #tpu.memory_space<vmem>>, vector<1x16xf32>,
      %get3A_636 = vector.shape_cast %get3A_635 : vector<1x16xf32> to vector<16xf32>
      %get3A_637 = arith.index_cast %scan3A_628 : i32 to index
      %get3A_638 = arith.constant 32 : index
      %get3A_639 = tpu.vector_load %arg10[%get3A_637, %get3A_638] {strides = array<i32>} : memref<100x64xf32, #tpu.memory_space<vmem>>, vector<1x16xf32>,
      %get3A_640 = vector.shape_cast %get3A_639 : vector<1x16xf32> to vector<16xf32>
      %get3A_641 = arith.index_cast %scan3A_628 : i32 to index
      %get3A_642 = arith.constant 48 : index
      %get3A_643 = tpu.vector_load %arg10[%get3A_641, %get3A_642] {strides = array<i32>} : memref<100x64xf32, #tpu.memory_space<vmem>>, vector<1x16xf32>,
      %get3A_644 = vector.shape_cast %get3A_643 : vector<1x16xf32> to vector<16xf32>
      %add3A_645 = arith.addf %add3A_615, %get3A_632 : vector<16xf32>
      %add3A_646 = arith.addf %add3A_616, %get3A_636 : vector<16xf32>
      %add3A_647 = arith.addf %add3A_617, %get3A_640 : vector<16xf32>
      %add3A_648 = arith.addf %add3A_618, %get3A_644 : vector<16xf32>
      %mul3A_649 = arith.mulf %get3A_632, %get3A_632 : vector<16xf32>
      %add3A_650 = arith.addf %add3A_620, %mul3A_649 : vector<16xf32>
      %mul3A_651 = arith.mulf %get3A_636, %get3A_636 : vector<16xf32>
      %add3A_652 = arith.addf %add3A_622, %mul3A_651 : vector<16xf32>
      %mul3A_653 = arith.mulf %get3A_640, %get3A_640 : vector<16xf32>
      %add3A_654 = arith.addf %add3A_624, %mul3A_653 : vector<16xf32>
      %mul3A_655 = arith.mulf %get3A_644, %get3A_644 : vector<16xf32>
      %add3A_656 = arith.addf %add3A_626, %mul3A_655 : vector<16xf32>
      scf.yield %add3A_645, %add3A_646, %add3A_647, %add3A_648, %add3A_650, %add3A_652, %add3A_654, %add3A_656 : vector<16xf32>, vector<16xf32>, vector<16xf32>, vector<16xf32>, vector<16xf32>, vector<16xf32>, vector<16xf32>, vector<16xf32>
    }
    %scan3A_309 = arith.constant 100 : i32
    %mul3A_310 = arith.mulf %scan3A_308#0, %scan3A_308#0 : vector<16xf32>
    %sub3A_311 = arith.subf %mul3A_310, %scan3A_308#4 : vector<16xf32>
    %mul3A_312 = arith.constant 5.000000e-01 : f32
    %mul3A_313 = vector.broadcast %mul3A_312 : f32 to vector<16xf32>
    %mul3A_314 = arith.mulf %sub3A_311, %mul3A_313 : vector<16xf32>
    %swap3A_315 = arith.constant 508 : i32
    %swap3A_316 = arith.index_cast %swap3A_315 : i32 to index
    %swap3A_317 = arith.constant 0 : index
    %swap3A_318 = tpu.vector_load %arg12[%swap3A_316, %swap3A_317] {strides = array<i32>} : memref<512x64xf32, #tpu.memory_space<vmem>>, vector<1x16xf32>,
    %swap3A_319 = vector.shape_cast %swap3A_318 : vector<1x16xf32> to vector<16xf32>
    %swap3A_320 = vector.shape_cast %mul3A_314 : vector<16xf32> to vector<1x16xf32>
    tpu.vector_store %arg12[%swap3A_316, %swap3A_317], %swap3A_320 {strides = array<i32>} : memref<512x64xf32, #tpu.memory_space<vmem>>, vector<1x16xf32>,
    %mul3A_321 = arith.mulf %scan3A_308#1, %scan3A_308#1 : vector<16xf32>
    %sub3A_322 = arith.subf %mul3A_321, %scan3A_308#5 : vector<16xf32>
    %mul3A_323 = arith.constant 5.000000e-01 : f32
    %mul3A_324 = vector.broadcast %mul3A_323 : f32 to vector<16xf32>
    %mul3A_325 = arith.mulf %sub3A_322, %mul3A_324 : vector<16xf32>
    %swap3A_326 = arith.constant 508 : i32
    %swap3A_327 = arith.index_cast %swap3A_326 : i32 to index
    %swap3A_328 = arith.constant 16 : index
    %swap3A_329 = tpu.vector_load %arg12[%swap3A_327, %swap3A_328] {strides = array<i32>} : memref<512x64xf32, #tpu.memory_space<vmem>>, vector<1x16xf32>,
    %swap3A_330 = vector.shape_cast %swap3A_329 : vector<1x16xf32> to vector<16xf32>
    %swap3A_331 = vector.shape_cast %mul3A_325 : vector<16xf32> to vector<1x16xf32>
    tpu.vector_store %arg12[%swap3A_327, %swap3A_328], %swap3A_331 {strides = array<i32>} : memref<512x64xf32, #tpu.memory_space<vmem>>, vector<1x16xf32>,
    %mul3A_332 = arith.mulf %scan3A_308#2, %scan3A_308#2 : vector<16xf32>
    %sub3A_333 = arith.subf %mul3A_332, %scan3A_308#6 : vector<16xf32>
    %mul3A_334 = arith.constant 5.000000e-01 : f32
    %mul3A_335 = vector.broadcast %mul3A_334 : f32 to vector<16xf32>
    %mul3A_336 = arith.mulf %sub3A_333, %mul3A_335 : vector<16xf32>
    %swap3A_337 = arith.constant 508 : i32
    %swap3A_338 = arith.index_cast %swap3A_337 : i32 to index
    %swap3A_339 = arith.constant 32 : index
    %swap3A_340 = tpu.vector_load %arg12[%swap3A_338, %swap3A_339] {strides = array<i32>} : memref<512x64xf32, #tpu.memory_space<vmem>>, vector<1x16xf32>,
    %swap3A_341 = vector.shape_cast %swap3A_340 : vector<1x16xf32> to vector<16xf32>
    %swap3A_342 = vector.shape_cast %mul3A_336 : vector<16xf32> to vector<1x16xf32>
    tpu.vector_store %arg12[%swap3A_338, %swap3A_339], %swap3A_342 {strides = array<i32>} : memref<512x64xf32, #tpu.memory_space<vmem>>, vector<1x16xf32>,
    %mul3A_343 = arith.mulf %scan3A_308#3, %scan3A_308#3 : vector<16xf32>
    %sub3A_344 = arith.subf %mul3A_343, %scan3A_308#7 : vector<16xf32>
    %mul3A_345 = arith.constant 5.000000e-01 : f32
    %mul3A_346 = vector.broadcast %mul3A_345 : f32 to vector<16xf32>
    %mul3A_347 = arith.mulf %sub3A_344, %mul3A_346 : vector<16xf32>
    %swap3A_348 = arith.constant 508 : i32
    %swap3A_349 = arith.index_cast %swap3A_348 : i32 to index
    %swap3A_350 = arith.constant 48 : index
    %swap3A_351 = tpu.vector_load %arg12[%swap3A_349, %swap3A_350] {strides = array<i32>} : memref<512x64xf32, #tpu.memory_space<vmem>>, vector<1x16xf32>,
    %swap3A_352 = vector.shape_cast %swap3A_351 : vector<1x16xf32> to vector<16xf32>
    %swap3A_353 = vector.shape_cast %mul3A_347 : vector<16xf32> to vector<1x16xf32>
    tpu.vector_store %arg12[%swap3A_349, %swap3A_350], %swap3A_353 {strides = array<i32>} : memref<512x64xf32, #tpu.memory_space<vmem>>, vector<1x16xf32>,
    %dma_wait3A_354 = arith.constant 0 : i32
    %dma_wait3A_355 = arith.constant 0 : i32
    %dma_wait3A_356 = tpu.memref_slice %arg5[%dma_wait3A_354, %dma_wait3A_355] : memref<512x100xi32, #tpu.memory_space<vmem>> -> memref<1x100xi32, #tpu.memory_space<vmem>>
    %dma_wait3A_357 = tpu.memref_squeeze %dma_wait3A_356 : memref<1x100xi32, #tpu.memory_space<vmem>> -> memref<100xi32, #tpu.memory_space<vmem>>
    %dma_wait3A_358 = arith.constant 0 : i32
    %dma_wait3A_359 = arith.constant 0 : i32
    %dma_wait3A_360 = tpu.memref_slice %arg3[%dma_wait3A_358, %dma_wait3A_359] : memref<1000000x64xf32, #tpu.memory_space<hbm>> -> memref<1000000x64xf32, #tpu.memory_space<hbm>>
    tpu.wait_indirect_dma semaphore(%arg18 : memref<!tpu.dma_semaphore, #tpu.memory_space<semaphore_mem>>) src(%dma_wait3A_360 : memref<1000000x64xf32, #tpu.memory_space<hbm>>) dst(%arg11 : memref<100x64xf32, #tpu.memory_space<vmem>>)
    %broadcast_in_dim3A_361 = arith.constant 0.000000e+00 : f32
    %broadcast_in_dim3A_362 = vector.broadcast %broadcast_in_dim3A_361 : f32 to vector<16xf32>
    %scan3A_363 = arith.constant 0 : i32
    %scan3A_364 = arith.constant 100 : i32
    %scan3A_365 = arith.addi %scan3A_363, %scan3A_364 : i32
    %scan3A_366 = arith.constant 4 : i32
    %scan3A_367:8 = scf.for %scan3A_531 = %scan3A_363 to %scan3A_365 step %scan3A_366 iter_args(%scan3A_532 = %broadcast_in_dim3A_362, %scan3A_533 = %broadcast_in_dim3A_362, %scan3A_534 = %broadcast_in_dim3A_362, %scan3A_535 = %broadcast_in_dim3A_362, %scan3A_536 = %broadcast_in_dim3A_362, %scan3A_537 = %broadcast_in_dim3A_362, %scan3A_538 = %broadcast_in_dim3A_362, %scan3A_539 = %broadcast_in_dim3A_362) -> (vector<16xf32>, vector<16xf32>, vector<16xf32>, vector<16xf32>, vector<16xf32>, vector<16xf32>, vector<16xf32>, vector<16xf32>)  : i32 {
      %get3A = arith.index_cast %scan3A_531 : i32 to index
      %get3A_540 = arith.constant 0 : index
      %get3A_541 = tpu.vector_load %arg11[%get3A, %get3A_540] {strides = array<i32>} : memref<100x64xf32, #tpu.memory_space<vmem>>, vector<1x16xf32>,
      %get3A_542 = vector.shape_cast %get3A_541 : vector<1x16xf32> to vector<16xf32>
      %get3A_543 = arith.index_cast %scan3A_531 : i32 to index
      %get3A_544 = arith.constant 16 : index
      %get3A_545 = tpu.vector_load %arg11[%get3A_543, %get3A_544] {strides = array<i32>} : memref<100x64xf32, #tpu.memory_space<vmem>>, vector<1x16xf32>,
      %get3A_546 = vector.shape_cast %get3A_545 : vector<1x16xf32> to vector<16xf32>
      %get3A_547 = arith.index_cast %scan3A_531 : i32 to index
      %get3A_548 = arith.constant 32 : index
      %get3A_549 = tpu.vector_load %arg11[%get3A_547, %get3A_548] {strides = array<i32>} : memref<100x64xf32, #tpu.memory_space<vmem>>, vector<1x16xf32>,
      %get3A_550 = vector.shape_cast %get3A_549 : vector<1x16xf32> to vector<16xf32>
      %get3A_551 = arith.index_cast %scan3A_531 : i32 to index
      %get3A_552 = arith.constant 48 : index
      %get3A_553 = tpu.vector_load %arg11[%get3A_551, %get3A_552] {strides = array<i32>} : memref<100x64xf32, #tpu.memory_space<vmem>>, vector<1x16xf32>,
      %get3A_554 = vector.shape_cast %get3A_553 : vector<1x16xf32> to vector<16xf32>
      %add3A_555 = arith.addf %scan3A_532, %get3A_542 : vector<16xf32>
      %add3A_556 = arith.addf %scan3A_533, %get3A_546 : vector<16xf32>
      %add3A_557 = arith.addf %scan3A_534, %get3A_550 : vector<16xf32>
      %add3A_558 = arith.addf %scan3A_535, %get3A_554 : vector<16xf32>
      %mul3A_559 = arith.mulf %get3A_542, %get3A_542 : vector<16xf32>
      %add3A_560 = arith.addf %scan3A_536, %mul3A_559 : vector<16xf32>
      %mul3A_561 = arith.mulf %get3A_546, %get3A_546 : vector<16xf32>
      %add3A_562 = arith.addf %scan3A_537, %mul3A_561 : vector<16xf32>
      %mul3A_563 = arith.mulf %get3A_550, %get3A_550 : vector<16xf32>
      %add3A_564 = arith.addf %scan3A_538, %mul3A_563 : vector<16xf32>
      %mul3A_565 = arith.mulf %get3A_554, %get3A_554 : vector<16xf32>
      %add3A_566 = arith.addf %scan3A_539, %mul3A_565 : vector<16xf32>
      %scan3A_567 = arith.constant 1 : i32
      %scan3A_568 = arith.addi %scan3A_531, %scan3A_567 : i32
      %get3A_569 = arith.index_cast %scan3A_568 : i32 to index
      %get3A_570 = arith.constant 0 : index
      %get3A_571 = tpu.vector_load %arg11[%get3A_569, %get3A_570] {strides = array<i32>} : memref<100x64xf32, #tpu.memory_space<vmem>>, vector<1x16xf32>,
      %get3A_572 = vector.shape_cast %get3A_571 : vector<1x16xf32> to vector<16xf32>
      %get3A_573 = arith.index_cast %scan3A_568 : i32 to index
      %get3A_574 = arith.constant 16 : index
      %get3A_575 = tpu.vector_load %arg11[%get3A_573, %get3A_574] {strides = array<i32>} : memref<100x64xf32, #tpu.memory_space<vmem>>, vector<1x16xf32>,
      %get3A_576 = vector.shape_cast %get3A_575 : vector<1x16xf32> to vector<16xf32>
      %get3A_577 = arith.index_cast %scan3A_568 : i32 to index
      %get3A_578 = arith.constant 32 : index
      %get3A_579 = tpu.vector_load %arg11[%get3A_577, %get3A_578] {strides = array<i32>} : memref<100x64xf32, #tpu.memory_space<vmem>>, vector<1x16xf32>,
      %get3A_580 = vector.shape_cast %get3A_579 : vector<1x16xf32> to vector<16xf32>
      %get3A_581 = arith.index_cast %scan3A_568 : i32 to index
      %get3A_582 = arith.constant 48 : index
      %get3A_583 = tpu.vector_load %arg11[%get3A_581, %get3A_582] {strides = array<i32>} : memref<100x64xf32, #tpu.memory_space<vmem>>, vector<1x16xf32>,
      %get3A_584 = vector.shape_cast %get3A_583 : vector<1x16xf32> to vector<16xf32>
      %add3A_585 = arith.addf %add3A_555, %get3A_572 : vector<16xf32>
      %add3A_586 = arith.addf %add3A_556, %get3A_576 : vector<16xf32>
      %add3A_587 = arith.addf %add3A_557, %get3A_580 : vector<16xf32>
      %add3A_588 = arith.addf %add3A_558, %get3A_584 : vector<16xf32>
      %mul3A_589 = arith.mulf %get3A_572, %get3A_572 : vector<16xf32>
      %add3A_590 = arith.addf %add3A_560, %mul3A_589 : vector<16xf32>
      %mul3A_591 = arith.mulf %get3A_576, %get3A_576 : vector<16xf32>
      %add3A_592 = arith.addf %add3A_562, %mul3A_591 : vector<16xf32>
      %mul3A_593 = arith.mulf %get3A_580, %get3A_580 : vector<16xf32>
      %add3A_594 = arith.addf %add3A_564, %mul3A_593 : vector<16xf32>
      %mul3A_595 = arith.mulf %get3A_584, %get3A_584 : vector<16xf32>
      %add3A_596 = arith.addf %add3A_566, %mul3A_595 : vector<16xf32>
      %scan3A_597 = arith.constant 2 : i32
      %scan3A_598 = arith.addi %scan3A_531, %scan3A_597 : i32
      %get3A_599 = arith.index_cast %scan3A_598 : i32 to index
      %get3A_600 = arith.constant 0 : index
      %get3A_601 = tpu.vector_load %arg11[%get3A_599, %get3A_600] {strides = array<i32>} : memref<100x64xf32, #tpu.memory_space<vmem>>, vector<1x16xf32>,
      %get3A_602 = vector.shape_cast %get3A_601 : vector<1x16xf32> to vector<16xf32>
      %get3A_603 = arith.index_cast %scan3A_598 : i32 to index
      %get3A_604 = arith.constant 16 : index
      %get3A_605 = tpu.vector_load %arg11[%get3A_603, %get3A_604] {strides = array<i32>} : memref<100x64xf32, #tpu.memory_space<vmem>>, vector<1x16xf32>,
      %get3A_606 = vector.shape_cast %get3A_605 : vector<1x16xf32> to vector<16xf32>
      %get3A_607 = arith.index_cast %scan3A_598 : i32 to index
      %get3A_608 = arith.constant 32 : index
      %get3A_609 = tpu.vector_load %arg11[%get3A_607, %get3A_608] {strides = array<i32>} : memref<100x64xf32, #tpu.memory_space<vmem>>, vector<1x16xf32>,
      %get3A_610 = vector.shape_cast %get3A_609 : vector<1x16xf32> to vector<16xf32>
      %get3A_611 = arith.index_cast %scan3A_598 : i32 to index
      %get3A_612 = arith.constant 48 : index
      %get3A_613 = tpu.vector_load %arg11[%get3A_611, %get3A_612] {strides = array<i32>} : memref<100x64xf32, #tpu.memory_space<vmem>>, vector<1x16xf32>,
      %get3A_614 = vector.shape_cast %get3A_613 : vector<1x16xf32> to vector<16xf32>
      %add3A_615 = arith.addf %add3A_585, %get3A_602 : vector<16xf32>
      %add3A_616 = arith.addf %add3A_586, %get3A_606 : vector<16xf32>
      %add3A_617 = arith.addf %add3A_587, %get3A_610 : vector<16xf32>
      %add3A_618 = arith.addf %add3A_588, %get3A_614 : vector<16xf32>
      %mul3A_619 = arith.mulf %get3A_602, %get3A_602 : vector<16xf32>
      %add3A_620 = arith.addf %add3A_590, %mul3A_619 : vector<16xf32>
      %mul3A_621 = arith.mulf %get3A_606, %get3A_606 : vector<16xf32>
      %add3A_622 = arith.addf %add3A_592, %mul3A_621 : vector<16xf32>
      %mul3A_623 = arith.mulf %get3A_610, %get3A_610 : vector<16xf32>
      %add3A_624 = arith.addf %add3A_594, %mul3A_623 : vector<16xf32>
      %mul3A_625 = arith.mulf %get3A_614, %get3A_614 : vector<16xf32>
      %add3A_626 = arith.addf %add3A_596, %mul3A_625 : vector<16xf32>
      %scan3A_627 = arith.constant 3 : i32
      %scan3A_628 = arith.addi %scan3A_531, %scan3A_627 : i32
      %get3A_629 = arith.index_cast %scan3A_628 : i32 to index
      %get3A_630 = arith.constant 0 : index
      %get3A_631 = tpu.vector_load %arg11[%get3A_629, %get3A_630] {strides = array<i32>} : memref<100x64xf32, #tpu.memory_space<vmem>>, vector<1x16xf32>,
      %get3A_632 = vector.shape_cast %get3A_631 : vector<1x16xf32> to vector<16xf32>
      %get3A_633 = arith.index_cast %scan3A_628 : i32 to index
      %get3A_634 = arith.constant 16 : index
      %get3A_635 = tpu.vector_load %arg11[%get3A_633, %get3A_634] {strides = array<i32>} : memref<100x64xf32, #tpu.memory_space<vmem>>, vector<1x16xf32>,
      %get3A_636 = vector.shape_cast %get3A_635 : vector<1x16xf32> to vector<16xf32>
      %get3A_637 = arith.index_cast %scan3A_628 : i32 to index
      %get3A_638 = arith.constant 32 : index
      %get3A_639 = tpu.vector_load %arg11[%get3A_637, %get3A_638] {strides = array<i32>} : memref<100x64xf32, #tpu.memory_space<vmem>>, vector<1x16xf32>,
      %get3A_640 = vector.shape_cast %get3A_639 : vector<1x16xf32> to vector<16xf32>
      %get3A_641 = arith.index_cast %scan3A_628 : i32 to index
      %get3A_642 = arith.constant 48 : index
      %get3A_643 = tpu.vector_load %arg11[%get3A_641, %get3A_642] {strides = array<i32>} : memref<100x64xf32, #tpu.memory_space<vmem>>, vector<1x16xf32>,
      %get3A_644 = vector.shape_cast %get3A_643 : vector<1x16xf32> to vector<16xf32>
      %add3A_645 = arith.addf %add3A_615, %get3A_632 : vector<16xf32>
      %add3A_646 = arith.addf %add3A_616, %get3A_636 : vector<16xf32>
      %add3A_647 = arith.addf %add3A_617, %get3A_640 : vector<16xf32>
      %add3A_648 = arith.addf %add3A_618, %get3A_644 : vector<16xf32>
      %mul3A_649 = arith.mulf %get3A_632, %get3A_632 : vector<16xf32>
      %add3A_650 = arith.addf %add3A_620, %mul3A_649 : vector<16xf32>
      %mul3A_651 = arith.mulf %get3A_636, %get3A_636 : vector<16xf32>
      %add3A_652 = arith.addf %add3A_622, %mul3A_651 : vector<16xf32>
      %mul3A_653 = arith.mulf %get3A_640, %get3A_640 : vector<16xf32>
      %add3A_654 = arith.addf %add3A_624, %mul3A_653 : vector<16xf32>
      %mul3A_655 = arith.mulf %get3A_644, %get3A_644 : vector<16xf32>
      %add3A_656 = arith.addf %add3A_626, %mul3A_655 : vector<16xf32>
      scf.yield %add3A_645, %add3A_646, %add3A_647, %add3A_648, %add3A_650, %add3A_652, %add3A_654, %add3A_656 : vector<16xf32>, vector<16xf32>, vector<16xf32>, vector<16xf32>, vector<16xf32>, vector<16xf32>, vector<16xf32>, vector<16xf32>
    }
    %scan3A_368 = arith.constant 100 : i32
    %mul3A_369 = arith.mulf %scan3A_367#0, %scan3A_367#0 : vector<16xf32>
    %sub3A_370 = arith.subf %mul3A_369, %scan3A_367#4 : vector<16xf32>
    %mul3A_371 = arith.constant 5.000000e-01 : f32
    %mul3A_372 = vector.broadcast %mul3A_371 : f32 to vector<16xf32>
    %mul3A_373 = arith.mulf %sub3A_370, %mul3A_372 : vector<16xf32>
    %swap3A_374 = arith.constant 509 : i32
    %swap3A_375 = arith.index_cast %swap3A_374 : i32 to index
    %swap3A_376 = arith.constant 0 : index
    %swap3A_377 = tpu.vector_load %arg12[%swap3A_375, %swap3A_376] {strides = array<i32>} : memref<512x64xf32, #tpu.memory_space<vmem>>, vector<1x16xf32>,
    %swap3A_378 = vector.shape_cast %swap3A_377 : vector<1x16xf32> to vector<16xf32>
    %swap3A_379 = vector.shape_cast %mul3A_373 : vector<16xf32> to vector<1x16xf32>
    tpu.vector_store %arg12[%swap3A_375, %swap3A_376], %swap3A_379 {strides = array<i32>} : memref<512x64xf32, #tpu.memory_space<vmem>>, vector<1x16xf32>,
    %mul3A_380 = arith.mulf %scan3A_367#1, %scan3A_367#1 : vector<16xf32>
    %sub3A_381 = arith.subf %mul3A_380, %scan3A_367#5 : vector<16xf32>
    %mul3A_382 = arith.constant 5.000000e-01 : f32
    %mul3A_383 = vector.broadcast %mul3A_382 : f32 to vector<16xf32>
    %mul3A_384 = arith.mulf %sub3A_381, %mul3A_383 : vector<16xf32>
    %swap3A_385 = arith.constant 509 : i32
    %swap3A_386 = arith.index_cast %swap3A_385 : i32 to index
    %swap3A_387 = arith.constant 16 : index
    %swap3A_388 = tpu.vector_load %arg12[%swap3A_386, %swap3A_387] {strides = array<i32>} : memref<512x64xf32, #tpu.memory_space<vmem>>, vector<1x16xf32>,
    %swap3A_389 = vector.shape_cast %swap3A_388 : vector<1x16xf32> to vector<16xf32>
    %swap3A_390 = vector.shape_cast %mul3A_384 : vector<16xf32> to vector<1x16xf32>
    tpu.vector_store %arg12[%swap3A_386, %swap3A_387], %swap3A_390 {strides = array<i32>} : memref<512x64xf32, #tpu.memory_space<vmem>>, vector<1x16xf32>,
    %mul3A_391 = arith.mulf %scan3A_367#2, %scan3A_367#2 : vector<16xf32>
    %sub3A_392 = arith.subf %mul3A_391, %scan3A_367#6 : vector<16xf32>
    %mul3A_393 = arith.constant 5.000000e-01 : f32
    %mul3A_394 = vector.broadcast %mul3A_393 : f32 to vector<16xf32>
    %mul3A_395 = arith.mulf %sub3A_392, %mul3A_394 : vector<16xf32>
    %swap3A_396 = arith.constant 509 : i32
    %swap3A_397 = arith.index_cast %swap3A_396 : i32 to index
    %swap3A_398 = arith.constant 32 : index
    %swap3A_399 = tpu.vector_load %arg12[%swap3A_397, %swap3A_398] {strides = array<i32>} : memref<512x64xf32, #tpu.memory_space<vmem>>, vector<1x16xf32>,
    %swap3A_400 = vector.shape_cast %swap3A_399 : vector<1x16xf32> to vector<16xf32>
    %swap3A_401 = vector.shape_cast %mul3A_395 : vector<16xf32> to vector<1x16xf32>
    tpu.vector_store %arg12[%swap3A_397, %swap3A_398], %swap3A_401 {strides = array<i32>} : memref<512x64xf32, #tpu.memory_space<vmem>>, vector<1x16xf32>,
    %mul3A_402 = arith.mulf %scan3A_367#3, %scan3A_367#3 : vector<16xf32>
    %sub3A_403 = arith.subf %mul3A_402, %scan3A_367#7 : vector<16xf32>
    %mul3A_404 = arith.constant 5.000000e-01 : f32
    %mul3A_405 = vector.broadcast %mul3A_404 : f32 to vector<16xf32>
    %mul3A_406 = arith.mulf %sub3A_403, %mul3A_405 : vector<16xf32>
    %swap3A_407 = arith.constant 509 : i32
    %swap3A_408 = arith.index_cast %swap3A_407 : i32 to index
    %swap3A_409 = arith.constant 48 : index
    %swap3A_410 = tpu.vector_load %arg12[%swap3A_408, %swap3A_409] {strides = array<i32>} : memref<512x64xf32, #tpu.memory_space<vmem>>, vector<1x16xf32>,
    %swap3A_411 = vector.shape_cast %swap3A_410 : vector<1x16xf32> to vector<16xf32>
    %swap3A_412 = vector.shape_cast %mul3A_406 : vector<16xf32> to vector<1x16xf32>
    tpu.vector_store %arg12[%swap3A_408, %swap3A_409], %swap3A_412 {strides = array<i32>} : memref<512x64xf32, #tpu.memory_space<vmem>>, vector<1x16xf32>,
    %dma_wait3A_413 = arith.constant 0 : i32
    %dma_wait3A_414 = arith.constant 0 : i32
    %dma_wait3A_415 = tpu.memref_slice %arg5[%dma_wait3A_413, %dma_wait3A_414] : memref<512x100xi32, #tpu.memory_space<vmem>> -> memref<1x100xi32, #tpu.memory_space<vmem>>
    %dma_wait3A_416 = tpu.memref_squeeze %dma_wait3A_415 : memref<1x100xi32, #tpu.memory_space<vmem>> -> memref<100xi32, #tpu.memory_space<vmem>>
    %dma_wait3A_417 = arith.constant 0 : i32
    %dma_wait3A_418 = arith.constant 0 : i32
    %dma_wait3A_419 = tpu.memref_slice %arg3[%dma_wait3A_417, %dma_wait3A_418] : memref<1000000x64xf32, #tpu.memory_space<hbm>> -> memref<1000000x64xf32, #tpu.memory_space<hbm>>
    tpu.wait_indirect_dma semaphore(%arg13 : memref<!tpu.dma_semaphore, #tpu.memory_space<semaphore_mem>>) src(%dma_wait3A_419 : memref<1000000x64xf32, #tpu.memory_space<hbm>>) dst(%arg6 : memref<100x64xf32, #tpu.memory_space<vmem>>)
    %broadcast_in_dim3A_420 = arith.constant 0.000000e+00 : f32
    %broadcast_in_dim3A_421 = vector.broadcast %broadcast_in_dim3A_420 : f32 to vector<16xf32>
    %scan3A_422 = arith.constant 0 : i32
    %scan3A_423 = arith.constant 100 : i32
    %scan3A_424 = arith.addi %scan3A_422, %scan3A_423 : i32
    %scan3A_425 = arith.constant 4 : i32
    %scan3A_426:8 = scf.for %scan3A_531 = %scan3A_422 to %scan3A_424 step %scan3A_425 iter_args(%scan3A_532 = %broadcast_in_dim3A_421, %scan3A_533 = %broadcast_in_dim3A_421, %scan3A_534 = %broadcast_in_dim3A_421, %scan3A_535 = %broadcast_in_dim3A_421, %scan3A_536 = %broadcast_in_dim3A_421, %scan3A_537 = %broadcast_in_dim3A_421, %scan3A_538 = %broadcast_in_dim3A_421, %scan3A_539 = %broadcast_in_dim3A_421) -> (vector<16xf32>, vector<16xf32>, vector<16xf32>, vector<16xf32>, vector<16xf32>, vector<16xf32>, vector<16xf32>, vector<16xf32>)  : i32 {
      %get3A = arith.index_cast %scan3A_531 : i32 to index
      %get3A_540 = arith.constant 0 : index
      %get3A_541 = tpu.vector_load %arg6[%get3A, %get3A_540] {strides = array<i32>} : memref<100x64xf32, #tpu.memory_space<vmem>>, vector<1x16xf32>,
      %get3A_542 = vector.shape_cast %get3A_541 : vector<1x16xf32> to vector<16xf32>
      %get3A_543 = arith.index_cast %scan3A_531 : i32 to index
      %get3A_544 = arith.constant 16 : index
      %get3A_545 = tpu.vector_load %arg6[%get3A_543, %get3A_544] {strides = array<i32>} : memref<100x64xf32, #tpu.memory_space<vmem>>, vector<1x16xf32>,
      %get3A_546 = vector.shape_cast %get3A_545 : vector<1x16xf32> to vector<16xf32>
      %get3A_547 = arith.index_cast %scan3A_531 : i32 to index
      %get3A_548 = arith.constant 32 : index
      %get3A_549 = tpu.vector_load %arg6[%get3A_547, %get3A_548] {strides = array<i32>} : memref<100x64xf32, #tpu.memory_space<vmem>>, vector<1x16xf32>,
      %get3A_550 = vector.shape_cast %get3A_549 : vector<1x16xf32> to vector<16xf32>
      %get3A_551 = arith.index_cast %scan3A_531 : i32 to index
      %get3A_552 = arith.constant 48 : index
      %get3A_553 = tpu.vector_load %arg6[%get3A_551, %get3A_552] {strides = array<i32>} : memref<100x64xf32, #tpu.memory_space<vmem>>, vector<1x16xf32>,
      %get3A_554 = vector.shape_cast %get3A_553 : vector<1x16xf32> to vector<16xf32>
      %add3A_555 = arith.addf %scan3A_532, %get3A_542 : vector<16xf32>
      %add3A_556 = arith.addf %scan3A_533, %get3A_546 : vector<16xf32>
      %add3A_557 = arith.addf %scan3A_534, %get3A_550 : vector<16xf32>
      %add3A_558 = arith.addf %scan3A_535, %get3A_554 : vector<16xf32>
      %mul3A_559 = arith.mulf %get3A_542, %get3A_542 : vector<16xf32>
      %add3A_560 = arith.addf %scan3A_536, %mul3A_559 : vector<16xf32>
      %mul3A_561 = arith.mulf %get3A_546, %get3A_546 : vector<16xf32>
      %add3A_562 = arith.addf %scan3A_537, %mul3A_561 : vector<16xf32>
      %mul3A_563 = arith.mulf %get3A_550, %get3A_550 : vector<16xf32>
      %add3A_564 = arith.addf %scan3A_538, %mul3A_563 : vector<16xf32>
      %mul3A_565 = arith.mulf %get3A_554, %get3A_554 : vector<16xf32>
      %add3A_566 = arith.addf %scan3A_539, %mul3A_565 : vector<16xf32>
      %scan3A_567 = arith.constant 1 : i32
      %scan3A_568 = arith.addi %scan3A_531, %scan3A_567 : i32
      %get3A_569 = arith.index_cast %scan3A_568 : i32 to index
      %get3A_570 = arith.constant 0 : index
      %get3A_571 = tpu.vector_load %arg6[%get3A_569, %get3A_570] {strides = array<i32>} : memref<100x64xf32, #tpu.memory_space<vmem>>, vector<1x16xf32>,
      %get3A_572 = vector.shape_cast %get3A_571 : vector<1x16xf32> to vector<16xf32>
      %get3A_573 = arith.index_cast %scan3A_568 : i32 to index
      %get3A_574 = arith.constant 16 : index
      %get3A_575 = tpu.vector_load %arg6[%get3A_573, %get3A_574] {strides = array<i32>} : memref<100x64xf32, #tpu.memory_space<vmem>>, vector<1x16xf32>,
      %get3A_576 = vector.shape_cast %get3A_575 : vector<1x16xf32> to vector<16xf32>
      %get3A_577 = arith.index_cast %scan3A_568 : i32 to index
      %get3A_578 = arith.constant 32 : index
      %get3A_579 = tpu.vector_load %arg6[%get3A_577, %get3A_578] {strides = array<i32>} : memref<100x64xf32, #tpu.memory_space<vmem>>, vector<1x16xf32>,
      %get3A_580 = vector.shape_cast %get3A_579 : vector<1x16xf32> to vector<16xf32>
      %get3A_581 = arith.index_cast %scan3A_568 : i32 to index
      %get3A_582 = arith.constant 48 : index
      %get3A_583 = tpu.vector_load %arg6[%get3A_581, %get3A_582] {strides = array<i32>} : memref<100x64xf32, #tpu.memory_space<vmem>>, vector<1x16xf32>,
      %get3A_584 = vector.shape_cast %get3A_583 : vector<1x16xf32> to vector<16xf32>
      %add3A_585 = arith.addf %add3A_555, %get3A_572 : vector<16xf32>
      %add3A_586 = arith.addf %add3A_556, %get3A_576 : vector<16xf32>
      %add3A_587 = arith.addf %add3A_557, %get3A_580 : vector<16xf32>
      %add3A_588 = arith.addf %add3A_558, %get3A_584 : vector<16xf32>
      %mul3A_589 = arith.mulf %get3A_572, %get3A_572 : vector<16xf32>
      %add3A_590 = arith.addf %add3A_560, %mul3A_589 : vector<16xf32>
      %mul3A_591 = arith.mulf %get3A_576, %get3A_576 : vector<16xf32>
      %add3A_592 = arith.addf %add3A_562, %mul3A_591 : vector<16xf32>
      %mul3A_593 = arith.mulf %get3A_580, %get3A_580 : vector<16xf32>
      %add3A_594 = arith.addf %add3A_564, %mul3A_593 : vector<16xf32>
      %mul3A_595 = arith.mulf %get3A_584, %get3A_584 : vector<16xf32>
      %add3A_596 = arith.addf %add3A_566, %mul3A_595 : vector<16xf32>
      %scan3A_597 = arith.constant 2 : i32
      %scan3A_598 = arith.addi %scan3A_531, %scan3A_597 : i32
      %get3A_599 = arith.index_cast %scan3A_598 : i32 to index
      %get3A_600 = arith.constant 0 : index
      %get3A_601 = tpu.vector_load %arg6[%get3A_599, %get3A_600] {strides = array<i32>} : memref<100x64xf32, #tpu.memory_space<vmem>>, vector<1x16xf32>,
      %get3A_602 = vector.shape_cast %get3A_601 : vector<1x16xf32> to vector<16xf32>
      %get3A_603 = arith.index_cast %scan3A_598 : i32 to index
      %get3A_604 = arith.constant 16 : index
      %get3A_605 = tpu.vector_load %arg6[%get3A_603, %get3A_604] {strides = array<i32>} : memref<100x64xf32, #tpu.memory_space<vmem>>, vector<1x16xf32>,
      %get3A_606 = vector.shape_cast %get3A_605 : vector<1x16xf32> to vector<16xf32>
      %get3A_607 = arith.index_cast %scan3A_598 : i32 to index
      %get3A_608 = arith.constant 32 : index
      %get3A_609 = tpu.vector_load %arg6[%get3A_607, %get3A_608] {strides = array<i32>} : memref<100x64xf32, #tpu.memory_space<vmem>>, vector<1x16xf32>,
      %get3A_610 = vector.shape_cast %get3A_609 : vector<1x16xf32> to vector<16xf32>
      %get3A_611 = arith.index_cast %scan3A_598 : i32 to index
      %get3A_612 = arith.constant 48 : index
      %get3A_613 = tpu.vector_load %arg6[%get3A_611, %get3A_612] {strides = array<i32>} : memref<100x64xf32, #tpu.memory_space<vmem>>, vector<1x16xf32>,
      %get3A_614 = vector.shape_cast %get3A_613 : vector<1x16xf32> to vector<16xf32>
      %add3A_615 = arith.addf %add3A_585, %get3A_602 : vector<16xf32>
      %add3A_616 = arith.addf %add3A_586, %get3A_606 : vector<16xf32>
      %add3A_617 = arith.addf %add3A_587, %get3A_610 : vector<16xf32>
      %add3A_618 = arith.addf %add3A_588, %get3A_614 : vector<16xf32>
      %mul3A_619 = arith.mulf %get3A_602, %get3A_602 : vector<16xf32>
      %add3A_620 = arith.addf %add3A_590, %mul3A_619 : vector<16xf32>
      %mul3A_621 = arith.mulf %get3A_606, %get3A_606 : vector<16xf32>
      %add3A_622 = arith.addf %add3A_592, %mul3A_621 : vector<16xf32>
      %mul3A_623 = arith.mulf %get3A_610, %get3A_610 : vector<16xf32>
      %add3A_624 = arith.addf %add3A_594, %mul3A_623 : vector<16xf32>
      %mul3A_625 = arith.mulf %get3A_614, %get3A_614 : vector<16xf32>
      %add3A_626 = arith.addf %add3A_596, %mul3A_625 : vector<16xf32>
      %scan3A_627 = arith.constant 3 : i32
      %scan3A_628 = arith.addi %scan3A_531, %scan3A_627 : i32
      %get3A_629 = arith.index_cast %scan3A_628 : i32 to index
      %get3A_630 = arith.constant 0 : index
      %get3A_631 = tpu.vector_load %arg6[%get3A_629, %get3A_630] {strides = array<i32>} : memref<100x64xf32, #tpu.memory_space<vmem>>, vector<1x16xf32>,
      %get3A_632 = vector.shape_cast %get3A_631 : vector<1x16xf32> to vector<16xf32>
      %get3A_633 = arith.index_cast %scan3A_628 : i32 to index
      %get3A_634 = arith.constant 16 : index
      %get3A_635 = tpu.vector_load %arg6[%get3A_633, %get3A_634] {strides = array<i32>} : memref<100x64xf32, #tpu.memory_space<vmem>>, vector<1x16xf32>,
      %get3A_636 = vector.shape_cast %get3A_635 : vector<1x16xf32> to vector<16xf32>
      %get3A_637 = arith.index_cast %scan3A_628 : i32 to index
      %get3A_638 = arith.constant 32 : index
      %get3A_639 = tpu.vector_load %arg6[%get3A_637, %get3A_638] {strides = array<i32>} : memref<100x64xf32, #tpu.memory_space<vmem>>, vector<1x16xf32>,
      %get3A_640 = vector.shape_cast %get3A_639 : vector<1x16xf32> to vector<16xf32>
      %get3A_641 = arith.index_cast %scan3A_628 : i32 to index
      %get3A_642 = arith.constant 48 : index
      %get3A_643 = tpu.vector_load %arg6[%get3A_641, %get3A_642] {strides = array<i32>} : memref<100x64xf32, #tpu.memory_space<vmem>>, vector<1x16xf32>,
      %get3A_644 = vector.shape_cast %get3A_643 : vector<1x16xf32> to vector<16xf32>
      %add3A_645 = arith.addf %add3A_615, %get3A_632 : vector<16xf32>
      %add3A_646 = arith.addf %add3A_616, %get3A_636 : vector<16xf32>
      %add3A_647 = arith.addf %add3A_617, %get3A_640 : vector<16xf32>
      %add3A_648 = arith.addf %add3A_618, %get3A_644 : vector<16xf32>
      %mul3A_649 = arith.mulf %get3A_632, %get3A_632 : vector<16xf32>
      %add3A_650 = arith.addf %add3A_620, %mul3A_649 : vector<16xf32>
      %mul3A_651 = arith.mulf %get3A_636, %get3A_636 : vector<16xf32>
      %add3A_652 = arith.addf %add3A_622, %mul3A_651 : vector<16xf32>
      %mul3A_653 = arith.mulf %get3A_640, %get3A_640 : vector<16xf32>
      %add3A_654 = arith.addf %add3A_624, %mul3A_653 : vector<16xf32>
      %mul3A_655 = arith.mulf %get3A_644, %get3A_644 : vector<16xf32>
      %add3A_656 = arith.addf %add3A_626, %mul3A_655 : vector<16xf32>
      scf.yield %add3A_645, %add3A_646, %add3A_647, %add3A_648, %add3A_650, %add3A_652, %add3A_654, %add3A_656 : vector<16xf32>, vector<16xf32>, vector<16xf32>, vector<16xf32>, vector<16xf32>, vector<16xf32>, vector<16xf32>, vector<16xf32>
    }
    %scan3A_427 = arith.constant 100 : i32
    %mul3A_428 = arith.mulf %scan3A_426#0, %scan3A_426#0 : vector<16xf32>
    %sub3A_429 = arith.subf %mul3A_428, %scan3A_426#4 : vector<16xf32>
    %mul3A_430 = arith.constant 5.000000e-01 : f32
    %mul3A_431 = vector.broadcast %mul3A_430 : f32 to vector<16xf32>
    %mul3A_432 = arith.mulf %sub3A_429, %mul3A_431 : vector<16xf32>
    %swap3A_433 = arith.constant 510 : i32
    %swap3A_434 = arith.index_cast %swap3A_433 : i32 to index
    %swap3A_435 = arith.constant 0 : index
    %swap3A_436 = tpu.vector_load %arg12[%swap3A_434, %swap3A_435] {strides = array<i32>} : memref<512x64xf32, #tpu.memory_space<vmem>>, vector<1x16xf32>,
    %swap3A_437 = vector.shape_cast %swap3A_436 : vector<1x16xf32> to vector<16xf32>
    %swap3A_438 = vector.shape_cast %mul3A_432 : vector<16xf32> to vector<1x16xf32>
    tpu.vector_store %arg12[%swap3A_434, %swap3A_435], %swap3A_438 {strides = array<i32>} : memref<512x64xf32, #tpu.memory_space<vmem>>, vector<1x16xf32>,
    %mul3A_439 = arith.mulf %scan3A_426#1, %scan3A_426#1 : vector<16xf32>
    %sub3A_440 = arith.subf %mul3A_439, %scan3A_426#5 : vector<16xf32>
    %mul3A_441 = arith.constant 5.000000e-01 : f32
    %mul3A_442 = vector.broadcast %mul3A_441 : f32 to vector<16xf32>
    %mul3A_443 = arith.mulf %sub3A_440, %mul3A_442 : vector<16xf32>
    %swap3A_444 = arith.constant 510 : i32
    %swap3A_445 = arith.index_cast %swap3A_444 : i32 to index
    %swap3A_446 = arith.constant 16 : index
    %swap3A_447 = tpu.vector_load %arg12[%swap3A_445, %swap3A_446] {strides = array<i32>} : memref<512x64xf32, #tpu.memory_space<vmem>>, vector<1x16xf32>,
    %swap3A_448 = vector.shape_cast %swap3A_447 : vector<1x16xf32> to vector<16xf32>
    %swap3A_449 = vector.shape_cast %mul3A_443 : vector<16xf32> to vector<1x16xf32>
    tpu.vector_store %arg12[%swap3A_445, %swap3A_446], %swap3A_449 {strides = array<i32>} : memref<512x64xf32, #tpu.memory_space<vmem>>, vector<1x16xf32>,
    %mul3A_450 = arith.mulf %scan3A_426#2, %scan3A_426#2 : vector<16xf32>
    %sub3A_451 = arith.subf %mul3A_450, %scan3A_426#6 : vector<16xf32>
    %mul3A_452 = arith.constant 5.000000e-01 : f32
    %mul3A_453 = vector.broadcast %mul3A_452 : f32 to vector<16xf32>
    %mul3A_454 = arith.mulf %sub3A_451, %mul3A_453 : vector<16xf32>
    %swap3A_455 = arith.constant 510 : i32
    %swap3A_456 = arith.index_cast %swap3A_455 : i32 to index
    %swap3A_457 = arith.constant 32 : index
    %swap3A_458 = tpu.vector_load %arg12[%swap3A_456, %swap3A_457] {strides = array<i32>} : memref<512x64xf32, #tpu.memory_space<vmem>>, vector<1x16xf32>,
    %swap3A_459 = vector.shape_cast %swap3A_458 : vector<1x16xf32> to vector<16xf32>
    %swap3A_460 = vector.shape_cast %mul3A_454 : vector<16xf32> to vector<1x16xf32>
    tpu.vector_store %arg12[%swap3A_456, %swap3A_457], %swap3A_460 {strides = array<i32>} : memref<512x64xf32, #tpu.memory_space<vmem>>, vector<1x16xf32>,
    %mul3A_461 = arith.mulf %scan3A_426#3, %scan3A_426#3 : vector<16xf32>
    %sub3A_462 = arith.subf %mul3A_461, %scan3A_426#7 : vector<16xf32>
    %mul3A_463 = arith.constant 5.000000e-01 : f32
    %mul3A_464 = vector.broadcast %mul3A_463 : f32 to vector<16xf32>
    %mul3A_465 = arith.mulf %sub3A_462, %mul3A_464 : vector<16xf32>
    %swap3A_466 = arith.constant 510 : i32
    %swap3A_467 = arith.index_cast %swap3A_466 : i32 to index
    %swap3A_468 = arith.constant 48 : index
    %swap3A_469 = tpu.vector_load %arg12[%swap3A_467, %swap3A_468] {strides = array<i32>} : memref<512x64xf32, #tpu.memory_space<vmem>>, vector<1x16xf32>,
    %swap3A_470 = vector.shape_cast %swap3A_469 : vector<1x16xf32> to vector<16xf32>
    %swap3A_471 = vector.shape_cast %mul3A_465 : vector<16xf32> to vector<1x16xf32>
    tpu.vector_store %arg12[%swap3A_467, %swap3A_468], %swap3A_471 {strides = array<i32>} : memref<512x64xf32, #tpu.memory_space<vmem>>, vector<1x16xf32>,
    %dma_wait3A_472 = arith.constant 0 : i32
    %dma_wait3A_473 = arith.constant 0 : i32
    %dma_wait3A_474 = tpu.memref_slice %arg5[%dma_wait3A_472, %dma_wait3A_473] : memref<512x100xi32, #tpu.memory_space<vmem>> -> memref<1x100xi32, #tpu.memory_space<vmem>>
    %dma_wait3A_475 = tpu.memref_squeeze %dma_wait3A_474 : memref<1x100xi32, #tpu.memory_space<vmem>> -> memref<100xi32, #tpu.memory_space<vmem>>
    %dma_wait3A_476 = arith.constant 0 : i32
    %dma_wait3A_477 = arith.constant 0 : i32
    %dma_wait3A_478 = tpu.memref_slice %arg3[%dma_wait3A_476, %dma_wait3A_477] : memref<1000000x64xf32, #tpu.memory_space<hbm>> -> memref<1000000x64xf32, #tpu.memory_space<hbm>>
    tpu.wait_indirect_dma semaphore(%arg14 : memref<!tpu.dma_semaphore, #tpu.memory_space<semaphore_mem>>) src(%dma_wait3A_478 : memref<1000000x64xf32, #tpu.memory_space<hbm>>) dst(%arg7 : memref<100x64xf32, #tpu.memory_space<vmem>>)
    %broadcast_in_dim3A_479 = arith.constant 0.000000e+00 : f32
    %broadcast_in_dim3A_480 = vector.broadcast %broadcast_in_dim3A_479 : f32 to vector<16xf32>
    %scan3A_481 = arith.constant 0 : i32
    %scan3A_482 = arith.constant 100 : i32
    %scan3A_483 = arith.addi %scan3A_481, %scan3A_482 : i32
    %scan3A_484 = arith.constant 4 : i32
    %scan3A_485:8 = scf.for %scan3A_531 = %scan3A_481 to %scan3A_483 step %scan3A_484 iter_args(%scan3A_532 = %broadcast_in_dim3A_480, %scan3A_533 = %broadcast_in_dim3A_480, %scan3A_534 = %broadcast_in_dim3A_480, %scan3A_535 = %broadcast_in_dim3A_480, %scan3A_536 = %broadcast_in_dim3A_480, %scan3A_537 = %broadcast_in_dim3A_480, %scan3A_538 = %broadcast_in_dim3A_480, %scan3A_539 = %broadcast_in_dim3A_480) -> (vector<16xf32>, vector<16xf32>, vector<16xf32>, vector<16xf32>, vector<16xf32>, vector<16xf32>, vector<16xf32>, vector<16xf32>)  : i32 {
      %get3A = arith.index_cast %scan3A_531 : i32 to index
      %get3A_540 = arith.constant 0 : index
      %get3A_541 = tpu.vector_load %arg7[%get3A, %get3A_540] {strides = array<i32>} : memref<100x64xf32, #tpu.memory_space<vmem>>, vector<1x16xf32>,
      %get3A_542 = vector.shape_cast %get3A_541 : vector<1x16xf32> to vector<16xf32>
      %get3A_543 = arith.index_cast %scan3A_531 : i32 to index
      %get3A_544 = arith.constant 16 : index
      %get3A_545 = tpu.vector_load %arg7[%get3A_543, %get3A_544] {strides = array<i32>} : memref<100x64xf32, #tpu.memory_space<vmem>>, vector<1x16xf32>,
      %get3A_546 = vector.shape_cast %get3A_545 : vector<1x16xf32> to vector<16xf32>
      %get3A_547 = arith.index_cast %scan3A_531 : i32 to index
      %get3A_548 = arith.constant 32 : index
      %get3A_549 = tpu.vector_load %arg7[%get3A_547, %get3A_548] {strides = array<i32>} : memref<100x64xf32, #tpu.memory_space<vmem>>, vector<1x16xf32>,
      %get3A_550 = vector.shape_cast %get3A_549 : vector<1x16xf32> to vector<16xf32>
      %get3A_551 = arith.index_cast %scan3A_531 : i32 to index
      %get3A_552 = arith.constant 48 : index
      %get3A_553 = tpu.vector_load %arg7[%get3A_551, %get3A_552] {strides = array<i32>} : memref<100x64xf32, #tpu.memory_space<vmem>>, vector<1x16xf32>,
      %get3A_554 = vector.shape_cast %get3A_553 : vector<1x16xf32> to vector<16xf32>
      %add3A_555 = arith.addf %scan3A_532, %get3A_542 : vector<16xf32>
      %add3A_556 = arith.addf %scan3A_533, %get3A_546 : vector<16xf32>
      %add3A_557 = arith.addf %scan3A_534, %get3A_550 : vector<16xf32>
      %add3A_558 = arith.addf %scan3A_535, %get3A_554 : vector<16xf32>
      %mul3A_559 = arith.mulf %get3A_542, %get3A_542 : vector<16xf32>
      %add3A_560 = arith.addf %scan3A_536, %mul3A_559 : vector<16xf32>
      %mul3A_561 = arith.mulf %get3A_546, %get3A_546 : vector<16xf32>
      %add3A_562 = arith.addf %scan3A_537, %mul3A_561 : vector<16xf32>
      %mul3A_563 = arith.mulf %get3A_550, %get3A_550 : vector<16xf32>
      %add3A_564 = arith.addf %scan3A_538, %mul3A_563 : vector<16xf32>
      %mul3A_565 = arith.mulf %get3A_554, %get3A_554 : vector<16xf32>
      %add3A_566 = arith.addf %scan3A_539, %mul3A_565 : vector<16xf32>
      %scan3A_567 = arith.constant 1 : i32
      %scan3A_568 = arith.addi %scan3A_531, %scan3A_567 : i32
      %get3A_569 = arith.index_cast %scan3A_568 : i32 to index
      %get3A_570 = arith.constant 0 : index
      %get3A_571 = tpu.vector_load %arg7[%get3A_569, %get3A_570] {strides = array<i32>} : memref<100x64xf32, #tpu.memory_space<vmem>>, vector<1x16xf32>,
      %get3A_572 = vector.shape_cast %get3A_571 : vector<1x16xf32> to vector<16xf32>
      %get3A_573 = arith.index_cast %scan3A_568 : i32 to index
      %get3A_574 = arith.constant 16 : index
      %get3A_575 = tpu.vector_load %arg7[%get3A_573, %get3A_574] {strides = array<i32>} : memref<100x64xf32, #tpu.memory_space<vmem>>, vector<1x16xf32>,
      %get3A_576 = vector.shape_cast %get3A_575 : vector<1x16xf32> to vector<16xf32>
      %get3A_577 = arith.index_cast %scan3A_568 : i32 to index
      %get3A_578 = arith.constant 32 : index
      %get3A_579 = tpu.vector_load %arg7[%get3A_577, %get3A_578] {strides = array<i32>} : memref<100x64xf32, #tpu.memory_space<vmem>>, vector<1x16xf32>,
      %get3A_580 = vector.shape_cast %get3A_579 : vector<1x16xf32> to vector<16xf32>
      %get3A_581 = arith.index_cast %scan3A_568 : i32 to index
      %get3A_582 = arith.constant 48 : index
      %get3A_583 = tpu.vector_load %arg7[%get3A_581, %get3A_582] {strides = array<i32>} : memref<100x64xf32, #tpu.memory_space<vmem>>, vector<1x16xf32>,
      %get3A_584 = vector.shape_cast %get3A_583 : vector<1x16xf32> to vector<16xf32>
      %add3A_585 = arith.addf %add3A_555, %get3A_572 : vector<16xf32>
      %add3A_586 = arith.addf %add3A_556, %get3A_576 : vector<16xf32>
      %add3A_587 = arith.addf %add3A_557, %get3A_580 : vector<16xf32>
      %add3A_588 = arith.addf %add3A_558, %get3A_584 : vector<16xf32>
      %mul3A_589 = arith.mulf %get3A_572, %get3A_572 : vector<16xf32>
      %add3A_590 = arith.addf %add3A_560, %mul3A_589 : vector<16xf32>
      %mul3A_591 = arith.mulf %get3A_576, %get3A_576 : vector<16xf32>
      %add3A_592 = arith.addf %add3A_562, %mul3A_591 : vector<16xf32>
      %mul3A_593 = arith.mulf %get3A_580, %get3A_580 : vector<16xf32>
      %add3A_594 = arith.addf %add3A_564, %mul3A_593 : vector<16xf32>
      %mul3A_595 = arith.mulf %get3A_584, %get3A_584 : vector<16xf32>
      %add3A_596 = arith.addf %add3A_566, %mul3A_595 : vector<16xf32>
      %scan3A_597 = arith.constant 2 : i32
      %scan3A_598 = arith.addi %scan3A_531, %scan3A_597 : i32
      %get3A_599 = arith.index_cast %scan3A_598 : i32 to index
      %get3A_600 = arith.constant 0 : index
      %get3A_601 = tpu.vector_load %arg7[%get3A_599, %get3A_600] {strides = array<i32>} : memref<100x64xf32, #tpu.memory_space<vmem>>, vector<1x16xf32>,
      %get3A_602 = vector.shape_cast %get3A_601 : vector<1x16xf32> to vector<16xf32>
      %get3A_603 = arith.index_cast %scan3A_598 : i32 to index
      %get3A_604 = arith.constant 16 : index
      %get3A_605 = tpu.vector_load %arg7[%get3A_603, %get3A_604] {strides = array<i32>} : memref<100x64xf32, #tpu.memory_space<vmem>>, vector<1x16xf32>,
      %get3A_606 = vector.shape_cast %get3A_605 : vector<1x16xf32> to vector<16xf32>
      %get3A_607 = arith.index_cast %scan3A_598 : i32 to index
      %get3A_608 = arith.constant 32 : index
      %get3A_609 = tpu.vector_load %arg7[%get3A_607, %get3A_608] {strides = array<i32>} : memref<100x64xf32, #tpu.memory_space<vmem>>, vector<1x16xf32>,
      %get3A_610 = vector.shape_cast %get3A_609 : vector<1x16xf32> to vector<16xf32>
      %get3A_611 = arith.index_cast %scan3A_598 : i32 to index
      %get3A_612 = arith.constant 48 : index
      %get3A_613 = tpu.vector_load %arg7[%get3A_611, %get3A_612] {strides = array<i32>} : memref<100x64xf32, #tpu.memory_space<vmem>>, vector<1x16xf32>,
      %get3A_614 = vector.shape_cast %get3A_613 : vector<1x16xf32> to vector<16xf32>
      %add3A_615 = arith.addf %add3A_585, %get3A_602 : vector<16xf32>
      %add3A_616 = arith.addf %add3A_586, %get3A_606 : vector<16xf32>
      %add3A_617 = arith.addf %add3A_587, %get3A_610 : vector<16xf32>
      %add3A_618 = arith.addf %add3A_588, %get3A_614 : vector<16xf32>
      %mul3A_619 = arith.mulf %get3A_602, %get3A_602 : vector<16xf32>
      %add3A_620 = arith.addf %add3A_590, %mul3A_619 : vector<16xf32>
      %mul3A_621 = arith.mulf %get3A_606, %get3A_606 : vector<16xf32>
      %add3A_622 = arith.addf %add3A_592, %mul3A_621 : vector<16xf32>
      %mul3A_623 = arith.mulf %get3A_610, %get3A_610 : vector<16xf32>
      %add3A_624 = arith.addf %add3A_594, %mul3A_623 : vector<16xf32>
      %mul3A_625 = arith.mulf %get3A_614, %get3A_614 : vector<16xf32>
      %add3A_626 = arith.addf %add3A_596, %mul3A_625 : vector<16xf32>
      %scan3A_627 = arith.constant 3 : i32
      %scan3A_628 = arith.addi %scan3A_531, %scan3A_627 : i32
      %get3A_629 = arith.index_cast %scan3A_628 : i32 to index
      %get3A_630 = arith.constant 0 : index
      %get3A_631 = tpu.vector_load %arg7[%get3A_629, %get3A_630] {strides = array<i32>} : memref<100x64xf32, #tpu.memory_space<vmem>>, vector<1x16xf32>,
      %get3A_632 = vector.shape_cast %get3A_631 : vector<1x16xf32> to vector<16xf32>
      %get3A_633 = arith.index_cast %scan3A_628 : i32 to index
      %get3A_634 = arith.constant 16 : index
      %get3A_635 = tpu.vector_load %arg7[%get3A_633, %get3A_634] {strides = array<i32>} : memref<100x64xf32, #tpu.memory_space<vmem>>, vector<1x16xf32>,
      %get3A_636 = vector.shape_cast %get3A_635 : vector<1x16xf32> to vector<16xf32>
      %get3A_637 = arith.index_cast %scan3A_628 : i32 to index
      %get3A_638 = arith.constant 32 : index
      %get3A_639 = tpu.vector_load %arg7[%get3A_637, %get3A_638] {strides = array<i32>} : memref<100x64xf32, #tpu.memory_space<vmem>>, vector<1x16xf32>,
      %get3A_640 = vector.shape_cast %get3A_639 : vector<1x16xf32> to vector<16xf32>
      %get3A_641 = arith.index_cast %scan3A_628 : i32 to index
      %get3A_642 = arith.constant 48 : index
      %get3A_643 = tpu.vector_load %arg7[%get3A_641, %get3A_642] {strides = array<i32>} : memref<100x64xf32, #tpu.memory_space<vmem>>, vector<1x16xf32>,
      %get3A_644 = vector.shape_cast %get3A_643 : vector<1x16xf32> to vector<16xf32>
      %add3A_645 = arith.addf %add3A_615, %get3A_632 : vector<16xf32>
      %add3A_646 = arith.addf %add3A_616, %get3A_636 : vector<16xf32>
      %add3A_647 = arith.addf %add3A_617, %get3A_640 : vector<16xf32>
      %add3A_648 = arith.addf %add3A_618, %get3A_644 : vector<16xf32>
      %mul3A_649 = arith.mulf %get3A_632, %get3A_632 : vector<16xf32>
      %add3A_650 = arith.addf %add3A_620, %mul3A_649 : vector<16xf32>
      %mul3A_651 = arith.mulf %get3A_636, %get3A_636 : vector<16xf32>
      %add3A_652 = arith.addf %add3A_622, %mul3A_651 : vector<16xf32>
      %mul3A_653 = arith.mulf %get3A_640, %get3A_640 : vector<16xf32>
      %add3A_654 = arith.addf %add3A_624, %mul3A_653 : vector<16xf32>
      %mul3A_655 = arith.mulf %get3A_644, %get3A_644 : vector<16xf32>
      %add3A_656 = arith.addf %add3A_626, %mul3A_655 : vector<16xf32>
      scf.yield %add3A_645, %add3A_646, %add3A_647, %add3A_648, %add3A_650, %add3A_652, %add3A_654, %add3A_656 : vector<16xf32>, vector<16xf32>, vector<16xf32>, vector<16xf32>, vector<16xf32>, vector<16xf32>, vector<16xf32>, vector<16xf32>
    }
    %scan3A_486 = arith.constant 100 : i32
    %mul3A_487 = arith.mulf %scan3A_485#0, %scan3A_485#0 : vector<16xf32>
    %sub3A_488 = arith.subf %mul3A_487, %scan3A_485#4 : vector<16xf32>
    %mul3A_489 = arith.constant 5.000000e-01 : f32
    %mul3A_490 = vector.broadcast %mul3A_489 : f32 to vector<16xf32>
    %mul3A_491 = arith.mulf %sub3A_488, %mul3A_490 : vector<16xf32>
    %swap3A_492 = arith.constant 511 : i32
    %swap3A_493 = arith.index_cast %swap3A_492 : i32 to index
    %swap3A_494 = arith.constant 0 : index
    %swap3A_495 = tpu.vector_load %arg12[%swap3A_493, %swap3A_494] {strides = array<i32>} : memref<512x64xf32, #tpu.memory_space<vmem>>, vector<1x16xf32>,
    %swap3A_496 = vector.shape_cast %swap3A_495 : vector<1x16xf32> to vector<16xf32>
    %swap3A_497 = vector.shape_cast %mul3A_491 : vector<16xf32> to vector<1x16xf32>
    tpu.vector_store %arg12[%swap3A_493, %swap3A_494], %swap3A_497 {strides = array<i32>} : memref<512x64xf32, #tpu.memory_space<vmem>>, vector<1x16xf32>,
    %mul3A_498 = arith.mulf %scan3A_485#1, %scan3A_485#1 : vector<16xf32>
    %sub3A_499 = arith.subf %mul3A_498, %scan3A_485#5 : vector<16xf32>
    %mul3A_500 = arith.constant 5.000000e-01 : f32
    %mul3A_501 = vector.broadcast %mul3A_500 : f32 to vector<16xf32>
    %mul3A_502 = arith.mulf %sub3A_499, %mul3A_501 : vector<16xf32>
    %swap3A_503 = arith.constant 511 : i32
    %swap3A_504 = arith.index_cast %swap3A_503 : i32 to index
    %swap3A_505 = arith.constant 16 : index
    %swap3A_506 = tpu.vector_load %arg12[%swap3A_504, %swap3A_505] {strides = array<i32>} : memref<512x64xf32, #tpu.memory_space<vmem>>, vector<1x16xf32>,
    %swap3A_507 = vector.shape_cast %swap3A_506 : vector<1x16xf32> to vector<16xf32>
    %swap3A_508 = vector.shape_cast %mul3A_502 : vector<16xf32> to vector<1x16xf32>
    tpu.vector_store %arg12[%swap3A_504, %swap3A_505], %swap3A_508 {strides = array<i32>} : memref<512x64xf32, #tpu.memory_space<vmem>>, vector<1x16xf32>,
    %mul3A_509 = arith.mulf %scan3A_485#2, %scan3A_485#2 : vector<16xf32>
    %sub3A_510 = arith.subf %mul3A_509, %scan3A_485#6 : vector<16xf32>
    %mul3A_511 = arith.constant 5.000000e-01 : f32
    %mul3A_512 = vector.broadcast %mul3A_511 : f32 to vector<16xf32>
    %mul3A_513 = arith.mulf %sub3A_510, %mul3A_512 : vector<16xf32>
    %swap3A_514 = arith.constant 511 : i32
    %swap3A_515 = arith.index_cast %swap3A_514 : i32 to index
    %swap3A_516 = arith.constant 32 : index
    %swap3A_517 = tpu.vector_load %arg12[%swap3A_515, %swap3A_516] {strides = array<i32>} : memref<512x64xf32, #tpu.memory_space<vmem>>, vector<1x16xf32>,
    %swap3A_518 = vector.shape_cast %swap3A_517 : vector<1x16xf32> to vector<16xf32>
    %swap3A_519 = vector.shape_cast %mul3A_513 : vector<16xf32> to vector<1x16xf32>
    tpu.vector_store %arg12[%swap3A_515, %swap3A_516], %swap3A_519 {strides = array<i32>} : memref<512x64xf32, #tpu.memory_space<vmem>>, vector<1x16xf32>,
    %mul3A_520 = arith.mulf %scan3A_485#3, %scan3A_485#3 : vector<16xf32>
    %sub3A_521 = arith.subf %mul3A_520, %scan3A_485#7 : vector<16xf32>
    %mul3A_522 = arith.constant 5.000000e-01 : f32
    %mul3A_523 = vector.broadcast %mul3A_522 : f32 to vector<16xf32>
    %mul3A_524 = arith.mulf %sub3A_521, %mul3A_523 : vector<16xf32>
    %swap3A_525 = arith.constant 511 : i32
    %swap3A_526 = arith.index_cast %swap3A_525 : i32 to index
    %swap3A_527 = arith.constant 48 : index
    %swap3A_528 = tpu.vector_load %arg12[%swap3A_526, %swap3A_527] {strides = array<i32>} : memref<512x64xf32, #tpu.memory_space<vmem>>, vector<1x16xf32>,
    %swap3A_529 = vector.shape_cast %swap3A_528 : vector<1x16xf32> to vector<16xf32>
    %swap3A_530 = vector.shape_cast %mul3A_524 : vector<16xf32> to vector<1x16xf32>
    tpu.vector_store %arg12[%swap3A_526, %swap3A_527], %swap3A_530 {strides = array<i32>} : memref<512x64xf32, #tpu.memory_space<vmem>>, vector<1x16xf32>,
    "tpu.region"() ({
      %run_scoped3A = tpu.sem_alloc : memref<!tpu.dma_semaphore, #tpu.memory_space<semaphore_mem>>
      %dma_start3A_531 = arith.constant 0 : i32
      %dma_start3A_532 = tpu.memref_slice %arg4[%mul3A_2, %dma_start3A_531] : memref<16384x64xf32, #tpu.memory_space<hbm>> -> memref<512x64xf32, #tpu.memory_space<hbm>>
      %dma_start3A_533 = arith.constant 0 : i32
      %dma_start3A_534 = tpu.memref_slice %arg4[%mul3A_2, %dma_start3A_533] : memref<16384x64xf32, #tpu.memory_space<hbm>> -> memref<512x64xf32, #tpu.memory_space<hbm>>
      tpu.enqueue_dma source(%arg12 : memref<512x64xf32, #tpu.memory_space<vmem>>) target(%dma_start3A_534 : memref<512x64xf32, #tpu.memory_space<hbm>>) target_semaphore(%run_scoped3A : memref<!tpu.dma_semaphore, #tpu.memory_space<semaphore_mem>>)
      %dma_wait3A_535 = arith.constant 0 : i32
      %dma_wait3A_536 = tpu.memref_slice %arg4[%mul3A_2, %dma_wait3A_535] : memref<16384x64xf32, #tpu.memory_space<hbm>> -> memref<512x64xf32, #tpu.memory_space<hbm>>
      %dma_wait3A_537 = arith.constant 0 : i32
      %dma_wait3A_538 = tpu.memref_slice %arg4[%mul3A_2, %dma_wait3A_537] : memref<16384x64xf32, #tpu.memory_space<hbm>> -> memref<512x64xf32, #tpu.memory_space<hbm>>
      tpu.wait_dma2 semaphore(%run_scoped3A : memref<!tpu.dma_semaphore, #tpu.memory_space<semaphore_mem>>) src(%arg12 : memref<512x64xf32, #tpu.memory_space<vmem>>) dst(%dma_wait3A_538 : memref<512x64xf32, #tpu.memory_space<hbm>>)
      tpu.yield
    }) : () -> ()
    return
  }
}

module attributes {stable_mosaic.version = 14 : i64} {
  func.func @body(%arg0: i32, %arg1: memref<1024x64xf32, #tpu.memory_space<vmem>>, %arg2: memref<32x64xf32, #tpu.memory_space<vmem>>, %arg3: memref<1x32xf32, #tpu.memory_space<vmem>>, %arg4: memref<16x32xf32, #tpu.memory_space<vmem>>, %arg5: memref<1x16xf32, #tpu.memory_space<vmem>>, %arg6: memref<1x16xf32, #tpu.memory_space<vmem>>, %arg7: memref<1x1xf32, #tpu.memory_space<vmem>>, %arg8: memref<1024x1xf32, #tpu.memory_space<vmem>>) attributes {dimension_semantics = [#tpu.dimension_semantics<arbitrary>], iteration_bounds = array<i64: 16>, scalar_prefetch = 0 : i64, scratch_operands = 0 : i64, tpu.core_type = #tpu.core_type<tc>, window_params = [{transform_indices = @transform_0, window_bounds = array<i64: 1024, 64>}, {pipeline_mode = #tpu.pipeline_mode<synchronous>, transform_indices = @transform_1, window_bounds = array<i64: 32, 64>}, {pipeline_mode = #tpu.pipeline_mode<synchronous>, transform_indices = @transform_2, window_bounds = array<i64: 1, 32>}, {pipeline_mode = #tpu.pipeline_mode<synchronous>, transform_indices = @transform_3, window_bounds = array<i64: 16, 32>}, {pipeline_mode = #tpu.pipeline_mode<synchronous>, transform_indices = @transform_4, window_bounds = array<i64: 1, 16>}, {pipeline_mode = #tpu.pipeline_mode<synchronous>, transform_indices = @transform_5, window_bounds = array<i64: 1, 16>}, {pipeline_mode = #tpu.pipeline_mode<synchronous>, transform_indices = @transform_6, window_bounds = array<i64: 1, 1>}, {transform_indices = @transform_7, window_bounds = array<i64: 1024, 1>}]} {
    %get3A = arith.constant 0 : index
    %get3A_0 = arith.constant 0 : index
    %get3A_1 = vector.load %arg1[%get3A, %get3A_0] : memref<1024x64xf32, #tpu.memory_space<vmem>>, vector<1024x64xf32>
    %get3A_2 = arith.constant 0 : index
    %get3A_3 = arith.constant 0 : index
    %get3A_4 = vector.load %arg2[%get3A_2, %get3A_3] : memref<32x64xf32, #tpu.memory_space<vmem>>, vector<32x64xf32>
    %dot_general3A = arith.constant dense<0.000000e+00> : vector<1024x32xf32>
    %dot_general3A_5 = tpu.matmul %get3A_1, %get3A_4, %dot_general3A {dimension_numbers = #tpu.dot_dimension_numbers<[1], [1], [0], [0], [0, 0, 1, 0], [], []>, transpose_lhs_hint = false} : vector<1024x64xf32>, vector<32x64xf32>, vector<1024x32xf32> -> vector<1024x32xf32>
    %get3A_6 = arith.constant 0 : index
    %get3A_7 = arith.constant 0 : index
    %get3A_8 = vector.load %arg3[%get3A_6, %get3A_7] : memref<1x32xf32, #tpu.memory_space<vmem>>, vector<1x32xf32>
    %add3A = vector.broadcast %get3A_8 : vector<1x32xf32> to vector<1024x32xf32>
    %add3A_9 = arith.addf %dot_general3A_5, %add3A : vector<1024x32xf32>
    %max3A = arith.constant 0.000000e+00 : f32
    %max3A_10 = vector.broadcast %max3A : f32 to vector<1024x32xf32>
    %max3A_11 = arith.maximumf %add3A_9, %max3A_10 : vector<1024x32xf32>
    %get3A_12 = arith.constant 0 : index
    %get3A_13 = arith.constant 0 : index
    %get3A_14 = vector.load %arg4[%get3A_12, %get3A_13] : memref<16x32xf32, #tpu.memory_space<vmem>>, vector<16x32xf32>
    %dot_general3A_15 = arith.constant dense<0.000000e+00> : vector<1024x16xf32>
    %dot_general3A_16 = tpu.matmul %max3A_11, %get3A_14, %dot_general3A_15 {dimension_numbers = #tpu.dot_dimension_numbers<[1], [1], [0], [0], [0, 0, 1, 0], [], []>, transpose_lhs_hint = false} : vector<1024x32xf32>, vector<16x32xf32>, vector<1024x16xf32> -> vector<1024x16xf32>
    %get3A_17 = arith.constant 0 : index
    %get3A_18 = arith.constant 0 : index
    %get3A_19 = vector.load %arg5[%get3A_17, %get3A_18] : memref<1x16xf32, #tpu.memory_space<vmem>>, vector<1x16xf32>
    %add3A_20 = vector.broadcast %get3A_19 : vector<1x16xf32> to vector<1024x16xf32>
    %add3A_21 = arith.addf %dot_general3A_16, %add3A_20 : vector<1024x16xf32>
    %max3A_22 = arith.constant 0.000000e+00 : f32
    %max3A_23 = vector.broadcast %max3A_22 : f32 to vector<1024x16xf32>
    %max3A_24 = arith.maximumf %add3A_21, %max3A_23 : vector<1024x16xf32>
    %get3A_25 = arith.constant 0 : index
    %get3A_26 = arith.constant 0 : index
    %get3A_27 = vector.load %arg6[%get3A_25, %get3A_26] : memref<1x16xf32, #tpu.memory_space<vmem>>, vector<1x16xf32>
    %mul3A = vector.broadcast %get3A_27 : vector<1x16xf32> to vector<1024x16xf32>
    %mul3A_28 = arith.mulf %max3A_24, %mul3A : vector<1024x16xf32>
    %reduce_sum3A = arith.constant dense<0.000000e+00> : vector<1024xf32>
    %reduce_sum3A_29 = vector.multi_reduction <add>, %mul3A_28, %reduce_sum3A [1] : vector<1024x16xf32> to vector<1024xf32>
    %broadcast_in_dim3A = vector.shape_cast %reduce_sum3A_29 : vector<1024xf32> to vector<1024x1xf32>
    %get3A_30 = arith.constant 0 : index
    %get3A_31 = arith.constant 0 : index
    %get3A_32 = vector.load %arg7[%get3A_30, %get3A_31] : memref<1x1xf32, #tpu.memory_space<vmem>>, vector<1x1xf32>
    %add3A_33 = vector.broadcast %get3A_32 : vector<1x1xf32> to vector<1024x1xf32>
    %add3A_34 = arith.addf %broadcast_in_dim3A, %add3A_33 : vector<1024x1xf32>
    %neg3A = arith.constant 0.000000e+00 : f32
    %neg3A_35 = vector.broadcast %neg3A : f32 to vector<1024x1xf32>
    %neg3A_36 = arith.subf %neg3A_35, %add3A_34 : vector<1024x1xf32>
    %exp3A = math.exp %neg3A_36 : vector<1024x1xf32>
    %add3A_37 = arith.constant 1.000000e+00 : f32
    %add3A_38 = vector.broadcast %add3A_37 : f32 to vector<1024x1xf32>
    %add3A_39 = arith.addf %add3A_38, %exp3A : vector<1024x1xf32>
    %div3A = arith.constant 1.000000e+00 : f32
    %div3A_40 = vector.broadcast %div3A : f32 to vector<1024x1xf32>
    %div3A_41 = arith.divf %div3A_40, %add3A_39 : vector<1024x1xf32>
    %swap3A = arith.constant 0 : index
    %swap3A_42 = arith.constant 0 : index
    %swap3A_43 = vector.load %arg8[%swap3A, %swap3A_42] : memref<1024x1xf32, #tpu.memory_space<vmem>>, vector<1024x1xf32>
    tpu.vector_store %arg8[%swap3A, %swap3A_42], %div3A_41 {strides = array<i32>} : memref<1024x1xf32, #tpu.memory_space<vmem>>, vector<1024x1xf32>,
    return
  }
  func.func @transform_0(%arg0: i32) -> (i32, i32) {
    %c0_i32 = arith.constant 0 : i32
    %c0_i32_0 = arith.constant 0 : i32
    return %arg0, %c0_i32 : i32, i32
  }
  func.func @transform_1(%arg0: i32) -> (i32, i32) {
    %c0_i32 = arith.constant 0 : i32
    %c0_i32_0 = arith.constant 0 : i32
    %c0_i32_1 = arith.constant 0 : i32
    return %c0_i32, %c0_i32_0 : i32, i32
  }
  func.func @transform_2(%arg0: i32) -> (i32, i32) {
    %c0_i32 = arith.constant 0 : i32
    %c0_i32_0 = arith.constant 0 : i32
    %c0_i32_1 = arith.constant 0 : i32
    return %c0_i32, %c0_i32_0 : i32, i32
  }
  func.func @transform_3(%arg0: i32) -> (i32, i32) {
    %c0_i32 = arith.constant 0 : i32
    %c0_i32_0 = arith.constant 0 : i32
    %c0_i32_1 = arith.constant 0 : i32
    return %c0_i32, %c0_i32_0 : i32, i32
  }
  func.func @transform_4(%arg0: i32) -> (i32, i32) {
    %c0_i32 = arith.constant 0 : i32
    %c0_i32_0 = arith.constant 0 : i32
    %c0_i32_1 = arith.constant 0 : i32
    return %c0_i32, %c0_i32_0 : i32, i32
  }
  func.func @transform_5(%arg0: i32) -> (i32, i32) {
    %c0_i32 = arith.constant 0 : i32
    %c0_i32_0 = arith.constant 0 : i32
    %c0_i32_1 = arith.constant 0 : i32
    return %c0_i32, %c0_i32_0 : i32, i32
  }
  func.func @transform_6(%arg0: i32) -> (i32, i32) {
    %c0_i32 = arith.constant 0 : i32
    %c0_i32_0 = arith.constant 0 : i32
    %c0_i32_1 = arith.constant 0 : i32
    return %c0_i32, %c0_i32_0 : i32, i32
  }
  func.func @transform_7(%arg0: i32) -> (i32, i32) {
    %c0_i32 = arith.constant 0 : i32
    %c0_i32_0 = arith.constant 0 : i32
    return %arg0, %c0_i32 : i32, i32
  }
}

</mosaic_0001>

<sc_bundles>
// kernel: kernel.4.cloned.1.call-start
scs
__scs_entry_jumppad:
0x0: {  	(pc) =	sbr.rel $0x88, $3  }
0x1: {  	(tag) =	ssettag $0x0;
	lr =	simm.s32 $0x1  }
0x2: {  	[smem:$0x3F99] =	sst lr;
	_ =	strace $0xD0000000  }
0x3: {  	_ = 	snop  }
0x4: {  	_ = 	snop  }
0x5: {  	_ = 	snop  }
0x6: {  	_ = 	snop  }
0x7: {  	_ = 	snop  }
__scs_overlays_trampoline_lowered:
0x8: {  	[smem:$0x3FA8] =	sst s0  }
0x9: {  	[smem:$0x3FA9] =	sst s1  }
0xa: {  	[smem:$0x3FAA] =	sst s2  }
0xb: {  	[smem:$0x3FAB] =	sst s3  }
0xc: {  	[smem:$0x3FAC] =	sst s4  }
0xd: {  	[smem:$0x3FAD] =	sst s5  }
0xe: {  	[smem:$0x3FAE] =	sst s6  }
0xf: {  	[smem:$0x3FAF] =	sst s7  }
0x10: {  	[smem:$0x3FB0] =	sst s8  }
0x11: {  	[smem:$0x3FB1] =	sst s9;
	s0 =	simm.s32 @!p0 $0x0  }
0x12: {  	s1 =	sld [smem:$0x3F97];
	s0 =	simm.s32 @p0 $0x1  }
0x13: {  	[smem:$0x3FB2] =	sst s0;
	s0 =	simm.s32 @!p1 $0x0  }
0x14: {  	s2 =	sld [smem:$0x3F96];
	s0 =	simm.s32 @p1 $0x1  }
0x15: {  	[smem:$0x3FB3] =	sst s0;
	s0 =	simm.s32 @!p2 $0x0  }
0x16: {  	s3 =	sld [smem:$0x3FDB];
	s0 =	simm.s32 @p2 $0x1  }
0x17: {  	s4 =	simm.s32 $0x1BF5;
	[smem:$0x3FB5] =	sst s0  }
0x18: {  	s0 =	sld [smem:$0x3F98];
	_ =	swait.ge [sflag:s4], $0x0  }
0x19: {  	s7 =	sld [smem:$0x3F99]  }
0x1a: {  	s8 =	sadd.s32 $0xFFFFE003, lr  }
0x1b: {  	s9 =	sadd.s32 $0xFFFFFEF7, lr;
	s5 =	simm.s32 $0xFFFFFFFF;
	p2 =	slt.u32 s8, $0xFFFFF086  }
0x1c: {  	p1 =	slt.u32 s9, $0xF7A;
	s5 =	simm.s32 @!p2 $0x0  }
0x1d: {  	s5 =	simm.s32 @p1 $0x1;
	p0 =	seq.s32 s7, s2  }
0x1e: {  	s7 =	smul.u32 @!p0 $0xF7A, s2;
	p2 =	seq.s32 @!p0 s5, $0x0  }
0x1f: {  	s9 =	smul.u32 $0xF7A, s1;
	s8 =	simm.s32 @!p0 $0x1BF5;
	p2 =	por !p2, p0  }
0x20: {  	[sflag:s8] =	ssyncset.s32 @!p0 $0xFFFFF086;
	s6 =	sadd.s32 @!p0 s3, s7;
	s7 =	simm.s32 @!p0 $0x108  }
0x21: {  	s3 =	sadd.s32 s3, s9;
	s6 =	sadd.s32 @!p0 $0x88, s6;
	s7 =	simm.s32 @p2 $0x1082  }
0x22: {  	[simem:s7], [sflag:s8] =	dma.local @!p0 [hbm:s6], $0xF7A  }
0x23: {  	s9 =	sor.u32 $0xD0000000, s2;
	s6 =	simm.s32 $0x108;
	_ =	swait.ge @!p0 [sflag:s8], $0x0  }
0x24: {  	s3 =	sadd.s32 $0x88, s3;
	s6 =	simm.s32 @!p1 $0x1082;
	[sflag:s4] =	ssyncset.s32 $0xFFFFF086  }
0x25: {  	[simem:s6], [sflag:s4] =	dma.local [hbm:s3], $0xF7A  }
0x26: {  	[smem:$0x3F99] =	sst s1;
	(tag) =	ssettag s2;
	_ =	strace s9  }
0x27: {  	s1 =	sld [smem:$0x3FA9]  }
0x28: {  	s2 =	sld [smem:$0x3FAA]  }
0x29: {  	s4 =	sld [smem:$0x3FAC]  }
0x2a: {  	p0 =	seq.s32 s5, $0x0;
	s5 =	sld [smem:$0x3FAD]  }
0x2b: {  	s6 =	sld [smem:$0x3FAE]  }
0x2c: {  	s7 =	sld [smem:$0x3FAF]  }
0x2d: {  	s3 =	simm.s32 $0x108;
	s8 =	sld [smem:$0x3FB0]  }
0x2e: {  	s3 =	simm.s32 @!p0 $0x1082;
	s9 =	sld [smem:$0x3FB1]  }
0x2f: {  	lr =	sadd.s32 s0, s3;
	s0 =	sld [smem:$0x3FA8]  }
0x30: {  	s3 =	sld [smem:$0x3FAB]  }
0x31: {  	[smem:$0x3FB4] =	sst s10  }
0x32: {  	s10 =	sld [smem:$0x3FB2];
	_ =	sdelay $0x3  }
0x33: {  	p0 =	seq.s32 s10, $0x1;
	s10 =	sld [smem:$0x3FB4];
	_ =	sdelay $0x3  }
0x34: {  	[smem:$0x3FB4] =	sst s10  }
0x35: {  	s10 =	sld [smem:$0x3FB3];
	_ =	sdelay $0x3  }
0x36: {  	p1 =	seq.s32 s10, $0x1;
	s10 =	sld [smem:$0x3FB4];
	_ =	sdelay $0x3  }
0x37: {  	[smem:$0x3FB4] =	sst s10  }
0x38: {  	s10 =	sld [smem:$0x3FB5]  }
0x39: {  	_ = 	snop;
	(pc) =	sbr.ind lr, $3  }
0x3a: {  	_ = 	snop  }
0x3b: {  	_ = 	snop  }
0x3c: {  	p2 =	seq.s32 s10, $0x1;
	s10 =	sld [smem:$0x3FB4]  }
0x3d: {  	_ =	shalt  }
0x3e: {  	_ =	shalt  }
0x3f: {  	_ =	shalt  }
0x40: {  	_ =	shalt  }
0x41: {  	_ =	shalt  }
0x42: {  	_ =	shalt  }
0x43: {  	_ =	shalt  }
0x44: {  	_ =	shalt  }
0x45: {  	_ =	shalt  }
0x46: {  	_ =	shalt  }
0x47: {  	_ =	shalt  }
0x48: {  	_ =	shalt  }
0x49: {  	_ =	shalt  }
0x4a: {  	_ =	shalt  }
0x4b: {  	_ =	shalt  }
0x4c: {  	_ =	shalt  }
0x4d: {  	_ =	shalt  }
0x4e: {  	_ =	shalt  }
0x4f: {  	_ =	shalt  }
0x50: {  	_ =	shalt  }
0x51: {  	_ =	shalt  }
0x52: {  	_ =	shalt  }
0x53: {  	_ =	shalt  }
0x54: {  	_ =	shalt  }
0x55: {  	_ =	shalt  }
0x56: {  	_ =	shalt  }
0x57: {  	_ =	shalt  }
0x58: {  	_ =	shalt  }
0x59: {  	_ =	shalt  }
0x5a: {  	_ =	shalt  }
0x5b: {  	_ =	shalt  }
0x5c: {  	_ =	shalt  }
0x5d: {  	_ =	shalt  }
0x5e: {  	_ =	shalt  }
0x5f: {  	_ =	shalt  }
0x60: {  	_ =	shalt  }
0x61: {  	_ =	shalt  }
0x62: {  	_ =	shalt  }
0x63: {  	_ =	shalt  }
0x64: {  	_ =	shalt  }
0x65: {  	_ =	shalt  }
0x66: {  	_ =	shalt  }
0x67: {  	_ =	shalt  }
0x68: {  	_ =	shalt  }
0x69: {  	_ =	shalt  }
0x6a: {  	_ =	shalt  }
0x6b: {  	_ =	shalt  }
0x6c: {  	_ =	shalt  }
0x6d: {  	_ =	shalt  }
0x6e: {  	_ =	shalt  }
0x6f: {  	_ =	shalt  }
0x70: {  	_ =	shalt  }
0x71: {  	_ =	shalt  }
0x72: {  	_ =	shalt  }
0x73: {  	_ =	shalt  }
0x74: {  	_ =	shalt  }
0x75: {  	_ =	shalt  }
0x76: {  	_ =	shalt  }
0x77: {  	_ =	shalt  }
0x78: {  	_ =	shalt  }
0x79: {  	_ =	shalt  }
0x7a: {  	_ =	shalt  }
0x7b: {  	_ =	shalt  }
0x7c: {  	_ =	shalt  }
0x7d: {  	_ =	shalt  }
0x7e: {  	_ =	shalt  }
0x7f: {  	_ =	shalt  }
0x80: {  	_ =	shalt  }
0x81: {  	_ =	shalt  }
0x82: {  	_ =	shalt  }
0x83: {  	_ =	shalt  }
0x84: {  	_ =	shalt  }
0x85: {  	_ =	shalt  }
0x86: {  	_ =	shalt  }
0x87: {  	_ =	shalt  }
.Lfunc_end0:
.L_simem_size_0:
called_computation_lowered:
.L_overlay_start_0:
0x88: {  	s2 =	sld [smem:$0x3FD9]  }
0x89: {  	s3 =	sld [smem:$0x3FFE];
	_ =	sdelay $0x1  }
0x8a: {  	s1 =	srdreg.scid  }
0x8b: {  	s0 =	sand.u32 $0x1, s1  }
0x8c: {  	s16 =	sshll.u32 s0, $0xA;
	s2 =	sadd.s32 s3, s2  }
0x8d: {  	s2 =	sadd.s32 s2, s16  }
0x8e: {  	[smem:$0x3FC0] =	sst s2  }
0x8f: {  	_ = 	snop  }
0x90: {  	(tm) =	ssettm $0x1  }
0x91: {  	s17 =	sld [smem:$0x3FFB];
	_ =	sdelay $0x3  }
0x92: {  	_ =	strace s17  }
0x93: {  	s2 =	sld [smem:$0x3FFC];
	_ =	sdelay $0x3  }
0x94: {  	_ =	strace s2  }
0x95: {  	s2 =	sld [smem:$0x3FFD];
	_ =	sdelay $0x3  }
0x96: {  	_ =	strace s2  }
0x97: {  	_ =	strace $0x8FFFFFFF  }
0x98: {  	s18 =	sld [smem:$0x3FDB];
	_ =	sdelay $0x1  }
0x99: {  	s19 =	simm.s32 $_scs_section_size  }
0x9a: {  	s4 =	simm.s32 $_size__tile_overlayer_lowered;
	s5 =	simm.s32 $_tile_overlayer_lowered  }
0x9b: {  	s22 =	simm.s32 $0x1BFF;
	s21 =	sshll.u32 s5, $0x1;
	s2 =	sadd.s32 s19, s18  }
0x9c: {  	s6 =	simm.s32 $0x0;
	s20 =	sshll.u32 s4, $0x1;
	s4 =	sadd.s32 s21, s2  }
0x9d: {  	[timem:s6], [sflag:s22] =	dma.local [hbm:s4], s20  }
0x9e: {  	_ =	swait.ge [sflag:s22], s20  }
0x9f: {  	s3 =	ssub.s32 $0x0, s20;
	[sflag:s22] =	ssyncset.done $0x0  }
0xa0: {  	[sflag:s22] =	ssyncadd.s32 s3;
	_ =	sdelay $0x1  }
0xa1: {  	s23 =	simm.s32 $0x1B8B  }
0xa2: {  	_ =	swait.ge [sflag:s23], $0x1  }
0xa3: {  	[sflag:s23] =	ssyncset.done $0x0  }
0xa4: {  	s25 =	simm.s32 $0x1B8E;
	s24 =	sld [smem:$0x3FFE];
	[sflag:s23] =	ssyncadd.s32 $0xFFFFFFFF  }
0xa5: {  	s26 =	simm.s32 $execute0_lowered;
	[smem:$0x3FD2] =	sst s25  }
0xa6: {  	s4 =	sshll.u32 s26, $0x1;
	_ =	strace $0x80000046;
	[dreg:$0x1] =	wrdreg $0xFFFFFFFF  }
0xa7: {  	s28 =	simm.s32 $_size_execute0_lowered;
	s2 =	sadd.s32 s2, s4;
	[dreg:$0x0] =	wrdreg $0x0  }
0xa8: {  	s4 =	sshll.u32 s28, $0x1;
	[dreg:$0x2] =	wrdreg s2  }
0xa9: {  	[dreg:$0x3] =	wrdreg s4  }
0xaa: {  	[dreg:$0x4] =	wrdreg $0xC0  }
0xab: {  	_ =	task [dreg:s6], $0x5FFFF  }
0xac: {  	[dreg:$0x1] =	wrdreg $0xFFFFFFFF  }
0xad: {  	[dreg:$0x0] =	wrdreg $0x60  }
0xae: {  	[dreg:$0x2] =	wrdreg s24  }
0xaf: {  	[dreg:$0x3] =	wrdreg $0x9  }
0xb0: {  	_ =	task.clear_ibuf [dreg:s6], $0x4FFFF;
	_ =	strace $0x90000046  }
0xb1: {  	s29 =	simm.s32 $0x9;
	_ =	strace $0x80000048  }
0xb2: {  	_ =	swait.ge [sflag:s29], $0x1  }
0xb3: {  	[sflag:s29] =	ssyncadd.s32 $0xFFFFFFFF  }
0xb4: {  	_ =	strace $0x90000048  }
0xb5: {  	_ =	sfence  }
0xb6: {  	s30 =	sld [smem:$0x0];
	_ =	sdelay $0x2  }
0xb7: {  	s31 =	sshll.u32 s1, $0xD;
	s1 =	sshrl.u32 s1, $0x2  }
0xb8: {  	s3 =	sand.u32 $0x4000, s31;
	s1 =	sadd.s32 s1, s30  }
0xb9: {  	s0 =	sor.u32 s3, s0;
	s1 =	sshll.u32 s1, $0x11  }
0xba: {  	s0 =	sor.u32 s1, s0  }
0xbb: {  	s0 =	sadd.s32 $0x8F2B, s0  }
0xbc: {  	[sflag:s0] =	ssyncadd.remote.s32 $0x1  }
0xbd: {  	_ =	sfence.sel $0xFFFF  }
0xbe: {  	[dreg:$0x0] =	wrdreg $0xFFFFFFFF;
	(pc) =	sbr.abs _section_cstart, $3  }
0xbf: {  	[dreg:$0x1] =	wrdreg $0xFFFFFFFF  }
0xc0: {  	_ =	task.clear_ibuf [dreg:s6], $0x2FFFF;
	_ =	strace $0x9FFFFFFF  }
0xc1: {  	(tm) =	ssettm $0x7FFFFFFF  }
tec
execute0_lowered:
.L_overlay_start_1:
0x0: {  	(tag) =	ssettag $0x1  }
0x1: {  	s0 =	srdreg.scid  }
0x2: {  	s2 =	stileid.u32;
	s1 =	rddreg [dreg:$0x0]  }
0x3: {  	s7 =	simm.s32 $0x7;
	s8 =	simm.s32 $0x64;
	s9 =	simm.s32 $0xD000  }
0x4: {  	s11 =	simm.s32 $0xE900;
	s13 =	simm.s32 $0x10200;
	s14 =	simm.s32 $0x138  }
0x5: {  	s15 =	simm.s32 $0x11B00;
	s16 =	simm.s32 $0x1A0;
	s17 =	simm.s32 $0x13400  }
0x6: {  	s18 =	simm.s32 $0x208;
	s19 =	simm.s32 $0x14D00;
	s20 =	simm.s32 $0x1  }
0x7: {  	s21 =	simm.s32 $0x2;
	s22 =	simm.s32 $0x3;
	s23 =	simm.s32 $0x4  }
0x8: {  	s24 =	simm.s32 $0x5;
	s25 =	simm.s32 $0x6;
	s26 =	simm.s32 $0xCF30  }
0x9: {  	s28 =	simm.s32 $0xCF98;
	s29 =	simm.s32 $0x16600;
	s0 =	sand.u32 $0x1, s0  }
0xa: {  	s3 =	sshll.u32 s2, $0xA;
	s2 =	simm.s32 $0x0;
	s4 =	sshll.u32 s0, $0x9  }
0xb: {  	s30 =	simm.s32 $0x0;
	[smem:$0x7FF] =	sst s2;
	s3 =	sor.u32 s4, s3  }
0xc: {  	s0 =	ssub.s32 $0x2, s0;
	_ =	strace $0x80000047;
	s4 =	smul.u32 $0xD, s3  }
0xd: {  	s31 =	sshrl.u32 s0, $0x1;
	s5 =	sshll.u32 s3, $0x3;
	s3 =	sadd.s32 $0xF43400, s1  }
0xe: {  	s0 =	ssub.s32 s0, s31;
	s4 =	sadd.s32 s4, s1;
	s1 =	sadd.s32 s5, s1  }
0xf: {  	s6 =	smax.u32 s0, $0x1;
	s4 =	sadd.s32 $0x1000, s4;
	s5 =	sadd.s32 $0x35000, s1  }
.LBB2_1:
0x10: {  	[tilespmem:s2], [sflag:$0x7] =	stream.linear.gather [hbm4b:s4+s2], $0xD000, $0x38;
	[tilespmem:$0x1E600] =	vst v63  }
0x11: {  	_ =	swait.ge [sflag:s7], $0xD000  }
0x12: {  	[sflag:s7] =	ssyncset.done $0x0  }
0x13: {  	[sflag:s7] =	ssyncadd.s32 $0xFFFF3000  }
0x14: {  	[tilespmem:s9], [sflag:$0x1] =	stream.indirect.gather [hbm4b:s3+s8], $0x40, s2, s8, $0xb8;
	[tilespmem:$0x1E600] =	vst v63  }
0x15: {  	s0 =	simm.s32 $0x68  }
0x16: {  	[tilespmem:s11], [sflag:$0x2] =	stream.indirect.gather [hbm4b:s3+s8], $0x40, s0, s8, $0xb8;
	[tilespmem:$0x1E600] =	vst v63  }
0x17: {  	s12 =	simm.s32 $0xD0  }
0x18: {  	[tilespmem:s13], [sflag:$0x3] =	stream.indirect.gather [hbm4b:s3+s8], $0x40, s12, s8, $0xb8;
	[tilespmem:$0x1E600] =	vst v63  }
0x19: {  	_ = 	snop  }
0x1a: {  	[tilespmem:s15], [sflag:$0x4] =	stream.indirect.gather [hbm4b:s3+s8], $0x40, s14, s8, $0xb8;
	[tilespmem:$0x1E600] =	vst v63  }
0x1b: {  	_ = 	snop  }
0x1c: {  	[tilespmem:s17], [sflag:$0x5] =	stream.indirect.gather [hbm4b:s3+s8], $0x40, s16, s8, $0xb8;
	[tilespmem:$0x1E600] =	vst v63  }
0x1d: {  	s31 =	simm.s32 $0x0  }
0x1e: {  	[tilespmem:s19], [sflag:$0x6] =	stream.indirect.gather [hbm4b:s3+s8], $0x40, s18, s8, $0xb8;
	[tilespmem:$0x1E600] =	vst v63  }
.LBB2_2:
0x1f: {  	_ =	swait.ge [sflag:s20], $0x1900  }
0x20: {  	[sflag:s20] =	ssyncset.done $0x0  }
0x21: {  	s1 =	simm.s32 $0xD080;
	[sflag:s20] =	ssyncadd.s32 $0xFFFFE700  }
0x22: {  	v2 =	vld [tilespmem:s1+$0xFFFFFF80]  }
0x23: {  	v6 =	vld [tilespmem:s1+$0x0]  }
0x24: {  	v1 =	vld [tilespmem:s1+$0xFFFFFFD0]  }
0x25: {  	v0 =	vld [tilespmem:s1+$0xFFFFFFE0]  }
0x26: {  	v15 =	vld [tilespmem:s1+$0xFFFFFFC0]  }
0x27: {  	v3 =	vld [tilespmem:s1+$0xFFFFFFB0]  }
0x28: {  	v10 =	vld [tilespmem:s1+$0xFFFFFFF0]  }
0x29: {  	v16 =	vimm.f32 $0.0e+00;
	v7 =	vld [tilespmem:s1+$0xFFFFFFA0]  }
0x2a: {  	v9 =	vld [tilespmem:s1+$0x40];
	v4 =	vadd.f32 v2, v16  }
0x2b: {  	v5 =	vld [tilespmem:s1+$0xFFFFFF90]  }
0x2c: {  	v12 =	vld [tilespmem:s1+$0x30];
	v18 =	vmul.f32 v2, v2;
	v13 =	vmul.f32 v3, v3;
	v11 =	vadd.f32 v15, v4  }
0x2d: {  	v24 =	vimm.f32 $0.0e+00;
	v2 =	vld [tilespmem:s1+$0x70];
	v8 =	vmul.f32 v0, v0;
	v23 =	vmul.f32 v10, v10  }
0x2e: {  	v19 =	vmul.f32 v7, v7;
	v22 =	vadd.f32 v13, v16;
	v20 =	vadd.f32 v6, v11;
	v11 =	vld [tilespmem:s1+$0x60]  }
0x2f: {  	v17 =	vadd.f32 v3, v16;
	v3 =	vld [tilespmem:s1+$0x50];
	v14 =	vmul.f32 v6, v6;
	v21 =	vmul.f32 v15, v15  }
0x30: {  	v4 =	vmul.f32 v1, v1;
	v15 =	vld [tilespmem:s1+$0x10];
	v22 =	vadd.f32 v23, v22;
	v23 =	vimm.f32 $0.0e+00  }
0x31: {  	s0 =	simm.s32 $0x0;
	v6 =	vld [tilespmem:s1+$0x20];
	s1 =	simm.s32 $0xD180;
	v13 =	vadd.f32 v9, v20;
	v20 =	vadd.f32 v18, v16;
	v18 =	vimm.f32 $0.0e+00  }
.LBB2_3:
0x32: {  	v25 =	vld [tilespmem:s1+$0xFFFFFF80];
	s0 =	sadd.s32 $0x4, s0;
	v16 =	vadd.f32 v5, v16;
	v19 =	vadd.f32 v19, v24;
	v24 =	vmul.f32 v12, v12  }
0x33: {  	v7 =	vadd.f32 v7, v23;
	v23 =	vmul.f32 v5, v5;
	v10 =	vadd.f32 v10, v17;
	v26 =	vld [tilespmem:s1+$0x0];
	p0 =	slt.u32 s0, $0x60;
	v27 =	vmovc v11  }
0x34: {  	v9 =	vmul.f32 v9, v9;
	v20 =	vadd.f32 v21, v20;
	v17 =	vld [tilespmem:s1+$0xFFFFFFD0];
	v21 =	vadd.f32 v24, v22  }
0x35: {  	v22 =	vadd.f32 v0, v7;
	v19 =	vadd.f32 v8, v19;
	v24 =	vmul.f32 v11, v27;
	v0 =	vld [tilespmem:s1+$0xFFFFFFE0]  }
0x36: {  	v8 =	vadd.f32 v23, v18;
	v7 =	vadd.f32 v12, v10;
	v10 =	vmul.f32 v2, v2;
	v5 =	vld [tilespmem:s1+$0xFFFFFF90]  }
0x37: {  	v12 =	vadd.f32 v1, v16;
	v11 =	vadd.f32 v25, v13;
	v25 =	vmul.f32 v25, v25;
	v28 =	vld [tilespmem:s1+$0xFFFFFFC0]  }
0x38: {  	v14 =	vadd.f32 v14, v20;
	v20 =	vmul.f32 v3, v3;
	v18 =	vadd.f32 v2, v7;
	v13 =	vld [tilespmem:s1+$0xFFFFFFB0]  }
0x39: {  	v2 =	vadd.f32 v4, v8;
	v4 =	vmul.f32 v15, v15;
	v21 =	vadd.f32 v10, v21;
	v7 =	vld [tilespmem:s1+$0xFFFFFFA0];
	v1 =	vmovc v17  }
0x3a: {  	v12 =	vadd.f32 v15, v12;
	v15 =	vmul.f32 v6, v6;
	v29 =	vadd.f32 v9, v14;
	v10 =	vld [tilespmem:s1+$0xFFFFFFF0]  }
0x3b: {  	v6 =	vadd.f32 v6, v22;
	v14 =	vadd.f32 v4, v2;
	v8 =	vmul.f32 v0, v0;
	v9 =	vld [tilespmem:s1+$0x40]  }
0x3c: {  	v16 =	vadd.f32 v3, v12;
	v4 =	vmul.f32 v17, v1;
	v11 =	vadd.f32 v28, v11;
	v2 =	vld [tilespmem:s1+$0x70]  }
.Ltmp0:
0x3d: {  	v15 =	vadd.f32 v15, v19;
	v17 =	vadd.f32 v13, v18;
	v3 =	vmul.f32 v13, v13;
	v12 =	vld [tilespmem:s1+$0x30];
	(pc) =	sbr.rel @p0 .LBB2_3-.Ltmp0, $4  }
0x3e: {  	v18 =	vadd.f32 v20, v14;
	v19 =	vmul.f32 v7, v7;
	v13 =	vadd.f32 v26, v11;
	v11 =	vld [tilespmem:s1+$0x60]  }
0x3f: {  	v23 =	vadd.f32 v27, v6;
	v22 =	vadd.f32 v3, v21;
	v30 =	vmul.f32 v10, v10;
	v3 =	vld [tilespmem:s1+$0x50]  }
0x40: {  	v24 =	vadd.f32 v24, v15;
	v14 =	vmul.f32 v26, v26;
	v6 =	vld [tilespmem:s1+$0x20];
	v13 =	vadd.f32 v9, v13  }
0x41: {  	v20 =	vadd.f32 v25, v29;
	v21 =	vmul.f32 v28, v28;
	v22 =	vadd.f32 v30, v22;
	v15 =	vld [tilespmem:s1+$0x10];
	s1 =	sadd.s32 $0x100, s1  }
0x42: {  	v16 =	vadd.f32 v5, v16;
	v19 =	vadd.f32 v19, v24;
	v24 =	vmul.f32 v12, v12  }
0x43: {  	v7 =	vadd.f32 v7, v23;
	v10 =	vadd.f32 v10, v17  }
0x44: {  	v5 =	vmul.f32 v5, v5;
	v17 =	vadd.f32 v21, v20;
	v20 =	vadd.f32 v24, v22  }
0x45: {  	v9 =	vmul.f32 v9, v9;
	v0 =	vadd.f32 v0, v7;
	v7 =	vadd.f32 v8, v19  }
0x46: {  	v8 =	vmul.f32 v11, v11;
	v5 =	vadd.f32 v5, v18;
	v1 =	vadd.f32 v1, v16  }
0x47: {  	v10 =	vadd.f32 v12, v10;
	v12 =	vmul.f32 v2, v2;
	v14 =	vadd.f32 v14, v17  }
0x48: {  	v4 =	vadd.f32 v4, v5;
	v5 =	vmul.f32 v15, v15;
	v1 =	vadd.f32 v15, v1  }
0x49: {  	v15 =	vmul.f32 v6, v6;
	v0 =	vadd.f32 v6, v0;
	v9 =	vadd.f32 v9, v14  }
0x4a: {  	v6 =	vmul.f32 v3, v3;
	v4 =	vadd.f32 v5, v4;
	v1 =	vadd.f32 v3, v1  }
0x4b: {  	v3 =	vadd.f32 v15, v7;
	v0 =	vadd.f32 v11, v0;
	v5 =	vmul.f32 v13, v13  }
0x4c: {  	v2 =	vadd.f32 v2, v10;
	v4 =	vadd.f32 v6, v4;
	v1 =	vmul.f32 v1, v1  }
0x4d: {  	v3 =	vadd.f32 v8, v3;
	v5 =	vsub.f32 v5, v9;
	v0 =	vmul.f32 v0, v0  }
0x4e: {  	s0 =	smul.u32 $0x600, s31;
	v2 =	vmul.f32 v2, v2;
	v6 =	vadd.f32 v12, v20;
	v1 =	vsub.f32 v1, v4  }
0x4f: {  	v4 =	vmul.f32 $5.000000000e-01, v5;
	v0 =	vsub.f32 v0, v3  }
0x50: {  	s1 =	sshra.s32 s0, $0x2;
	v2 =	vsub.f32 v2, v6;
	v1 =	vmul.f32 $5.000000000e-01, v1  }
0x51: {  	s12 =	smul.u32 $0x9C0, s31;
	[tilespmem:s1+$0x16600] =	vst v4;
	v0 =	vmul.f32 $5.000000000e-01, v0  }
0x52: {  	[tilespmem:s1+$0x16610] =	vst v1;
	v1 =	vmul.f32 $5.000000000e-01, v2  }
0x53: {  	s0 =	sshra.s32 s12, $0x2;
	[tilespmem:s1+$0x16620] =	vst v0  }
0x54: {  	s10 =	sadd.s32 $0x270, s0;
	[tilespmem:s1+$0x16630] =	vst v1  }
0x55: {  	[tilespmem:s9], [sflag:$0x1] =	stream.indirect.gather [hbm4b:s3+s8], $0x40, s10, s8, $0xb8;
	[tilespmem:$0x1E600] =	vst v63  }
0x56: {  	_ =	swait.ge [sflag:s21], $0x1900  }
0x57: {  	[sflag:s21] =	ssyncset.done $0x0  }
0x58: {  	s12 =	simm.s32 $0xE980;
	[sflag:s21] =	ssyncadd.s32 $0xFFFFE700  }
0x59: {  	v2 =	vld [tilespmem:s12+$0xFFFFFF80]  }
0x5a: {  	v6 =	vld [tilespmem:s12+$0x0]  }
0x5b: {  	v1 =	vld [tilespmem:s12+$0xFFFFFFD0]  }
0x5c: {  	v0 =	vld [tilespmem:s12+$0xFFFFFFE0]  }
0x5d: {  	v15 =	vld [tilespmem:s12+$0xFFFFFFC0]  }
0x5e: {  	v3 =	vld [tilespmem:s12+$0xFFFFFFB0]  }
0x5f: {  	v10 =	vld [tilespmem:s12+$0xFFFFFFF0]  }
0x60: {  	v16 =	vimm.f32 $0.0e+00;
	v7 =	vld [tilespmem:s12+$0xFFFFFFA0]  }
0x61: {  	v9 =	vld [tilespmem:s12+$0x40];
	v4 =	vadd.f32 v2, v16  }
0x62: {  	v5 =	vld [tilespmem:s12+$0xFFFFFF90]  }
0x63: {  	v12 =	vld [tilespmem:s12+$0x30];
	v18 =	vmul.f32 v2, v2;
	v13 =	vmul.f32 v3, v3;
	v11 =	vadd.f32 v15, v4  }
0x64: {  	v24 =	vimm.f32 $0.0e+00;
	v2 =	vld [tilespmem:s12+$0x70];
	v8 =	vmul.f32 v0, v0;
	v23 =	vmul.f32 v10, v10  }
0x65: {  	v19 =	vmul.f32 v7, v7;
	v22 =	vadd.f32 v13, v16;
	v20 =	vadd.f32 v6, v11;
	v11 =	vld [tilespmem:s12+$0x60]  }
0x66: {  	v17 =	vadd.f32 v3, v16;
	v3 =	vld [tilespmem:s12+$0x50];
	v14 =	vmul.f32 v6, v6;
	v21 =	vmul.f32 v15, v15  }
0x67: {  	v4 =	vmul.f32 v1, v1;
	v15 =	vld [tilespmem:s12+$0x10];
	v22 =	vadd.f32 v23, v22;
	v23 =	vimm.f32 $0.0e+00  }
0x68: {  	s10 =	simm.s32 $0x0;
	v6 =	vld [tilespmem:s12+$0x20];
	s12 =	simm.s32 $0xEA80;
	v13 =	vadd.f32 v9, v20;
	v20 =	vadd.f32 v18, v16;
	v18 =	vimm.f32 $0.0e+00  }
.LBB2_5:
0x69: {  	v25 =	vld [tilespmem:s12+$0xFFFFFF80];
	s10 =	sadd.s32 $0x4, s10;
	v16 =	vadd.f32 v5, v16;
	v19 =	vadd.f32 v19, v24;
	v24 =	vmul.f32 v12, v12  }
0x6a: {  	v7 =	vadd.f32 v7, v23;
	v23 =	vmul.f32 v5, v5;
	v10 =	vadd.f32 v10, v17;
	v26 =	vld [tilespmem:s12+$0x0];
	p0 =	slt.u32 s10, $0x60;
	v27 =	vmovc v11  }
0x6b: {  	v9 =	vmul.f32 v9, v9;
	v20 =	vadd.f32 v21, v20;
	v17 =	vld [tilespmem:s12+$0xFFFFFFD0];
	v21 =	vadd.f32 v24, v22  }
0x6c: {  	v22 =	vadd.f32 v0, v7;
	v19 =	vadd.f32 v8, v19;
	v24 =	vmul.f32 v11, v27;
	v0 =	vld [tilespmem:s12+$0xFFFFFFE0]  }
0x6d: {  	v8 =	vadd.f32 v23, v18;
	v7 =	vadd.f32 v12, v10;
	v10 =	vmul.f32 v2, v2;
	v5 =	vld [tilespmem:s12+$0xFFFFFF90]  }
0x6e: {  	v12 =	vadd.f32 v1, v16;
	v11 =	vadd.f32 v25, v13;
	v25 =	vmul.f32 v25, v25;
	v28 =	vld [tilespmem:s12+$0xFFFFFFC0]  }
0x6f: {  	v14 =	vadd.f32 v14, v20;
	v20 =	vmul.f32 v3, v3;
	v18 =	vadd.f32 v2, v7;
	v13 =	vld [tilespmem:s12+$0xFFFFFFB0]  }
0x70: {  	v2 =	vadd.f32 v4, v8;
	v4 =	vmul.f32 v15, v15;
	v21 =	vadd.f32 v10, v21;
	v7 =	vld [tilespmem:s12+$0xFFFFFFA0];
	v1 =	vmovc v17  }
0x71: {  	v12 =	vadd.f32 v15, v12;
	v15 =	vmul.f32 v6, v6;
	v29 =	vadd.f32 v9, v14;
	v10 =	vld [tilespmem:s12+$0xFFFFFFF0]  }
0x72: {  	v6 =	vadd.f32 v6, v22;
	v14 =	vadd.f32 v4, v2;
	v8 =	vmul.f32 v0, v0;
	v9 =	vld [tilespmem:s12+$0x40]  }
0x73: {  	v16 =	vadd.f32 v3, v12;
	v4 =	vmul.f32 v17, v1;
	v11 =	vadd.f32 v28, v11;
	v2 =	vld [tilespmem:s12+$0x70]  }
.Ltmp1:
0x74: {  	v15 =	vadd.f32 v15, v19;
	v17 =	vadd.f32 v13, v18;
	v3 =	vmul.f32 v13, v13;
	v12 =	vld [tilespmem:s12+$0x30];
	(pc) =	sbr.rel @p0 .LBB2_5-.Ltmp1, $4  }
0x75: {  	v18 =	vadd.f32 v20, v14;
	v19 =	vmul.f32 v7, v7;
	v13 =	vadd.f32 v26, v11;
	v11 =	vld [tilespmem:s12+$0x60]  }
0x76: {  	v23 =	vadd.f32 v27, v6;
	v22 =	vadd.f32 v3, v21;
	v30 =	vmul.f32 v10, v10;
	v3 =	vld [tilespmem:s12+$0x50]  }
0x77: {  	v24 =	vadd.f32 v24, v15;
	v14 =	vmul.f32 v26, v26;
	v6 =	vld [tilespmem:s12+$0x20];
	v13 =	vadd.f32 v9, v13  }
0x78: {  	v20 =	vadd.f32 v25, v29;
	v21 =	vmul.f32 v28, v28;
	v22 =	vadd.f32 v30, v22;
	v15 =	vld [tilespmem:s12+$0x10];
	s12 =	sadd.s32 $0x100, s12  }
0x79: {  	v16 =	vadd.f32 v5, v16;
	v19 =	vadd.f32 v19, v24;
	v24 =	vmul.f32 v12, v12  }
0x7a: {  	v7 =	vadd.f32 v7, v23;
	v10 =	vadd.f32 v10, v17  }
0x7b: {  	v5 =	vmul.f32 v5, v5;
	v17 =	vadd.f32 v21, v20;
	v20 =	vadd.f32 v24, v22  }
0x7c: {  	v9 =	vmul.f32 v9, v9;
	v0 =	vadd.f32 v0, v7;
	v7 =	vadd.f32 v8, v19  }
0x7d: {  	v8 =	vmul.f32 v11, v11;
	v5 =	vadd.f32 v5, v18;
	v1 =	vadd.f32 v1, v16  }
0x7e: {  	v10 =	vadd.f32 v12, v10;
	v12 =	vmul.f32 v2, v2;
	v14 =	vadd.f32 v14, v17  }
0x7f: {  	v4 =	vadd.f32 v4, v5;
	v5 =	vmul.f32 v15, v15;
	v1 =	vadd.f32 v15, v1  }
0x80: {  	v15 =	vmul.f32 v6, v6;
	v0 =	vadd.f32 v6, v0;
	v9 =	vadd.f32 v9, v14  }
0x81: {  	v6 =	vmul.f32 v3, v3;
	v4 =	vadd.f32 v5, v4;
	v1 =	vadd.f32 v3, v1  }
0x82: {  	v3 =	vadd.f32 v15, v7;
	v0 =	vadd.f32 v11, v0;
	v5 =	vmul.f32 v13, v13  }
0x83: {  	v2 =	vadd.f32 v2, v10;
	v4 =	vadd.f32 v6, v4;
	v1 =	vmul.f32 v1, v1  }
0x84: {  	v3 =	vadd.f32 v8, v3;
	v5 =	vsub.f32 v5, v9;
	v0 =	vmul.f32 v0, v0  }
0x85: {  	v2 =	vmul.f32 v2, v2;
	v6 =	vadd.f32 v12, v20;
	v1 =	vsub.f32 v1, v4  }
0x86: {  	v4 =	vmul.f32 $5.000000000e-01, v5;
	v0 =	vsub.f32 v0, v3  }
0x87: {  	v2 =	vsub.f32 v2, v6;
	v1 =	vmul.f32 $5.000000000e-01, v1  }
0x88: {  	[tilespmem:s1+$0x16640] =	vst v4;
	v0 =	vmul.f32 $5.000000000e-01, v0  }
0x89: {  	[tilespmem:s1+$0x16650] =	vst v1;
	v1 =	vmul.f32 $5.000000000e-01, v2  }
0x8a: {  	[tilespmem:s1+$0x16660] =	vst v0  }
0x8b: {  	s10 =	sadd.s32 $0x2D8, s0;
	[tilespmem:s1+$0x16670] =	vst v1  }
0x8c: {  	[tilespmem:s11], [sflag:$0x2] =	stream.indirect.gather [hbm4b:s3+s8], $0x40, s10, s8, $0xb8;
	[tilespmem:$0x1E600] =	vst v63  }
0x8d: {  	_ =	swait.ge [sflag:s22], $0x1900  }
0x8e: {  	[sflag:s22] =	ssyncset.done $0x0  }
0x8f: {  	s12 =	simm.s32 $0x10280;
	[sflag:s22] =	ssyncadd.s32 $0xFFFFE700  }
0x90: {  	v2 =	vld [tilespmem:s12+$0xFFFFFF80]  }
0x91: {  	v6 =	vld [tilespmem:s12+$0x0]  }
0x92: {  	v1 =	vld [tilespmem:s12+$0xFFFFFFD0]  }
0x93: {  	v0 =	vld [tilespmem:s12+$0xFFFFFFE0]  }
0x94: {  	v15 =	vld [tilespmem:s12+$0xFFFFFFC0]  }
0x95: {  	v3 =	vld [tilespmem:s12+$0xFFFFFFB0]  }
0x96: {  	v10 =	vld [tilespmem:s12+$0xFFFFFFF0]  }
0x97: {  	v16 =	vimm.f32 $0.0e+00;
	v7 =	vld [tilespmem:s12+$0xFFFFFFA0]  }
0x98: {  	v9 =	vld [tilespmem:s12+$0x40];
	v4 =	vadd.f32 v2, v16  }
0x99: {  	v5 =	vld [tilespmem:s12+$0xFFFFFF90]  }
0x9a: {  	v12 =	vld [tilespmem:s12+$0x30];
	v18 =	vmul.f32 v2, v2;
	v13 =	vmul.f32 v3, v3;
	v11 =	vadd.f32 v15, v4  }
0x9b: {  	v24 =	vimm.f32 $0.0e+00;
	v2 =	vld [tilespmem:s12+$0x70];
	v8 =	vmul.f32 v0, v0;
	v23 =	vmul.f32 v10, v10  }
0x9c: {  	v19 =	vmul.f32 v7, v7;
	v22 =	vadd.f32 v13, v16;
	v20 =	vadd.f32 v6, v11;
	v11 =	vld [tilespmem:s12+$0x60]  }
0x9d: {  	v17 =	vadd.f32 v3, v16;
	v3 =	vld [tilespmem:s12+$0x50];
	v14 =	vmul.f32 v6, v6;
	v21 =	vmul.f32 v15, v15  }
0x9e: {  	v4 =	vmul.f32 v1, v1;
	v15 =	vld [tilespmem:s12+$0x10];
	v22 =	vadd.f32 v23, v22;
	v23 =	vimm.f32 $0.0e+00  }
0x9f: {  	s10 =	simm.s32 $0x0;
	v6 =	vld [tilespmem:s12+$0x20];
	s12 =	simm.s32 $0x10380;
	v13 =	vadd.f32 v9, v20;
	v20 =	vadd.f32 v18, v16;
	v18 =	vimm.f32 $0.0e+00  }
.LBB2_7:
0xa0: {  	v25 =	vld [tilespmem:s12+$0xFFFFFF80];
	s10 =	sadd.s32 $0x4, s10;
	v16 =	vadd.f32 v5, v16;
	v19 =	vadd.f32 v19, v24;
	v24 =	vmul.f32 v12, v12  }
0xa1: {  	v7 =	vadd.f32 v7, v23;
	v23 =	vmul.f32 v5, v5;
	v10 =	vadd.f32 v10, v17;
	v26 =	vld [tilespmem:s12+$0x0];
	p0 =	slt.u32 s10, $0x60;
	v27 =	vmovc v11  }
0xa2: {  	v9 =	vmul.f32 v9, v9;
	v20 =	vadd.f32 v21, v20;
	v17 =	vld [tilespmem:s12+$0xFFFFFFD0];
	v21 =	vadd.f32 v24, v22  }
0xa3: {  	v22 =	vadd.f32 v0, v7;
	v19 =	vadd.f32 v8, v19;
	v24 =	vmul.f32 v11, v27;
	v0 =	vld [tilespmem:s12+$0xFFFFFFE0]  }
0xa4: {  	v8 =	vadd.f32 v23, v18;
	v7 =	vadd.f32 v12, v10;
	v10 =	vmul.f32 v2, v2;
	v5 =	vld [tilespmem:s12+$0xFFFFFF90]  }
0xa5: {  	v12 =	vadd.f32 v1, v16;
	v11 =	vadd.f32 v25, v13;
	v25 =	vmul.f32 v25, v25;
	v28 =	vld [tilespmem:s12+$0xFFFFFFC0]  }
0xa6: {  	v14 =	vadd.f32 v14, v20;
	v20 =	vmul.f32 v3, v3;
	v18 =	vadd.f32 v2, v7;
	v13 =	vld [tilespmem:s12+$0xFFFFFFB0]  }
0xa7: {  	v2 =	vadd.f32 v4, v8;
	v4 =	vmul.f32 v15, v15;
	v21 =	vadd.f32 v10, v21;
	v7 =	vld [tilespmem:s12+$0xFFFFFFA0];
	v1 =	vmovc v17  }
0xa8: {  	v12 =	vadd.f32 v15, v12;
	v15 =	vmul.f32 v6, v6;
	v29 =	vadd.f32 v9, v14;
	v10 =	vld [tilespmem:s12+$0xFFFFFFF0]  }
0xa9: {  	v6 =	vadd.f32 v6, v22;
	v14 =	vadd.f32 v4, v2;
	v8 =	vmul.f32 v0, v0;
	v9 =	vld [tilespmem:s12+$0x40]  }
0xaa: {  	v16 =	vadd.f32 v3, v12;
	v4 =	vmul.f32 v17, v1;
	v11 =	vadd.f32 v28, v11;
	v2 =	vld [tilespmem:s12+$0x70]  }
.Ltmp2:
0xab: {  	v15 =	vadd.f32 v15, v19;
	v17 =	vadd.f32 v13, v18;
	v3 =	vmul.f32 v13, v13;
	v12 =	vld [tilespmem:s12+$0x30];
	(pc) =	sbr.rel @p0 .LBB2_7-.Ltmp2, $4  }
0xac: {  	v18 =	vadd.f32 v20, v14;
	v19 =	vmul.f32 v7, v7;
	v13 =	vadd.f32 v26, v11;
	v11 =	vld [tilespmem:s12+$0x60]  }
0xad: {  	v23 =	vadd.f32 v27, v6;
	v22 =	vadd.f32 v3, v21;
	v30 =	vmul.f32 v10, v10;
	v3 =	vld [tilespmem:s12+$0x50]  }
0xae: {  	v24 =	vadd.f32 v24, v15;
	v14 =	vmul.f32 v26, v26;
	v6 =	vld [tilespmem:s12+$0x20];
	v13 =	vadd.f32 v9, v13  }
0xaf: {  	v20 =	vadd.f32 v25, v29;
	v21 =	vmul.f32 v28, v28;
	v22 =	vadd.f32 v30, v22;
	v15 =	vld [tilespmem:s12+$0x10];
	s12 =	sadd.s32 $0x100, s12  }
0xb0: {  	v16 =	vadd.f32 v5, v16;
	v19 =	vadd.f32 v19, v24;
	v24 =	vmul.f32 v12, v12  }
0xb1: {  	v7 =	vadd.f32 v7, v23;
	v10 =	vadd.f32 v10, v17  }
0xb2: {  	v5 =	vmul.f32 v5, v5;
	v17 =	vadd.f32 v21, v20;
	v20 =	vadd.f32 v24, v22  }
0xb3: {  	v9 =	vmul.f32 v9, v9;
	v0 =	vadd.f32 v0, v7;
	v7 =	vadd.f32 v8, v19  }
0xb4: {  	v8 =	vmul.f32 v11, v11;
	v5 =	vadd.f32 v5, v18;
	v1 =	vadd.f32 v1, v16  }
0xb5: {  	v10 =	vadd.f32 v12, v10;
	v12 =	vmul.f32 v2, v2;
	v14 =	vadd.f32 v14, v17  }
0xb6: {  	v4 =	vadd.f32 v4, v5;
	v5 =	vmul.f32 v15, v15;
	v1 =	vadd.f32 v15, v1  }
0xb7: {  	v15 =	vmul.f32 v6, v6;
	v0 =	vadd.f32 v6, v0;
	v9 =	vadd.f32 v9, v14  }
0xb8: {  	v6 =	vmul.f32 v3, v3;
	v4 =	vadd.f32 v5, v4;
	v1 =	vadd.f32 v3, v1  }
0xb9: {  	v3 =	vadd.f32 v15, v7;
	v0 =	vadd.f32 v11, v0;
	v5 =	vmul.f32 v13, v13  }
0xba: {  	v2 =	vadd.f32 v2, v10;
	v4 =	vadd.f32 v6, v4;
	v1 =	vmul.f32 v1, v1  }
0xbb: {  	v3 =	vadd.f32 v8, v3;
	v5 =	vsub.f32 v5, v9;
	v0 =	vmul.f32 v0, v0  }
0xbc: {  	v2 =	vmul.f32 v2, v2;
	v6 =	vadd.f32 v12, v20;
	v1 =	vsub.f32 v1, v4  }
0xbd: {  	v4 =	vmul.f32 $5.000000000e-01, v5;
	v0 =	vsub.f32 v0, v3  }
0xbe: {  	v2 =	vsub.f32 v2, v6;
	v1 =	vmul.f32 $5.000000000e-01, v1  }
0xbf: {  	[tilespmem:s1+$0x16680] =	vst v4;
	v0 =	vmul.f32 $5.000000000e-01, v0  }
0xc0: {  	[tilespmem:s1+$0x16690] =	vst v1;
	v1 =	vmul.f32 $5.000000000e-01, v2  }
0xc1: {  	[tilespmem:s1+$0x166A0] =	vst v0  }
0xc2: {  	s10 =	sadd.s32 $0x340, s0;
	[tilespmem:s1+$0x166B0] =	vst v1  }
0xc3: {  	[tilespmem:s13], [sflag:$0x3] =	stream.indirect.gather [hbm4b:s3+s8], $0x40, s10, s8, $0xb8;
	[tilespmem:$0x1E600] =	vst v63  }
0xc4: {  	_ =	swait.ge [sflag:s23], $0x1900  }
0xc5: {  	[sflag:s23] =	ssyncset.done $0x0  }
0xc6: {  	s12 =	simm.s32 $0x11B80;
	[sflag:s23] =	ssyncadd.s32 $0xFFFFE700  }
0xc7: {  	v2 =	vld [tilespmem:s12+$0xFFFFFF80]  }
0xc8: {  	v6 =	vld [tilespmem:s12+$0x0]  }
0xc9: {  	v1 =	vld [tilespmem:s12+$0xFFFFFFD0]  }
0xca: {  	v0 =	vld [tilespmem:s12+$0xFFFFFFE0]  }
0xcb: {  	v15 =	vld [tilespmem:s12+$0xFFFFFFC0]  }
0xcc: {  	v3 =	vld [tilespmem:s12+$0xFFFFFFB0]  }
0xcd: {  	v10 =	vld [tilespmem:s12+$0xFFFFFFF0]  }
0xce: {  	v16 =	vimm.f32 $0.0e+00;
	v7 =	vld [tilespmem:s12+$0xFFFFFFA0]  }
0xcf: {  	v9 =	vld [tilespmem:s12+$0x40];
	v4 =	vadd.f32 v2, v16  }
0xd0: {  	v5 =	vld [tilespmem:s12+$0xFFFFFF90]  }
0xd1: {  	v12 =	vld [tilespmem:s12+$0x30];
	v18 =	vmul.f32 v2, v2;
	v13 =	vmul.f32 v3, v3;
	v11 =	vadd.f32 v15, v4  }
0xd2: {  	v24 =	vimm.f32 $0.0e+00;
	v2 =	vld [tilespmem:s12+$0x70];
	v8 =	vmul.f32 v0, v0;
	v23 =	vmul.f32 v10, v10  }
0xd3: {  	v19 =	vmul.f32 v7, v7;
	v22 =	vadd.f32 v13, v16;
	v20 =	vadd.f32 v6, v11;
	v11 =	vld [tilespmem:s12+$0x60]  }
0xd4: {  	v17 =	vadd.f32 v3, v16;
	v3 =	vld [tilespmem:s12+$0x50];
	v14 =	vmul.f32 v6, v6;
	v21 =	vmul.f32 v15, v15  }
0xd5: {  	v4 =	vmul.f32 v1, v1;
	v15 =	vld [tilespmem:s12+$0x10];
	v22 =	vadd.f32 v23, v22;
	v23 =	vimm.f32 $0.0e+00  }
0xd6: {  	s10 =	simm.s32 $0x0;
	v6 =	vld [tilespmem:s12+$0x20];
	s12 =	simm.s32 $0x11C80;
	v13 =	vadd.f32 v9, v20;
	v20 =	vadd.f32 v18, v16;
	v18 =	vimm.f32 $0.0e+00  }
.LBB2_9:
0xd7: {  	v25 =	vld [tilespmem:s12+$0xFFFFFF80];
	s10 =	sadd.s32 $0x4, s10;
	v16 =	vadd.f32 v5, v16;
	v19 =	vadd.f32 v19, v24;
	v24 =	vmul.f32 v12, v12  }
0xd8: {  	v7 =	vadd.f32 v7, v23;
	v23 =	vmul.f32 v5, v5;
	v10 =	vadd.f32 v10, v17;
	v26 =	vld [tilespmem:s12+$0x0];
	p0 =	slt.u32 s10, $0x60;
	v27 =	vmovc v11  }
0xd9: {  	v9 =	vmul.f32 v9, v9;
	v20 =	vadd.f32 v21, v20;
	v17 =	vld [tilespmem:s12+$0xFFFFFFD0];
	v21 =	vadd.f32 v24, v22  }
0xda: {  	v22 =	vadd.f32 v0, v7;
	v19 =	vadd.f32 v8, v19;
	v24 =	vmul.f32 v11, v27;
	v0 =	vld [tilespmem:s12+$0xFFFFFFE0]  }
0xdb: {  	v8 =	vadd.f32 v23, v18;
	v7 =	vadd.f32 v12, v10;
	v10 =	vmul.f32 v2, v2;
	v5 =	vld [tilespmem:s12+$0xFFFFFF90]  }
0xdc: {  	v12 =	vadd.f32 v1, v16;
	v11 =	vadd.f32 v25, v13;
	v25 =	vmul.f32 v25, v25;
	v28 =	vld [tilespmem:s12+$0xFFFFFFC0]  }
0xdd: {  	v14 =	vadd.f32 v14, v20;
	v20 =	vmul.f32 v3, v3;
	v18 =	vadd.f32 v2, v7;
	v13 =	vld [tilespmem:s12+$0xFFFFFFB0]  }
0xde: {  	v2 =	vadd.f32 v4, v8;
	v4 =	vmul.f32 v15, v15;
	v21 =	vadd.f32 v10, v21;
	v7 =	vld [tilespmem:s12+$0xFFFFFFA0];
	v1 =	vmovc v17  }
0xdf: {  	v12 =	vadd.f32 v15, v12;
	v15 =	vmul.f32 v6, v6;
	v29 =	vadd.f32 v9, v14;
	v10 =	vld [tilespmem:s12+$0xFFFFFFF0]  }
0xe0: {  	v6 =	vadd.f32 v6, v22;
	v14 =	vadd.f32 v4, v2;
	v8 =	vmul.f32 v0, v0;
	v9 =	vld [tilespmem:s12+$0x40]  }
0xe1: {  	v16 =	vadd.f32 v3, v12;
	v4 =	vmul.f32 v17, v1;
	v11 =	vadd.f32 v28, v11;
	v2 =	vld [tilespmem:s12+$0x70]  }
.Ltmp3:
0xe2: {  	v15 =	vadd.f32 v15, v19;
	v17 =	vadd.f32 v13, v18;
	v3 =	vmul.f32 v13, v13;
	v12 =	vld [tilespmem:s12+$0x30];
	(pc) =	sbr.rel @p0 .LBB2_9-.Ltmp3, $4  }
0xe3: {  	v18 =	vadd.f32 v20, v14;
	v19 =	vmul.f32 v7, v7;
	v13 =	vadd.f32 v26, v11;
	v11 =	vld [tilespmem:s12+$0x60]  }
0xe4: {  	v23 =	vadd.f32 v27, v6;
	v22 =	vadd.f32 v3, v21;
	v30 =	vmul.f32 v10, v10;
	v3 =	vld [tilespmem:s12+$0x50]  }
0xe5: {  	v24 =	vadd.f32 v24, v15;
	v14 =	vmul.f32 v26, v26;
	v6 =	vld [tilespmem:s12+$0x20];
	v13 =	vadd.f32 v9, v13  }
0xe6: {  	v20 =	vadd.f32 v25, v29;
	v21 =	vmul.f32 v28, v28;
	v22 =	vadd.f32 v30, v22;
	v15 =	vld [tilespmem:s12+$0x10];
	s12 =	sadd.s32 $0x100, s12  }
0xe7: {  	v16 =	vadd.f32 v5, v16;
	v19 =	vadd.f32 v19, v24;
	v24 =	vmul.f32 v12, v12  }
0xe8: {  	v7 =	vadd.f32 v7, v23;
	v10 =	vadd.f32 v10, v17  }
0xe9: {  	v5 =	vmul.f32 v5, v5;
	v17 =	vadd.f32 v21, v20;
	v20 =	vadd.f32 v24, v22  }
0xea: {  	v9 =	vmul.f32 v9, v9;
	v0 =	vadd.f32 v0, v7;
	v7 =	vadd.f32 v8, v19  }
0xeb: {  	v8 =	vmul.f32 v11, v11;
	v5 =	vadd.f32 v5, v18;
	v1 =	vadd.f32 v1, v16  }
0xec: {  	v10 =	vadd.f32 v12, v10;
	v12 =	vmul.f32 v2, v2;
	v14 =	vadd.f32 v14, v17  }
0xed: {  	v4 =	vadd.f32 v4, v5;
	v5 =	vmul.f32 v15, v15;
	v1 =	vadd.f32 v15, v1  }
0xee: {  	v15 =	vmul.f32 v6, v6;
	v0 =	vadd.f32 v6, v0;
	v9 =	vadd.f32 v9, v14  }
0xef: {  	v6 =	vmul.f32 v3, v3;
	v4 =	vadd.f32 v5, v4;
	v1 =	vadd.f32 v3, v1  }
0xf0: {  	v3 =	vadd.f32 v15, v7;
	v0 =	vadd.f32 v11, v0;
	v5 =	vmul.f32 v13, v13  }
0xf1: {  	v2 =	vadd.f32 v2, v10;
	v4 =	vadd.f32 v6, v4;
	v1 =	vmul.f32 v1, v1  }
0xf2: {  	v3 =	vadd.f32 v8, v3;
	v5 =	vsub.f32 v5, v9;
	v0 =	vmul.f32 v0, v0  }
0xf3: {  	v2 =	vmul.f32 v2, v2;
	v6 =	vadd.f32 v12, v20;
	v1 =	vsub.f32 v1, v4  }
0xf4: {  	v4 =	vmul.f32 $5.000000000e-01, v5;
	v0 =	vsub.f32 v0, v3  }
0xf5: {  	v2 =	vsub.f32 v2, v6;
	v1 =	vmul.f32 $5.000000000e-01, v1  }
0xf6: {  	[tilespmem:s1+$0x166C0] =	vst v4;
	v0 =	vmul.f32 $5.000000000e-01, v0  }
0xf7: {  	[tilespmem:s1+$0x166D0] =	vst v1;
	v1 =	vmul.f32 $5.000000000e-01, v2  }
0xf8: {  	[tilespmem:s1+$0x166E0] =	vst v0  }
0xf9: {  	s10 =	sadd.s32 $0x3A8, s0;
	[tilespmem:s1+$0x166F0] =	vst v1  }
0xfa: {  	[tilespmem:s15], [sflag:$0x4] =	stream.indirect.gather [hbm4b:s3+s8], $0x40, s10, s8, $0xb8;
	[tilespmem:$0x1E600] =	vst v63  }
0xfb: {  	_ =	swait.ge [sflag:s24], $0x1900  }
0xfc: {  	[sflag:s24] =	ssyncset.done $0x0  }
0xfd: {  	s12 =	simm.s32 $0x13480;
	[sflag:s24] =	ssyncadd.s32 $0xFFFFE700  }
0xfe: {  	v2 =	vld [tilespmem:s12+$0xFFFFFF80]  }
0xff: {  	v6 =	vld [tilespmem:s12+$0x0]  }
0x100: {  	v1 =	vld [tilespmem:s12+$0xFFFFFFD0]  }
0x101: {  	v0 =	vld [tilespmem:s12+$0xFFFFFFE0]  }
0x102: {  	v15 =	vld [tilespmem:s12+$0xFFFFFFC0]  }
0x103: {  	v3 =	vld [tilespmem:s12+$0xFFFFFFB0]  }
0x104: {  	v10 =	vld [tilespmem:s12+$0xFFFFFFF0]  }
0x105: {  	v16 =	vimm.f32 $0.0e+00;
	v7 =	vld [tilespmem:s12+$0xFFFFFFA0]  }
0x106: {  	v9 =	vld [tilespmem:s12+$0x40];
	v4 =	vadd.f32 v2, v16  }
0x107: {  	v5 =	vld [tilespmem:s12+$0xFFFFFF90]  }
0x108: {  	v12 =	vld [tilespmem:s12+$0x30];
	v18 =	vmul.f32 v2, v2;
	v13 =	vmul.f32 v3, v3;
	v11 =	vadd.f32 v15, v4  }
0x109: {  	v24 =	vimm.f32 $0.0e+00;
	v2 =	vld [tilespmem:s12+$0x70];
	v8 =	vmul.f32 v0, v0;
	v23 =	vmul.f32 v10, v10  }
0x10a: {  	v19 =	vmul.f32 v7, v7;
	v22 =	vadd.f32 v13, v16;
	v20 =	vadd.f32 v6, v11;
	v11 =	vld [tilespmem:s12+$0x60]  }
0x10b: {  	v17 =	vadd.f32 v3, v16;
	v3 =	vld [tilespmem:s12+$0x50];
	v14 =	vmul.f32 v6, v6;
	v21 =	vmul.f32 v15, v15  }
0x10c: {  	v4 =	vmul.f32 v1, v1;
	v15 =	vld [tilespmem:s12+$0x10];
	v22 =	vadd.f32 v23, v22;
	v23 =	vimm.f32 $0.0e+00  }
0x10d: {  	s10 =	simm.s32 $0x0;
	v6 =	vld [tilespmem:s12+$0x20];
	s12 =	simm.s32 $0x13580;
	v13 =	vadd.f32 v9, v20;
	v20 =	vadd.f32 v18, v16;
	v18 =	vimm.f32 $0.0e+00  }
.LBB2_11:
0x10e: {  	v25 =	vld [tilespmem:s12+$0xFFFFFF80];
	s10 =	sadd.s32 $0x4, s10;
	v16 =	vadd.f32 v5, v16;
	v19 =	vadd.f32 v19, v24;
	v24 =	vmul.f32 v12, v12  }
0x10f: {  	v7 =	vadd.f32 v7, v23;
	v23 =	vmul.f32 v5, v5;
	v10 =	vadd.f32 v10, v17;
	v26 =	vld [tilespmem:s12+$0x0];
	p0 =	slt.u32 s10, $0x60;
	v27 =	vmovc v11  }
0x110: {  	v9 =	vmul.f32 v9, v9;
	v20 =	vadd.f32 v21, v20;
	v17 =	vld [tilespmem:s12+$0xFFFFFFD0];
	v21 =	vadd.f32 v24, v22  }
0x111: {  	v22 =	vadd.f32 v0, v7;
	v19 =	vadd.f32 v8, v19;
	v24 =	vmul.f32 v11, v27;
	v0 =	vld [tilespmem:s12+$0xFFFFFFE0]  }
0x112: {  	v8 =	vadd.f32 v23, v18;
	v7 =	vadd.f32 v12, v10;
	v10 =	vmul.f32 v2, v2;
	v5 =	vld [tilespmem:s12+$0xFFFFFF90]  }
0x113: {  	v12 =	vadd.f32 v1, v16;
	v11 =	vadd.f32 v25, v13;
	v25 =	vmul.f32 v25, v25;
	v28 =	vld [tilespmem:s12+$0xFFFFFFC0]  }
0x114: {  	v14 =	vadd.f32 v14, v20;
	v20 =	vmul.f32 v3, v3;
	v18 =	vadd.f32 v2, v7;
	v13 =	vld [tilespmem:s12+$0xFFFFFFB0]  }
0x115: {  	v2 =	vadd.f32 v4, v8;
	v4 =	vmul.f32 v15, v15;
	v21 =	vadd.f32 v10, v21;
	v7 =	vld [tilespmem:s12+$0xFFFFFFA0];
	v1 =	vmovc v17  }
0x116: {  	v12 =	vadd.f32 v15, v12;
	v15 =	vmul.f32 v6, v6;
	v29 =	vadd.f32 v9, v14;
	v10 =	vld [tilespmem:s12+$0xFFFFFFF0]  }
0x117: {  	v6 =	vadd.f32 v6, v22;
	v14 =	vadd.f32 v4, v2;
	v8 =	vmul.f32 v0, v0;
	v9 =	vld [tilespmem:s12+$0x40]  }
0x118: {  	v16 =	vadd.f32 v3, v12;
	v4 =	vmul.f32 v17, v1;
	v11 =	vadd.f32 v28, v11;
	v2 =	vld [tilespmem:s12+$0x70]  }
.Ltmp4:
0x119: {  	v15 =	vadd.f32 v15, v19;
	v17 =	vadd.f32 v13, v18;
	v3 =	vmul.f32 v13, v13;
	v12 =	vld [tilespmem:s12+$0x30];
	(pc) =	sbr.rel @p0 .LBB2_11-.Ltmp4, $4  }
0x11a: {  	v18 =	vadd.f32 v20, v14;
	v19 =	vmul.f32 v7, v7;
	v13 =	vadd.f32 v26, v11;
	v11 =	vld [tilespmem:s12+$0x60]  }
0x11b: {  	v23 =	vadd.f32 v27, v6;
	v22 =	vadd.f32 v3, v21;
	v30 =	vmul.f32 v10, v10;
	v3 =	vld [tilespmem:s12+$0x50]  }
0x11c: {  	v24 =	vadd.f32 v24, v15;
	v14 =	vmul.f32 v26, v26;
	v6 =	vld [tilespmem:s12+$0x20];
	v13 =	vadd.f32 v9, v13  }
0x11d: {  	v20 =	vadd.f32 v25, v29;
	v21 =	vmul.f32 v28, v28;
	v22 =	vadd.f32 v30, v22;
	v15 =	vld [tilespmem:s12+$0x10];
	s12 =	sadd.s32 $0x100, s12  }
0x11e: {  	v16 =	vadd.f32 v5, v16;
	v19 =	vadd.f32 v19, v24;
	v24 =	vmul.f32 v12, v12  }
0x11f: {  	v7 =	vadd.f32 v7, v23;
	v10 =	vadd.f32 v10, v17  }
0x120: {  	v5 =	vmul.f32 v5, v5;
	v17 =	vadd.f32 v21, v20;
	v20 =	vadd.f32 v24, v22  }
0x121: {  	v9 =	vmul.f32 v9, v9;
	v0 =	vadd.f32 v0, v7;
	v7 =	vadd.f32 v8, v19  }
0x122: {  	v8 =	vmul.f32 v11, v11;
	v5 =	vadd.f32 v5, v18;
	v1 =	vadd.f32 v1, v16  }
0x123: {  	v10 =	vadd.f32 v12, v10;
	v12 =	vmul.f32 v2, v2;
	v14 =	vadd.f32 v14, v17  }
0x124: {  	v4 =	vadd.f32 v4, v5;
	v5 =	vmul.f32 v15, v15;
	v1 =	vadd.f32 v15, v1  }
0x125: {  	v15 =	vmul.f32 v6, v6;
	v0 =	vadd.f32 v6, v0;
	v9 =	vadd.f32 v9, v14  }
0x126: {  	v6 =	vmul.f32 v3, v3;
	v4 =	vadd.f32 v5, v4;
	v1 =	vadd.f32 v3, v1  }
0x127: {  	v3 =	vadd.f32 v15, v7;
	v0 =	vadd.f32 v11, v0;
	v5 =	vmul.f32 v13, v13  }
0x128: {  	v2 =	vadd.f32 v2, v10;
	v4 =	vadd.f32 v6, v4;
	v1 =	vmul.f32 v1, v1  }
0x129: {  	v3 =	vadd.f32 v8, v3;
	v5 =	vsub.f32 v5, v9;
	v0 =	vmul.f32 v0, v0  }
0x12a: {  	v2 =	vmul.f32 v2, v2;
	v6 =	vadd.f32 v12, v20;
	v1 =	vsub.f32 v1, v4  }
0x12b: {  	v4 =	vmul.f32 $5.000000000e-01, v5;
	v0 =	vsub.f32 v0, v3  }
0x12c: {  	v2 =	vsub.f32 v2, v6;
	v1 =	vmul.f32 $5.000000000e-01, v1  }
0x12d: {  	[tilespmem:s1+$0x16700] =	vst v4;
	v0 =	vmul.f32 $5.000000000e-01, v0  }
0x12e: {  	[tilespmem:s1+$0x16710] =	vst v1;
	v1 =	vmul.f32 $5.000000000e-01, v2  }
0x12f: {  	[tilespmem:s1+$0x16720] =	vst v0  }
0x130: {  	s10 =	sadd.s32 $0x410, s0;
	[tilespmem:s1+$0x16730] =	vst v1  }
0x131: {  	[tilespmem:s17], [sflag:$0x5] =	stream.indirect.gather [hbm4b:s3+s8], $0x40, s10, s8, $0xb8;
	[tilespmem:$0x1E600] =	vst v63  }
0x132: {  	_ =	swait.ge [sflag:s25], $0x1900  }
0x133: {  	[sflag:s25] =	ssyncset.done $0x0  }
0x134: {  	s12 =	simm.s32 $0x14D80;
	[sflag:s25] =	ssyncadd.s32 $0xFFFFE700  }
0x135: {  	v2 =	vld [tilespmem:s12+$0xFFFFFF80]  }
0x136: {  	v6 =	vld [tilespmem:s12+$0x0]  }
0x137: {  	v1 =	vld [tilespmem:s12+$0xFFFFFFD0]  }
0x138: {  	v0 =	vld [tilespmem:s12+$0xFFFFFFE0]  }
0x139: {  	v15 =	vld [tilespmem:s12+$0xFFFFFFC0]  }
0x13a: {  	v3 =	vld [tilespmem:s12+$0xFFFFFFB0]  }
0x13b: {  	v10 =	vld [tilespmem:s12+$0xFFFFFFF0]  }
0x13c: {  	v16 =	vimm.f32 $0.0e+00;
	v7 =	vld [tilespmem:s12+$0xFFFFFFA0]  }
0x13d: {  	v9 =	vld [tilespmem:s12+$0x40];
	v4 =	vadd.f32 v2, v16  }
0x13e: {  	v5 =	vld [tilespmem:s12+$0xFFFFFF90]  }
0x13f: {  	v12 =	vld [tilespmem:s12+$0x30];
	v18 =	vmul.f32 v2, v2;
	v13 =	vmul.f32 v3, v3;
	v11 =	vadd.f32 v15, v4  }
0x140: {  	v24 =	vimm.f32 $0.0e+00;
	v2 =	vld [tilespmem:s12+$0x70];
	v8 =	vmul.f32 v0, v0;
	v23 =	vmul.f32 v10, v10  }
0x141: {  	v19 =	vmul.f32 v7, v7;
	v22 =	vadd.f32 v13, v16;
	v20 =	vadd.f32 v6, v11;
	v11 =	vld [tilespmem:s12+$0x60]  }
0x142: {  	v17 =	vadd.f32 v3, v16;
	v3 =	vld [tilespmem:s12+$0x50];
	v14 =	vmul.f32 v6, v6;
	v21 =	vmul.f32 v15, v15  }
0x143: {  	v4 =	vmul.f32 v1, v1;
	v15 =	vld [tilespmem:s12+$0x10];
	v22 =	vadd.f32 v23, v22;
	v23 =	vimm.f32 $0.0e+00  }
0x144: {  	s10 =	simm.s32 $0x0;
	v6 =	vld [tilespmem:s12+$0x20];
	s12 =	simm.s32 $0x14E80;
	v13 =	vadd.f32 v9, v20;
	v20 =	vadd.f32 v18, v16;
	v18 =	vimm.f32 $0.0e+00  }
.LBB2_13:
0x145: {  	v25 =	vld [tilespmem:s12+$0xFFFFFF80];
	s10 =	sadd.s32 $0x4, s10;
	v16 =	vadd.f32 v5, v16;
	v19 =	vadd.f32 v19, v24;
	v24 =	vmul.f32 v12, v12  }
0x146: {  	v7 =	vadd.f32 v7, v23;
	v23 =	vmul.f32 v5, v5;
	v10 =	vadd.f32 v10, v17;
	v26 =	vld [tilespmem:s12+$0x0];
	p0 =	slt.u32 s10, $0x60;
	v27 =	vmovc v11  }
0x147: {  	v9 =	vmul.f32 v9, v9;
	v20 =	vadd.f32 v21, v20;
	v17 =	vld [tilespmem:s12+$0xFFFFFFD0];
	v21 =	vadd.f32 v24, v22  }
0x148: {  	v22 =	vadd.f32 v0, v7;
	v19 =	vadd.f32 v8, v19;
	v24 =	vmul.f32 v11, v27;
	v0 =	vld [tilespmem:s12+$0xFFFFFFE0]  }
0x149: {  	v8 =	vadd.f32 v23, v18;
	v7 =	vadd.f32 v12, v10;
	v10 =	vmul.f32 v2, v2;
	v5 =	vld [tilespmem:s12+$0xFFFFFF90]  }
0x14a: {  	v12 =	vadd.f32 v1, v16;
	v11 =	vadd.f32 v25, v13;
	v25 =	vmul.f32 v25, v25;
	v28 =	vld [tilespmem:s12+$0xFFFFFFC0]  }
0x14b: {  	v14 =	vadd.f32 v14, v20;
	v20 =	vmul.f32 v3, v3;
	v18 =	vadd.f32 v2, v7;
	v13 =	vld [tilespmem:s12+$0xFFFFFFB0]  }
0x14c: {  	v2 =	vadd.f32 v4, v8;
	v4 =	vmul.f32 v15, v15;
	v21 =	vadd.f32 v10, v21;
	v7 =	vld [tilespmem:s12+$0xFFFFFFA0];
	v1 =	vmovc v17  }
0x14d: {  	v12 =	vadd.f32 v15, v12;
	v15 =	vmul.f32 v6, v6;
	v29 =	vadd.f32 v9, v14;
	v10 =	vld [tilespmem:s12+$0xFFFFFFF0]  }
0x14e: {  	v6 =	vadd.f32 v6, v22;
	v14 =	vadd.f32 v4, v2;
	v8 =	vmul.f32 v0, v0;
	v9 =	vld [tilespmem:s12+$0x40]  }
0x14f: {  	v16 =	vadd.f32 v3, v12;
	v4 =	vmul.f32 v17, v1;
	v11 =	vadd.f32 v28, v11;
	v2 =	vld [tilespmem:s12+$0x70]  }
.Ltmp5:
0x150: {  	v15 =	vadd.f32 v15, v19;
	v17 =	vadd.f32 v13, v18;
	v3 =	vmul.f32 v13, v13;
	v12 =	vld [tilespmem:s12+$0x30];
	(pc) =	sbr.rel @p0 .LBB2_13-.Ltmp5, $4  }
0x151: {  	v18 =	vadd.f32 v20, v14;
	v19 =	vmul.f32 v7, v7;
	v13 =	vadd.f32 v26, v11;
	v11 =	vld [tilespmem:s12+$0x60]  }
0x152: {  	v23 =	vadd.f32 v27, v6;
	v22 =	vadd.f32 v3, v21;
	v30 =	vmul.f32 v10, v10;
	v3 =	vld [tilespmem:s12+$0x50]  }
0x153: {  	v24 =	vadd.f32 v24, v15;
	v14 =	vmul.f32 v26, v26;
	v6 =	vld [tilespmem:s12+$0x20];
	v13 =	vadd.f32 v9, v13  }
0x154: {  	v20 =	vadd.f32 v25, v29;
	v21 =	vmul.f32 v28, v28;
	v22 =	vadd.f32 v30, v22;
	v15 =	vld [tilespmem:s12+$0x10];
	s12 =	sadd.s32 $0x100, s12  }
0x155: {  	v16 =	vadd.f32 v5, v16;
	v19 =	vadd.f32 v19, v24;
	v48 =	vmul.f32 v12, v12  }
0x156: {  	v7 =	vadd.f32 v7, v23;
	v10 =	vadd.f32 v10, v17  }
0x157: {  	v49 =	vmul.f32 v5, v5;
	v50 =	vadd.f32 v21, v20;
	v51 =	vadd.f32 v48, v22  }
0x158: {  	v9 =	vmul.f32 v9, v9;
	v0 =	vadd.f32 v0, v7;
	v52 =	vadd.f32 v8, v19  }
0x159: {  	v54 =	vmul.f32 v2, v2;
	v5 =	vadd.f32 v49, v18;
	v1 =	vadd.f32 v1, v16  }
0x15a: {  	v59 =	vmul.f32 v13, v13;
	v10 =	vadd.f32 v12, v10;
	v14 =	vadd.f32 v14, v50  }
0x15b: {  	v53 =	vmul.f32 v11, v11;
	v4 =	vadd.f32 v4, v5;
	v1 =	vadd.f32 v15, v1  }
0x15c: {  	v55 =	vmul.f32 v15, v15;
	v0 =	vadd.f32 v6, v0;
	v60 =	vadd.f32 v2, v10  }
0x15d: {  	v56 =	vmul.f32 v6, v6;
	v61 =	vadd.f32 v54, v51;
	v9 =	vadd.f32 v9, v14  }
0x15e: {  	v57 =	vmul.f32 v3, v3;
	v4 =	vadd.f32 v55, v4;
	v1 =	vadd.f32 v3, v1  }
0x15f: {  	v58 =	vadd.f32 v56, v52;
	v0 =	vadd.f32 v11, v0;
	v2 =	vmul.f32 v60, v60  }
0x160: {  	v5 =	vsub.f32 v59, v9;
	v4 =	vadd.f32 v57, v4;
	v1 =	vmul.f32 v1, v1  }
0x161: {  	v3 =	vadd.f32 v53, v58;
	v0 =	vmul.f32 v0, v0;
	v2 =	vsub.f32 v2, v61  }
0x162: {  	s31 =	sadd.s32 $0x1, s31;
	v62 =	vmul.f32 $5.000000000e-01, v5;
	v1 =	vsub.f32 v1, v4  }
0x163: {  	p0 =	sne.s32 s31, $0x54;
	v0 =	vsub.f32 v0, v3;
	v63 =	vmul.f32 $5.000000000e-01, v2  }
.Ltmp6:
0x164: {  	[tilespmem:s1+$0x16740] =	vst v62;
	v1 =	vmul.f32 $5.000000000e-01, v1;
	(pc) =	sbr.rel @p0 .LBB2_2-.Ltmp6, $4  }
0x165: {  	v0 =	vmul.f32 $5.000000000e-01, v0;
	[tilespmem:s1+$0x16770] =	vst v63  }
0x166: {  	[tilespmem:s1+$0x16750] =	vst v1  }
0x167: {  	s0 =	sadd.s32 $0x478, s0;
	[tilespmem:s1+$0x16760] =	vst v0  }
0x168: {  	[tilespmem:s19], [sflag:$0x6] =	stream.indirect.gather [hbm4b:s3+s8], $0x40, s0, s8, $0xb8;
	[tilespmem:$0x1E600] =	vst v63  }
0x169: {  	_ =	swait.ge [sflag:s20], $0x1900  }
0x16a: {  	[sflag:s20] =	ssyncset.done $0x0  }
0x16b: {  	s1 =	simm.s32 $0xD080;
	[sflag:s20] =	ssyncadd.s32 $0xFFFFE700  }
0x16c: {  	v2 =	vld [tilespmem:s1+$0xFFFFFF80]  }
0x16d: {  	v6 =	vld [tilespmem:s1+$0x0]  }
0x16e: {  	v1 =	vld [tilespmem:s1+$0xFFFFFFD0]  }
0x16f: {  	v0 =	vld [tilespmem:s1+$0xFFFFFFE0]  }
0x170: {  	v15 =	vld [tilespmem:s1+$0xFFFFFFC0]  }
0x171: {  	v3 =	vld [tilespmem:s1+$0xFFFFFFB0]  }
0x172: {  	v10 =	vld [tilespmem:s1+$0xFFFFFFF0]  }
0x173: {  	v16 =	vimm.f32 $0.0e+00;
	v7 =	vld [tilespmem:s1+$0xFFFFFFA0]  }
0x174: {  	v9 =	vld [tilespmem:s1+$0x40];
	v4 =	vadd.f32 v2, v16  }
0x175: {  	v5 =	vld [tilespmem:s1+$0xFFFFFF90]  }
0x176: {  	v12 =	vld [tilespmem:s1+$0x30];
	v18 =	vmul.f32 v2, v2;
	v13 =	vmul.f32 v3, v3;
	v11 =	vadd.f32 v15, v4  }
0x177: {  	v24 =	vimm.f32 $0.0e+00;
	v2 =	vld [tilespmem:s1+$0x70];
	v8 =	vmul.f32 v0, v0;
	v23 =	vmul.f32 v10, v10  }
0x178: {  	v19 =	vmul.f32 v7, v7;
	v22 =	vadd.f32 v13, v16;
	v20 =	vadd.f32 v6, v11;
	v11 =	vld [tilespmem:s1+$0x60]  }
0x179: {  	v17 =	vadd.f32 v3, v16;
	v3 =	vld [tilespmem:s1+$0x50];
	v14 =	vmul.f32 v6, v6;
	v21 =	vmul.f32 v15, v15  }
0x17a: {  	v4 =	vmul.f32 v1, v1;
	v15 =	vld [tilespmem:s1+$0x10];
	v22 =	vadd.f32 v23, v22;
	v23 =	vimm.f32 $0.0e+00  }
0x17b: {  	s0 =	simm.s32 $0x0;
	v6 =	vld [tilespmem:s1+$0x20];
	s1 =	simm.s32 $0xD180;
	v13 =	vadd.f32 v9, v20;
	v20 =	vadd.f32 v18, v16;
	v18 =	vimm.f32 $0.0e+00  }
.LBB2_16:
0x17c: {  	v25 =	vld [tilespmem:s1+$0xFFFFFF80];
	s0 =	sadd.s32 $0x4, s0;
	v16 =	vadd.f32 v5, v16;
	v19 =	vadd.f32 v19, v24;
	v24 =	vmul.f32 v12, v12  }
0x17d: {  	v7 =	vadd.f32 v7, v23;
	v23 =	vmul.f32 v5, v5;
	v10 =	vadd.f32 v10, v17;
	v26 =	vld [tilespmem:s1+$0x0];
	p0 =	slt.u32 s0, $0x60;
	v27 =	vmovc v11  }
0x17e: {  	v9 =	vmul.f32 v9, v9;
	v20 =	vadd.f32 v21, v20;
	v17 =	vld [tilespmem:s1+$0xFFFFFFD0];
	v21 =	vadd.f32 v24, v22  }
0x17f: {  	v22 =	vadd.f32 v0, v7;
	v19 =	vadd.f32 v8, v19;
	v24 =	vmul.f32 v11, v27;
	v0 =	vld [tilespmem:s1+$0xFFFFFFE0]  }
0x180: {  	v8 =	vadd.f32 v23, v18;
	v7 =	vadd.f32 v12, v10;
	v10 =	vmul.f32 v2, v2;
	v5 =	vld [tilespmem:s1+$0xFFFFFF90]  }
0x181: {  	v12 =	vadd.f32 v1, v16;
	v11 =	vadd.f32 v25, v13;
	v25 =	vmul.f32 v25, v25;
	v28 =	vld [tilespmem:s1+$0xFFFFFFC0]  }
0x182: {  	v14 =	vadd.f32 v14, v20;
	v20 =	vmul.f32 v3, v3;
	v18 =	vadd.f32 v2, v7;
	v13 =	vld [tilespmem:s1+$0xFFFFFFB0]  }
0x183: {  	v2 =	vadd.f32 v4, v8;
	v4 =	vmul.f32 v15, v15;
	v21 =	vadd.f32 v10, v21;
	v7 =	vld [tilespmem:s1+$0xFFFFFFA0];
	v1 =	vmovc v17  }
0x184: {  	v12 =	vadd.f32 v15, v12;
	v15 =	vmul.f32 v6, v6;
	v29 =	vadd.f32 v9, v14;
	v10 =	vld [tilespmem:s1+$0xFFFFFFF0]  }
0x185: {  	v6 =	vadd.f32 v6, v22;
	v14 =	vadd.f32 v4, v2;
	v8 =	vmul.f32 v0, v0;
	v9 =	vld [tilespmem:s1+$0x40]  }
0x186: {  	v16 =	vadd.f32 v3, v12;
	v4 =	vmul.f32 v17, v1;
	v11 =	vadd.f32 v28, v11;
	v2 =	vld [tilespmem:s1+$0x70]  }
.Ltmp7:
0x187: {  	v15 =	vadd.f32 v15, v19;
	v17 =	vadd.f32 v13, v18;
	v3 =	vmul.f32 v13, v13;
	v12 =	vld [tilespmem:s1+$0x30];
	(pc) =	sbr.rel @p0 .LBB2_16-.Ltmp7, $4  }
0x188: {  	v18 =	vadd.f32 v20, v14;
	v19 =	vmul.f32 v7, v7;
	v13 =	vadd.f32 v26, v11;
	v11 =	vld [tilespmem:s1+$0x60]  }
0x189: {  	v23 =	vadd.f32 v27, v6;
	v22 =	vadd.f32 v3, v21;
	v30 =	vmul.f32 v10, v10;
	v3 =	vld [tilespmem:s1+$0x50]  }
0x18a: {  	v24 =	vadd.f32 v24, v15;
	v14 =	vmul.f32 v26, v26;
	v6 =	vld [tilespmem:s1+$0x20];
	v13 =	vadd.f32 v9, v13  }
0x18b: {  	v20 =	vadd.f32 v25, v29;
	v21 =	vmul.f32 v28, v28;
	v22 =	vadd.f32 v30, v22;
	v15 =	vld [tilespmem:s1+$0x10];
	s1 =	sadd.s32 $0x100, s1  }
0x18c: {  	v16 =	vadd.f32 v5, v16;
	v19 =	vadd.f32 v19, v24;
	v24 =	vmul.f32 v12, v12  }
0x18d: {  	v7 =	vadd.f32 v7, v23;
	v10 =	vadd.f32 v10, v17  }
0x18e: {  	v5 =	vmul.f32 v5, v5;
	v17 =	vadd.f32 v21, v20;
	v20 =	vadd.f32 v24, v22  }
0x18f: {  	v9 =	vmul.f32 v9, v9;
	v0 =	vadd.f32 v0, v7;
	v7 =	vadd.f32 v8, v19  }
0x190: {  	v8 =	vmul.f32 v11, v11;
	v5 =	vadd.f32 v5, v18;
	v1 =	vadd.f32 v1, v16  }
0x191: {  	v10 =	vadd.f32 v12, v10;
	v12 =	vmul.f32 v2, v2;
	v14 =	vadd.f32 v14, v17  }
0x192: {  	v4 =	vadd.f32 v4, v5;
	v5 =	vmul.f32 v15, v15;
	v1 =	vadd.f32 v15, v1  }
0x193: {  	v15 =	vmul.f32 v6, v6;
	v0 =	vadd.f32 v6, v0;
	v9 =	vadd.f32 v9, v14  }
0x194: {  	v6 =	vmul.f32 v3, v3;
	v4 =	vadd.f32 v5, v4;
	v1 =	vadd.f32 v3, v1  }
0x195: {  	v3 =	vadd.f32 v15, v7;
	v0 =	vadd.f32 v11, v0;
	v5 =	vmul.f32 v13, v13  }
0x196: {  	v2 =	vadd.f32 v2, v10;
	v4 =	vadd.f32 v6, v4;
	v1 =	vmul.f32 v1, v1  }
0x197: {  	v3 =	vadd.f32 v8, v3;
	v5 =	vsub.f32 v5, v9;
	v0 =	vmul.f32 v0, v0  }
0x198: {  	v2 =	vmul.f32 v2, v2;
	v6 =	vadd.f32 v12, v20;
	v1 =	vsub.f32 v1, v4  }
0x199: {  	v4 =	vmul.f32 $5.000000000e-01, v5;
	v0 =	vsub.f32 v0, v3  }
0x19a: {  	v2 =	vsub.f32 v2, v6;
	v1 =	vmul.f32 $5.000000000e-01, v1  }
0x19b: {  	[tilespmem:$0x1E400] =	vst v4;
	v0 =	vmul.f32 $5.000000000e-01, v0  }
0x19c: {  	[tilespmem:$0x1E410] =	vst v1;
	v1 =	vmul.f32 $5.000000000e-01, v2  }
0x19d: {  	[tilespmem:$0x1E420] =	vst v0  }
0x19e: {  	[tilespmem:$0x1E430] =	vst v1  }
0x19f: {  	[tilespmem:s9], [sflag:$0x1] =	stream.indirect.gather [hbm4b:s3+s8], $0x40, s26, s8, $0xb8;
	[tilespmem:$0x1E600] =	vst v63  }
0x1a0: {  	_ =	swait.ge [sflag:s21], $0x1900  }
0x1a1: {  	[sflag:s21] =	ssyncset.done $0x0  }
0x1a2: {  	s1 =	simm.s32 $0xE980;
	[sflag:s21] =	ssyncadd.s32 $0xFFFFE700  }
0x1a3: {  	v2 =	vld [tilespmem:s1+$0xFFFFFF80]  }
0x1a4: {  	v6 =	vld [tilespmem:s1+$0x0]  }
0x1a5: {  	v1 =	vld [tilespmem:s1+$0xFFFFFFD0]  }
0x1a6: {  	v0 =	vld [tilespmem:s1+$0xFFFFFFE0]  }
0x1a7: {  	v15 =	vld [tilespmem:s1+$0xFFFFFFC0]  }
0x1a8: {  	v3 =	vld [tilespmem:s1+$0xFFFFFFB0]  }
0x1a9: {  	v10 =	vld [tilespmem:s1+$0xFFFFFFF0]  }
0x1aa: {  	v16 =	vimm.f32 $0.0e+00;
	v7 =	vld [tilespmem:s1+$0xFFFFFFA0]  }
0x1ab: {  	v9 =	vld [tilespmem:s1+$0x40];
	v4 =	vadd.f32 v2, v16  }
0x1ac: {  	v5 =	vld [tilespmem:s1+$0xFFFFFF90]  }
0x1ad: {  	v12 =	vld [tilespmem:s1+$0x30];
	v18 =	vmul.f32 v2, v2;
	v13 =	vmul.f32 v3, v3;
	v11 =	vadd.f32 v15, v4  }
0x1ae: {  	v24 =	vimm.f32 $0.0e+00;
	v2 =	vld [tilespmem:s1+$0x70];
	v8 =	vmul.f32 v0, v0;
	v23 =	vmul.f32 v10, v10  }
0x1af: {  	v19 =	vmul.f32 v7, v7;
	v22 =	vadd.f32 v13, v16;
	v20 =	vadd.f32 v6, v11;
	v11 =	vld [tilespmem:s1+$0x60]  }
0x1b0: {  	v17 =	vadd.f32 v3, v16;
	v3 =	vld [tilespmem:s1+$0x50];
	v14 =	vmul.f32 v6, v6;
	v21 =	vmul.f32 v15, v15  }
0x1b1: {  	v4 =	vmul.f32 v1, v1;
	v15 =	vld [tilespmem:s1+$0x10];
	v22 =	vadd.f32 v23, v22;
	v23 =	vimm.f32 $0.0e+00  }
0x1b2: {  	s0 =	simm.s32 $0x0;
	v6 =	vld [tilespmem:s1+$0x20];
	s1 =	simm.s32 $0xEA80;
	v13 =	vadd.f32 v9, v20;
	v20 =	vadd.f32 v18, v16;
	v18 =	vimm.f32 $0.0e+00  }
.LBB2_18:
0x1b3: {  	v25 =	vld [tilespmem:s1+$0xFFFFFF80];
	s0 =	sadd.s32 $0x4, s0;
	v16 =	vadd.f32 v5, v16;
	v19 =	vadd.f32 v19, v24;
	v24 =	vmul.f32 v12, v12  }
0x1b4: {  	v7 =	vadd.f32 v7, v23;
	v23 =	vmul.f32 v5, v5;
	v10 =	vadd.f32 v10, v17;
	v26 =	vld [tilespmem:s1+$0x0];
	p0 =	slt.u32 s0, $0x60;
	v27 =	vmovc v11  }
0x1b5: {  	v9 =	vmul.f32 v9, v9;
	v20 =	vadd.f32 v21, v20;
	v17 =	vld [tilespmem:s1+$0xFFFFFFD0];
	v21 =	vadd.f32 v24, v22  }
0x1b6: {  	v22 =	vadd.f32 v0, v7;
	v19 =	vadd.f32 v8, v19;
	v24 =	vmul.f32 v11, v27;
	v0 =	vld [tilespmem:s1+$0xFFFFFFE0]  }
0x1b7: {  	v8 =	vadd.f32 v23, v18;
	v7 =	vadd.f32 v12, v10;
	v10 =	vmul.f32 v2, v2;
	v5 =	vld [tilespmem:s1+$0xFFFFFF90]  }
0x1b8: {  	v12 =	vadd.f32 v1, v16;
	v11 =	vadd.f32 v25, v13;
	v25 =	vmul.f32 v25, v25;
	v28 =	vld [tilespmem:s1+$0xFFFFFFC0]  }
0x1b9: {  	v14 =	vadd.f32 v14, v20;
	v20 =	vmul.f32 v3, v3;
	v18 =	vadd.f32 v2, v7;
	v13 =	vld [tilespmem:s1+$0xFFFFFFB0]  }
0x1ba: {  	v2 =	vadd.f32 v4, v8;
	v4 =	vmul.f32 v15, v15;
	v21 =	vadd.f32 v10, v21;
	v7 =	vld [tilespmem:s1+$0xFFFFFFA0];
	v1 =	vmovc v17  }
0x1bb: {  	v12 =	vadd.f32 v15, v12;
	v15 =	vmul.f32 v6, v6;
	v29 =	vadd.f32 v9, v14;
	v10 =	vld [tilespmem:s1+$0xFFFFFFF0]  }
0x1bc: {  	v6 =	vadd.f32 v6, v22;
	v14 =	vadd.f32 v4, v2;
	v8 =	vmul.f32 v0, v0;
	v9 =	vld [tilespmem:s1+$0x40]  }
0x1bd: {  	v16 =	vadd.f32 v3, v12;
	v4 =	vmul.f32 v17, v1;
	v11 =	vadd.f32 v28, v11;
	v2 =	vld [tilespmem:s1+$0x70]  }
.Ltmp8:
0x1be: {  	v15 =	vadd.f32 v15, v19;
	v17 =	vadd.f32 v13, v18;
	v3 =	vmul.f32 v13, v13;
	v12 =	vld [tilespmem:s1+$0x30];
	(pc) =	sbr.rel @p0 .LBB2_18-.Ltmp8, $4  }
0x1bf: {  	v18 =	vadd.f32 v20, v14;
	v19 =	vmul.f32 v7, v7;
	v13 =	vadd.f32 v26, v11;
	v11 =	vld [tilespmem:s1+$0x60]  }
0x1c0: {  	v23 =	vadd.f32 v27, v6;
	v22 =	vadd.f32 v3, v21;
	v30 =	vmul.f32 v10, v10;
	v3 =	vld [tilespmem:s1+$0x50]  }
0x1c1: {  	v24 =	vadd.f32 v24, v15;
	v14 =	vmul.f32 v26, v26;
	v6 =	vld [tilespmem:s1+$0x20];
	v13 =	vadd.f32 v9, v13  }
0x1c2: {  	v20 =	vadd.f32 v25, v29;
	v21 =	vmul.f32 v28, v28;
	v22 =	vadd.f32 v30, v22;
	v15 =	vld [tilespmem:s1+$0x10];
	s1 =	sadd.s32 $0x100, s1  }
0x1c3: {  	v16 =	vadd.f32 v5, v16;
	v19 =	vadd.f32 v19, v24;
	v24 =	vmul.f32 v12, v12  }
0x1c4: {  	v7 =	vadd.f32 v7, v23;
	v10 =	vadd.f32 v10, v17  }
0x1c5: {  	v5 =	vmul.f32 v5, v5;
	v17 =	vadd.f32 v21, v20;
	v20 =	vadd.f32 v24, v22  }
0x1c6: {  	v9 =	vmul.f32 v9, v9;
	v0 =	vadd.f32 v0, v7;
	v7 =	vadd.f32 v8, v19  }
0x1c7: {  	v8 =	vmul.f32 v11, v11;
	v5 =	vadd.f32 v5, v18;
	v1 =	vadd.f32 v1, v16  }
0x1c8: {  	v10 =	vadd.f32 v12, v10;
	v12 =	vmul.f32 v2, v2;
	v14 =	vadd.f32 v14, v17  }
0x1c9: {  	v4 =	vadd.f32 v4, v5;
	v5 =	vmul.f32 v15, v15;
	v1 =	vadd.f32 v15, v1  }
0x1ca: {  	v15 =	vmul.f32 v6, v6;
	v0 =	vadd.f32 v6, v0;
	v9 =	vadd.f32 v9, v14  }
0x1cb: {  	v6 =	vmul.f32 v3, v3;
	v4 =	vadd.f32 v5, v4;
	v1 =	vadd.f32 v3, v1  }
0x1cc: {  	v3 =	vadd.f32 v15, v7;
	v0 =	vadd.f32 v11, v0;
	v5 =	vmul.f32 v13, v13  }
0x1cd: {  	v2 =	vadd.f32 v2, v10;
	v4 =	vadd.f32 v6, v4;
	v1 =	vmul.f32 v1, v1  }
0x1ce: {  	v3 =	vadd.f32 v8, v3;
	v5 =	vsub.f32 v5, v9;
	v0 =	vmul.f32 v0, v0  }
0x1cf: {  	v2 =	vmul.f32 v2, v2;
	v6 =	vadd.f32 v12, v20;
	v1 =	vsub.f32 v1, v4  }
0x1d0: {  	v4 =	vmul.f32 $5.000000000e-01, v5;
	v0 =	vsub.f32 v0, v3  }
0x1d1: {  	v2 =	vsub.f32 v2, v6;
	v1 =	vmul.f32 $5.000000000e-01, v1  }
0x1d2: {  	[tilespmem:$0x1E440] =	vst v4;
	v0 =	vmul.f32 $5.000000000e-01, v0  }
0x1d3: {  	[tilespmem:$0x1E450] =	vst v1;
	v1 =	vmul.f32 $5.000000000e-01, v2  }
0x1d4: {  	[tilespmem:$0x1E460] =	vst v0  }
0x1d5: {  	[tilespmem:$0x1E470] =	vst v1  }
0x1d6: {  	[tilespmem:s11], [sflag:$0x2] =	stream.indirect.gather [hbm4b:s3+s8], $0x40, s28, s8, $0xb8;
	[tilespmem:$0x1E600] =	vst v63  }
0x1d7: {  	_ =	swait.ge [sflag:s22], $0x1900  }
0x1d8: {  	[sflag:s22] =	ssyncset.done $0x0  }
0x1d9: {  	s1 =	simm.s32 $0x10280;
	[sflag:s22] =	ssyncadd.s32 $0xFFFFE700  }
0x1da: {  	v2 =	vld [tilespmem:s1+$0xFFFFFF80]  }
0x1db: {  	v6 =	vld [tilespmem:s1+$0x0]  }
0x1dc: {  	v1 =	vld [tilespmem:s1+$0xFFFFFFD0]  }
0x1dd: {  	v0 =	vld [tilespmem:s1+$0xFFFFFFE0]  }
0x1de: {  	v15 =	vld [tilespmem:s1+$0xFFFFFFC0]  }
0x1df: {  	v3 =	vld [tilespmem:s1+$0xFFFFFFB0]  }
0x1e0: {  	v10 =	vld [tilespmem:s1+$0xFFFFFFF0]  }
0x1e1: {  	v16 =	vimm.f32 $0.0e+00;
	v7 =	vld [tilespmem:s1+$0xFFFFFFA0]  }
0x1e2: {  	v9 =	vld [tilespmem:s1+$0x40];
	v4 =	vadd.f32 v2, v16  }
0x1e3: {  	v5 =	vld [tilespmem:s1+$0xFFFFFF90]  }
0x1e4: {  	v12 =	vld [tilespmem:s1+$0x30];
	v18 =	vmul.f32 v2, v2;
	v13 =	vmul.f32 v3, v3;
	v11 =	vadd.f32 v15, v4  }
0x1e5: {  	v24 =	vimm.f32 $0.0e+00;
	v2 =	vld [tilespmem:s1+$0x70];
	v8 =	vmul.f32 v0, v0;
	v23 =	vmul.f32 v10, v10  }
0x1e6: {  	v19 =	vmul.f32 v7, v7;
	v22 =	vadd.f32 v13, v16;
	v20 =	vadd.f32 v6, v11;
	v11 =	vld [tilespmem:s1+$0x60]  }
0x1e7: {  	v17 =	vadd.f32 v3, v16;
	v3 =	vld [tilespmem:s1+$0x50];
	v14 =	vmul.f32 v6, v6;
	v21 =	vmul.f32 v15, v15  }
0x1e8: {  	v4 =	vmul.f32 v1, v1;
	v15 =	vld [tilespmem:s1+$0x10];
	v22 =	vadd.f32 v23, v22;
	v23 =	vimm.f32 $0.0e+00  }
0x1e9: {  	s0 =	simm.s32 $0x0;
	v6 =	vld [tilespmem:s1+$0x20];
	s1 =	simm.s32 $0x10380;
	v13 =	vadd.f32 v9, v20;
	v20 =	vadd.f32 v18, v16;
	v18 =	vimm.f32 $0.0e+00  }
.LBB2_20:
0x1ea: {  	v25 =	vld [tilespmem:s1+$0xFFFFFF80];
	s0 =	sadd.s32 $0x4, s0;
	v16 =	vadd.f32 v5, v16;
	v19 =	vadd.f32 v19, v24;
	v24 =	vmul.f32 v12, v12  }
0x1eb: {  	v7 =	vadd.f32 v7, v23;
	v23 =	vmul.f32 v5, v5;
	v10 =	vadd.f32 v10, v17;
	v26 =	vld [tilespmem:s1+$0x0];
	p0 =	slt.u32 s0, $0x60;
	v27 =	vmovc v11  }
0x1ec: {  	v9 =	vmul.f32 v9, v9;
	v20 =	vadd.f32 v21, v20;
	v17 =	vld [tilespmem:s1+$0xFFFFFFD0];
	v21 =	vadd.f32 v24, v22  }
0x1ed: {  	v22 =	vadd.f32 v0, v7;
	v19 =	vadd.f32 v8, v19;
	v24 =	vmul.f32 v11, v27;
	v0 =	vld [tilespmem:s1+$0xFFFFFFE0]  }
0x1ee: {  	v8 =	vadd.f32 v23, v18;
	v7 =	vadd.f32 v12, v10;
	v10 =	vmul.f32 v2, v2;
	v5 =	vld [tilespmem:s1+$0xFFFFFF90]  }
0x1ef: {  	v12 =	vadd.f32 v1, v16;
	v11 =	vadd.f32 v25, v13;
	v25 =	vmul.f32 v25, v25;
	v28 =	vld [tilespmem:s1+$0xFFFFFFC0]  }
0x1f0: {  	v14 =	vadd.f32 v14, v20;
	v20 =	vmul.f32 v3, v3;
	v18 =	vadd.f32 v2, v7;
	v13 =	vld [tilespmem:s1+$0xFFFFFFB0]  }
0x1f1: {  	v2 =	vadd.f32 v4, v8;
	v4 =	vmul.f32 v15, v15;
	v21 =	vadd.f32 v10, v21;
	v7 =	vld [tilespmem:s1+$0xFFFFFFA0];
	v1 =	vmovc v17  }
0x1f2: {  	v12 =	vadd.f32 v15, v12;
	v15 =	vmul.f32 v6, v6;
	v29 =	vadd.f32 v9, v14;
	v10 =	vld [tilespmem:s1+$0xFFFFFFF0]  }
0x1f3: {  	v6 =	vadd.f32 v6, v22;
	v14 =	vadd.f32 v4, v2;
	v8 =	vmul.f32 v0, v0;
	v9 =	vld [tilespmem:s1+$0x40]  }
0x1f4: {  	v16 =	vadd.f32 v3, v12;
	v4 =	vmul.f32 v17, v1;
	v11 =	vadd.f32 v28, v11;
	v2 =	vld [tilespmem:s1+$0x70]  }
.Ltmp9:
0x1f5: {  	v15 =	vadd.f32 v15, v19;
	v17 =	vadd.f32 v13, v18;
	v3 =	vmul.f32 v13, v13;
	v12 =	vld [tilespmem:s1+$0x30];
	(pc) =	sbr.rel @p0 .LBB2_20-.Ltmp9, $4  }
0x1f6: {  	v18 =	vadd.f32 v20, v14;
	v19 =	vmul.f32 v7, v7;
	v13 =	vadd.f32 v26, v11;
	v11 =	vld [tilespmem:s1+$0x60]  }
0x1f7: {  	v23 =	vadd.f32 v27, v6;
	v22 =	vadd.f32 v3, v21;
	v30 =	vmul.f32 v10, v10;
	v3 =	vld [tilespmem:s1+$0x50]  }
0x1f8: {  	v24 =	vadd.f32 v24, v15;
	v14 =	vmul.f32 v26, v26;
	v6 =	vld [tilespmem:s1+$0x20];
	v13 =	vadd.f32 v9, v13  }
0x1f9: {  	v20 =	vadd.f32 v25, v29;
	v21 =	vmul.f32 v28, v28;
	v22 =	vadd.f32 v30, v22;
	v15 =	vld [tilespmem:s1+$0x10];
	s1 =	sadd.s32 $0x100, s1  }
0x1fa: {  	v16 =	vadd.f32 v5, v16;
	v19 =	vadd.f32 v19, v24;
	v24 =	vmul.f32 v12, v12  }
0x1fb: {  	v7 =	vadd.f32 v7, v23;
	v10 =	vadd.f32 v10, v17  }
0x1fc: {  	v5 =	vmul.f32 v5, v5;
	v17 =	vadd.f32 v21, v20;
	v20 =	vadd.f32 v24, v22  }
0x1fd: {  	v9 =	vmul.f32 v9, v9;
	v0 =	vadd.f32 v0, v7;
	v7 =	vadd.f32 v8, v19  }
0x1fe: {  	v8 =	vmul.f32 v11, v11;
	v5 =	vadd.f32 v5, v18;
	v1 =	vadd.f32 v1, v16  }
0x1ff: {  	v10 =	vadd.f32 v12, v10;
	v12 =	vmul.f32 v2, v2;
	v14 =	vadd.f32 v14, v17  }
0x200: {  	v4 =	vadd.f32 v4, v5;
	v5 =	vmul.f32 v15, v15;
	v1 =	vadd.f32 v15, v1  }
0x201: {  	v15 =	vmul.f32 v6, v6;
	v0 =	vadd.f32 v6, v0;
	v9 =	vadd.f32 v9, v14  }
0x202: {  	v6 =	vmul.f32 v3, v3;
	v4 =	vadd.f32 v5, v4;
	v1 =	vadd.f32 v3, v1  }
0x203: {  	v3 =	vadd.f32 v15, v7;
	v0 =	vadd.f32 v11, v0;
	v5 =	vmul.f32 v13, v13  }
0x204: {  	v2 =	vadd.f32 v2, v10;
	v4 =	vadd.f32 v6, v4;
	v1 =	vmul.f32 v1, v1  }
0x205: {  	v3 =	vadd.f32 v8, v3;
	v5 =	vsub.f32 v5, v9;
	v0 =	vmul.f32 v0, v0  }
0x206: {  	v2 =	vmul.f32 v2, v2;
	v6 =	vadd.f32 v12, v20;
	v1 =	vsub.f32 v1, v4  }
0x207: {  	v4 =	vmul.f32 $5.000000000e-01, v5;
	v0 =	vsub.f32 v0, v3  }
0x208: {  	v2 =	vsub.f32 v2, v6;
	v1 =	vmul.f32 $5.000000000e-01, v1  }
0x209: {  	[tilespmem:$0x1E480] =	vst v4;
	v0 =	vmul.f32 $5.000000000e-01, v0  }
0x20a: {  	[tilespmem:$0x1E490] =	vst v1;
	v1 =	vmul.f32 $5.000000000e-01, v2  }
0x20b: {  	[tilespmem:$0x1E4A0] =	vst v0  }
0x20c: {  	[tilespmem:$0x1E4B0] =	vst v1  }
0x20d: {  	_ =	swait.ge [sflag:s23], $0x1900  }
0x20e: {  	[sflag:s23] =	ssyncset.done $0x0  }
0x20f: {  	s1 =	simm.s32 $0x11B80;
	[sflag:s23] =	ssyncadd.s32 $0xFFFFE700  }
0x210: {  	v2 =	vld [tilespmem:s1+$0xFFFFFF80]  }
0x211: {  	v6 =	vld [tilespmem:s1+$0x0]  }
0x212: {  	v1 =	vld [tilespmem:s1+$0xFFFFFFD0]  }
0x213: {  	v0 =	vld [tilespmem:s1+$0xFFFFFFE0]  }
0x214: {  	v15 =	vld [tilespmem:s1+$0xFFFFFFC0]  }
0x215: {  	v3 =	vld [tilespmem:s1+$0xFFFFFFB0]  }
0x216: {  	v10 =	vld [tilespmem:s1+$0xFFFFFFF0]  }
0x217: {  	v16 =	vimm.f32 $0.0e+00;
	v7 =	vld [tilespmem:s1+$0xFFFFFFA0]  }
0x218: {  	v9 =	vld [tilespmem:s1+$0x40];
	v4 =	vadd.f32 v2, v16  }
0x219: {  	v5 =	vld [tilespmem:s1+$0xFFFFFF90]  }
0x21a: {  	v12 =	vld [tilespmem:s1+$0x30];
	v18 =	vmul.f32 v2, v2;
	v13 =	vmul.f32 v3, v3;
	v11 =	vadd.f32 v15, v4  }
0x21b: {  	v24 =	vimm.f32 $0.0e+00;
	v2 =	vld [tilespmem:s1+$0x70];
	v8 =	vmul.f32 v0, v0;
	v23 =	vmul.f32 v10, v10  }
0x21c: {  	v19 =	vmul.f32 v7, v7;
	v22 =	vadd.f32 v13, v16;
	v20 =	vadd.f32 v6, v11;
	v11 =	vld [tilespmem:s1+$0x60]  }
0x21d: {  	v17 =	vadd.f32 v3, v16;
	v3 =	vld [tilespmem:s1+$0x50];
	v14 =	vmul.f32 v6, v6;
	v21 =	vmul.f32 v15, v15  }
0x21e: {  	v4 =	vmul.f32 v1, v1;
	v15 =	vld [tilespmem:s1+$0x10];
	v22 =	vadd.f32 v23, v22;
	v23 =	vimm.f32 $0.0e+00  }
0x21f: {  	s0 =	simm.s32 $0x0;
	v6 =	vld [tilespmem:s1+$0x20];
	s1 =	simm.s32 $0x11C80;
	v13 =	vadd.f32 v9, v20;
	v20 =	vadd.f32 v18, v16;
	v18 =	vimm.f32 $0.0e+00  }
.LBB2_22:
0x220: {  	v25 =	vld [tilespmem:s1+$0xFFFFFF80];
	s0 =	sadd.s32 $0x4, s0;
	v16 =	vadd.f32 v5, v16;
	v19 =	vadd.f32 v19, v24;
	v24 =	vmul.f32 v12, v12  }
0x221: {  	v7 =	vadd.f32 v7, v23;
	v23 =	vmul.f32 v5, v5;
	v10 =	vadd.f32 v10, v17;
	v26 =	vld [tilespmem:s1+$0x0];
	p0 =	slt.u32 s0, $0x60;
	v27 =	vmovc v11  }
0x222: {  	v9 =	vmul.f32 v9, v9;
	v20 =	vadd.f32 v21, v20;
	v17 =	vld [tilespmem:s1+$0xFFFFFFD0];
	v21 =	vadd.f32 v24, v22  }
0x223: {  	v22 =	vadd.f32 v0, v7;
	v19 =	vadd.f32 v8, v19;
	v24 =	vmul.f32 v11, v27;
	v0 =	vld [tilespmem:s1+$0xFFFFFFE0]  }
0x224: {  	v8 =	vadd.f32 v23, v18;
	v7 =	vadd.f32 v12, v10;
	v10 =	vmul.f32 v2, v2;
	v5 =	vld [tilespmem:s1+$0xFFFFFF90]  }
0x225: {  	v12 =	vadd.f32 v1, v16;
	v11 =	vadd.f32 v25, v13;
	v25 =	vmul.f32 v25, v25;
	v28 =	vld [tilespmem:s1+$0xFFFFFFC0]  }
0x226: {  	v14 =	vadd.f32 v14, v20;
	v20 =	vmul.f32 v3, v3;
	v18 =	vadd.f32 v2, v7;
	v13 =	vld [tilespmem:s1+$0xFFFFFFB0]  }
0x227: {  	v2 =	vadd.f32 v4, v8;
	v4 =	vmul.f32 v15, v15;
	v21 =	vadd.f32 v10, v21;
	v7 =	vld [tilespmem:s1+$0xFFFFFFA0];
	v1 =	vmovc v17  }
0x228: {  	v12 =	vadd.f32 v15, v12;
	v15 =	vmul.f32 v6, v6;
	v29 =	vadd.f32 v9, v14;
	v10 =	vld [tilespmem:s1+$0xFFFFFFF0]  }
0x229: {  	v6 =	vadd.f32 v6, v22;
	v14 =	vadd.f32 v4, v2;
	v8 =	vmul.f32 v0, v0;
	v9 =	vld [tilespmem:s1+$0x40]  }
0x22a: {  	v16 =	vadd.f32 v3, v12;
	v4 =	vmul.f32 v17, v1;
	v11 =	vadd.f32 v28, v11;
	v2 =	vld [tilespmem:s1+$0x70]  }
.Ltmp10:
0x22b: {  	v15 =	vadd.f32 v15, v19;
	v17 =	vadd.f32 v13, v18;
	v3 =	vmul.f32 v13, v13;
	v12 =	vld [tilespmem:s1+$0x30];
	(pc) =	sbr.rel @p0 .LBB2_22-.Ltmp10, $4  }
0x22c: {  	v18 =	vadd.f32 v20, v14;
	v19 =	vmul.f32 v7, v7;
	v13 =	vadd.f32 v26, v11;
	v11 =	vld [tilespmem:s1+$0x60]  }
0x22d: {  	v23 =	vadd.f32 v27, v6;
	v22 =	vadd.f32 v3, v21;
	v30 =	vmul.f32 v10, v10;
	v3 =	vld [tilespmem:s1+$0x50]  }
0x22e: {  	v24 =	vadd.f32 v24, v15;
	v14 =	vmul.f32 v26, v26;
	v6 =	vld [tilespmem:s1+$0x20];
	v13 =	vadd.f32 v9, v13  }
0x22f: {  	v20 =	vadd.f32 v25, v29;
	v21 =	vmul.f32 v28, v28;
	v22 =	vadd.f32 v30, v22;
	v15 =	vld [tilespmem:s1+$0x10];
	s1 =	sadd.s32 $0x100, s1  }
0x230: {  	v16 =	vadd.f32 v5, v16;
	v19 =	vadd.f32 v19, v24;
	v24 =	vmul.f32 v12, v12  }
0x231: {  	v7 =	vadd.f32 v7, v23;
	v10 =	vadd.f32 v10, v17  }
0x232: {  	v5 =	vmul.f32 v5, v5;
	v17 =	vadd.f32 v21, v20;
	v20 =	vadd.f32 v24, v22  }
0x233: {  	v9 =	vmul.f32 v9, v9;
	v0 =	vadd.f32 v0, v7;
	v7 =	vadd.f32 v8, v19  }
0x234: {  	v8 =	vmul.f32 v11, v11;
	v5 =	vadd.f32 v5, v18;
	v1 =	vadd.f32 v1, v16  }
0x235: {  	v10 =	vadd.f32 v12, v10;
	v12 =	vmul.f32 v2, v2;
	v14 =	vadd.f32 v14, v17  }
0x236: {  	v4 =	vadd.f32 v4, v5;
	v5 =	vmul.f32 v15, v15;
	v1 =	vadd.f32 v15, v1  }
0x237: {  	v15 =	vmul.f32 v6, v6;
	v0 =	vadd.f32 v6, v0;
	v9 =	vadd.f32 v9, v14  }
0x238: {  	v6 =	vmul.f32 v3, v3;
	v4 =	vadd.f32 v5, v4;
	v1 =	vadd.f32 v3, v1  }
0x239: {  	v3 =	vadd.f32 v15, v7;
	v0 =	vadd.f32 v11, v0;
	v5 =	vmul.f32 v13, v13  }
0x23a: {  	v2 =	vadd.f32 v2, v10;
	v4 =	vadd.f32 v6, v4;
	v1 =	vmul.f32 v1, v1  }
0x23b: {  	v3 =	vadd.f32 v8, v3;
	v5 =	vsub.f32 v5, v9;
	v0 =	vmul.f32 v0, v0  }
0x23c: {  	v2 =	vmul.f32 v2, v2;
	v6 =	vadd.f32 v12, v20;
	v1 =	vsub.f32 v1, v4  }
0x23d: {  	v4 =	vmul.f32 $5.000000000e-01, v5;
	v0 =	vsub.f32 v0, v3  }
0x23e: {  	v2 =	vsub.f32 v2, v6;
	v1 =	vmul.f32 $5.000000000e-01, v1  }
0x23f: {  	[tilespmem:$0x1E4C0] =	vst v4;
	v0 =	vmul.f32 $5.000000000e-01, v0  }
0x240: {  	[tilespmem:$0x1E4D0] =	vst v1;
	v1 =	vmul.f32 $5.000000000e-01, v2  }
0x241: {  	[tilespmem:$0x1E4E0] =	vst v0  }
0x242: {  	[tilespmem:$0x1E4F0] =	vst v1  }
0x243: {  	_ =	swait.ge [sflag:s24], $0x1900  }
0x244: {  	[sflag:s24] =	ssyncset.done $0x0  }
0x245: {  	s1 =	simm.s32 $0x13480;
	[sflag:s24] =	ssyncadd.s32 $0xFFFFE700  }
0x246: {  	v2 =	vld [tilespmem:s1+$0xFFFFFF80]  }
0x247: {  	v6 =	vld [tilespmem:s1+$0x0]  }
0x248: {  	v1 =	vld [tilespmem:s1+$0xFFFFFFD0]  }
0x249: {  	v0 =	vld [tilespmem:s1+$0xFFFFFFE0]  }
0x24a: {  	v15 =	vld [tilespmem:s1+$0xFFFFFFC0]  }
0x24b: {  	v3 =	vld [tilespmem:s1+$0xFFFFFFB0]  }
0x24c: {  	v10 =	vld [tilespmem:s1+$0xFFFFFFF0]  }
0x24d: {  	v16 =	vimm.f32 $0.0e+00;
	v7 =	vld [tilespmem:s1+$0xFFFFFFA0]  }
0x24e: {  	v9 =	vld [tilespmem:s1+$0x40];
	v4 =	vadd.f32 v2, v16  }
0x24f: {  	v5 =	vld [tilespmem:s1+$0xFFFFFF90]  }
0x250: {  	v12 =	vld [tilespmem:s1+$0x30];
	v18 =	vmul.f32 v2, v2;
	v13 =	vmul.f32 v3, v3;
	v11 =	vadd.f32 v15, v4  }
0x251: {  	v24 =	vimm.f32 $0.0e+00;
	v2 =	vld [tilespmem:s1+$0x70];
	v8 =	vmul.f32 v0, v0;
	v23 =	vmul.f32 v10, v10  }
0x252: {  	v19 =	vmul.f32 v7, v7;
	v22 =	vadd.f32 v13, v16;
	v20 =	vadd.f32 v6, v11;
	v11 =	vld [tilespmem:s1+$0x60]  }
0x253: {  	v17 =	vadd.f32 v3, v16;
	v3 =	vld [tilespmem:s1+$0x50];
	v14 =	vmul.f32 v6, v6;
	v21 =	vmul.f32 v15, v15  }
0x254: {  	v4 =	vmul.f32 v1, v1;
	v15 =	vld [tilespmem:s1+$0x10];
	v22 =	vadd.f32 v23, v22;
	v23 =	vimm.f32 $0.0e+00  }
0x255: {  	s0 =	simm.s32 $0x0;
	v6 =	vld [tilespmem:s1+$0x20];
	s1 =	simm.s32 $0x13580;
	v13 =	vadd.f32 v9, v20;
	v20 =	vadd.f32 v18, v16;
	v18 =	vimm.f32 $0.0e+00  }
.LBB2_24:
0x256: {  	v25 =	vld [tilespmem:s1+$0xFFFFFF80];
	s0 =	sadd.s32 $0x4, s0;
	v16 =	vadd.f32 v5, v16;
	v19 =	vadd.f32 v19, v24;
	v24 =	vmul.f32 v12, v12  }
0x257: {  	v7 =	vadd.f32 v7, v23;
	v23 =	vmul.f32 v5, v5;
	v10 =	vadd.f32 v10, v17;
	v26 =	vld [tilespmem:s1+$0x0];
	p0 =	slt.u32 s0, $0x60;
	v27 =	vmovc v11  }
0x258: {  	v9 =	vmul.f32 v9, v9;
	v20 =	vadd.f32 v21, v20;
	v17 =	vld [tilespmem:s1+$0xFFFFFFD0];
	v21 =	vadd.f32 v24, v22  }
0x259: {  	v22 =	vadd.f32 v0, v7;
	v19 =	vadd.f32 v8, v19;
	v24 =	vmul.f32 v11, v27;
	v0 =	vld [tilespmem:s1+$0xFFFFFFE0]  }
0x25a: {  	v8 =	vadd.f32 v23, v18;
	v7 =	vadd.f32 v12, v10;
	v10 =	vmul.f32 v2, v2;
	v5 =	vld [tilespmem:s1+$0xFFFFFF90]  }
0x25b: {  	v12 =	vadd.f32 v1, v16;
	v11 =	vadd.f32 v25, v13;
	v25 =	vmul.f32 v25, v25;
	v28 =	vld [tilespmem:s1+$0xFFFFFFC0]  }
0x25c: {  	v14 =	vadd.f32 v14, v20;
	v20 =	vmul.f32 v3, v3;
	v18 =	vadd.f32 v2, v7;
	v13 =	vld [tilespmem:s1+$0xFFFFFFB0]  }
0x25d: {  	v2 =	vadd.f32 v4, v8;
	v4 =	vmul.f32 v15, v15;
	v21 =	vadd.f32 v10, v21;
	v7 =	vld [tilespmem:s1+$0xFFFFFFA0];
	v1 =	vmovc v17  }
0x25e: {  	v12 =	vadd.f32 v15, v12;
	v15 =	vmul.f32 v6, v6;
	v29 =	vadd.f32 v9, v14;
	v10 =	vld [tilespmem:s1+$0xFFFFFFF0]  }
0x25f: {  	v6 =	vadd.f32 v6, v22;
	v14 =	vadd.f32 v4, v2;
	v8 =	vmul.f32 v0, v0;
	v9 =	vld [tilespmem:s1+$0x40]  }
0x260: {  	v16 =	vadd.f32 v3, v12;
	v4 =	vmul.f32 v17, v1;
	v11 =	vadd.f32 v28, v11;
	v2 =	vld [tilespmem:s1+$0x70]  }
.Ltmp11:
0x261: {  	v15 =	vadd.f32 v15, v19;
	v17 =	vadd.f32 v13, v18;
	v3 =	vmul.f32 v13, v13;
	v12 =	vld [tilespmem:s1+$0x30];
	(pc) =	sbr.rel @p0 .LBB2_24-.Ltmp11, $4  }
0x262: {  	v18 =	vadd.f32 v20, v14;
	v19 =	vmul.f32 v7, v7;
	v13 =	vadd.f32 v26, v11;
	v11 =	vld [tilespmem:s1+$0x60]  }
0x263: {  	v23 =	vadd.f32 v27, v6;
	v22 =	vadd.f32 v3, v21;
	v30 =	vmul.f32 v10, v10;
	v3 =	vld [tilespmem:s1+$0x50]  }
0x264: {  	v24 =	vadd.f32 v24, v15;
	v14 =	vmul.f32 v26, v26;
	v6 =	vld [tilespmem:s1+$0x20];
	v13 =	vadd.f32 v9, v13  }
0x265: {  	v20 =	vadd.f32 v25, v29;
	v21 =	vmul.f32 v28, v28;
	v22 =	vadd.f32 v30, v22;
	v15 =	vld [tilespmem:s1+$0x10];
	s1 =	sadd.s32 $0x100, s1  }
0x266: {  	v16 =	vadd.f32 v5, v16;
	v19 =	vadd.f32 v19, v24;
	v24 =	vmul.f32 v12, v12  }
0x267: {  	v7 =	vadd.f32 v7, v23;
	v10 =	vadd.f32 v10, v17  }
0x268: {  	v5 =	vmul.f32 v5, v5;
	v17 =	vadd.f32 v21, v20;
	v20 =	vadd.f32 v24, v22  }
0x269: {  	v9 =	vmul.f32 v9, v9;
	v0 =	vadd.f32 v0, v7;
	v7 =	vadd.f32 v8, v19  }
0x26a: {  	v8 =	vmul.f32 v11, v11;
	v5 =	vadd.f32 v5, v18;
	v1 =	vadd.f32 v1, v16  }
0x26b: {  	v10 =	vadd.f32 v12, v10;
	v12 =	vmul.f32 v2, v2;
	v14 =	vadd.f32 v14, v17  }
0x26c: {  	v4 =	vadd.f32 v4, v5;
	v5 =	vmul.f32 v15, v15;
	v1 =	vadd.f32 v15, v1  }
0x26d: {  	v15 =	vmul.f32 v6, v6;
	v0 =	vadd.f32 v6, v0;
	v9 =	vadd.f32 v9, v14  }
0x26e: {  	v6 =	vmul.f32 v3, v3;
	v4 =	vadd.f32 v5, v4;
	v1 =	vadd.f32 v3, v1  }
0x26f: {  	v3 =	vadd.f32 v15, v7;
	v0 =	vadd.f32 v11, v0;
	v5 =	vmul.f32 v13, v13  }
0x270: {  	v2 =	vadd.f32 v2, v10;
	v4 =	vadd.f32 v6, v4;
	v1 =	vmul.f32 v1, v1  }
0x271: {  	v3 =	vadd.f32 v8, v3;
	v5 =	vsub.f32 v5, v9;
	v0 =	vmul.f32 v0, v0  }
0x272: {  	v2 =	vmul.f32 v2, v2;
	v6 =	vadd.f32 v12, v20;
	v1 =	vsub.f32 v1, v4  }
0x273: {  	v4 =	vmul.f32 $5.000000000e-01, v5;
	v0 =	vsub.f32 v0, v3  }
0x274: {  	v2 =	vsub.f32 v2, v6;
	v1 =	vmul.f32 $5.000000000e-01, v1  }
0x275: {  	[tilespmem:$0x1E500] =	vst v4;
	v0 =	vmul.f32 $5.000000000e-01, v0  }
0x276: {  	[tilespmem:$0x1E510] =	vst v1;
	v1 =	vmul.f32 $5.000000000e-01, v2  }
0x277: {  	[tilespmem:$0x1E520] =	vst v0  }
0x278: {  	[tilespmem:$0x1E530] =	vst v1  }
0x279: {  	_ =	swait.ge [sflag:s25], $0x1900  }
0x27a: {  	[sflag:s25] =	ssyncset.done $0x0  }
0x27b: {  	s1 =	simm.s32 $0x14D80;
	[sflag:s25] =	ssyncadd.s32 $0xFFFFE700  }
0x27c: {  	v2 =	vld [tilespmem:s1+$0xFFFFFF80]  }
0x27d: {  	v6 =	vld [tilespmem:s1+$0x0]  }
0x27e: {  	v1 =	vld [tilespmem:s1+$0xFFFFFFD0]  }
0x27f: {  	v0 =	vld [tilespmem:s1+$0xFFFFFFE0]  }
0x280: {  	v15 =	vld [tilespmem:s1+$0xFFFFFFC0]  }
0x281: {  	v3 =	vld [tilespmem:s1+$0xFFFFFFB0]  }
0x282: {  	v10 =	vld [tilespmem:s1+$0xFFFFFFF0]  }
0x283: {  	v16 =	vimm.f32 $0.0e+00;
	v7 =	vld [tilespmem:s1+$0xFFFFFFA0]  }
0x284: {  	v9 =	vld [tilespmem:s1+$0x40];
	v4 =	vadd.f32 v2, v16  }
0x285: {  	v5 =	vld [tilespmem:s1+$0xFFFFFF90]  }
0x286: {  	v12 =	vld [tilespmem:s1+$0x30];
	v18 =	vmul.f32 v2, v2;
	v13 =	vmul.f32 v3, v3;
	v11 =	vadd.f32 v15, v4  }
0x287: {  	v24 =	vimm.f32 $0.0e+00;
	v2 =	vld [tilespmem:s1+$0x70];
	v8 =	vmul.f32 v0, v0;
	v23 =	vmul.f32 v10, v10  }
0x288: {  	v19 =	vmul.f32 v7, v7;
	v22 =	vadd.f32 v13, v16;
	v20 =	vadd.f32 v6, v11;
	v11 =	vld [tilespmem:s1+$0x60]  }
0x289: {  	v17 =	vadd.f32 v3, v16;
	v3 =	vld [tilespmem:s1+$0x50];
	v14 =	vmul.f32 v6, v6;
	v21 =	vmul.f32 v15, v15  }
0x28a: {  	v4 =	vmul.f32 v1, v1;
	v15 =	vld [tilespmem:s1+$0x10];
	v22 =	vadd.f32 v23, v22;
	v23 =	vimm.f32 $0.0e+00  }
0x28b: {  	s0 =	simm.s32 $0x0;
	v6 =	vld [tilespmem:s1+$0x20];
	s1 =	simm.s32 $0x14E80;
	v13 =	vadd.f32 v9, v20;
	v20 =	vadd.f32 v18, v16;
	v18 =	vimm.f32 $0.0e+00  }
.LBB2_26:
0x28c: {  	v25 =	vld [tilespmem:s1+$0xFFFFFF80];
	s0 =	sadd.s32 $0x4, s0;
	v16 =	vadd.f32 v5, v16;
	v19 =	vadd.f32 v19, v24;
	v24 =	vmul.f32 v12, v12  }
0x28d: {  	v7 =	vadd.f32 v7, v23;
	v23 =	vmul.f32 v5, v5;
	v10 =	vadd.f32 v10, v17;
	v26 =	vld [tilespmem:s1+$0x0];
	p0 =	slt.u32 s0, $0x60;
	v27 =	vmovc v11  }
0x28e: {  	v9 =	vmul.f32 v9, v9;
	v20 =	vadd.f32 v21, v20;
	v17 =	vld [tilespmem:s1+$0xFFFFFFD0];
	v21 =	vadd.f32 v24, v22  }
0x28f: {  	v22 =	vadd.f32 v0, v7;
	v19 =	vadd.f32 v8, v19;
	v24 =	vmul.f32 v11, v27;
	v0 =	vld [tilespmem:s1+$0xFFFFFFE0]  }
0x290: {  	v8 =	vadd.f32 v23, v18;
	v7 =	vadd.f32 v12, v10;
	v10 =	vmul.f32 v2, v2;
	v5 =	vld [tilespmem:s1+$0xFFFFFF90]  }
0x291: {  	v12 =	vadd.f32 v1, v16;
	v11 =	vadd.f32 v25, v13;
	v25 =	vmul.f32 v25, v25;
	v28 =	vld [tilespmem:s1+$0xFFFFFFC0]  }
0x292: {  	v14 =	vadd.f32 v14, v20;
	v20 =	vmul.f32 v3, v3;
	v18 =	vadd.f32 v2, v7;
	v13 =	vld [tilespmem:s1+$0xFFFFFFB0]  }
0x293: {  	v2 =	vadd.f32 v4, v8;
	v4 =	vmul.f32 v15, v15;
	v21 =	vadd.f32 v10, v21;
	v7 =	vld [tilespmem:s1+$0xFFFFFFA0];
	v1 =	vmovc v17  }
0x294: {  	v12 =	vadd.f32 v15, v12;
	v15 =	vmul.f32 v6, v6;
	v29 =	vadd.f32 v9, v14;
	v10 =	vld [tilespmem:s1+$0xFFFFFFF0]  }
0x295: {  	v6 =	vadd.f32 v6, v22;
	v14 =	vadd.f32 v4, v2;
	v8 =	vmul.f32 v0, v0;
	v9 =	vld [tilespmem:s1+$0x40]  }
0x296: {  	v16 =	vadd.f32 v3, v12;
	v4 =	vmul.f32 v17, v1;
	v11 =	vadd.f32 v28, v11;
	v2 =	vld [tilespmem:s1+$0x70]  }
.Ltmp12:
0x297: {  	v15 =	vadd.f32 v15, v19;
	v17 =	vadd.f32 v13, v18;
	v3 =	vmul.f32 v13, v13;
	v12 =	vld [tilespmem:s1+$0x30];
	(pc) =	sbr.rel @p0 .LBB2_26-.Ltmp12, $4  }
0x298: {  	v18 =	vadd.f32 v20, v14;
	v19 =	vmul.f32 v7, v7;
	v13 =	vadd.f32 v26, v11;
	v11 =	vld [tilespmem:s1+$0x60]  }
0x299: {  	v23 =	vadd.f32 v27, v6;
	v22 =	vadd.f32 v3, v21;
	v30 =	vmul.f32 v10, v10;
	v3 =	vld [tilespmem:s1+$0x50]  }
0x29a: {  	v24 =	vadd.f32 v24, v15;
	v14 =	vmul.f32 v26, v26;
	v6 =	vld [tilespmem:s1+$0x20];
	v13 =	vadd.f32 v9, v13  }
0x29b: {  	v20 =	vadd.f32 v25, v29;
	v21 =	vmul.f32 v28, v28;
	v22 =	vadd.f32 v30, v22;
	v15 =	vld [tilespmem:s1+$0x10];
	s1 =	sadd.s32 $0x100, s1  }
0x29c: {  	v16 =	vadd.f32 v5, v16;
	v19 =	vadd.f32 v19, v24;
	v24 =	vmul.f32 v12, v12  }
0x29d: {  	v7 =	vadd.f32 v7, v23;
	v10 =	vadd.f32 v10, v17  }
0x29e: {  	v5 =	vmul.f32 v5, v5;
	v17 =	vadd.f32 v21, v20;
	v20 =	vadd.f32 v24, v22  }
0x29f: {  	v9 =	vmul.f32 v9, v9;
	v0 =	vadd.f32 v0, v7;
	v7 =	vadd.f32 v8, v19  }
0x2a0: {  	v8 =	vmul.f32 v11, v11;
	v5 =	vadd.f32 v5, v18;
	v1 =	vadd.f32 v1, v16  }
0x2a1: {  	v10 =	vadd.f32 v12, v10;
	v12 =	vmul.f32 v2, v2;
	v14 =	vadd.f32 v14, v17  }
0x2a2: {  	v4 =	vadd.f32 v4, v5;
	v5 =	vmul.f32 v15, v15;
	v1 =	vadd.f32 v15, v1  }
0x2a3: {  	v15 =	vmul.f32 v6, v6;
	v0 =	vadd.f32 v6, v0;
	v9 =	vadd.f32 v9, v14  }
0x2a4: {  	v6 =	vmul.f32 v3, v3;
	v4 =	vadd.f32 v5, v4;
	v1 =	vadd.f32 v3, v1  }
0x2a5: {  	v3 =	vadd.f32 v15, v7;
	v0 =	vadd.f32 v11, v0;
	v5 =	vmul.f32 v13, v13  }
0x2a6: {  	v2 =	vadd.f32 v2, v10;
	v4 =	vadd.f32 v6, v4;
	v1 =	vmul.f32 v1, v1  }
0x2a7: {  	v3 =	vadd.f32 v8, v3;
	v5 =	vsub.f32 v5, v9;
	v0 =	vmul.f32 v0, v0  }
0x2a8: {  	v2 =	vmul.f32 v2, v2;
	v6 =	vadd.f32 v12, v20;
	v1 =	vsub.f32 v1, v4  }
0x2a9: {  	v4 =	vmul.f32 $5.000000000e-01, v5;
	v0 =	vsub.f32 v0, v3  }
0x2aa: {  	v2 =	vsub.f32 v2, v6;
	v1 =	vmul.f32 $5.000000000e-01, v1  }
0x2ab: {  	[tilespmem:$0x1E540] =	vst v4;
	v0 =	vmul.f32 $5.000000000e-01, v0  }
0x2ac: {  	[tilespmem:$0x1E550] =	vst v1;
	v1 =	vmul.f32 $5.000000000e-01, v2  }
0x2ad: {  	[tilespmem:$0x1E560] =	vst v0  }
0x2ae: {  	[tilespmem:$0x1E570] =	vst v1  }
0x2af: {  	_ =	swait.ge [sflag:s20], $0x1900  }
0x2b0: {  	[sflag:s20] =	ssyncset.done $0x0  }
0x2b1: {  	s1 =	simm.s32 $0xD080;
	[sflag:s20] =	ssyncadd.s32 $0xFFFFE700  }
0x2b2: {  	v2 =	vld [tilespmem:s1+$0xFFFFFF80]  }
0x2b3: {  	v6 =	vld [tilespmem:s1+$0x0]  }
0x2b4: {  	v1 =	vld [tilespmem:s1+$0xFFFFFFD0]  }
0x2b5: {  	v0 =	vld [tilespmem:s1+$0xFFFFFFE0]  }
0x2b6: {  	v15 =	vld [tilespmem:s1+$0xFFFFFFC0]  }
0x2b7: {  	v3 =	vld [tilespmem:s1+$0xFFFFFFB0]  }
0x2b8: {  	v10 =	vld [tilespmem:s1+$0xFFFFFFF0]  }
0x2b9: {  	v16 =	vimm.f32 $0.0e+00;
	v7 =	vld [tilespmem:s1+$0xFFFFFFA0]  }
0x2ba: {  	v9 =	vld [tilespmem:s1+$0x40];
	v4 =	vadd.f32 v2, v16  }
0x2bb: {  	v5 =	vld [tilespmem:s1+$0xFFFFFF90]  }
0x2bc: {  	v12 =	vld [tilespmem:s1+$0x30];
	v18 =	vmul.f32 v2, v2;
	v13 =	vmul.f32 v3, v3;
	v11 =	vadd.f32 v15, v4  }
0x2bd: {  	v24 =	vimm.f32 $0.0e+00;
	v2 =	vld [tilespmem:s1+$0x70];
	v8 =	vmul.f32 v0, v0;
	v23 =	vmul.f32 v10, v10  }
0x2be: {  	v19 =	vmul.f32 v7, v7;
	v22 =	vadd.f32 v13, v16;
	v20 =	vadd.f32 v6, v11;
	v11 =	vld [tilespmem:s1+$0x60]  }
0x2bf: {  	v17 =	vadd.f32 v3, v16;
	v3 =	vld [tilespmem:s1+$0x50];
	v14 =	vmul.f32 v6, v6;
	v21 =	vmul.f32 v15, v15  }
0x2c0: {  	v4 =	vmul.f32 v1, v1;
	v15 =	vld [tilespmem:s1+$0x10];
	v22 =	vadd.f32 v23, v22;
	v23 =	vimm.f32 $0.0e+00  }
0x2c1: {  	s0 =	simm.s32 $0x0;
	v6 =	vld [tilespmem:s1+$0x20];
	s1 =	simm.s32 $0xD180;
	v13 =	vadd.f32 v9, v20;
	v20 =	vadd.f32 v18, v16;
	v18 =	vimm.f32 $0.0e+00  }
.LBB2_28:
0x2c2: {  	v25 =	vld [tilespmem:s1+$0xFFFFFF80];
	s0 =	sadd.s32 $0x4, s0;
	v16 =	vadd.f32 v5, v16;
	v19 =	vadd.f32 v19, v24;
	v24 =	vmul.f32 v12, v12  }
0x2c3: {  	v7 =	vadd.f32 v7, v23;
	v23 =	vmul.f32 v5, v5;
	v10 =	vadd.f32 v10, v17;
	v26 =	vld [tilespmem:s1+$0x0];
	p0 =	slt.u32 s0, $0x60;
	v27 =	vmovc v11  }
0x2c4: {  	v9 =	vmul.f32 v9, v9;
	v20 =	vadd.f32 v21, v20;
	v17 =	vld [tilespmem:s1+$0xFFFFFFD0];
	v21 =	vadd.f32 v24, v22  }
0x2c5: {  	v22 =	vadd.f32 v0, v7;
	v19 =	vadd.f32 v8, v19;
	v24 =	vmul.f32 v11, v27;
	v0 =	vld [tilespmem:s1+$0xFFFFFFE0]  }
0x2c6: {  	v8 =	vadd.f32 v23, v18;
	v7 =	vadd.f32 v12, v10;
	v10 =	vmul.f32 v2, v2;
	v5 =	vld [tilespmem:s1+$0xFFFFFF90]  }
0x2c7: {  	v12 =	vadd.f32 v1, v16;
	v11 =	vadd.f32 v25, v13;
	v25 =	vmul.f32 v25, v25;
	v28 =	vld [tilespmem:s1+$0xFFFFFFC0]  }
0x2c8: {  	v14 =	vadd.f32 v14, v20;
	v20 =	vmul.f32 v3, v3;
	v18 =	vadd.f32 v2, v7;
	v13 =	vld [tilespmem:s1+$0xFFFFFFB0]  }
0x2c9: {  	v2 =	vadd.f32 v4, v8;
	v4 =	vmul.f32 v15, v15;
	v21 =	vadd.f32 v10, v21;
	v7 =	vld [tilespmem:s1+$0xFFFFFFA0];
	v1 =	vmovc v17  }
0x2ca: {  	v12 =	vadd.f32 v15, v12;
	v15 =	vmul.f32 v6, v6;
	v29 =	vadd.f32 v9, v14;
	v10 =	vld [tilespmem:s1+$0xFFFFFFF0]  }
0x2cb: {  	v6 =	vadd.f32 v6, v22;
	v14 =	vadd.f32 v4, v2;
	v8 =	vmul.f32 v0, v0;
	v9 =	vld [tilespmem:s1+$0x40]  }
0x2cc: {  	v16 =	vadd.f32 v3, v12;
	v4 =	vmul.f32 v17, v1;
	v11 =	vadd.f32 v28, v11;
	v2 =	vld [tilespmem:s1+$0x70]  }
.Ltmp13:
0x2cd: {  	v15 =	vadd.f32 v15, v19;
	v17 =	vadd.f32 v13, v18;
	v3 =	vmul.f32 v13, v13;
	v12 =	vld [tilespmem:s1+$0x30];
	(pc) =	sbr.rel @p0 .LBB2_28-.Ltmp13, $4  }
0x2ce: {  	v18 =	vadd.f32 v20, v14;
	v19 =	vmul.f32 v7, v7;
	v13 =	vadd.f32 v26, v11;
	v11 =	vld [tilespmem:s1+$0x60]  }
0x2cf: {  	v23 =	vadd.f32 v27, v6;
	v22 =	vadd.f32 v3, v21;
	v30 =	vmul.f32 v10, v10;
	v3 =	vld [tilespmem:s1+$0x50]  }
0x2d0: {  	v24 =	vadd.f32 v24, v15;
	v14 =	vmul.f32 v26, v26;
	v6 =	vld [tilespmem:s1+$0x20];
	v13 =	vadd.f32 v9, v13  }
0x2d1: {  	v20 =	vadd.f32 v25, v29;
	v21 =	vmul.f32 v28, v28;
	v22 =	vadd.f32 v30, v22;
	v15 =	vld [tilespmem:s1+$0x10];
	s1 =	sadd.s32 $0x100, s1  }
0x2d2: {  	v16 =	vadd.f32 v5, v16;
	v19 =	vadd.f32 v19, v24;
	v24 =	vmul.f32 v12, v12  }
0x2d3: {  	v7 =	vadd.f32 v7, v23;
	v10 =	vadd.f32 v10, v17  }
0x2d4: {  	v5 =	vmul.f32 v5, v5;
	v17 =	vadd.f32 v21, v20;
	v20 =	vadd.f32 v24, v22  }
0x2d5: {  	v9 =	vmul.f32 v9, v9;
	v0 =	vadd.f32 v0, v7;
	v7 =	vadd.f32 v8, v19  }
0x2d6: {  	v8 =	vmul.f32 v11, v11;
	v5 =	vadd.f32 v5, v18;
	v1 =	vadd.f32 v1, v16  }
0x2d7: {  	v10 =	vadd.f32 v12, v10;
	v12 =	vmul.f32 v2, v2;
	v14 =	vadd.f32 v14, v17  }
0x2d8: {  	v4 =	vadd.f32 v4, v5;
	v5 =	vmul.f32 v15, v15;
	v1 =	vadd.f32 v15, v1  }
0x2d9: {  	v15 =	vmul.f32 v6, v6;
	v0 =	vadd.f32 v6, v0;
	v9 =	vadd.f32 v9, v14  }
0x2da: {  	v6 =	vmul.f32 v3, v3;
	v4 =	vadd.f32 v5, v4;
	v1 =	vadd.f32 v3, v1  }
0x2db: {  	v3 =	vadd.f32 v15, v7;
	v0 =	vadd.f32 v11, v0;
	v5 =	vmul.f32 v13, v13  }
0x2dc: {  	v2 =	vadd.f32 v2, v10;
	v4 =	vadd.f32 v6, v4;
	v1 =	vmul.f32 v1, v1  }
0x2dd: {  	v3 =	vadd.f32 v8, v3;
	v5 =	vsub.f32 v5, v9;
	v0 =	vmul.f32 v0, v0  }
0x2de: {  	v2 =	vmul.f32 v2, v2;
	v6 =	vadd.f32 v12, v20;
	v1 =	vsub.f32 v1, v4  }
0x2df: {  	v4 =	vmul.f32 $5.000000000e-01, v5;
	v0 =	vsub.f32 v0, v3  }
0x2e0: {  	v2 =	vsub.f32 v2, v6;
	v1 =	vmul.f32 $5.000000000e-01, v1  }
0x2e1: {  	[tilespmem:$0x1E580] =	vst v4;
	v0 =	vmul.f32 $5.000000000e-01, v0  }
0x2e2: {  	[tilespmem:$0x1E590] =	vst v1;
	v1 =	vmul.f32 $5.000000000e-01, v2  }
0x2e3: {  	[tilespmem:$0x1E5A0] =	vst v0  }
0x2e4: {  	[tilespmem:$0x1E5B0] =	vst v1  }
0x2e5: {  	_ =	swait.ge [sflag:s21], $0x1900  }
0x2e6: {  	[sflag:s21] =	ssyncset.done $0x0  }
0x2e7: {  	s1 =	simm.s32 $0xE980;
	[sflag:s21] =	ssyncadd.s32 $0xFFFFE700  }
0x2e8: {  	v2 =	vld [tilespmem:s1+$0xFFFFFF80]  }
0x2e9: {  	v6 =	vld [tilespmem:s1+$0x0]  }
0x2ea: {  	v1 =	vld [tilespmem:s1+$0xFFFFFFD0]  }
0x2eb: {  	v0 =	vld [tilespmem:s1+$0xFFFFFFE0]  }
0x2ec: {  	v15 =	vld [tilespmem:s1+$0xFFFFFFC0]  }
0x2ed: {  	v3 =	vld [tilespmem:s1+$0xFFFFFFB0]  }
0x2ee: {  	v10 =	vld [tilespmem:s1+$0xFFFFFFF0]  }
0x2ef: {  	v16 =	vimm.f32 $0.0e+00;
	v7 =	vld [tilespmem:s1+$0xFFFFFFA0]  }
0x2f0: {  	v9 =	vld [tilespmem:s1+$0x40];
	v4 =	vadd.f32 v2, v16  }
0x2f1: {  	v5 =	vld [tilespmem:s1+$0xFFFFFF90]  }
0x2f2: {  	v12 =	vld [tilespmem:s1+$0x30];
	v18 =	vmul.f32 v2, v2;
	v13 =	vmul.f32 v3, v3;
	v11 =	vadd.f32 v15, v4  }
0x2f3: {  	v24 =	vimm.f32 $0.0e+00;
	v2 =	vld [tilespmem:s1+$0x70];
	v8 =	vmul.f32 v0, v0;
	v23 =	vmul.f32 v10, v10  }
0x2f4: {  	v19 =	vmul.f32 v7, v7;
	v22 =	vadd.f32 v13, v16;
	v20 =	vadd.f32 v6, v11;
	v11 =	vld [tilespmem:s1+$0x60]  }
0x2f5: {  	v17 =	vadd.f32 v3, v16;
	v3 =	vld [tilespmem:s1+$0x50];
	v14 =	vmul.f32 v6, v6;
	v21 =	vmul.f32 v15, v15  }
0x2f6: {  	v4 =	vmul.f32 v1, v1;
	v15 =	vld [tilespmem:s1+$0x10];
	v22 =	vadd.f32 v23, v22;
	v23 =	vimm.f32 $0.0e+00  }
0x2f7: {  	s0 =	simm.s32 $0x0;
	v6 =	vld [tilespmem:s1+$0x20];
	s1 =	simm.s32 $0xEA80;
	v13 =	vadd.f32 v9, v20;
	v20 =	vadd.f32 v18, v16;
	v18 =	vimm.f32 $0.0e+00  }
.LBB2_30:
0x2f8: {  	v25 =	vld [tilespmem:s1+$0xFFFFFF80];
	s0 =	sadd.s32 $0x4, s0;
	v16 =	vadd.f32 v5, v16;
	v19 =	vadd.f32 v19, v24;
	v24 =	vmul.f32 v12, v12  }
0x2f9: {  	v7 =	vadd.f32 v7, v23;
	v23 =	vmul.f32 v5, v5;
	v10 =	vadd.f32 v10, v17;
	v26 =	vld [tilespmem:s1+$0x0];
	p0 =	slt.u32 s0, $0x60;
	v27 =	vmovc v11  }
0x2fa: {  	v9 =	vmul.f32 v9, v9;
	v20 =	vadd.f32 v21, v20;
	v17 =	vld [tilespmem:s1+$0xFFFFFFD0];
	v21 =	vadd.f32 v24, v22  }
0x2fb: {  	v22 =	vadd.f32 v0, v7;
	v19 =	vadd.f32 v8, v19;
	v24 =	vmul.f32 v11, v27;
	v0 =	vld [tilespmem:s1+$0xFFFFFFE0]  }
0x2fc: {  	v8 =	vadd.f32 v23, v18;
	v7 =	vadd.f32 v12, v10;
	v10 =	vmul.f32 v2, v2;
	v5 =	vld [tilespmem:s1+$0xFFFFFF90]  }
0x2fd: {  	v12 =	vadd.f32 v1, v16;
	v11 =	vadd.f32 v25, v13;
	v25 =	vmul.f32 v25, v25;
	v28 =	vld [tilespmem:s1+$0xFFFFFFC0]  }
0x2fe: {  	v14 =	vadd.f32 v14, v20;
	v20 =	vmul.f32 v3, v3;
	v18 =	vadd.f32 v2, v7;
	v13 =	vld [tilespmem:s1+$0xFFFFFFB0]  }
0x2ff: {  	v2 =	vadd.f32 v4, v8;
	v4 =	vmul.f32 v15, v15;
	v21 =	vadd.f32 v10, v21;
	v7 =	vld [tilespmem:s1+$0xFFFFFFA0];
	v1 =	vmovc v17  }
0x300: {  	v12 =	vadd.f32 v15, v12;
	v15 =	vmul.f32 v6, v6;
	v29 =	vadd.f32 v9, v14;
	v10 =	vld [tilespmem:s1+$0xFFFFFFF0]  }
0x301: {  	v6 =	vadd.f32 v6, v22;
	v14 =	vadd.f32 v4, v2;
	v8 =	vmul.f32 v0, v0;
	v9 =	vld [tilespmem:s1+$0x40]  }
0x302: {  	v16 =	vadd.f32 v3, v12;
	v4 =	vmul.f32 v17, v1;
	v11 =	vadd.f32 v28, v11;
	v2 =	vld [tilespmem:s1+$0x70]  }
.Ltmp14:
0x303: {  	v15 =	vadd.f32 v15, v19;
	v17 =	vadd.f32 v13, v18;
	v3 =	vmul.f32 v13, v13;
	v12 =	vld [tilespmem:s1+$0x30];
	(pc) =	sbr.rel @p0 .LBB2_30-.Ltmp14, $4  }
0x304: {  	v18 =	vadd.f32 v20, v14;
	v19 =	vmul.f32 v7, v7;
	v13 =	vadd.f32 v26, v11;
	v11 =	vld [tilespmem:s1+$0x60]  }
0x305: {  	v23 =	vadd.f32 v27, v6;
	v22 =	vadd.f32 v3, v21;
	v30 =	vmul.f32 v10, v10;
	v3 =	vld [tilespmem:s1+$0x50]  }
0x306: {  	v24 =	vadd.f32 v24, v15;
	v14 =	vmul.f32 v26, v26;
	v6 =	vld [tilespmem:s1+$0x20];
	v13 =	vadd.f32 v9, v13  }
0x307: {  	v20 =	vadd.f32 v25, v29;
	v21 =	vmul.f32 v28, v28;
	v22 =	vadd.f32 v30, v22;
	v15 =	vld [tilespmem:s1+$0x10];
	s1 =	sadd.s32 $0x100, s1  }
0x308: {  	v16 =	vadd.f32 v5, v16;
	v19 =	vadd.f32 v19, v24;
	v48 =	vmul.f32 v12, v12  }
0x309: {  	v7 =	vadd.f32 v7, v23;
	v10 =	vadd.f32 v10, v17  }
0x30a: {  	v49 =	vmul.f32 v5, v5;
	v50 =	vadd.f32 v21, v20;
	v51 =	vadd.f32 v48, v22  }
0x30b: {  	v9 =	vmul.f32 v9, v9;
	v0 =	vadd.f32 v0, v7;
	v52 =	vadd.f32 v8, v19  }
0x30c: {  	v54 =	vmul.f32 v2, v2;
	v5 =	vadd.f32 v49, v18;
	v1 =	vadd.f32 v1, v16  }
0x30d: {  	v59 =	vmul.f32 v13, v13;
	v10 =	vadd.f32 v12, v10;
	v14 =	vadd.f32 v14, v50  }
0x30e: {  	v53 =	vmul.f32 v11, v11;
	v4 =	vadd.f32 v4, v5;
	v1 =	vadd.f32 v15, v1  }
0x30f: {  	v55 =	vmul.f32 v15, v15;
	v0 =	vadd.f32 v6, v0;
	v60 =	vadd.f32 v2, v10  }
0x310: {  	v56 =	vmul.f32 v6, v6;
	v61 =	vadd.f32 v54, v51;
	v9 =	vadd.f32 v9, v14  }
0x311: {  	v57 =	vmul.f32 v3, v3;
	v4 =	vadd.f32 v55, v4;
	v1 =	vadd.f32 v3, v1  }
0x312: {  	v58 =	vadd.f32 v56, v52;
	v0 =	vadd.f32 v11, v0;
	v2 =	vmul.f32 v60, v60  }
0x313: {  	v5 =	vsub.f32 v59, v9;
	v4 =	vadd.f32 v57, v4;
	v1 =	vmul.f32 v1, v1  }
0x314: {  	v3 =	vadd.f32 v53, v58;
	v0 =	vmul.f32 v0, v0;
	v2 =	vsub.f32 v2, v61  }
0x315: {  	v62 =	vmul.f32 $5.000000000e-01, v5;
	v1 =	vsub.f32 v1, v4  }
0x316: {  	v0 =	vsub.f32 v0, v3;
	v63 =	vmul.f32 $5.000000000e-01, v2  }
0x317: {  	[tilespmem:$0x1E5C0] =	vst v62;
	v1 =	vmul.f32 $5.000000000e-01, v1  }
0x318: {  	s30 =	sadd.s32 $0x1, s30;
	v0 =	vmul.f32 $5.000000000e-01, v0;
	[tilespmem:$0x1E5F0] =	vst v63  }
0x319: {  	p0 =	sne.s32 s30, s6;
	[tilespmem:$0x1E5D0] =	vst v1  }
.Ltmp15:
0x31a: {  	[tilespmem:$0x1E5E0] =	vst v0;
	(pc) =	sbr.rel @p0 .LBB2_1-.Ltmp15, $4  }
0x31b: {  	[hbm4b:s5+s2] =	stream.linear.scatter [tilespmem:s29], [sflag:$0x7], $0x8000, $0x38;
	[tilespmem:$0x1E600] =	vst v63  }
0x31c: {  	_ =	swait.ge [sflag:s7], $0x8000  }
0x31d: {  	[sflag:s7] =	ssyncset.done $0x0  }
0x31e: {  	[sflag:s7] =	ssyncadd.s32 $0xFFFF8000  }
0x31f: {  	_ =	sfence.sel $0x180000  }
0x320: {  	[bflag:$0x0] =	sbarrier.arrive $0xFFFF  }
0x321: {  	_ =	strace $0x90000047  }
0x322: {  	s0 =	stileid.u32;
	[bflag:$0x2] =	sbarrier.arrive $0xFFFF  }
0x323: {  	p0 =	sne.s32 s0, $0x0;
	s0 =	rddreg [dreg:$0x1]  }
0x324: {  	s0 =	sadd.s32 @!p0 $0x100000, s0  }
0x325: {  	[sflag:s0] =	ssyncadd.tile.s32 @!p0 $0x1;
	_ =	shalt  }
.Lfunc_end2:
_tile_overlayer_lowered:
.L_overlay_start_2:
0x326: {  	(tag) =	ssettag $0x2  }
0x327: {  	s0 =	rddreg [dreg:$0x0];
	s2 =	stileid.u32  }
0x328: {  	s1 =	rddreg [dreg:$0x1];
	p0 =	sne.s32 s2, $0x0  }
0x329: {  	s3 =	rddreg [dreg:$0x2];
	[bflag:$0x3] =	sbarrier.arrive $0xFFFF;
	s2 =	simm.s32 @!p0 $0x1C07  }
0x32a: {  	[timem:s3], [sflag:s2] =	dma.local @!p0 [hbm:s0], s1  }
0x32b: {  	s0 =	simm.s32 @!p0 $0x7  }
0x32c: {  	_ =	swait.ge @!p0 [sflag:s0], s1  }
0x32d: {  	s1 =	ssub.s32 @!p0 $0x0, s1;
	[sflag:s0] =	ssyncset.done @!p0 $0x0  }
0x32e: {  	[sflag:s0] =	ssyncadd.s32 @!p0 s1  }
0x32f: {  	[bflag:$0x3] =	sbarrier.arrive $0xFFFF  }
0x330: {  	_ =	shalt  }

</sc_bundles>
